<compile_context>
chip_gen: v7x
topology: tpu7x:2x2x1
jax: 0.10.2.dev20260603
libtpu: 0.0.44.dev20260713+nightly
codegen_flags: <defaults>
</compile_context>

<pallas_src>
import functools

import jax
import jax.numpy as jnp
from jax import lax
from jax.experimental import pallas as pl
from jax.experimental.pallas import tpu as pltpu
from jax.experimental.pallas import tpu_sc as plsc

N_NODES = 50000
N_EDGES = 200000
N_GRAPHS = 2048
N_PAIRS = 1024
IN_DIM = 66
HID = 128
NUM_LABELS = 792

NP = 50176
CHUNK = 12544
TRASH = 128
ACC_ROWS = CHUNK + TRASH
E_PAD = 200704
EDGE_BLK = 128
N_ECHUNK = E_PAD // (16 * EDGE_BLK)
ZROWS = 264

G_ACC = N_GRAPHS + TRASH
NODE_BLK = 112
N_NCHUNK = NP // (16 * NODE_BLK)

LBL_PAD = 896


def _vgather(x, idx):
    return lax.gather(
        x, idx[:, None],
        lax.GatherDimensionNumbers(offset_dims=(), collapsed_slice_dims=(0,),
                                   start_index_map=(0,)),
        (1,), mode=lax.GatherScatterMode.PROMISE_IN_BOUNDS)


def _sc_mesh():
    return plsc.VectorSubcoreMesh(core_axis_name="c", subcore_axis_name="s")


EBLK = 112
NCH = E_PAD // (16 * EBLK)
ETRASH = 64


def _edge_agg_body(ei_hbm, x_hbm, agg_hbm,
                   ebufA, ebufB, rowsA, rowsB, acc, gA, gB):
    c = lax.axis_index("c")
    s = lax.axis_index("s")
    lane = lax.iota(jnp.int32, 16)

    def prep(ebufX, rowsX, gX, cn, base):
        cid = s * NCH + cn
        pltpu.sync_copy(ei_hbm.at[cid], ebufX)
        for v in range(EBLK // 16):
            d = ebufX[1, pl.ds(16 * v, 16)]
            loc = d - base
            ok = (loc >= 0) & (loc < CHUNK)
            tloc = CHUNK + s * 8 + ((lane + 16 * v) & 7)
            ebufX[1, pl.ds(16 * v, 16)] = jnp.where(ok, loc, tloc)
        pltpu.async_copy(x_hbm.at[ebufX.at[0]], rowsX, gX)

    def fire(ebufX, rowsX, gX):
        pltpu.make_async_copy(x_hbm.at[ebufX.at[0]], rowsX, gX).wait()
        pltpu.sync_copy(rowsX, acc.at[ebufX.at[1]], add=True)

    @pl.loop(0, 2)
    def _(p):
        base = (2 * c + p) * CHUNK

        zv = jnp.zeros((16,), jnp.float32)
        @pl.loop(0, EBLK)
        def _(i):
            for v in range(8):
                rowsA[i, pl.ds(16 * v, 16)] = zv
        for z in range(7):
            pltpu.sync_copy(rowsA, acc.at[pl.ds(s * 792 + z * EBLK, EBLK)])
        pltpu.sync_copy(rowsA.at[pl.ds(0, 8)],
                        acc.at[pl.ds(s * 792 + 784, 8)])
        plsc.subcore_barrier()

        prep(ebufA, rowsA, gA, 0, base)
        prep(ebufB, rowsB, gB, 1, base)

        @pl.loop(0, NCH // 2)
        def _(jj):
            fire(ebufA, rowsA, gA)
            @pl.when(jj < NCH // 2 - 1)
            def _():
                prep(ebufA, rowsA, gA, 2 * jj + 2, base)
            fire(ebufB, rowsB, gB)
            @pl.when(jj < NCH // 2 - 1)
            def _():
                prep(ebufB, rowsB, gB, 2 * jj + 3, base)

        plsc.subcore_barrier()
        pltpu.sync_copy(acc.at[pl.ds(s * 784, 784)],
                        agg_hbm.at[pl.ds(base + s * 784, 784)])
        plsc.subcore_barrier()


def _edge_agg(ei, x):
    kern = pl.kernel(
        _edge_agg_body,
        out_type=jax.ShapeDtypeStruct((NP, HID), jnp.float32),
        mesh=_sc_mesh(),
        scratch_types=[
            pltpu.VMEM((2, EBLK), jnp.int32),
            pltpu.VMEM((2, EBLK), jnp.int32),
            pltpu.VMEM((EBLK, HID), jnp.float32),
            pltpu.VMEM((EBLK, HID), jnp.float32),
            pltpu.VMEM_SHARED((ACC_ROWS, HID), jnp.float32),
            pltpu.SemaphoreType.DMA,
            pltpu.SemaphoreType.DMA,
        ],
    )
    return kern(ei, x)


def _readout_body(x_hbm, n2g_hbm, h_hbm, t_hbm, gf_hbm, zh_hbm, zt_hbm,
                  gbufA, gbufB, rowA, rowB, ibuf, prow, acc, semA, semB):
    c = lax.axis_index("c")
    s = lax.axis_index("s")

    def prep(gbufX, rowX, semX, cn):
        noff = s * (N_NCHUNK * NODE_BLK) + cn * NODE_BLK
        pltpu.sync_copy(n2g_hbm.at[pl.ds(noff, NODE_BLK)], gbufX.at[0])
        pltpu.async_copy(x_hbm.at[pl.ds(noff, NODE_BLK)], rowX, semX)

    def fire(gbufX, rowX, semX):
        pltpu.make_async_copy(x_hbm.at[pl.ds(0, NODE_BLK)], rowX,
                              semX).wait()
        pltpu.sync_copy(rowX, acc.at[gbufX.at[0]], add=True)

    @pl.when(c == 0)
    def _():
        zv = jnp.zeros((16,), jnp.float32)
        @pl.loop(0, NODE_BLK)
        def _(i):
            for v in range(8):
                rowA[i, pl.ds(16 * v, 16)] = zv
        pltpu.sync_copy(rowA, acc.at[pl.ds(s * 136, NODE_BLK)])
        pltpu.sync_copy(rowA.at[pl.ds(0, 24)],
                        acc.at[pl.ds(s * 136 + NODE_BLK, 24)])
        plsc.subcore_barrier()

        prep(gbufA, rowA, semA, 0)
        prep(gbufB, rowB, semB, 1)

        @pl.loop(0, N_NCHUNK // 2)
        def _(jj):
            fire(gbufA, rowA, semA)
            @pl.when(jj < N_NCHUNK // 2 - 1)
            def _():
                prep(gbufA, rowA, semA, 2 * jj + 2)
            fire(gbufB, rowB, semB)
            @pl.when(jj < N_NCHUNK // 2 - 1)
            def _():
                prep(gbufB, rowB, semB, 2 * jj + 3)

        plsc.subcore_barrier()
        pltpu.sync_copy(acc.at[pl.ds(s * 128, 128)],
                        gf_hbm.at[pl.ds(s * 128, 128)])
        plsc.subcore_barrier()

        pltpu.sync_copy(h_hbm.at[pl.ds(s * 64, 64)], ibuf)
        pltpu.async_copy(gf_hbm.at[ibuf], prow, semA).wait()
        pltpu.sync_copy(prow, zh_hbm.at[pl.ds(s * 64, 64)])
        pltpu.sync_copy(t_hbm.at[pl.ds(s * 64, 64)], ibuf)
        pltpu.async_copy(gf_hbm.at[ibuf], prow, semA).wait()
        pltpu.sync_copy(prow, zt_hbm.at[pl.ds(s * 64, 64)])


def _readout(x, n2g, h_inds, t_inds):
    kern = pl.kernel(
        _readout_body,
        out_type=(
            jax.ShapeDtypeStruct((N_GRAPHS, HID), jnp.float32),
            jax.ShapeDtypeStruct((N_PAIRS, HID), jnp.float32),
            jax.ShapeDtypeStruct((N_PAIRS, HID), jnp.float32),
        ),
        mesh=_sc_mesh(),
        scratch_types=[
            pltpu.VMEM((1, NODE_BLK), jnp.int32),
            pltpu.VMEM((1, NODE_BLK), jnp.int32),
            pltpu.VMEM((NODE_BLK, HID), jnp.float32),
            pltpu.VMEM((NODE_BLK, HID), jnp.float32),
            pltpu.VMEM((64,), jnp.int32),
            pltpu.VMEM((64, HID), jnp.float32),
            pltpu.VMEM_SHARED((G_ACC, HID), jnp.float32),
            pltpu.SemaphoreType.DMA,
            pltpu.SemaphoreType.DMA,
        ],
    )
    return kern(x, n2g, h_inds, t_inds)


def _conv_mlp_body(x_ref, agg_ref, wa_ref, ba_ref, wb_ref, bb_ref, o_ref):
    h = x_ref[...] + agg_ref[...]
    h = jnp.dot(h, wa_ref[...], preferred_element_type=jnp.float32)
    h = jnp.maximum(h + ba_ref[...], 0.0)
    h = jnp.dot(h, wb_ref[...], preferred_element_type=jnp.float32)
    o_ref[...] = jnp.maximum(h + bb_ref[...], 0.0)


def _conv_mlp(x, agg, wa, ba, wb, bb):
    blk = 512
    grid = NP // blk
    return pl.pallas_call(
        _conv_mlp_body,
        grid=(grid,),
        in_specs=[
            pl.BlockSpec((blk, HID), lambda i: (i, 0)),
            pl.BlockSpec((blk, HID), lambda i: (i, 0)),
            pl.BlockSpec((HID, HID), lambda i: (0, 0)),
            pl.BlockSpec((1, HID), lambda i: (0, 0)),
            pl.BlockSpec((HID, HID), lambda i: (0, 0)),
            pl.BlockSpec((1, HID), lambda i: (0, 0)),
        ],
        out_specs=pl.BlockSpec((blk, HID), lambda i: (i, 0)),
        out_shape=jax.ShapeDtypeStruct((NP, HID), jnp.float32),
    )(x, agg, wa, ba, wb, bb)


def _lin0_body(x_ref, w_ref, o_ref):
    o_ref[...] = jnp.dot(x_ref[...], w_ref[...],
                         preferred_element_type=jnp.float32)


def _lin0(nf, wa):
    blk = 400
    return pl.pallas_call(
        _lin0_body,
        grid=(N_NODES // blk,),
        in_specs=[
            pl.BlockSpec((blk, IN_DIM), lambda i: (i, 0)),
            pl.BlockSpec((IN_DIM, HID), lambda i: (0, 0)),
        ],
        out_specs=pl.BlockSpec((blk, HID), lambda i: (i, 0)),
        out_shape=jax.ShapeDtypeStruct((NP, HID), jnp.float32),
    )(nf, wa)


def _convb_body(xa_ref, agg_ref, ba_ref, wb_ref, bb_ref, o_ref):
    h = jnp.maximum(xa_ref[...] + agg_ref[...] + ba_ref[...], 0.0)
    h = jnp.dot(h, wb_ref[...], preferred_element_type=jnp.float32)
    o_ref[...] = jnp.maximum(h + bb_ref[...], 0.0)


def _convb(xa, agg, ba, wb, bb):
    blk = 512
    return pl.pallas_call(
        _convb_body,
        grid=(NP // blk,),
        in_specs=[
            pl.BlockSpec((blk, HID), lambda i: (i, 0)),
            pl.BlockSpec((blk, HID), lambda i: (i, 0)),
            pl.BlockSpec((1, HID), lambda i: (0, 0)),
            pl.BlockSpec((HID, HID), lambda i: (0, 0)),
            pl.BlockSpec((1, HID), lambda i: (0, 0)),
        ],
        out_specs=pl.BlockSpec((blk, HID), lambda i: (i, 0)),
        out_shape=jax.ShapeDtypeStruct((NP, HID), jnp.float32),
    )(xa, agg, ba, wb, bb)


def _ln(x, g, b):
    mu = jnp.mean(x, axis=-1, keepdims=True)
    var = jnp.mean((x - mu) * (x - mu), axis=-1, keepdims=True)
    return (x - mu) * jax.lax.rsqrt(var + 1e-5) * g + b


def _head_body(zh_ref, zt_ref, wh_ref, wt_ref, b1_ref, g1_ref, be1_ref,
               w2_ref, b2_ref, g2_ref, be2_ref, wo_ref, bo_ref, lbl_ref,
               o_ref):
    h = (jnp.dot(zh_ref[...], wh_ref[...], preferred_element_type=jnp.float32)
         + jnp.dot(zt_ref[...], wt_ref[...], preferred_element_type=jnp.float32)
         + b1_ref[...])
    h = jnp.maximum(_ln(h, g1_ref[...], be1_ref[...]), 0.0)
    h = jnp.dot(h, w2_ref[...], preferred_element_type=jnp.float32) + b2_ref[...]
    h = jnp.maximum(_ln(h, g2_ref[...], be2_ref[...]), 0.0)
    out = jnp.dot(h, wo_ref[...], preferred_element_type=jnp.float32) + bo_ref[...]
    cols = lax.broadcasted_iota(jnp.int32, (N_PAIRS, LBL_PAD), 1)
    sel = jnp.where(cols == lbl_ref[...], out, 0.0)
    o_ref[...] = jnp.sum(sel, axis=-1, keepdims=True)


def _head(zh, zt, wh, wt, b1, g1, be1, w2, b2, g2, be2, wo, bo, lbl):
    return pl.pallas_call(
        _head_body,
        out_shape=jax.ShapeDtypeStruct((N_PAIRS, 1), jnp.float32),
    )(zh, zt, wh, wt, b1, g1, be1, w2, b2, g2, be2, wo, bo, lbl)


def kernel(node_feature, edge_index, node2graph, h_inds, t_inds, labels,
           conv0_Wa, conv0_ba, conv0_Wb, conv0_bb,
           conv1_Wa, conv1_ba, conv1_Wb, conv1_bb,
           conv2_Wa, conv2_ba, conv2_Wb, conv2_bb,
           fc1_W, fc1_b, ln1_g, ln1_b,
           l2_W, l2_b, ln2_g, ln2_b,
           out_W, out_b):
    f32 = jnp.float32


    sent = 1 << 20
    src = jnp.full((E_PAD,), 0, jnp.int32).at[:N_EDGES].set(edge_index[0])
    dst = jnp.full((E_PAD,), sent, jnp.int32).at[:N_EDGES].set(edge_index[1])
    ei = jnp.stack([src.reshape(-1, EBLK), dst.reshape(-1, EBLK)], axis=1)
    n2g = jnp.concatenate(
        [node2graph,
         N_GRAPHS + (jnp.arange(NP - N_NODES, dtype=jnp.int32) % TRASH)])

    x = jnp.zeros((NP, HID), f32).at[:N_NODES, :IN_DIM].set(node_feature)
    wa0 = jnp.zeros((HID, HID), f32).at[:IN_DIM].set(conv0_Wa)
    for wa, ba, wb, bb in [(wa0, conv0_ba, conv0_Wb, conv0_bb),
                           (conv1_Wa, conv1_ba, conv1_Wb, conv1_bb),
                           (conv2_Wa, conv2_ba, conv2_Wb, conv2_bb)]:
        agg = _edge_agg(ei, x)
        x = _conv_mlp(x, agg, wa, ba.reshape(1, HID), wb, bb.reshape(1, HID))

    _gf, zh, zt = _readout(x, n2g, h_inds, t_inds)

    wo = jnp.zeros((1024, LBL_PAD), f32).at[:, :NUM_LABELS].set(out_W)
    bo = jnp.zeros((1, LBL_PAD), f32).at[0, :NUM_LABELS].set(out_b)
    res = _head(zh, zt,
                fc1_W[:HID], fc1_W[HID:], fc1_b.reshape(1, -1),
                ln1_g.reshape(1, -1), ln1_b.reshape(1, -1),
                l2_W, l2_b.reshape(1, -1),
                ln2_g.reshape(1, -1), ln2_b.reshape(1, -1),
                wo, bo, labels.reshape(N_PAIRS, 1))
    return res[:, 0]

# --- scband reference (transcript-rebuilt; emitter-appended) ---
"""Pipeline reference for scband-simple-ddi-71579924955390 (READ-ONLY COPY).

The authoritative reference and input builder live on the scoring server;
editing this copy changes nothing except your own understanding.
"""

import jax, jax.numpy as jnp
import numpy as np

N_NODES = 50000
N_EDGES = 200000
N_GRAPHS = 2048
N_PAIRS = 1024
IN_DIM = 66
HID = 128
NUM_LABELS = 792
EPS = 0.0


def _glorot(key, shape):
    return jax.random.normal(key, shape, dtype=jnp.float32) / np.sqrt(shape[0])


def setup_inputs(seed: int = 0) -> dict:
    key = jax.random.key(seed)
    ks = jax.random.split(key, 40)
    inp = {}
    inp["node_feature"] = jax.random.normal(ks[0], (N_NODES, IN_DIM), dtype=jnp.float32)
    inp["edge_index"] = jax.random.randint(ks[1], (2, N_EDGES), 0, N_NODES, dtype=jnp.int32)
    inp["node2graph"] = jnp.sort(jax.random.randint(ks[2], (N_NODES,), 0, N_GRAPHS, dtype=jnp.int32))
    inp["h_inds"] = jax.random.randint(ks[3], (N_PAIRS,), 0, N_GRAPHS, dtype=jnp.int32)
    inp["t_inds"] = jax.random.randint(ks[4], (N_PAIRS,), 0, N_GRAPHS, dtype=jnp.int32)
    inp["labels"] = jax.random.randint(ks[5], (N_PAIRS,), 0, NUM_LABELS, dtype=jnp.int32)
    dims = [IN_DIM, HID, HID, HID]
    i = 6
    for l in range(3):
        d_in, d_out = dims[l], dims[l + 1]
        inp[f"conv{l}_Wa"] = _glorot(ks[i], (d_in, d_out)); i += 1
        inp[f"conv{l}_ba"] = jnp.zeros((d_out,), dtype=jnp.float32)
        inp[f"conv{l}_Wb"] = _glorot(ks[i], (d_out, d_out)); i += 1
        inp[f"conv{l}_bb"] = jnp.zeros((d_out,), dtype=jnp.float32)
    inp["fc1_W"] = _glorot(ks[i], (2 * HID, 512)); i += 1
    inp["fc1_b"] = jnp.zeros((512,), jnp.float32)
    inp["ln1_g"] = jnp.ones((512,), jnp.float32)
    inp["ln1_b"] = jnp.zeros((512,), jnp.float32)
    inp["l2_W"] = _glorot(ks[i], (512, 1024)); i += 1
    inp["l2_b"] = jnp.zeros((1024,), jnp.float32)
    inp["ln2_g"] = jnp.ones((1024,), jnp.float32)
    inp["ln2_b"] = jnp.zeros((1024,), jnp.float32)
    inp["out_W"] = _glorot(ks[i], (1024, NUM_LABELS)); i += 1
    inp["out_b"] = jnp.zeros((NUM_LABELS,), jnp.float32)
    return inp


def _layer_norm(x, g, b):
    mu = jnp.mean(x, axis=-1, keepdims=True)
    var = jnp.var(x, axis=-1, keepdims=True)
    return (x - mu) / jnp.sqrt(var + 1e-5) * g + b


def _gin_conv(x, src, dst, Wa, ba, Wb, bb):
    # GIN layer: mlp((1+eps)*x + sum_{j in N(i)} x_j), relu between mlp layers and after output
    msg = x[src]
    agg = jnp.zeros_like(x).at[dst].add(msg)
    h = (1.0 + EPS) * x + agg
    h = jax.nn.relu(h @ Wa + ba)
    h = h @ Wb + bb
    return jax.nn.relu(h)


def reference(node_feature, edge_index, node2graph, h_inds, t_inds, labels,
              conv0_Wa, conv0_ba, conv0_Wb, conv0_bb,
              conv1_Wa, conv1_ba, conv1_Wb, conv1_bb,
              conv2_Wa, conv2_ba, conv2_Wb, conv2_bb,
              fc1_W, fc1_b, ln1_g, ln1_b,
              l2_W, l2_b, ln2_g, ln2_b,
              out_W, out_b):
    src = edge_index[0]
    dst = edge_index[1]
    x = node_feature
    x = _gin_conv(x, src, dst, conv0_Wa, conv0_ba, conv0_Wb, conv0_bb)
    x = _gin_conv(x, src, dst, conv1_Wa, conv1_ba, conv1_Wb, conv1_bb)
    x = _gin_conv(x, src, dst, conv2_Wa, conv2_ba, conv2_Wb, conv2_bb)
    # sum readout per molecule (torchdrug GIN default)
    graph_feature = jax.ops.segment_sum(x, node2graph, num_segments=N_GRAPHS)
    z_h = graph_feature[h_inds, :]
    z_t = graph_feature[t_inds, :]
    z = jnp.concatenate([z_h, z_t], axis=-1)
    h = jax.nn.relu(_layer_norm(z @ fc1_W + fc1_b, ln1_g, ln1_b))
    h = jax.nn.relu(_layer_norm(h @ l2_W + l2_b, ln2_g, ln2_b))
    out = h @ out_W + out_b
    return out[jnp.arange(N_PAIRS), labels]

if __name__ == "__main__":
    import jax
    _d = setup_inputs()
    print(jax.jit(kernel)(*tuple(_d.values())))

</pallas_src>

<mosaic_0001>
#map = affine_map<(d0, d1) -> (0, 0, 0)>
#map1 = affine_map<(d0, d1) -> (0, 0)>
module attributes {stable_mosaic.version = 14 : i64} {
  func.func @_edge_agg_body(%arg0: i32, %arg1: i32, %arg2: memref<1792x2x112xi32, #tpu.memory_space<hbm>>, %arg3: memref<50176x128xf32, #tpu.memory_space<hbm>>, %arg4: memref<50176x128xf32, #tpu.memory_space<hbm>>, %arg5: memref<2x112xi32, #tpu.memory_space<vmem>>, %arg6: memref<2x112xi32, #tpu.memory_space<vmem>>, %arg7: memref<112x128xf32, #tpu.memory_space<vmem>>, %arg8: memref<112x128xf32, #tpu.memory_space<vmem>>, %arg9: memref<12672x128xf32, #tpu.memory_space<vmem_shared>>, %arg10: memref<!tpu.dma_semaphore, #tpu.memory_space<semaphore_mem>>, %arg11: memref<!tpu.dma_semaphore, #tpu.memory_space<semaphore_mem>>) attributes {dimension_semantics = [#tpu.dimension_semantics<core_parallel>, #tpu.dimension_semantics<subcore_parallel>], iteration_bounds = array<i64: 2, 16>, scalar_prefetch = 0 : i64, scratch_operands = 7 : i64, tpu.core_type = #tpu.core_type<sc_vector_subcore>, window_params = [{transform_indices = #map}, {transform_indices = #map1}, {transform_indices = #map1}]} {
    %iota3A = tpu.iota {dimensions = array<i32: 0>} : vector<16xi32>
    %scan3A = arith.constant 0 : i32
    %scan3A_0 = arith.constant 2 : i32
    %scan3A_1 = arith.addi %scan3A, %scan3A_0 : i32
    %scan3A_2 = arith.constant 1 : i32
    scf.for %scan3A_4 = %scan3A to %scan3A_1 step %scan3A_2  : i32 {
      %mul3A = arith.constant 1 : i32
      %mul3A_5 = arith.muli %scan3A_4, %mul3A : i32
      %add3A = arith.constant 0 : i32
      %add3A_6 = arith.addi %add3A, %mul3A_5 : i32
      %mul3A_7 = arith.constant 2 : i32
      %mul3A_8 = arith.muli %mul3A_7, %arg0 : i32
      %add3A_9 = arith.addi %mul3A_8, %add3A_6 : i32
      %mul3A_10 = arith.constant 12544 : i32
      %mul3A_11 = arith.muli %add3A_9, %mul3A_10 : i32
      %broadcast_in_dim3A = arith.constant 0.000000e+00 : f32
      %broadcast_in_dim3A_12 = vector.broadcast %broadcast_in_dim3A : f32 to vector<16xf32>
      %scan3A_13 = arith.constant 0 : i32
      %scan3A_14 = arith.constant 112 : i32
      %scan3A_15 = arith.addi %scan3A_13, %scan3A_14 : i32
      %scan3A_16 = arith.constant 1 : i32
      scf.for %scan3A_538 = %scan3A_13 to %scan3A_15 step %scan3A_16  : i32 {
        %mul3A_539 = arith.constant 1 : i32
        %mul3A_540 = arith.muli %scan3A_538, %mul3A_539 : i32
        %add3A_541 = arith.constant 0 : i32
        %add3A_542 = arith.addi %add3A_541, %mul3A_540 : i32
        %swap3A_543 = arith.index_cast %add3A_542 : i32 to index
        %swap3A_544 = arith.constant 0 : index
        %swap3A_545 = tpu.vector_load %arg7[%swap3A_543, %swap3A_544] {strides = array<i32>} : memref<112x128xf32, #tpu.memory_space<vmem>>, vector<1x16xf32>,
        %swap3A_546 = vector.shape_cast %swap3A_545 : vector<1x16xf32> to vector<16xf32>
        %swap3A_547 = vector.shape_cast %broadcast_in_dim3A_12 : vector<16xf32> to vector<1x16xf32>
        tpu.vector_store %arg7[%swap3A_543, %swap3A_544], %swap3A_547 {strides = array<i32>} : memref<112x128xf32, #tpu.memory_space<vmem>>, vector<1x16xf32>,
        %swap3A_548 = arith.index_cast %add3A_542 : i32 to index
        %swap3A_549 = arith.constant 16 : index
        %swap3A_550 = tpu.vector_load %arg7[%swap3A_548, %swap3A_549] {strides = array<i32>} : memref<112x128xf32, #tpu.memory_space<vmem>>, vector<1x16xf32>,
        %swap3A_551 = vector.shape_cast %swap3A_550 : vector<1x16xf32> to vector<16xf32>
        %swap3A_552 = vector.shape_cast %broadcast_in_dim3A_12 : vector<16xf32> to vector<1x16xf32>
        tpu.vector_store %arg7[%swap3A_548, %swap3A_549], %swap3A_552 {strides = array<i32>} : memref<112x128xf32, #tpu.memory_space<vmem>>, vector<1x16xf32>,
        %swap3A_553 = arith.index_cast %add3A_542 : i32 to index
        %swap3A_554 = arith.constant 32 : index
        %swap3A_555 = tpu.vector_load %arg7[%swap3A_553, %swap3A_554] {strides = array<i32>} : memref<112x128xf32, #tpu.memory_space<vmem>>, vector<1x16xf32>,
        %swap3A_556 = vector.shape_cast %swap3A_555 : vector<1x16xf32> to vector<16xf32>
        %swap3A_557 = vector.shape_cast %broadcast_in_dim3A_12 : vector<16xf32> to vector<1x16xf32>
        tpu.vector_store %arg7[%swap3A_553, %swap3A_554], %swap3A_557 {strides = array<i32>} : memref<112x128xf32, #tpu.memory_space<vmem>>, vector<1x16xf32>,
        %swap3A_558 = arith.index_cast %add3A_542 : i32 to index
        %swap3A_559 = arith.constant 48 : index
        %swap3A_560 = tpu.vector_load %arg7[%swap3A_558, %swap3A_559] {strides = array<i32>} : memref<112x128xf32, #tpu.memory_space<vmem>>, vector<1x16xf32>,
        %swap3A_561 = vector.shape_cast %swap3A_560 : vector<1x16xf32> to vector<16xf32>
        %swap3A_562 = vector.shape_cast %broadcast_in_dim3A_12 : vector<16xf32> to vector<1x16xf32>
        tpu.vector_store %arg7[%swap3A_558, %swap3A_559], %swap3A_562 {strides = array<i32>} : memref<112x128xf32, #tpu.memory_space<vmem>>, vector<1x16xf32>,
        %swap3A_563 = arith.index_cast %add3A_542 : i32 to index
        %swap3A_564 = arith.constant 64 : index
        %swap3A_565 = tpu.vector_load %arg7[%swap3A_563, %swap3A_564] {strides = array<i32>} : memref<112x128xf32, #tpu.memory_space<vmem>>, vector<1x16xf32>,
        %swap3A_566 = vector.shape_cast %swap3A_565 : vector<1x16xf32> to vector<16xf32>
        %swap3A_567 = vector.shape_cast %broadcast_in_dim3A_12 : vector<16xf32> to vector<1x16xf32>
        tpu.vector_store %arg7[%swap3A_563, %swap3A_564], %swap3A_567 {strides = array<i32>} : memref<112x128xf32, #tpu.memory_space<vmem>>, vector<1x16xf32>,
        %swap3A_568 = arith.index_cast %add3A_542 : i32 to index
        %swap3A_569 = arith.constant 80 : index
        %swap3A_570 = tpu.vector_load %arg7[%swap3A_568, %swap3A_569] {strides = array<i32>} : memref<112x128xf32, #tpu.memory_space<vmem>>, vector<1x16xf32>,
        %swap3A_571 = vector.shape_cast %swap3A_570 : vector<1x16xf32> to vector<16xf32>
        %swap3A_572 = vector.shape_cast %broadcast_in_dim3A_12 : vector<16xf32> to vector<1x16xf32>
        tpu.vector_store %arg7[%swap3A_568, %swap3A_569], %swap3A_572 {strides = array<i32>} : memref<112x128xf32, #tpu.memory_space<vmem>>, vector<1x16xf32>,
        %swap3A_573 = arith.index_cast %add3A_542 : i32 to index
        %swap3A_574 = arith.constant 96 : index
        %swap3A_575 = tpu.vector_load %arg7[%swap3A_573, %swap3A_574] {strides = array<i32>} : memref<112x128xf32, #tpu.memory_space<vmem>>, vector<1x16xf32>,
        %swap3A_576 = vector.shape_cast %swap3A_575 : vector<1x16xf32> to vector<16xf32>
        %swap3A_577 = vector.shape_cast %broadcast_in_dim3A_12 : vector<16xf32> to vector<1x16xf32>
        tpu.vector_store %arg7[%swap3A_573, %swap3A_574], %swap3A_577 {strides = array<i32>} : memref<112x128xf32, #tpu.memory_space<vmem>>, vector<1x16xf32>,
        %swap3A_578 = arith.index_cast %add3A_542 : i32 to index
        %swap3A_579 = arith.constant 112 : index
        %swap3A_580 = tpu.vector_load %arg7[%swap3A_578, %swap3A_579] {strides = array<i32>} : memref<112x128xf32, #tpu.memory_space<vmem>>, vector<1x16xf32>,
        %swap3A_581 = vector.shape_cast %swap3A_580 : vector<1x16xf32> to vector<16xf32>
        %swap3A_582 = vector.shape_cast %broadcast_in_dim3A_12 : vector<16xf32> to vector<1x16xf32>
        tpu.vector_store %arg7[%swap3A_578, %swap3A_579], %swap3A_582 {strides = array<i32>} : memref<112x128xf32, #tpu.memory_space<vmem>>, vector<1x16xf32>,
      }
      %scan3A_17 = arith.constant 112 : i32
      %mul3A_18 = arith.constant 792 : i32
      %mul3A_19 = arith.muli %arg1, %mul3A_18 : i32
      %add3A_20 = arith.constant 0 : i32
      %add3A_21 = arith.addi %mul3A_19, %add3A_20 : i32
      "tpu.region"() ({
        %run_scoped3A = tpu.sem_alloc : memref<!tpu.dma_semaphore, #tpu.memory_space<semaphore_mem>>
        %dma_start3A_538 = arith.constant 0 : i32
        %dma_start3A_539 = tpu.memref_slice %arg9[%add3A_21, %dma_start3A_538] : memref<12672x128xf32, #tpu.memory_space<vmem_shared>> -> memref<112x128xf32, #tpu.memory_space<vmem_shared>>
        %dma_start3A_540 = arith.constant 0 : i32
        %dma_start3A_541 = tpu.memref_slice %arg9[%add3A_21, %dma_start3A_540] : memref<12672x128xf32, #tpu.memory_space<vmem_shared>> -> memref<112x128xf32, #tpu.memory_space<vmem_shared>>
        tpu.enqueue_dma source(%arg7 : memref<112x128xf32, #tpu.memory_space<vmem>>) target(%dma_start3A_541 : memref<112x128xf32, #tpu.memory_space<vmem_shared>>) target_semaphore(%run_scoped3A : memref<!tpu.dma_semaphore, #tpu.memory_space<semaphore_mem>>)
        %dma_wait3A = arith.constant 0 : i32
        %dma_wait3A_542 = tpu.memref_slice %arg9[%add3A_21, %dma_wait3A] : memref<12672x128xf32, #tpu.memory_space<vmem_shared>> -> memref<112x128xf32, #tpu.memory_space<vmem_shared>>
        %dma_wait3A_543 = arith.constant 0 : i32
        %dma_wait3A_544 = tpu.memref_slice %arg9[%add3A_21, %dma_wait3A_543] : memref<12672x128xf32, #tpu.memory_space<vmem_shared>> -> memref<112x128xf32, #tpu.memory_space<vmem_shared>>
        tpu.wait_dma2 semaphore(%run_scoped3A : memref<!tpu.dma_semaphore, #tpu.memory_space<semaphore_mem>>) src(%arg7 : memref<112x128xf32, #tpu.memory_space<vmem>>) dst(%dma_wait3A_544 : memref<112x128xf32, #tpu.memory_space<vmem_shared>>)
        tpu.yield
      }) : () -> ()
      %mul3A_22 = arith.constant 792 : i32
      %mul3A_23 = arith.muli %arg1, %mul3A_22 : i32
      %add3A_24 = arith.constant 112 : i32
      %add3A_25 = arith.addi %mul3A_23, %add3A_24 : i32
      "tpu.region"() ({
        %run_scoped3A = tpu.sem_alloc : memref<!tpu.dma_semaphore, #tpu.memory_space<semaphore_mem>>
        %dma_start3A_538 = arith.constant 0 : i32
        %dma_start3A_539 = tpu.memref_slice %arg9[%add3A_25, %dma_start3A_538] : memref<12672x128xf32, #tpu.memory_space<vmem_shared>> -> memref<112x128xf32, #tpu.memory_space<vmem_shared>>
        %dma_start3A_540 = arith.constant 0 : i32
        %dma_start3A_541 = tpu.memref_slice %arg9[%add3A_25, %dma_start3A_540] : memref<12672x128xf32, #tpu.memory_space<vmem_shared>> -> memref<112x128xf32, #tpu.memory_space<vmem_shared>>
        tpu.enqueue_dma source(%arg7 : memref<112x128xf32, #tpu.memory_space<vmem>>) target(%dma_start3A_541 : memref<112x128xf32, #tpu.memory_space<vmem_shared>>) target_semaphore(%run_scoped3A : memref<!tpu.dma_semaphore, #tpu.memory_space<semaphore_mem>>)
        %dma_wait3A = arith.constant 0 : i32
        %dma_wait3A_542 = tpu.memref_slice %arg9[%add3A_25, %dma_wait3A] : memref<12672x128xf32, #tpu.memory_space<vmem_shared>> -> memref<112x128xf32, #tpu.memory_space<vmem_shared>>
        %dma_wait3A_543 = arith.constant 0 : i32
        %dma_wait3A_544 = tpu.memref_slice %arg9[%add3A_25, %dma_wait3A_543] : memref<12672x128xf32, #tpu.memory_space<vmem_shared>> -> memref<112x128xf32, #tpu.memory_space<vmem_shared>>
        tpu.wait_dma2 semaphore(%run_scoped3A : memref<!tpu.dma_semaphore, #tpu.memory_space<semaphore_mem>>) src(%arg7 : memref<112x128xf32, #tpu.memory_space<vmem>>) dst(%dma_wait3A_544 : memref<112x128xf32, #tpu.memory_space<vmem_shared>>)
        tpu.yield
      }) : () -> ()
      %mul3A_26 = arith.constant 792 : i32
      %mul3A_27 = arith.muli %arg1, %mul3A_26 : i32
      %add3A_28 = arith.constant 224 : i32
      %add3A_29 = arith.addi %mul3A_27, %add3A_28 : i32
      "tpu.region"() ({
        %run_scoped3A = tpu.sem_alloc : memref<!tpu.dma_semaphore, #tpu.memory_space<semaphore_mem>>
        %dma_start3A_538 = arith.constant 0 : i32
        %dma_start3A_539 = tpu.memref_slice %arg9[%add3A_29, %dma_start3A_538] : memref<12672x128xf32, #tpu.memory_space<vmem_shared>> -> memref<112x128xf32, #tpu.memory_space<vmem_shared>>
        %dma_start3A_540 = arith.constant 0 : i32
        %dma_start3A_541 = tpu.memref_slice %arg9[%add3A_29, %dma_start3A_540] : memref<12672x128xf32, #tpu.memory_space<vmem_shared>> -> memref<112x128xf32, #tpu.memory_space<vmem_shared>>
        tpu.enqueue_dma source(%arg7 : memref<112x128xf32, #tpu.memory_space<vmem>>) target(%dma_start3A_541 : memref<112x128xf32, #tpu.memory_space<vmem_shared>>) target_semaphore(%run_scoped3A : memref<!tpu.dma_semaphore, #tpu.memory_space<semaphore_mem>>)
        %dma_wait3A = arith.constant 0 : i32
        %dma_wait3A_542 = tpu.memref_slice %arg9[%add3A_29, %dma_wait3A] : memref<12672x128xf32, #tpu.memory_space<vmem_shared>> -> memref<112x128xf32, #tpu.memory_space<vmem_shared>>
        %dma_wait3A_543 = arith.constant 0 : i32
        %dma_wait3A_544 = tpu.memref_slice %arg9[%add3A_29, %dma_wait3A_543] : memref<12672x128xf32, #tpu.memory_space<vmem_shared>> -> memref<112x128xf32, #tpu.memory_space<vmem_shared>>
        tpu.wait_dma2 semaphore(%run_scoped3A : memref<!tpu.dma_semaphore, #tpu.memory_space<semaphore_mem>>) src(%arg7 : memref<112x128xf32, #tpu.memory_space<vmem>>) dst(%dma_wait3A_544 : memref<112x128xf32, #tpu.memory_space<vmem_shared>>)
        tpu.yield
      }) : () -> ()
      %mul3A_30 = arith.constant 792 : i32
      %mul3A_31 = arith.muli %arg1, %mul3A_30 : i32
      %add3A_32 = arith.constant 336 : i32
      %add3A_33 = arith.addi %mul3A_31, %add3A_32 : i32
      "tpu.region"() ({
        %run_scoped3A = tpu.sem_alloc : memref<!tpu.dma_semaphore, #tpu.memory_space<semaphore_mem>>
        %dma_start3A_538 = arith.constant 0 : i32
        %dma_start3A_539 = tpu.memref_slice %arg9[%add3A_33, %dma_start3A_538] : memref<12672x128xf32, #tpu.memory_space<vmem_shared>> -> memref<112x128xf32, #tpu.memory_space<vmem_shared>>
        %dma_start3A_540 = arith.constant 0 : i32
        %dma_start3A_541 = tpu.memref_slice %arg9[%add3A_33, %dma_start3A_540] : memref<12672x128xf32, #tpu.memory_space<vmem_shared>> -> memref<112x128xf32, #tpu.memory_space<vmem_shared>>
        tpu.enqueue_dma source(%arg7 : memref<112x128xf32, #tpu.memory_space<vmem>>) target(%dma_start3A_541 : memref<112x128xf32, #tpu.memory_space<vmem_shared>>) target_semaphore(%run_scoped3A : memref<!tpu.dma_semaphore, #tpu.memory_space<semaphore_mem>>)
        %dma_wait3A = arith.constant 0 : i32
        %dma_wait3A_542 = tpu.memref_slice %arg9[%add3A_33, %dma_wait3A] : memref<12672x128xf32, #tpu.memory_space<vmem_shared>> -> memref<112x128xf32, #tpu.memory_space<vmem_shared>>
        %dma_wait3A_543 = arith.constant 0 : i32
        %dma_wait3A_544 = tpu.memref_slice %arg9[%add3A_33, %dma_wait3A_543] : memref<12672x128xf32, #tpu.memory_space<vmem_shared>> -> memref<112x128xf32, #tpu.memory_space<vmem_shared>>
        tpu.wait_dma2 semaphore(%run_scoped3A : memref<!tpu.dma_semaphore, #tpu.memory_space<semaphore_mem>>) src(%arg7 : memref<112x128xf32, #tpu.memory_space<vmem>>) dst(%dma_wait3A_544 : memref<112x128xf32, #tpu.memory_space<vmem_shared>>)
        tpu.yield
      }) : () -> ()
      %mul3A_34 = arith.constant 792 : i32
      %mul3A_35 = arith.muli %arg1, %mul3A_34 : i32
      %add3A_36 = arith.constant 448 : i32
      %add3A_37 = arith.addi %mul3A_35, %add3A_36 : i32
      "tpu.region"() ({
        %run_scoped3A = tpu.sem_alloc : memref<!tpu.dma_semaphore, #tpu.memory_space<semaphore_mem>>
        %dma_start3A_538 = arith.constant 0 : i32
        %dma_start3A_539 = tpu.memref_slice %arg9[%add3A_37, %dma_start3A_538] : memref<12672x128xf32, #tpu.memory_space<vmem_shared>> -> memref<112x128xf32, #tpu.memory_space<vmem_shared>>
        %dma_start3A_540 = arith.constant 0 : i32
        %dma_start3A_541 = tpu.memref_slice %arg9[%add3A_37, %dma_start3A_540] : memref<12672x128xf32, #tpu.memory_space<vmem_shared>> -> memref<112x128xf32, #tpu.memory_space<vmem_shared>>
        tpu.enqueue_dma source(%arg7 : memref<112x128xf32, #tpu.memory_space<vmem>>) target(%dma_start3A_541 : memref<112x128xf32, #tpu.memory_space<vmem_shared>>) target_semaphore(%run_scoped3A : memref<!tpu.dma_semaphore, #tpu.memory_space<semaphore_mem>>)
        %dma_wait3A = arith.constant 0 : i32
        %dma_wait3A_542 = tpu.memref_slice %arg9[%add3A_37, %dma_wait3A] : memref<12672x128xf32, #tpu.memory_space<vmem_shared>> -> memref<112x128xf32, #tpu.memory_space<vmem_shared>>
        %dma_wait3A_543 = arith.constant 0 : i32
        %dma_wait3A_544 = tpu.memref_slice %arg9[%add3A_37, %dma_wait3A_543] : memref<12672x128xf32, #tpu.memory_space<vmem_shared>> -> memref<112x128xf32, #tpu.memory_space<vmem_shared>>
        tpu.wait_dma2 semaphore(%run_scoped3A : memref<!tpu.dma_semaphore, #tpu.memory_space<semaphore_mem>>) src(%arg7 : memref<112x128xf32, #tpu.memory_space<vmem>>) dst(%dma_wait3A_544 : memref<112x128xf32, #tpu.memory_space<vmem_shared>>)
        tpu.yield
      }) : () -> ()
      %mul3A_38 = arith.constant 792 : i32
      %mul3A_39 = arith.muli %arg1, %mul3A_38 : i32
      %add3A_40 = arith.constant 560 : i32
      %add3A_41 = arith.addi %mul3A_39, %add3A_40 : i32
      "tpu.region"() ({
        %run_scoped3A = tpu.sem_alloc : memref<!tpu.dma_semaphore, #tpu.memory_space<semaphore_mem>>
        %dma_start3A_538 = arith.constant 0 : i32
        %dma_start3A_539 = tpu.memref_slice %arg9[%add3A_41, %dma_start3A_538] : memref<12672x128xf32, #tpu.memory_space<vmem_shared>> -> memref<112x128xf32, #tpu.memory_space<vmem_shared>>
        %dma_start3A_540 = arith.constant 0 : i32
        %dma_start3A_541 = tpu.memref_slice %arg9[%add3A_41, %dma_start3A_540] : memref<12672x128xf32, #tpu.memory_space<vmem_shared>> -> memref<112x128xf32, #tpu.memory_space<vmem_shared>>
        tpu.enqueue_dma source(%arg7 : memref<112x128xf32, #tpu.memory_space<vmem>>) target(%dma_start3A_541 : memref<112x128xf32, #tpu.memory_space<vmem_shared>>) target_semaphore(%run_scoped3A : memref<!tpu.dma_semaphore, #tpu.memory_space<semaphore_mem>>)
        %dma_wait3A = arith.constant 0 : i32
        %dma_wait3A_542 = tpu.memref_slice %arg9[%add3A_41, %dma_wait3A] : memref<12672x128xf32, #tpu.memory_space<vmem_shared>> -> memref<112x128xf32, #tpu.memory_space<vmem_shared>>
        %dma_wait3A_543 = arith.constant 0 : i32
        %dma_wait3A_544 = tpu.memref_slice %arg9[%add3A_41, %dma_wait3A_543] : memref<12672x128xf32, #tpu.memory_space<vmem_shared>> -> memref<112x128xf32, #tpu.memory_space<vmem_shared>>
        tpu.wait_dma2 semaphore(%run_scoped3A : memref<!tpu.dma_semaphore, #tpu.memory_space<semaphore_mem>>) src(%arg7 : memref<112x128xf32, #tpu.memory_space<vmem>>) dst(%dma_wait3A_544 : memref<112x128xf32, #tpu.memory_space<vmem_shared>>)
        tpu.yield
      }) : () -> ()
      %mul3A_42 = arith.constant 792 : i32
      %mul3A_43 = arith.muli %arg1, %mul3A_42 : i32
      %add3A_44 = arith.constant 672 : i32
      %add3A_45 = arith.addi %mul3A_43, %add3A_44 : i32
      "tpu.region"() ({
        %run_scoped3A = tpu.sem_alloc : memref<!tpu.dma_semaphore, #tpu.memory_space<semaphore_mem>>
        %dma_start3A_538 = arith.constant 0 : i32
        %dma_start3A_539 = tpu.memref_slice %arg9[%add3A_45, %dma_start3A_538] : memref<12672x128xf32, #tpu.memory_space<vmem_shared>> -> memref<112x128xf32, #tpu.memory_space<vmem_shared>>
        %dma_start3A_540 = arith.constant 0 : i32
        %dma_start3A_541 = tpu.memref_slice %arg9[%add3A_45, %dma_start3A_540] : memref<12672x128xf32, #tpu.memory_space<vmem_shared>> -> memref<112x128xf32, #tpu.memory_space<vmem_shared>>
        tpu.enqueue_dma source(%arg7 : memref<112x128xf32, #tpu.memory_space<vmem>>) target(%dma_start3A_541 : memref<112x128xf32, #tpu.memory_space<vmem_shared>>) target_semaphore(%run_scoped3A : memref<!tpu.dma_semaphore, #tpu.memory_space<semaphore_mem>>)
        %dma_wait3A = arith.constant 0 : i32
        %dma_wait3A_542 = tpu.memref_slice %arg9[%add3A_45, %dma_wait3A] : memref<12672x128xf32, #tpu.memory_space<vmem_shared>> -> memref<112x128xf32, #tpu.memory_space<vmem_shared>>
        %dma_wait3A_543 = arith.constant 0 : i32
        %dma_wait3A_544 = tpu.memref_slice %arg9[%add3A_45, %dma_wait3A_543] : memref<12672x128xf32, #tpu.memory_space<vmem_shared>> -> memref<112x128xf32, #tpu.memory_space<vmem_shared>>
        tpu.wait_dma2 semaphore(%run_scoped3A : memref<!tpu.dma_semaphore, #tpu.memory_space<semaphore_mem>>) src(%arg7 : memref<112x128xf32, #tpu.memory_space<vmem>>) dst(%dma_wait3A_544 : memref<112x128xf32, #tpu.memory_space<vmem_shared>>)
        tpu.yield
      }) : () -> ()
      %mul3A_46 = arith.constant 792 : i32
      %mul3A_47 = arith.muli %arg1, %mul3A_46 : i32
      %add3A_48 = arith.constant 784 : i32
      %add3A_49 = arith.addi %mul3A_47, %add3A_48 : i32
      "tpu.region"() ({
        %run_scoped3A = tpu.sem_alloc : memref<!tpu.dma_semaphore, #tpu.memory_space<semaphore_mem>>
        %dma_start3A_538 = arith.constant 0 : i32
        %dma_start3A_539 = arith.constant 0 : i32
        %dma_start3A_540 = tpu.memref_slice %arg7[%dma_start3A_538, %dma_start3A_539] : memref<112x128xf32, #tpu.memory_space<vmem>> -> memref<8x128xf32, #tpu.memory_space<vmem>>
        %dma_start3A_541 = arith.constant 0 : i32
        %dma_start3A_542 = tpu.memref_slice %arg9[%add3A_49, %dma_start3A_541] : memref<12672x128xf32, #tpu.memory_space<vmem_shared>> -> memref<8x128xf32, #tpu.memory_space<vmem_shared>>
        %dma_start3A_543 = arith.constant 0 : i32
        %dma_start3A_544 = tpu.memref_slice %arg9[%add3A_49, %dma_start3A_543] : memref<12672x128xf32, #tpu.memory_space<vmem_shared>> -> memref<8x128xf32, #tpu.memory_space<vmem_shared>>
        %dma_start3A_545 = arith.constant 0 : i32
        %dma_start3A_546 = arith.constant 0 : i32
        %dma_start3A_547 = tpu.memref_slice %arg7[%dma_start3A_545, %dma_start3A_546] : memref<112x128xf32, #tpu.memory_space<vmem>> -> memref<8x128xf32, #tpu.memory_space<vmem>>
        tpu.enqueue_dma source(%dma_start3A_547 : memref<8x128xf32, #tpu.memory_space<vmem>>) target(%dma_start3A_544 : memref<8x128xf32, #tpu.memory_space<vmem_shared>>) target_semaphore(%run_scoped3A : memref<!tpu.dma_semaphore, #tpu.memory_space<semaphore_mem>>)
        %dma_wait3A = arith.constant 0 : i32
        %dma_wait3A_548 = arith.constant 0 : i32
        %dma_wait3A_549 = tpu.memref_slice %arg7[%dma_wait3A, %dma_wait3A_548] : memref<112x128xf32, #tpu.memory_space<vmem>> -> memref<8x128xf32, #tpu.memory_space<vmem>>
        %dma_wait3A_550 = arith.constant 0 : i32
        %dma_wait3A_551 = tpu.memref_slice %arg9[%add3A_49, %dma_wait3A_550] : memref<12672x128xf32, #tpu.memory_space<vmem_shared>> -> memref<8x128xf32, #tpu.memory_space<vmem_shared>>
        %dma_wait3A_552 = arith.constant 0 : i32
        %dma_wait3A_553 = tpu.memref_slice %arg9[%add3A_49, %dma_wait3A_552] : memref<12672x128xf32, #tpu.memory_space<vmem_shared>> -> memref<8x128xf32, #tpu.memory_space<vmem_shared>>
        %dma_wait3A_554 = arith.constant 0 : i32
        %dma_wait3A_555 = arith.constant 0 : i32
        %dma_wait3A_556 = tpu.memref_slice %arg7[%dma_wait3A_554, %dma_wait3A_555] : memref<112x128xf32, #tpu.memory_space<vmem>> -> memref<8x128xf32, #tpu.memory_space<vmem>>
        tpu.wait_dma2 semaphore(%run_scoped3A : memref<!tpu.dma_semaphore, #tpu.memory_space<semaphore_mem>>) src(%dma_wait3A_556 : memref<8x128xf32, #tpu.memory_space<vmem>>) dst(%dma_wait3A_553 : memref<8x128xf32, #tpu.memory_space<vmem_shared>>)
        tpu.yield
      }) : () -> ()
      %barrier3A = arith.constant 0 : index
      tpu.barrier barrier_id(%barrier3A)
      %mul3A_50 = arith.constant 112 : i32
      %mul3A_51 = arith.muli %arg1, %mul3A_50 : i32
      %add3A_52 = arith.constant 0 : i32
      %add3A_53 = arith.addi %mul3A_51, %add3A_52 : i32
      "tpu.region"() ({
        %run_scoped3A = tpu.sem_alloc : memref<!tpu.dma_semaphore, #tpu.memory_space<semaphore_mem>>
        %dma_start3A_538 = arith.constant 0 : i32
        %dma_start3A_539 = arith.constant 0 : i32
        %dma_start3A_540 = tpu.memref_slice %arg2[%add3A_53, %dma_start3A_538, %dma_start3A_539] : memref<1792x2x112xi32, #tpu.memory_space<hbm>> -> memref<1x2x112xi32, #tpu.memory_space<hbm>>
        %dma_start3A_541 = tpu.memref_squeeze %dma_start3A_540 : memref<1x2x112xi32, #tpu.memory_space<hbm>> -> memref<2x112xi32, #tpu.memory_space<hbm>>
        %dma_start3A_542 = arith.constant 0 : i32
        %dma_start3A_543 = arith.constant 0 : i32
        %dma_start3A_544 = tpu.memref_slice %arg2[%add3A_53, %dma_start3A_542, %dma_start3A_543] : memref<1792x2x112xi32, #tpu.memory_space<hbm>> -> memref<1x2x112xi32, #tpu.memory_space<hbm>>
        %dma_start3A_545 = tpu.memref_squeeze %dma_start3A_544 : memref<1x2x112xi32, #tpu.memory_space<hbm>> -> memref<2x112xi32, #tpu.memory_space<hbm>>
        tpu.enqueue_dma source(%dma_start3A_545 : memref<2x112xi32, #tpu.memory_space<hbm>>) target(%arg5 : memref<2x112xi32, #tpu.memory_space<vmem>>) target_semaphore(%run_scoped3A : memref<!tpu.dma_semaphore, #tpu.memory_space<semaphore_mem>>)
        %dma_wait3A = arith.constant 0 : i32
        %dma_wait3A_546 = arith.constant 0 : i32
        %dma_wait3A_547 = tpu.memref_slice %arg2[%add3A_53, %dma_wait3A, %dma_wait3A_546] : memref<1792x2x112xi32, #tpu.memory_space<hbm>> -> memref<1x2x112xi32, #tpu.memory_space<hbm>>
        %dma_wait3A_548 = tpu.memref_squeeze %dma_wait3A_547 : memref<1x2x112xi32, #tpu.memory_space<hbm>> -> memref<2x112xi32, #tpu.memory_space<hbm>>
        %dma_wait3A_549 = arith.constant 0 : i32
        %dma_wait3A_550 = arith.constant 0 : i32
        %dma_wait3A_551 = tpu.memref_slice %arg2[%add3A_53, %dma_wait3A_549, %dma_wait3A_550] : memref<1792x2x112xi32, #tpu.memory_space<hbm>> -> memref<1x2x112xi32, #tpu.memory_space<hbm>>
        %dma_wait3A_552 = tpu.memref_squeeze %dma_wait3A_551 : memref<1x2x112xi32, #tpu.memory_space<hbm>> -> memref<2x112xi32, #tpu.memory_space<hbm>>
        tpu.wait_dma2 semaphore(%run_scoped3A : memref<!tpu.dma_semaphore, #tpu.memory_space<semaphore_mem>>) src(%dma_wait3A_552 : memref<2x112xi32, #tpu.memory_space<hbm>>) dst(%arg5 : memref<2x112xi32, #tpu.memory_space<vmem>>)
        tpu.yield
      }) : () -> ()
      %get3A = arith.constant 1 : i32
      %get3A_54 = arith.index_cast %get3A : i32 to index
      %get3A_55 = arith.constant 0 : index
      %get3A_56 = tpu.vector_load %arg5[%get3A_54, %get3A_55] {strides = array<i32>} : memref<2x112xi32, #tpu.memory_space<vmem>>, vector<1x16xi32>,
      %get3A_57 = vector.shape_cast %get3A_56 : vector<1x16xi32> to vector<16xi32>
      %sub3A = vector.broadcast %mul3A_11 : i32 to vector<16xi32>
      %sub3A_58 = arith.subi %get3A_57, %sub3A : vector<16xi32>
      %ge3A = arith.constant 0 : i32
      %ge3A_59 = vector.broadcast %ge3A : i32 to vector<16xi32>
      %ge3A_60 = arith.cmpi sge, %sub3A_58, %ge3A_59 : vector<16xi32>
      %lt3A = arith.constant 12544 : i32
      %lt3A_61 = vector.broadcast %lt3A : i32 to vector<16xi32>
      %lt3A_62 = arith.cmpi slt, %sub3A_58, %lt3A_61 : vector<16xi32>
      %and3A = arith.andi %ge3A_60, %lt3A_62 : vector<16xi1>
      %mul3A_63 = arith.constant 8 : i32
      %mul3A_64 = arith.muli %arg1, %mul3A_63 : i32
      %add3A_65 = arith.constant 12544 : i32
      %add3A_66 = arith.addi %add3A_65, %mul3A_64 : i32
      %add3A_67 = arith.constant 0 : i32
      %add3A_68 = vector.broadcast %add3A_67 : i32 to vector<16xi32>
      %add3A_69 = arith.addi %iota3A, %add3A_68 : vector<16xi32>
      %and3A_70 = arith.constant 7 : i32
      %and3A_71 = vector.broadcast %and3A_70 : i32 to vector<16xi32>
      %and3A_72 = arith.andi %add3A_69, %and3A_71 : vector<16xi32>
      %add3A_73 = vector.broadcast %add3A_66 : i32 to vector<16xi32>
      %add3A_74 = arith.addi %add3A_73, %and3A_72 : vector<16xi32>
      %select_n3A = arith.select %and3A, %sub3A_58, %add3A_74 : vector<16xi1>, vector<16xi32>
      %swap3A = arith.constant 1 : i32
      %swap3A_75 = arith.index_cast %swap3A : i32 to index
      %swap3A_76 = arith.constant 0 : index
      %swap3A_77 = tpu.vector_load %arg5[%swap3A_75, %swap3A_76] {strides = array<i32>} : memref<2x112xi32, #tpu.memory_space<vmem>>, vector<1x16xi32>,
      %swap3A_78 = vector.shape_cast %swap3A_77 : vector<1x16xi32> to vector<16xi32>
      %swap3A_79 = vector.shape_cast %select_n3A : vector<16xi32> to vector<1x16xi32>
      tpu.vector_store %arg5[%swap3A_75, %swap3A_76], %swap3A_79 {strides = array<i32>} : memref<2x112xi32, #tpu.memory_space<vmem>>, vector<1x16xi32>,
      %get3A_80 = arith.constant 1 : i32
      %get3A_81 = arith.index_cast %get3A_80 : i32 to index
      %get3A_82 = arith.constant 16 : index
      %get3A_83 = tpu.vector_load %arg5[%get3A_81, %get3A_82] {strides = array<i32>} : memref<2x112xi32, #tpu.memory_space<vmem>>, vector<1x16xi32>,
      %get3A_84 = vector.shape_cast %get3A_83 : vector<1x16xi32> to vector<16xi32>
      %sub3A_85 = vector.broadcast %mul3A_11 : i32 to vector<16xi32>
      %sub3A_86 = arith.subi %get3A_84, %sub3A_85 : vector<16xi32>
      %ge3A_87 = arith.constant 0 : i32
      %ge3A_88 = vector.broadcast %ge3A_87 : i32 to vector<16xi32>
      %ge3A_89 = arith.cmpi sge, %sub3A_86, %ge3A_88 : vector<16xi32>
      %lt3A_90 = arith.constant 12544 : i32
      %lt3A_91 = vector.broadcast %lt3A_90 : i32 to vector<16xi32>
      %lt3A_92 = arith.cmpi slt, %sub3A_86, %lt3A_91 : vector<16xi32>
      %and3A_93 = arith.andi %ge3A_89, %lt3A_92 : vector<16xi1>
      %mul3A_94 = arith.constant 8 : i32
      %mul3A_95 = arith.muli %arg1, %mul3A_94 : i32
      %add3A_96 = arith.constant 12544 : i32
      %add3A_97 = arith.addi %add3A_96, %mul3A_95 : i32
      %add3A_98 = arith.constant 16 : i32
      %add3A_99 = vector.broadcast %add3A_98 : i32 to vector<16xi32>
      %add3A_100 = arith.addi %iota3A, %add3A_99 : vector<16xi32>
      %and3A_101 = arith.constant 7 : i32
      %and3A_102 = vector.broadcast %and3A_101 : i32 to vector<16xi32>
      %and3A_103 = arith.andi %add3A_100, %and3A_102 : vector<16xi32>
      %add3A_104 = vector.broadcast %add3A_97 : i32 to vector<16xi32>
      %add3A_105 = arith.addi %add3A_104, %and3A_103 : vector<16xi32>
      %select_n3A_106 = arith.select %and3A_93, %sub3A_86, %add3A_105 : vector<16xi1>, vector<16xi32>
      %swap3A_107 = arith.constant 1 : i32
      %swap3A_108 = arith.index_cast %swap3A_107 : i32 to index
      %swap3A_109 = arith.constant 16 : index
      %swap3A_110 = tpu.vector_load %arg5[%swap3A_108, %swap3A_109] {strides = array<i32>} : memref<2x112xi32, #tpu.memory_space<vmem>>, vector<1x16xi32>,
      %swap3A_111 = vector.shape_cast %swap3A_110 : vector<1x16xi32> to vector<16xi32>
      %swap3A_112 = vector.shape_cast %select_n3A_106 : vector<16xi32> to vector<1x16xi32>
      tpu.vector_store %arg5[%swap3A_108, %swap3A_109], %swap3A_112 {strides = array<i32>} : memref<2x112xi32, #tpu.memory_space<vmem>>, vector<1x16xi32>,
      %get3A_113 = arith.constant 1 : i32
      %get3A_114 = arith.index_cast %get3A_113 : i32 to index
      %get3A_115 = arith.constant 32 : index
      %get3A_116 = tpu.vector_load %arg5[%get3A_114, %get3A_115] {strides = array<i32>} : memref<2x112xi32, #tpu.memory_space<vmem>>, vector<1x16xi32>,
      %get3A_117 = vector.shape_cast %get3A_116 : vector<1x16xi32> to vector<16xi32>
      %sub3A_118 = vector.broadcast %mul3A_11 : i32 to vector<16xi32>
      %sub3A_119 = arith.subi %get3A_117, %sub3A_118 : vector<16xi32>
      %ge3A_120 = arith.constant 0 : i32
      %ge3A_121 = vector.broadcast %ge3A_120 : i32 to vector<16xi32>
      %ge3A_122 = arith.cmpi sge, %sub3A_119, %ge3A_121 : vector<16xi32>
      %lt3A_123 = arith.constant 12544 : i32
      %lt3A_124 = vector.broadcast %lt3A_123 : i32 to vector<16xi32>
      %lt3A_125 = arith.cmpi slt, %sub3A_119, %lt3A_124 : vector<16xi32>
      %and3A_126 = arith.andi %ge3A_122, %lt3A_125 : vector<16xi1>
      %mul3A_127 = arith.constant 8 : i32
      %mul3A_128 = arith.muli %arg1, %mul3A_127 : i32
      %add3A_129 = arith.constant 12544 : i32
      %add3A_130 = arith.addi %add3A_129, %mul3A_128 : i32
      %add3A_131 = arith.constant 32 : i32
      %add3A_132 = vector.broadcast %add3A_131 : i32 to vector<16xi32>
      %add3A_133 = arith.addi %iota3A, %add3A_132 : vector<16xi32>
      %and3A_134 = arith.constant 7 : i32
      %and3A_135 = vector.broadcast %and3A_134 : i32 to vector<16xi32>
      %and3A_136 = arith.andi %add3A_133, %and3A_135 : vector<16xi32>
      %add3A_137 = vector.broadcast %add3A_130 : i32 to vector<16xi32>
      %add3A_138 = arith.addi %add3A_137, %and3A_136 : vector<16xi32>
      %select_n3A_139 = arith.select %and3A_126, %sub3A_119, %add3A_138 : vector<16xi1>, vector<16xi32>
      %swap3A_140 = arith.constant 1 : i32
      %swap3A_141 = arith.index_cast %swap3A_140 : i32 to index
      %swap3A_142 = arith.constant 32 : index
      %swap3A_143 = tpu.vector_load %arg5[%swap3A_141, %swap3A_142] {strides = array<i32>} : memref<2x112xi32, #tpu.memory_space<vmem>>, vector<1x16xi32>,
      %swap3A_144 = vector.shape_cast %swap3A_143 : vector<1x16xi32> to vector<16xi32>
      %swap3A_145 = vector.shape_cast %select_n3A_139 : vector<16xi32> to vector<1x16xi32>
      tpu.vector_store %arg5[%swap3A_141, %swap3A_142], %swap3A_145 {strides = array<i32>} : memref<2x112xi32, #tpu.memory_space<vmem>>, vector<1x16xi32>,
      %get3A_146 = arith.constant 1 : i32
      %get3A_147 = arith.index_cast %get3A_146 : i32 to index
      %get3A_148 = arith.constant 48 : index
      %get3A_149 = tpu.vector_load %arg5[%get3A_147, %get3A_148] {strides = array<i32>} : memref<2x112xi32, #tpu.memory_space<vmem>>, vector<1x16xi32>,
      %get3A_150 = vector.shape_cast %get3A_149 : vector<1x16xi32> to vector<16xi32>
      %sub3A_151 = vector.broadcast %mul3A_11 : i32 to vector<16xi32>
      %sub3A_152 = arith.subi %get3A_150, %sub3A_151 : vector<16xi32>
      %ge3A_153 = arith.constant 0 : i32
      %ge3A_154 = vector.broadcast %ge3A_153 : i32 to vector<16xi32>
      %ge3A_155 = arith.cmpi sge, %sub3A_152, %ge3A_154 : vector<16xi32>
      %lt3A_156 = arith.constant 12544 : i32
      %lt3A_157 = vector.broadcast %lt3A_156 : i32 to vector<16xi32>
      %lt3A_158 = arith.cmpi slt, %sub3A_152, %lt3A_157 : vector<16xi32>
      %and3A_159 = arith.andi %ge3A_155, %lt3A_158 : vector<16xi1>
      %mul3A_160 = arith.constant 8 : i32
      %mul3A_161 = arith.muli %arg1, %mul3A_160 : i32
      %add3A_162 = arith.constant 12544 : i32
      %add3A_163 = arith.addi %add3A_162, %mul3A_161 : i32
      %add3A_164 = arith.constant 48 : i32
      %add3A_165 = vector.broadcast %add3A_164 : i32 to vector<16xi32>
      %add3A_166 = arith.addi %iota3A, %add3A_165 : vector<16xi32>
      %and3A_167 = arith.constant 7 : i32
      %and3A_168 = vector.broadcast %and3A_167 : i32 to vector<16xi32>
      %and3A_169 = arith.andi %add3A_166, %and3A_168 : vector<16xi32>
      %add3A_170 = vector.broadcast %add3A_163 : i32 to vector<16xi32>
      %add3A_171 = arith.addi %add3A_170, %and3A_169 : vector<16xi32>
      %select_n3A_172 = arith.select %and3A_159, %sub3A_152, %add3A_171 : vector<16xi1>, vector<16xi32>
      %swap3A_173 = arith.constant 1 : i32
      %swap3A_174 = arith.index_cast %swap3A_173 : i32 to index
      %swap3A_175 = arith.constant 48 : index
      %swap3A_176 = tpu.vector_load %arg5[%swap3A_174, %swap3A_175] {strides = array<i32>} : memref<2x112xi32, #tpu.memory_space<vmem>>, vector<1x16xi32>,
      %swap3A_177 = vector.shape_cast %swap3A_176 : vector<1x16xi32> to vector<16xi32>
      %swap3A_178 = vector.shape_cast %select_n3A_172 : vector<16xi32> to vector<1x16xi32>
      tpu.vector_store %arg5[%swap3A_174, %swap3A_175], %swap3A_178 {strides = array<i32>} : memref<2x112xi32, #tpu.memory_space<vmem>>, vector<1x16xi32>,
      %get3A_179 = arith.constant 1 : i32
      %get3A_180 = arith.index_cast %get3A_179 : i32 to index
      %get3A_181 = arith.constant 64 : index
      %get3A_182 = tpu.vector_load %arg5[%get3A_180, %get3A_181] {strides = array<i32>} : memref<2x112xi32, #tpu.memory_space<vmem>>, vector<1x16xi32>,
      %get3A_183 = vector.shape_cast %get3A_182 : vector<1x16xi32> to vector<16xi32>
      %sub3A_184 = vector.broadcast %mul3A_11 : i32 to vector<16xi32>
      %sub3A_185 = arith.subi %get3A_183, %sub3A_184 : vector<16xi32>
      %ge3A_186 = arith.constant 0 : i32
      %ge3A_187 = vector.broadcast %ge3A_186 : i32 to vector<16xi32>
      %ge3A_188 = arith.cmpi sge, %sub3A_185, %ge3A_187 : vector<16xi32>
      %lt3A_189 = arith.constant 12544 : i32
      %lt3A_190 = vector.broadcast %lt3A_189 : i32 to vector<16xi32>
      %lt3A_191 = arith.cmpi slt, %sub3A_185, %lt3A_190 : vector<16xi32>
      %and3A_192 = arith.andi %ge3A_188, %lt3A_191 : vector<16xi1>
      %mul3A_193 = arith.constant 8 : i32
      %mul3A_194 = arith.muli %arg1, %mul3A_193 : i32
      %add3A_195 = arith.constant 12544 : i32
      %add3A_196 = arith.addi %add3A_195, %mul3A_194 : i32
      %add3A_197 = arith.constant 64 : i32
      %add3A_198 = vector.broadcast %add3A_197 : i32 to vector<16xi32>
      %add3A_199 = arith.addi %iota3A, %add3A_198 : vector<16xi32>
      %and3A_200 = arith.constant 7 : i32
      %and3A_201 = vector.broadcast %and3A_200 : i32 to vector<16xi32>
      %and3A_202 = arith.andi %add3A_199, %and3A_201 : vector<16xi32>
      %add3A_203 = vector.broadcast %add3A_196 : i32 to vector<16xi32>
      %add3A_204 = arith.addi %add3A_203, %and3A_202 : vector<16xi32>
      %select_n3A_205 = arith.select %and3A_192, %sub3A_185, %add3A_204 : vector<16xi1>, vector<16xi32>
      %swap3A_206 = arith.constant 1 : i32
      %swap3A_207 = arith.index_cast %swap3A_206 : i32 to index
      %swap3A_208 = arith.constant 64 : index
      %swap3A_209 = tpu.vector_load %arg5[%swap3A_207, %swap3A_208] {strides = array<i32>} : memref<2x112xi32, #tpu.memory_space<vmem>>, vector<1x16xi32>,
      %swap3A_210 = vector.shape_cast %swap3A_209 : vector<1x16xi32> to vector<16xi32>
      %swap3A_211 = vector.shape_cast %select_n3A_205 : vector<16xi32> to vector<1x16xi32>
      tpu.vector_store %arg5[%swap3A_207, %swap3A_208], %swap3A_211 {strides = array<i32>} : memref<2x112xi32, #tpu.memory_space<vmem>>, vector<1x16xi32>,
      %get3A_212 = arith.constant 1 : i32
      %get3A_213 = arith.index_cast %get3A_212 : i32 to index
      %get3A_214 = arith.constant 80 : index
      %get3A_215 = tpu.vector_load %arg5[%get3A_213, %get3A_214] {strides = array<i32>} : memref<2x112xi32, #tpu.memory_space<vmem>>, vector<1x16xi32>,
      %get3A_216 = vector.shape_cast %get3A_215 : vector<1x16xi32> to vector<16xi32>
      %sub3A_217 = vector.broadcast %mul3A_11 : i32 to vector<16xi32>
      %sub3A_218 = arith.subi %get3A_216, %sub3A_217 : vector<16xi32>
      %ge3A_219 = arith.constant 0 : i32
      %ge3A_220 = vector.broadcast %ge3A_219 : i32 to vector<16xi32>
      %ge3A_221 = arith.cmpi sge, %sub3A_218, %ge3A_220 : vector<16xi32>
      %lt3A_222 = arith.constant 12544 : i32
      %lt3A_223 = vector.broadcast %lt3A_222 : i32 to vector<16xi32>
      %lt3A_224 = arith.cmpi slt, %sub3A_218, %lt3A_223 : vector<16xi32>
      %and3A_225 = arith.andi %ge3A_221, %lt3A_224 : vector<16xi1>
      %mul3A_226 = arith.constant 8 : i32
      %mul3A_227 = arith.muli %arg1, %mul3A_226 : i32
      %add3A_228 = arith.constant 12544 : i32
      %add3A_229 = arith.addi %add3A_228, %mul3A_227 : i32
      %add3A_230 = arith.constant 80 : i32
      %add3A_231 = vector.broadcast %add3A_230 : i32 to vector<16xi32>
      %add3A_232 = arith.addi %iota3A, %add3A_231 : vector<16xi32>
      %and3A_233 = arith.constant 7 : i32
      %and3A_234 = vector.broadcast %and3A_233 : i32 to vector<16xi32>
      %and3A_235 = arith.andi %add3A_232, %and3A_234 : vector<16xi32>
      %add3A_236 = vector.broadcast %add3A_229 : i32 to vector<16xi32>
      %add3A_237 = arith.addi %add3A_236, %and3A_235 : vector<16xi32>
      %select_n3A_238 = arith.select %and3A_225, %sub3A_218, %add3A_237 : vector<16xi1>, vector<16xi32>
      %swap3A_239 = arith.constant 1 : i32
      %swap3A_240 = arith.index_cast %swap3A_239 : i32 to index
      %swap3A_241 = arith.constant 80 : index
      %swap3A_242 = tpu.vector_load %arg5[%swap3A_240, %swap3A_241] {strides = array<i32>} : memref<2x112xi32, #tpu.memory_space<vmem>>, vector<1x16xi32>,
      %swap3A_243 = vector.shape_cast %swap3A_242 : vector<1x16xi32> to vector<16xi32>
      %swap3A_244 = vector.shape_cast %select_n3A_238 : vector<16xi32> to vector<1x16xi32>
      tpu.vector_store %arg5[%swap3A_240, %swap3A_241], %swap3A_244 {strides = array<i32>} : memref<2x112xi32, #tpu.memory_space<vmem>>, vector<1x16xi32>,
      %get3A_245 = arith.constant 1 : i32
      %get3A_246 = arith.index_cast %get3A_245 : i32 to index
      %get3A_247 = arith.constant 96 : index
      %get3A_248 = tpu.vector_load %arg5[%get3A_246, %get3A_247] {strides = array<i32>} : memref<2x112xi32, #tpu.memory_space<vmem>>, vector<1x16xi32>,
      %get3A_249 = vector.shape_cast %get3A_248 : vector<1x16xi32> to vector<16xi32>
      %sub3A_250 = vector.broadcast %mul3A_11 : i32 to vector<16xi32>
      %sub3A_251 = arith.subi %get3A_249, %sub3A_250 : vector<16xi32>
      %ge3A_252 = arith.constant 0 : i32
      %ge3A_253 = vector.broadcast %ge3A_252 : i32 to vector<16xi32>
      %ge3A_254 = arith.cmpi sge, %sub3A_251, %ge3A_253 : vector<16xi32>
      %lt3A_255 = arith.constant 12544 : i32
      %lt3A_256 = vector.broadcast %lt3A_255 : i32 to vector<16xi32>
      %lt3A_257 = arith.cmpi slt, %sub3A_251, %lt3A_256 : vector<16xi32>
      %and3A_258 = arith.andi %ge3A_254, %lt3A_257 : vector<16xi1>
      %mul3A_259 = arith.constant 8 : i32
      %mul3A_260 = arith.muli %arg1, %mul3A_259 : i32
      %add3A_261 = arith.constant 12544 : i32
      %add3A_262 = arith.addi %add3A_261, %mul3A_260 : i32
      %add3A_263 = arith.constant 96 : i32
      %add3A_264 = vector.broadcast %add3A_263 : i32 to vector<16xi32>
      %add3A_265 = arith.addi %iota3A, %add3A_264 : vector<16xi32>
      %and3A_266 = arith.constant 7 : i32
      %and3A_267 = vector.broadcast %and3A_266 : i32 to vector<16xi32>
      %and3A_268 = arith.andi %add3A_265, %and3A_267 : vector<16xi32>
      %add3A_269 = vector.broadcast %add3A_262 : i32 to vector<16xi32>
      %add3A_270 = arith.addi %add3A_269, %and3A_268 : vector<16xi32>
      %select_n3A_271 = arith.select %and3A_258, %sub3A_251, %add3A_270 : vector<16xi1>, vector<16xi32>
      %swap3A_272 = arith.constant 1 : i32
      %swap3A_273 = arith.index_cast %swap3A_272 : i32 to index
      %swap3A_274 = arith.constant 96 : index
      %swap3A_275 = tpu.vector_load %arg5[%swap3A_273, %swap3A_274] {strides = array<i32>} : memref<2x112xi32, #tpu.memory_space<vmem>>, vector<1x16xi32>,
      %swap3A_276 = vector.shape_cast %swap3A_275 : vector<1x16xi32> to vector<16xi32>
      %swap3A_277 = vector.shape_cast %select_n3A_271 : vector<16xi32> to vector<1x16xi32>
      tpu.vector_store %arg5[%swap3A_273, %swap3A_274], %swap3A_277 {strides = array<i32>} : memref<2x112xi32, #tpu.memory_space<vmem>>, vector<1x16xi32>,
      %dma_start3A = arith.constant 0 : i32
      %dma_start3A_278 = arith.constant 0 : i32
      %dma_start3A_279 = tpu.memref_slice %arg5[%dma_start3A, %dma_start3A_278] : memref<2x112xi32, #tpu.memory_space<vmem>> -> memref<1x112xi32, #tpu.memory_space<vmem>>
      %dma_start3A_280 = tpu.memref_squeeze %dma_start3A_279 : memref<1x112xi32, #tpu.memory_space<vmem>> -> memref<112xi32, #tpu.memory_space<vmem>>
      %dma_start3A_281 = arith.constant 0 : i32
      %dma_start3A_282 = arith.constant 0 : i32
      %dma_start3A_283 = tpu.memref_slice %arg3[%dma_start3A_281, %dma_start3A_282] : memref<50176x128xf32, #tpu.memory_space<hbm>> -> memref<50176x128xf32, #tpu.memory_space<hbm>>
      tpu.enqueue_indirect_dma source(%dma_start3A_283 : memref<50176x128xf32, #tpu.memory_space<hbm>>) target(%arg7 : memref<112x128xf32, #tpu.memory_space<vmem>>) offsets(%dma_start3A_280 : memref<112xi32, #tpu.memory_space<vmem>>) semaphore(%arg10 : memref<!tpu.dma_semaphore, #tpu.memory_space<semaphore_mem>>)
      %mul3A_284 = arith.constant 112 : i32
      %mul3A_285 = arith.muli %arg1, %mul3A_284 : i32
      %add3A_286 = arith.constant 1 : i32
      %add3A_287 = arith.addi %mul3A_285, %add3A_286 : i32
      "tpu.region"() ({
        %run_scoped3A = tpu.sem_alloc : memref<!tpu.dma_semaphore, #tpu.memory_space<semaphore_mem>>
        %dma_start3A_538 = arith.constant 0 : i32
        %dma_start3A_539 = arith.constant 0 : i32
        %dma_start3A_540 = tpu.memref_slice %arg2[%add3A_287, %dma_start3A_538, %dma_start3A_539] : memref<1792x2x112xi32, #tpu.memory_space<hbm>> -> memref<1x2x112xi32, #tpu.memory_space<hbm>>
        %dma_start3A_541 = tpu.memref_squeeze %dma_start3A_540 : memref<1x2x112xi32, #tpu.memory_space<hbm>> -> memref<2x112xi32, #tpu.memory_space<hbm>>
        %dma_start3A_542 = arith.constant 0 : i32
        %dma_start3A_543 = arith.constant 0 : i32
        %dma_start3A_544 = tpu.memref_slice %arg2[%add3A_287, %dma_start3A_542, %dma_start3A_543] : memref<1792x2x112xi32, #tpu.memory_space<hbm>> -> memref<1x2x112xi32, #tpu.memory_space<hbm>>
        %dma_start3A_545 = tpu.memref_squeeze %dma_start3A_544 : memref<1x2x112xi32, #tpu.memory_space<hbm>> -> memref<2x112xi32, #tpu.memory_space<hbm>>
        tpu.enqueue_dma source(%dma_start3A_545 : memref<2x112xi32, #tpu.memory_space<hbm>>) target(%arg6 : memref<2x112xi32, #tpu.memory_space<vmem>>) target_semaphore(%run_scoped3A : memref<!tpu.dma_semaphore, #tpu.memory_space<semaphore_mem>>)
        %dma_wait3A = arith.constant 0 : i32
        %dma_wait3A_546 = arith.constant 0 : i32
        %dma_wait3A_547 = tpu.memref_slice %arg2[%add3A_287, %dma_wait3A, %dma_wait3A_546] : memref<1792x2x112xi32, #tpu.memory_space<hbm>> -> memref<1x2x112xi32, #tpu.memory_space<hbm>>
        %dma_wait3A_548 = tpu.memref_squeeze %dma_wait3A_547 : memref<1x2x112xi32, #tpu.memory_space<hbm>> -> memref<2x112xi32, #tpu.memory_space<hbm>>
        %dma_wait3A_549 = arith.constant 0 : i32
        %dma_wait3A_550 = arith.constant 0 : i32
        %dma_wait3A_551 = tpu.memref_slice %arg2[%add3A_287, %dma_wait3A_549, %dma_wait3A_550] : memref<1792x2x112xi32, #tpu.memory_space<hbm>> -> memref<1x2x112xi32, #tpu.memory_space<hbm>>
        %dma_wait3A_552 = tpu.memref_squeeze %dma_wait3A_551 : memref<1x2x112xi32, #tpu.memory_space<hbm>> -> memref<2x112xi32, #tpu.memory_space<hbm>>
        tpu.wait_dma2 semaphore(%run_scoped3A : memref<!tpu.dma_semaphore, #tpu.memory_space<semaphore_mem>>) src(%dma_wait3A_552 : memref<2x112xi32, #tpu.memory_space<hbm>>) dst(%arg6 : memref<2x112xi32, #tpu.memory_space<vmem>>)
        tpu.yield
      }) : () -> ()
      %get3A_288 = arith.constant 1 : i32
      %get3A_289 = arith.index_cast %get3A_288 : i32 to index
      %get3A_290 = arith.constant 0 : index
      %get3A_291 = tpu.vector_load %arg6[%get3A_289, %get3A_290] {strides = array<i32>} : memref<2x112xi32, #tpu.memory_space<vmem>>, vector<1x16xi32>,
      %get3A_292 = vector.shape_cast %get3A_291 : vector<1x16xi32> to vector<16xi32>
      %sub3A_293 = vector.broadcast %mul3A_11 : i32 to vector<16xi32>
      %sub3A_294 = arith.subi %get3A_292, %sub3A_293 : vector<16xi32>
      %ge3A_295 = arith.constant 0 : i32
      %ge3A_296 = vector.broadcast %ge3A_295 : i32 to vector<16xi32>
      %ge3A_297 = arith.cmpi sge, %sub3A_294, %ge3A_296 : vector<16xi32>
      %lt3A_298 = arith.constant 12544 : i32
      %lt3A_299 = vector.broadcast %lt3A_298 : i32 to vector<16xi32>
      %lt3A_300 = arith.cmpi slt, %sub3A_294, %lt3A_299 : vector<16xi32>
      %and3A_301 = arith.andi %ge3A_297, %lt3A_300 : vector<16xi1>
      %mul3A_302 = arith.constant 8 : i32
      %mul3A_303 = arith.muli %arg1, %mul3A_302 : i32
      %add3A_304 = arith.constant 12544 : i32
      %add3A_305 = arith.addi %add3A_304, %mul3A_303 : i32
      %add3A_306 = arith.constant 0 : i32
      %add3A_307 = vector.broadcast %add3A_306 : i32 to vector<16xi32>
      %add3A_308 = arith.addi %iota3A, %add3A_307 : vector<16xi32>
      %and3A_309 = arith.constant 7 : i32
      %and3A_310 = vector.broadcast %and3A_309 : i32 to vector<16xi32>
      %and3A_311 = arith.andi %add3A_308, %and3A_310 : vector<16xi32>
      %add3A_312 = vector.broadcast %add3A_305 : i32 to vector<16xi32>
      %add3A_313 = arith.addi %add3A_312, %and3A_311 : vector<16xi32>
      %select_n3A_314 = arith.select %and3A_301, %sub3A_294, %add3A_313 : vector<16xi1>, vector<16xi32>
      %swap3A_315 = arith.constant 1 : i32
      %swap3A_316 = arith.index_cast %swap3A_315 : i32 to index
      %swap3A_317 = arith.constant 0 : index
      %swap3A_318 = tpu.vector_load %arg6[%swap3A_316, %swap3A_317] {strides = array<i32>} : memref<2x112xi32, #tpu.memory_space<vmem>>, vector<1x16xi32>,
      %swap3A_319 = vector.shape_cast %swap3A_318 : vector<1x16xi32> to vector<16xi32>
      %swap3A_320 = vector.shape_cast %select_n3A_314 : vector<16xi32> to vector<1x16xi32>
      tpu.vector_store %arg6[%swap3A_316, %swap3A_317], %swap3A_320 {strides = array<i32>} : memref<2x112xi32, #tpu.memory_space<vmem>>, vector<1x16xi32>,
      %get3A_321 = arith.constant 1 : i32
      %get3A_322 = arith.index_cast %get3A_321 : i32 to index
      %get3A_323 = arith.constant 16 : index
      %get3A_324 = tpu.vector_load %arg6[%get3A_322, %get3A_323] {strides = array<i32>} : memref<2x112xi32, #tpu.memory_space<vmem>>, vector<1x16xi32>,
      %get3A_325 = vector.shape_cast %get3A_324 : vector<1x16xi32> to vector<16xi32>
      %sub3A_326 = vector.broadcast %mul3A_11 : i32 to vector<16xi32>
      %sub3A_327 = arith.subi %get3A_325, %sub3A_326 : vector<16xi32>
      %ge3A_328 = arith.constant 0 : i32
      %ge3A_329 = vector.broadcast %ge3A_328 : i32 to vector<16xi32>
      %ge3A_330 = arith.cmpi sge, %sub3A_327, %ge3A_329 : vector<16xi32>
      %lt3A_331 = arith.constant 12544 : i32
      %lt3A_332 = vector.broadcast %lt3A_331 : i32 to vector<16xi32>
      %lt3A_333 = arith.cmpi slt, %sub3A_327, %lt3A_332 : vector<16xi32>
      %and3A_334 = arith.andi %ge3A_330, %lt3A_333 : vector<16xi1>
      %mul3A_335 = arith.constant 8 : i32
      %mul3A_336 = arith.muli %arg1, %mul3A_335 : i32
      %add3A_337 = arith.constant 12544 : i32
      %add3A_338 = arith.addi %add3A_337, %mul3A_336 : i32
      %add3A_339 = arith.constant 16 : i32
      %add3A_340 = vector.broadcast %add3A_339 : i32 to vector<16xi32>
      %add3A_341 = arith.addi %iota3A, %add3A_340 : vector<16xi32>
      %and3A_342 = arith.constant 7 : i32
      %and3A_343 = vector.broadcast %and3A_342 : i32 to vector<16xi32>
      %and3A_344 = arith.andi %add3A_341, %and3A_343 : vector<16xi32>
      %add3A_345 = vector.broadcast %add3A_338 : i32 to vector<16xi32>
      %add3A_346 = arith.addi %add3A_345, %and3A_344 : vector<16xi32>
      %select_n3A_347 = arith.select %and3A_334, %sub3A_327, %add3A_346 : vector<16xi1>, vector<16xi32>
      %swap3A_348 = arith.constant 1 : i32
      %swap3A_349 = arith.index_cast %swap3A_348 : i32 to index
      %swap3A_350 = arith.constant 16 : index
      %swap3A_351 = tpu.vector_load %arg6[%swap3A_349, %swap3A_350] {strides = array<i32>} : memref<2x112xi32, #tpu.memory_space<vmem>>, vector<1x16xi32>,
      %swap3A_352 = vector.shape_cast %swap3A_351 : vector<1x16xi32> to vector<16xi32>
      %swap3A_353 = vector.shape_cast %select_n3A_347 : vector<16xi32> to vector<1x16xi32>
      tpu.vector_store %arg6[%swap3A_349, %swap3A_350], %swap3A_353 {strides = array<i32>} : memref<2x112xi32, #tpu.memory_space<vmem>>, vector<1x16xi32>,
      %get3A_354 = arith.constant 1 : i32
      %get3A_355 = arith.index_cast %get3A_354 : i32 to index
      %get3A_356 = arith.constant 32 : index
      %get3A_357 = tpu.vector_load %arg6[%get3A_355, %get3A_356] {strides = array<i32>} : memref<2x112xi32, #tpu.memory_space<vmem>>, vector<1x16xi32>,
      %get3A_358 = vector.shape_cast %get3A_357 : vector<1x16xi32> to vector<16xi32>
      %sub3A_359 = vector.broadcast %mul3A_11 : i32 to vector<16xi32>
      %sub3A_360 = arith.subi %get3A_358, %sub3A_359 : vector<16xi32>
      %ge3A_361 = arith.constant 0 : i32
      %ge3A_362 = vector.broadcast %ge3A_361 : i32 to vector<16xi32>
      %ge3A_363 = arith.cmpi sge, %sub3A_360, %ge3A_362 : vector<16xi32>
      %lt3A_364 = arith.constant 12544 : i32
      %lt3A_365 = vector.broadcast %lt3A_364 : i32 to vector<16xi32>
      %lt3A_366 = arith.cmpi slt, %sub3A_360, %lt3A_365 : vector<16xi32>
      %and3A_367 = arith.andi %ge3A_363, %lt3A_366 : vector<16xi1>
      %mul3A_368 = arith.constant 8 : i32
      %mul3A_369 = arith.muli %arg1, %mul3A_368 : i32
      %add3A_370 = arith.constant 12544 : i32
      %add3A_371 = arith.addi %add3A_370, %mul3A_369 : i32
      %add3A_372 = arith.constant 32 : i32
      %add3A_373 = vector.broadcast %add3A_372 : i32 to vector<16xi32>
      %add3A_374 = arith.addi %iota3A, %add3A_373 : vector<16xi32>
      %and3A_375 = arith.constant 7 : i32
      %and3A_376 = vector.broadcast %and3A_375 : i32 to vector<16xi32>
      %and3A_377 = arith.andi %add3A_374, %and3A_376 : vector<16xi32>
      %add3A_378 = vector.broadcast %add3A_371 : i32 to vector<16xi32>
      %add3A_379 = arith.addi %add3A_378, %and3A_377 : vector<16xi32>
      %select_n3A_380 = arith.select %and3A_367, %sub3A_360, %add3A_379 : vector<16xi1>, vector<16xi32>
      %swap3A_381 = arith.constant 1 : i32
      %swap3A_382 = arith.index_cast %swap3A_381 : i32 to index
      %swap3A_383 = arith.constant 32 : index
      %swap3A_384 = tpu.vector_load %arg6[%swap3A_382, %swap3A_383] {strides = array<i32>} : memref<2x112xi32, #tpu.memory_space<vmem>>, vector<1x16xi32>,
      %swap3A_385 = vector.shape_cast %swap3A_384 : vector<1x16xi32> to vector<16xi32>
      %swap3A_386 = vector.shape_cast %select_n3A_380 : vector<16xi32> to vector<1x16xi32>
      tpu.vector_store %arg6[%swap3A_382, %swap3A_383], %swap3A_386 {strides = array<i32>} : memref<2x112xi32, #tpu.memory_space<vmem>>, vector<1x16xi32>,
      %get3A_387 = arith.constant 1 : i32
      %get3A_388 = arith.index_cast %get3A_387 : i32 to index
      %get3A_389 = arith.constant 48 : index
      %get3A_390 = tpu.vector_load %arg6[%get3A_388, %get3A_389] {strides = array<i32>} : memref<2x112xi32, #tpu.memory_space<vmem>>, vector<1x16xi32>,
      %get3A_391 = vector.shape_cast %get3A_390 : vector<1x16xi32> to vector<16xi32>
      %sub3A_392 = vector.broadcast %mul3A_11 : i32 to vector<16xi32>
      %sub3A_393 = arith.subi %get3A_391, %sub3A_392 : vector<16xi32>
      %ge3A_394 = arith.constant 0 : i32
      %ge3A_395 = vector.broadcast %ge3A_394 : i32 to vector<16xi32>
      %ge3A_396 = arith.cmpi sge, %sub3A_393, %ge3A_395 : vector<16xi32>
      %lt3A_397 = arith.constant 12544 : i32
      %lt3A_398 = vector.broadcast %lt3A_397 : i32 to vector<16xi32>
      %lt3A_399 = arith.cmpi slt, %sub3A_393, %lt3A_398 : vector<16xi32>
      %and3A_400 = arith.andi %ge3A_396, %lt3A_399 : vector<16xi1>
      %mul3A_401 = arith.constant 8 : i32
      %mul3A_402 = arith.muli %arg1, %mul3A_401 : i32
      %add3A_403 = arith.constant 12544 : i32
      %add3A_404 = arith.addi %add3A_403, %mul3A_402 : i32
      %add3A_405 = arith.constant 48 : i32
      %add3A_406 = vector.broadcast %add3A_405 : i32 to vector<16xi32>
      %add3A_407 = arith.addi %iota3A, %add3A_406 : vector<16xi32>
      %and3A_408 = arith.constant 7 : i32
      %and3A_409 = vector.broadcast %and3A_408 : i32 to vector<16xi32>
      %and3A_410 = arith.andi %add3A_407, %and3A_409 : vector<16xi32>
      %add3A_411 = vector.broadcast %add3A_404 : i32 to vector<16xi32>
      %add3A_412 = arith.addi %add3A_411, %and3A_410 : vector<16xi32>
      %select_n3A_413 = arith.select %and3A_400, %sub3A_393, %add3A_412 : vector<16xi1>, vector<16xi32>
      %swap3A_414 = arith.constant 1 : i32
      %swap3A_415 = arith.index_cast %swap3A_414 : i32 to index
      %swap3A_416 = arith.constant 48 : index
      %swap3A_417 = tpu.vector_load %arg6[%swap3A_415, %swap3A_416] {strides = array<i32>} : memref<2x112xi32, #tpu.memory_space<vmem>>, vector<1x16xi32>,
      %swap3A_418 = vector.shape_cast %swap3A_417 : vector<1x16xi32> to vector<16xi32>
      %swap3A_419 = vector.shape_cast %select_n3A_413 : vector<16xi32> to vector<1x16xi32>
      tpu.vector_store %arg6[%swap3A_415, %swap3A_416], %swap3A_419 {strides = array<i32>} : memref<2x112xi32, #tpu.memory_space<vmem>>, vector<1x16xi32>,
      %get3A_420 = arith.constant 1 : i32
      %get3A_421 = arith.index_cast %get3A_420 : i32 to index
      %get3A_422 = arith.constant 64 : index
      %get3A_423 = tpu.vector_load %arg6[%get3A_421, %get3A_422] {strides = array<i32>} : memref<2x112xi32, #tpu.memory_space<vmem>>, vector<1x16xi32>,
      %get3A_424 = vector.shape_cast %get3A_423 : vector<1x16xi32> to vector<16xi32>
      %sub3A_425 = vector.broadcast %mul3A_11 : i32 to vector<16xi32>
      %sub3A_426 = arith.subi %get3A_424, %sub3A_425 : vector<16xi32>
      %ge3A_427 = arith.constant 0 : i32
      %ge3A_428 = vector.broadcast %ge3A_427 : i32 to vector<16xi32>
      %ge3A_429 = arith.cmpi sge, %sub3A_426, %ge3A_428 : vector<16xi32>
      %lt3A_430 = arith.constant 12544 : i32
      %lt3A_431 = vector.broadcast %lt3A_430 : i32 to vector<16xi32>
      %lt3A_432 = arith.cmpi slt, %sub3A_426, %lt3A_431 : vector<16xi32>
      %and3A_433 = arith.andi %ge3A_429, %lt3A_432 : vector<16xi1>
      %mul3A_434 = arith.constant 8 : i32
      %mul3A_435 = arith.muli %arg1, %mul3A_434 : i32
      %add3A_436 = arith.constant 12544 : i32
      %add3A_437 = arith.addi %add3A_436, %mul3A_435 : i32
      %add3A_438 = arith.constant 64 : i32
      %add3A_439 = vector.broadcast %add3A_438 : i32 to vector<16xi32>
      %add3A_440 = arith.addi %iota3A, %add3A_439 : vector<16xi32>
      %and3A_441 = arith.constant 7 : i32
      %and3A_442 = vector.broadcast %and3A_441 : i32 to vector<16xi32>
      %and3A_443 = arith.andi %add3A_440, %and3A_442 : vector<16xi32>
      %add3A_444 = vector.broadcast %add3A_437 : i32 to vector<16xi32>
      %add3A_445 = arith.addi %add3A_444, %and3A_443 : vector<16xi32>
      %select_n3A_446 = arith.select %and3A_433, %sub3A_426, %add3A_445 : vector<16xi1>, vector<16xi32>
      %swap3A_447 = arith.constant 1 : i32
      %swap3A_448 = arith.index_cast %swap3A_447 : i32 to index
      %swap3A_449 = arith.constant 64 : index
      %swap3A_450 = tpu.vector_load %arg6[%swap3A_448, %swap3A_449] {strides = array<i32>} : memref<2x112xi32, #tpu.memory_space<vmem>>, vector<1x16xi32>,
      %swap3A_451 = vector.shape_cast %swap3A_450 : vector<1x16xi32> to vector<16xi32>
      %swap3A_452 = vector.shape_cast %select_n3A_446 : vector<16xi32> to vector<1x16xi32>
      tpu.vector_store %arg6[%swap3A_448, %swap3A_449], %swap3A_452 {strides = array<i32>} : memref<2x112xi32, #tpu.memory_space<vmem>>, vector<1x16xi32>,
      %get3A_453 = arith.constant 1 : i32
      %get3A_454 = arith.index_cast %get3A_453 : i32 to index
      %get3A_455 = arith.constant 80 : index
      %get3A_456 = tpu.vector_load %arg6[%get3A_454, %get3A_455] {strides = array<i32>} : memref<2x112xi32, #tpu.memory_space<vmem>>, vector<1x16xi32>,
      %get3A_457 = vector.shape_cast %get3A_456 : vector<1x16xi32> to vector<16xi32>
      %sub3A_458 = vector.broadcast %mul3A_11 : i32 to vector<16xi32>
      %sub3A_459 = arith.subi %get3A_457, %sub3A_458 : vector<16xi32>
      %ge3A_460 = arith.constant 0 : i32
      %ge3A_461 = vector.broadcast %ge3A_460 : i32 to vector<16xi32>
      %ge3A_462 = arith.cmpi sge, %sub3A_459, %ge3A_461 : vector<16xi32>
      %lt3A_463 = arith.constant 12544 : i32
      %lt3A_464 = vector.broadcast %lt3A_463 : i32 to vector<16xi32>
      %lt3A_465 = arith.cmpi slt, %sub3A_459, %lt3A_464 : vector<16xi32>
      %and3A_466 = arith.andi %ge3A_462, %lt3A_465 : vector<16xi1>
      %mul3A_467 = arith.constant 8 : i32
      %mul3A_468 = arith.muli %arg1, %mul3A_467 : i32
      %add3A_469 = arith.constant 12544 : i32
      %add3A_470 = arith.addi %add3A_469, %mul3A_468 : i32
      %add3A_471 = arith.constant 80 : i32
      %add3A_472 = vector.broadcast %add3A_471 : i32 to vector<16xi32>
      %add3A_473 = arith.addi %iota3A, %add3A_472 : vector<16xi32>
      %and3A_474 = arith.constant 7 : i32
      %and3A_475 = vector.broadcast %and3A_474 : i32 to vector<16xi32>
      %and3A_476 = arith.andi %add3A_473, %and3A_475 : vector<16xi32>
      %add3A_477 = vector.broadcast %add3A_470 : i32 to vector<16xi32>
      %add3A_478 = arith.addi %add3A_477, %and3A_476 : vector<16xi32>
      %select_n3A_479 = arith.select %and3A_466, %sub3A_459, %add3A_478 : vector<16xi1>, vector<16xi32>
      %swap3A_480 = arith.constant 1 : i32
      %swap3A_481 = arith.index_cast %swap3A_480 : i32 to index
      %swap3A_482 = arith.constant 80 : index
      %swap3A_483 = tpu.vector_load %arg6[%swap3A_481, %swap3A_482] {strides = array<i32>} : memref<2x112xi32, #tpu.memory_space<vmem>>, vector<1x16xi32>,
      %swap3A_484 = vector.shape_cast %swap3A_483 : vector<1x16xi32> to vector<16xi32>
      %swap3A_485 = vector.shape_cast %select_n3A_479 : vector<16xi32> to vector<1x16xi32>
      tpu.vector_store %arg6[%swap3A_481, %swap3A_482], %swap3A_485 {strides = array<i32>} : memref<2x112xi32, #tpu.memory_space<vmem>>, vector<1x16xi32>,
      %get3A_486 = arith.constant 1 : i32
      %get3A_487 = arith.index_cast %get3A_486 : i32 to index
      %get3A_488 = arith.constant 96 : index
      %get3A_489 = tpu.vector_load %arg6[%get3A_487, %get3A_488] {strides = array<i32>} : memref<2x112xi32, #tpu.memory_space<vmem>>, vector<1x16xi32>,
      %get3A_490 = vector.shape_cast %get3A_489 : vector<1x16xi32> to vector<16xi32>
      %sub3A_491 = vector.broadcast %mul3A_11 : i32 to vector<16xi32>
      %sub3A_492 = arith.subi %get3A_490, %sub3A_491 : vector<16xi32>
      %ge3A_493 = arith.constant 0 : i32
      %ge3A_494 = vector.broadcast %ge3A_493 : i32 to vector<16xi32>
      %ge3A_495 = arith.cmpi sge, %sub3A_492, %ge3A_494 : vector<16xi32>
      %lt3A_496 = arith.constant 12544 : i32
      %lt3A_497 = vector.broadcast %lt3A_496 : i32 to vector<16xi32>
      %lt3A_498 = arith.cmpi slt, %sub3A_492, %lt3A_497 : vector<16xi32>
      %and3A_499 = arith.andi %ge3A_495, %lt3A_498 : vector<16xi1>
      %mul3A_500 = arith.constant 8 : i32
      %mul3A_501 = arith.muli %arg1, %mul3A_500 : i32
      %add3A_502 = arith.constant 12544 : i32
      %add3A_503 = arith.addi %add3A_502, %mul3A_501 : i32
      %add3A_504 = arith.constant 96 : i32
      %add3A_505 = vector.broadcast %add3A_504 : i32 to vector<16xi32>
      %add3A_506 = arith.addi %iota3A, %add3A_505 : vector<16xi32>
      %and3A_507 = arith.constant 7 : i32
      %and3A_508 = vector.broadcast %and3A_507 : i32 to vector<16xi32>
      %and3A_509 = arith.andi %add3A_506, %and3A_508 : vector<16xi32>
      %add3A_510 = vector.broadcast %add3A_503 : i32 to vector<16xi32>
      %add3A_511 = arith.addi %add3A_510, %and3A_509 : vector<16xi32>
      %select_n3A_512 = arith.select %and3A_499, %sub3A_492, %add3A_511 : vector<16xi1>, vector<16xi32>
      %swap3A_513 = arith.constant 1 : i32
      %swap3A_514 = arith.index_cast %swap3A_513 : i32 to index
      %swap3A_515 = arith.constant 96 : index
      %swap3A_516 = tpu.vector_load %arg6[%swap3A_514, %swap3A_515] {strides = array<i32>} : memref<2x112xi32, #tpu.memory_space<vmem>>, vector<1x16xi32>,
      %swap3A_517 = vector.shape_cast %swap3A_516 : vector<1x16xi32> to vector<16xi32>
      %swap3A_518 = vector.shape_cast %select_n3A_512 : vector<16xi32> to vector<1x16xi32>
      tpu.vector_store %arg6[%swap3A_514, %swap3A_515], %swap3A_518 {strides = array<i32>} : memref<2x112xi32, #tpu.memory_space<vmem>>, vector<1x16xi32>,
      %dma_start3A_519 = arith.constant 0 : i32
      %dma_start3A_520 = arith.constant 0 : i32
      %dma_start3A_521 = tpu.memref_slice %arg6[%dma_start3A_519, %dma_start3A_520] : memref<2x112xi32, #tpu.memory_space<vmem>> -> memref<1x112xi32, #tpu.memory_space<vmem>>
      %dma_start3A_522 = tpu.memref_squeeze %dma_start3A_521 : memref<1x112xi32, #tpu.memory_space<vmem>> -> memref<112xi32, #tpu.memory_space<vmem>>
      %dma_start3A_523 = arith.constant 0 : i32
      %dma_start3A_524 = arith.constant 0 : i32
      %dma_start3A_525 = tpu.memref_slice %arg3[%dma_start3A_523, %dma_start3A_524] : memref<50176x128xf32, #tpu.memory_space<hbm>> -> memref<50176x128xf32, #tpu.memory_space<hbm>>
      tpu.enqueue_indirect_dma source(%dma_start3A_525 : memref<50176x128xf32, #tpu.memory_space<hbm>>) target(%arg8 : memref<112x128xf32, #tpu.memory_space<vmem>>) offsets(%dma_start3A_522 : memref<112xi32, #tpu.memory_space<vmem>>) semaphore(%arg11 : memref<!tpu.dma_semaphore, #tpu.memory_space<semaphore_mem>>)
      %scan3A_526 = arith.constant 0 : i32
      %scan3A_527 = arith.constant 56 : i32
      %scan3A_528 = arith.addi %scan3A_526, %scan3A_527 : i32
      %scan3A_529 = arith.constant 1 : i32
      scf.for %scan3A_538 = %scan3A_526 to %scan3A_528 step %scan3A_529  : i32 {
        %mul3A_539 = arith.constant 1 : i32
        %mul3A_540 = arith.muli %scan3A_538, %mul3A_539 : i32
        %add3A_541 = arith.constant 0 : i32
        %add3A_542 = arith.addi %add3A_541, %mul3A_540 : i32
        %dma_wait3A = arith.constant 0 : i32
        %dma_wait3A_543 = arith.constant 0 : i32
        %dma_wait3A_544 = tpu.memref_slice %arg5[%dma_wait3A, %dma_wait3A_543] : memref<2x112xi32, #tpu.memory_space<vmem>> -> memref<1x112xi32, #tpu.memory_space<vmem>>
        %dma_wait3A_545 = tpu.memref_squeeze %dma_wait3A_544 : memref<1x112xi32, #tpu.memory_space<vmem>> -> memref<112xi32, #tpu.memory_space<vmem>>
        %dma_wait3A_546 = arith.constant 0 : i32
        %dma_wait3A_547 = arith.constant 0 : i32
        %dma_wait3A_548 = tpu.memref_slice %arg3[%dma_wait3A_546, %dma_wait3A_547] : memref<50176x128xf32, #tpu.memory_space<hbm>> -> memref<50176x128xf32, #tpu.memory_space<hbm>>
        tpu.wait_indirect_dma semaphore(%arg10 : memref<!tpu.dma_semaphore, #tpu.memory_space<semaphore_mem>>) src(%dma_wait3A_548 : memref<50176x128xf32, #tpu.memory_space<hbm>>) dst(%arg7 : memref<112x128xf32, #tpu.memory_space<vmem>>)
        %run_scoped3A = arith.constant 1 : i32
        "tpu.region"() ({
          %run_scoped3A_565 = tpu.sem_alloc : memref<!tpu.dma_semaphore, #tpu.memory_space<semaphore_mem>>
          %dma_start3A_566 = arith.constant 0 : i32
          %dma_start3A_567 = tpu.memref_slice %arg5[%run_scoped3A, %dma_start3A_566] : memref<2x112xi32, #tpu.memory_space<vmem>> -> memref<1x112xi32, #tpu.memory_space<vmem>>
          %dma_start3A_568 = tpu.memref_squeeze %dma_start3A_567 : memref<1x112xi32, #tpu.memory_space<vmem>> -> memref<112xi32, #tpu.memory_space<vmem>>
          %dma_start3A_569 = arith.constant 0 : i32
          %dma_start3A_570 = arith.constant 0 : i32
          %dma_start3A_571 = tpu.memref_slice %arg9[%dma_start3A_569, %dma_start3A_570] : memref<12672x128xf32, #tpu.memory_space<vmem_shared>> -> memref<12672x128xf32, #tpu.memory_space<vmem_shared>>
          tpu.enqueue_indirect_dma source(%arg7 : memref<112x128xf32, #tpu.memory_space<vmem>>) target(%dma_start3A_571 : memref<12672x128xf32, #tpu.memory_space<vmem_shared>>) offsets(%dma_start3A_568 : memref<112xi32, #tpu.memory_space<vmem>>) semaphore(%run_scoped3A_565 : memref<!tpu.dma_semaphore, #tpu.memory_space<semaphore_mem>>) {add = true}
          %dma_wait3A_572 = arith.constant 0 : i32
          %dma_wait3A_573 = tpu.memref_slice %arg5[%run_scoped3A, %dma_wait3A_572] : memref<2x112xi32, #tpu.memory_space<vmem>> -> memref<1x112xi32, #tpu.memory_space<vmem>>
          %dma_wait3A_574 = tpu.memref_squeeze %dma_wait3A_573 : memref<1x112xi32, #tpu.memory_space<vmem>> -> memref<112xi32, #tpu.memory_space<vmem>>
          %dma_wait3A_575 = arith.constant 0 : i32
          %dma_wait3A_576 = arith.constant 0 : i32
          %dma_wait3A_577 = tpu.memref_slice %arg9[%dma_wait3A_575, %dma_wait3A_576] : memref<12672x128xf32, #tpu.memory_space<vmem_shared>> -> memref<12672x128xf32, #tpu.memory_space<vmem_shared>>
          tpu.wait_indirect_dma semaphore(%run_scoped3A_565 : memref<!tpu.dma_semaphore, #tpu.memory_space<semaphore_mem>>) src(%arg7 : memref<112x128xf32, #tpu.memory_space<vmem>>) dst(%dma_wait3A_577 : memref<12672x128xf32, #tpu.memory_space<vmem_shared>>)
          tpu.yield
        }) : () -> ()
        %lt3A_549 = arith.constant 55 : i32
        %lt3A_550 = arith.cmpi slt, %add3A_542, %lt3A_549 : i32
        %convert_element_type3A = arith.extui %lt3A_550 : i1 to i32
        %cond3A = arith.constant 0 : i32
        %cond3A_551 = arith.cmpi ne, %convert_element_type3A, %cond3A : i32
        scf.if %cond3A_551 {
          %mul3A_565 = arith.constant 2 : i32
          %mul3A_566 = arith.muli %mul3A_565, %add3A_542 : i32
          %add3A_567 = arith.constant 2 : i32
          %add3A_568 = arith.addi %mul3A_566, %add3A_567 : i32
          %mul3A_569 = arith.constant 112 : i32
          %mul3A_570 = arith.muli %arg1, %mul3A_569 : i32
          %add3A_571 = arith.addi %mul3A_570, %add3A_568 : i32
          "tpu.region"() ({
            %run_scoped3A_810 = tpu.sem_alloc : memref<!tpu.dma_semaphore, #tpu.memory_space<semaphore_mem>>
            %dma_start3A_811 = arith.constant 0 : i32
            %dma_start3A_812 = arith.constant 0 : i32
            %dma_start3A_813 = tpu.memref_slice %arg2[%add3A_571, %dma_start3A_811, %dma_start3A_812] : memref<1792x2x112xi32, #tpu.memory_space<hbm>> -> memref<1x2x112xi32, #tpu.memory_space<hbm>>
            %dma_start3A_814 = tpu.memref_squeeze %dma_start3A_813 : memref<1x2x112xi32, #tpu.memory_space<hbm>> -> memref<2x112xi32, #tpu.memory_space<hbm>>
            %dma_start3A_815 = arith.constant 0 : i32
            %dma_start3A_816 = arith.constant 0 : i32
            %dma_start3A_817 = tpu.memref_slice %arg2[%add3A_571, %dma_start3A_815, %dma_start3A_816] : memref<1792x2x112xi32, #tpu.memory_space<hbm>> -> memref<1x2x112xi32, #tpu.memory_space<hbm>>
            %dma_start3A_818 = tpu.memref_squeeze %dma_start3A_817 : memref<1x2x112xi32, #tpu.memory_space<hbm>> -> memref<2x112xi32, #tpu.memory_space<hbm>>
            tpu.enqueue_dma source(%dma_start3A_818 : memref<2x112xi32, #tpu.memory_space<hbm>>) target(%arg5 : memref<2x112xi32, #tpu.memory_space<vmem>>) target_semaphore(%run_scoped3A_810 : memref<!tpu.dma_semaphore, #tpu.memory_space<semaphore_mem>>)
            %dma_wait3A_819 = arith.constant 0 : i32
            %dma_wait3A_820 = arith.constant 0 : i32
            %dma_wait3A_821 = tpu.memref_slice %arg2[%add3A_571, %dma_wait3A_819, %dma_wait3A_820] : memref<1792x2x112xi32, #tpu.memory_space<hbm>> -> memref<1x2x112xi32, #tpu.memory_space<hbm>>
            %dma_wait3A_822 = tpu.memref_squeeze %dma_wait3A_821 : memref<1x2x112xi32, #tpu.memory_space<hbm>> -> memref<2x112xi32, #tpu.memory_space<hbm>>
            %dma_wait3A_823 = arith.constant 0 : i32
            %dma_wait3A_824 = arith.constant 0 : i32
            %dma_wait3A_825 = tpu.memref_slice %arg2[%add3A_571, %dma_wait3A_823, %dma_wait3A_824] : memref<1792x2x112xi32, #tpu.memory_space<hbm>> -> memref<1x2x112xi32, #tpu.memory_space<hbm>>
            %dma_wait3A_826 = tpu.memref_squeeze %dma_wait3A_825 : memref<1x2x112xi32, #tpu.memory_space<hbm>> -> memref<2x112xi32, #tpu.memory_space<hbm>>
            tpu.wait_dma2 semaphore(%run_scoped3A_810 : memref<!tpu.dma_semaphore, #tpu.memory_space<semaphore_mem>>) src(%dma_wait3A_826 : memref<2x112xi32, #tpu.memory_space<hbm>>) dst(%arg5 : memref<2x112xi32, #tpu.memory_space<vmem>>)
            tpu.yield
          }) : () -> ()
          %get3A_572 = arith.constant 1 : i32
          %get3A_573 = arith.index_cast %get3A_572 : i32 to index
          %get3A_574 = arith.constant 0 : index
          %get3A_575 = tpu.vector_load %arg5[%get3A_573, %get3A_574] {strides = array<i32>} : memref<2x112xi32, #tpu.memory_space<vmem>>, vector<1x16xi32>,
          %get3A_576 = vector.shape_cast %get3A_575 : vector<1x16xi32> to vector<16xi32>
          %sub3A_577 = vector.broadcast %mul3A_11 : i32 to vector<16xi32>
          %sub3A_578 = arith.subi %get3A_576, %sub3A_577 : vector<16xi32>
          %ge3A_579 = arith.constant 0 : i32
          %ge3A_580 = vector.broadcast %ge3A_579 : i32 to vector<16xi32>
          %ge3A_581 = arith.cmpi sge, %sub3A_578, %ge3A_580 : vector<16xi32>
          %lt3A_582 = arith.constant 12544 : i32
          %lt3A_583 = vector.broadcast %lt3A_582 : i32 to vector<16xi32>
          %lt3A_584 = arith.cmpi slt, %sub3A_578, %lt3A_583 : vector<16xi32>
          %and3A_585 = arith.andi %ge3A_581, %lt3A_584 : vector<16xi1>
          %mul3A_586 = arith.constant 8 : i32
          %mul3A_587 = arith.muli %arg1, %mul3A_586 : i32
          %add3A_588 = arith.constant 12544 : i32
          %add3A_589 = arith.addi %add3A_588, %mul3A_587 : i32
          %add3A_590 = arith.constant 0 : i32
          %add3A_591 = vector.broadcast %add3A_590 : i32 to vector<16xi32>
          %add3A_592 = arith.addi %iota3A, %add3A_591 : vector<16xi32>
          %and3A_593 = arith.constant 7 : i32
          %and3A_594 = vector.broadcast %and3A_593 : i32 to vector<16xi32>
          %and3A_595 = arith.andi %add3A_592, %and3A_594 : vector<16xi32>
          %add3A_596 = vector.broadcast %add3A_589 : i32 to vector<16xi32>
          %add3A_597 = arith.addi %add3A_596, %and3A_595 : vector<16xi32>
          %select_n3A_598 = arith.select %and3A_585, %sub3A_578, %add3A_597 : vector<16xi1>, vector<16xi32>
          %swap3A_599 = arith.constant 1 : i32
          %swap3A_600 = arith.index_cast %swap3A_599 : i32 to index
          %swap3A_601 = arith.constant 0 : index
          %swap3A_602 = tpu.vector_load %arg5[%swap3A_600, %swap3A_601] {strides = array<i32>} : memref<2x112xi32, #tpu.memory_space<vmem>>, vector<1x16xi32>,
          %swap3A_603 = vector.shape_cast %swap3A_602 : vector<1x16xi32> to vector<16xi32>
          %swap3A_604 = vector.shape_cast %select_n3A_598 : vector<16xi32> to vector<1x16xi32>
          tpu.vector_store %arg5[%swap3A_600, %swap3A_601], %swap3A_604 {strides = array<i32>} : memref<2x112xi32, #tpu.memory_space<vmem>>, vector<1x16xi32>,
          %get3A_605 = arith.constant 1 : i32
          %get3A_606 = arith.index_cast %get3A_605 : i32 to index
          %get3A_607 = arith.constant 16 : index
          %get3A_608 = tpu.vector_load %arg5[%get3A_606, %get3A_607] {strides = array<i32>} : memref<2x112xi32, #tpu.memory_space<vmem>>, vector<1x16xi32>,
          %get3A_609 = vector.shape_cast %get3A_608 : vector<1x16xi32> to vector<16xi32>
          %sub3A_610 = vector.broadcast %mul3A_11 : i32 to vector<16xi32>
          %sub3A_611 = arith.subi %get3A_609, %sub3A_610 : vector<16xi32>
          %ge3A_612 = arith.constant 0 : i32
          %ge3A_613 = vector.broadcast %ge3A_612 : i32 to vector<16xi32>
          %ge3A_614 = arith.cmpi sge, %sub3A_611, %ge3A_613 : vector<16xi32>
          %lt3A_615 = arith.constant 12544 : i32
          %lt3A_616 = vector.broadcast %lt3A_615 : i32 to vector<16xi32>
          %lt3A_617 = arith.cmpi slt, %sub3A_611, %lt3A_616 : vector<16xi32>
          %and3A_618 = arith.andi %ge3A_614, %lt3A_617 : vector<16xi1>
          %mul3A_619 = arith.constant 8 : i32
          %mul3A_620 = arith.muli %arg1, %mul3A_619 : i32
          %add3A_621 = arith.constant 12544 : i32
          %add3A_622 = arith.addi %add3A_621, %mul3A_620 : i32
          %add3A_623 = arith.constant 16 : i32
          %add3A_624 = vector.broadcast %add3A_623 : i32 to vector<16xi32>
          %add3A_625 = arith.addi %iota3A, %add3A_624 : vector<16xi32>
          %and3A_626 = arith.constant 7 : i32
          %and3A_627 = vector.broadcast %and3A_626 : i32 to vector<16xi32>
          %and3A_628 = arith.andi %add3A_625, %and3A_627 : vector<16xi32>
          %add3A_629 = vector.broadcast %add3A_622 : i32 to vector<16xi32>
          %add3A_630 = arith.addi %add3A_629, %and3A_628 : vector<16xi32>
          %select_n3A_631 = arith.select %and3A_618, %sub3A_611, %add3A_630 : vector<16xi1>, vector<16xi32>
          %swap3A_632 = arith.constant 1 : i32
          %swap3A_633 = arith.index_cast %swap3A_632 : i32 to index
          %swap3A_634 = arith.constant 16 : index
          %swap3A_635 = tpu.vector_load %arg5[%swap3A_633, %swap3A_634] {strides = array<i32>} : memref<2x112xi32, #tpu.memory_space<vmem>>, vector<1x16xi32>,
          %swap3A_636 = vector.shape_cast %swap3A_635 : vector<1x16xi32> to vector<16xi32>
          %swap3A_637 = vector.shape_cast %select_n3A_631 : vector<16xi32> to vector<1x16xi32>
          tpu.vector_store %arg5[%swap3A_633, %swap3A_634], %swap3A_637 {strides = array<i32>} : memref<2x112xi32, #tpu.memory_space<vmem>>, vector<1x16xi32>,
          %get3A_638 = arith.constant 1 : i32
          %get3A_639 = arith.index_cast %get3A_638 : i32 to index
          %get3A_640 = arith.constant 32 : index
          %get3A_641 = tpu.vector_load %arg5[%get3A_639, %get3A_640] {strides = array<i32>} : memref<2x112xi32, #tpu.memory_space<vmem>>, vector<1x16xi32>,
          %get3A_642 = vector.shape_cast %get3A_641 : vector<1x16xi32> to vector<16xi32>
          %sub3A_643 = vector.broadcast %mul3A_11 : i32 to vector<16xi32>
          %sub3A_644 = arith.subi %get3A_642, %sub3A_643 : vector<16xi32>
          %ge3A_645 = arith.constant 0 : i32
          %ge3A_646 = vector.broadcast %ge3A_645 : i32 to vector<16xi32>
          %ge3A_647 = arith.cmpi sge, %sub3A_644, %ge3A_646 : vector<16xi32>
          %lt3A_648 = arith.constant 12544 : i32
          %lt3A_649 = vector.broadcast %lt3A_648 : i32 to vector<16xi32>
          %lt3A_650 = arith.cmpi slt, %sub3A_644, %lt3A_649 : vector<16xi32>
          %and3A_651 = arith.andi %ge3A_647, %lt3A_650 : vector<16xi1>
          %mul3A_652 = arith.constant 8 : i32
          %mul3A_653 = arith.muli %arg1, %mul3A_652 : i32
          %add3A_654 = arith.constant 12544 : i32
          %add3A_655 = arith.addi %add3A_654, %mul3A_653 : i32
          %add3A_656 = arith.constant 32 : i32
          %add3A_657 = vector.broadcast %add3A_656 : i32 to vector<16xi32>
          %add3A_658 = arith.addi %iota3A, %add3A_657 : vector<16xi32>
          %and3A_659 = arith.constant 7 : i32
          %and3A_660 = vector.broadcast %and3A_659 : i32 to vector<16xi32>
          %and3A_661 = arith.andi %add3A_658, %and3A_660 : vector<16xi32>
          %add3A_662 = vector.broadcast %add3A_655 : i32 to vector<16xi32>
          %add3A_663 = arith.addi %add3A_662, %and3A_661 : vector<16xi32>
          %select_n3A_664 = arith.select %and3A_651, %sub3A_644, %add3A_663 : vector<16xi1>, vector<16xi32>
          %swap3A_665 = arith.constant 1 : i32
          %swap3A_666 = arith.index_cast %swap3A_665 : i32 to index
          %swap3A_667 = arith.constant 32 : index
          %swap3A_668 = tpu.vector_load %arg5[%swap3A_666, %swap3A_667] {strides = array<i32>} : memref<2x112xi32, #tpu.memory_space<vmem>>, vector<1x16xi32>,
          %swap3A_669 = vector.shape_cast %swap3A_668 : vector<1x16xi32> to vector<16xi32>
          %swap3A_670 = vector.shape_cast %select_n3A_664 : vector<16xi32> to vector<1x16xi32>
          tpu.vector_store %arg5[%swap3A_666, %swap3A_667], %swap3A_670 {strides = array<i32>} : memref<2x112xi32, #tpu.memory_space<vmem>>, vector<1x16xi32>,
          %get3A_671 = arith.constant 1 : i32
          %get3A_672 = arith.index_cast %get3A_671 : i32 to index
          %get3A_673 = arith.constant 48 : index
          %get3A_674 = tpu.vector_load %arg5[%get3A_672, %get3A_673] {strides = array<i32>} : memref<2x112xi32, #tpu.memory_space<vmem>>, vector<1x16xi32>,
          %get3A_675 = vector.shape_cast %get3A_674 : vector<1x16xi32> to vector<16xi32>
          %sub3A_676 = vector.broadcast %mul3A_11 : i32 to vector<16xi32>
          %sub3A_677 = arith.subi %get3A_675, %sub3A_676 : vector<16xi32>
          %ge3A_678 = arith.constant 0 : i32
          %ge3A_679 = vector.broadcast %ge3A_678 : i32 to vector<16xi32>
          %ge3A_680 = arith.cmpi sge, %sub3A_677, %ge3A_679 : vector<16xi32>
          %lt3A_681 = arith.constant 12544 : i32
          %lt3A_682 = vector.broadcast %lt3A_681 : i32 to vector<16xi32>
          %lt3A_683 = arith.cmpi slt, %sub3A_677, %lt3A_682 : vector<16xi32>
          %and3A_684 = arith.andi %ge3A_680, %lt3A_683 : vector<16xi1>
          %mul3A_685 = arith.constant 8 : i32
          %mul3A_686 = arith.muli %arg1, %mul3A_685 : i32
          %add3A_687 = arith.constant 12544 : i32
          %add3A_688 = arith.addi %add3A_687, %mul3A_686 : i32
          %add3A_689 = arith.constant 48 : i32
          %add3A_690 = vector.broadcast %add3A_689 : i32 to vector<16xi32>
          %add3A_691 = arith.addi %iota3A, %add3A_690 : vector<16xi32>
          %and3A_692 = arith.constant 7 : i32
          %and3A_693 = vector.broadcast %and3A_692 : i32 to vector<16xi32>
          %and3A_694 = arith.andi %add3A_691, %and3A_693 : vector<16xi32>
          %add3A_695 = vector.broadcast %add3A_688 : i32 to vector<16xi32>
          %add3A_696 = arith.addi %add3A_695, %and3A_694 : vector<16xi32>
          %select_n3A_697 = arith.select %and3A_684, %sub3A_677, %add3A_696 : vector<16xi1>, vector<16xi32>
          %swap3A_698 = arith.constant 1 : i32
          %swap3A_699 = arith.index_cast %swap3A_698 : i32 to index
          %swap3A_700 = arith.constant 48 : index
          %swap3A_701 = tpu.vector_load %arg5[%swap3A_699, %swap3A_700] {strides = array<i32>} : memref<2x112xi32, #tpu.memory_space<vmem>>, vector<1x16xi32>,
          %swap3A_702 = vector.shape_cast %swap3A_701 : vector<1x16xi32> to vector<16xi32>
          %swap3A_703 = vector.shape_cast %select_n3A_697 : vector<16xi32> to vector<1x16xi32>
          tpu.vector_store %arg5[%swap3A_699, %swap3A_700], %swap3A_703 {strides = array<i32>} : memref<2x112xi32, #tpu.memory_space<vmem>>, vector<1x16xi32>,
          %get3A_704 = arith.constant 1 : i32
          %get3A_705 = arith.index_cast %get3A_704 : i32 to index
          %get3A_706 = arith.constant 64 : index
          %get3A_707 = tpu.vector_load %arg5[%get3A_705, %get3A_706] {strides = array<i32>} : memref<2x112xi32, #tpu.memory_space<vmem>>, vector<1x16xi32>,
          %get3A_708 = vector.shape_cast %get3A_707 : vector<1x16xi32> to vector<16xi32>
          %sub3A_709 = vector.broadcast %mul3A_11 : i32 to vector<16xi32>
          %sub3A_710 = arith.subi %get3A_708, %sub3A_709 : vector<16xi32>
          %ge3A_711 = arith.constant 0 : i32
          %ge3A_712 = vector.broadcast %ge3A_711 : i32 to vector<16xi32>
          %ge3A_713 = arith.cmpi sge, %sub3A_710, %ge3A_712 : vector<16xi32>
          %lt3A_714 = arith.constant 12544 : i32
          %lt3A_715 = vector.broadcast %lt3A_714 : i32 to vector<16xi32>
          %lt3A_716 = arith.cmpi slt, %sub3A_710, %lt3A_715 : vector<16xi32>
          %and3A_717 = arith.andi %ge3A_713, %lt3A_716 : vector<16xi1>
          %mul3A_718 = arith.constant 8 : i32
          %mul3A_719 = arith.muli %arg1, %mul3A_718 : i32
          %add3A_720 = arith.constant 12544 : i32
          %add3A_721 = arith.addi %add3A_720, %mul3A_719 : i32
          %add3A_722 = arith.constant 64 : i32
          %add3A_723 = vector.broadcast %add3A_722 : i32 to vector<16xi32>
          %add3A_724 = arith.addi %iota3A, %add3A_723 : vector<16xi32>
          %and3A_725 = arith.constant 7 : i32
          %and3A_726 = vector.broadcast %and3A_725 : i32 to vector<16xi32>
          %and3A_727 = arith.andi %add3A_724, %and3A_726 : vector<16xi32>
          %add3A_728 = vector.broadcast %add3A_721 : i32 to vector<16xi32>
          %add3A_729 = arith.addi %add3A_728, %and3A_727 : vector<16xi32>
          %select_n3A_730 = arith.select %and3A_717, %sub3A_710, %add3A_729 : vector<16xi1>, vector<16xi32>
          %swap3A_731 = arith.constant 1 : i32
          %swap3A_732 = arith.index_cast %swap3A_731 : i32 to index
          %swap3A_733 = arith.constant 64 : index
          %swap3A_734 = tpu.vector_load %arg5[%swap3A_732, %swap3A_733] {strides = array<i32>} : memref<2x112xi32, #tpu.memory_space<vmem>>, vector<1x16xi32>,
          %swap3A_735 = vector.shape_cast %swap3A_734 : vector<1x16xi32> to vector<16xi32>
          %swap3A_736 = vector.shape_cast %select_n3A_730 : vector<16xi32> to vector<1x16xi32>
          tpu.vector_store %arg5[%swap3A_732, %swap3A_733], %swap3A_736 {strides = array<i32>} : memref<2x112xi32, #tpu.memory_space<vmem>>, vector<1x16xi32>,
          %get3A_737 = arith.constant 1 : i32
          %get3A_738 = arith.index_cast %get3A_737 : i32 to index
          %get3A_739 = arith.constant 80 : index
          %get3A_740 = tpu.vector_load %arg5[%get3A_738, %get3A_739] {strides = array<i32>} : memref<2x112xi32, #tpu.memory_space<vmem>>, vector<1x16xi32>,
          %get3A_741 = vector.shape_cast %get3A_740 : vector<1x16xi32> to vector<16xi32>
          %sub3A_742 = vector.broadcast %mul3A_11 : i32 to vector<16xi32>
          %sub3A_743 = arith.subi %get3A_741, %sub3A_742 : vector<16xi32>
          %ge3A_744 = arith.constant 0 : i32
          %ge3A_745 = vector.broadcast %ge3A_744 : i32 to vector<16xi32>
          %ge3A_746 = arith.cmpi sge, %sub3A_743, %ge3A_745 : vector<16xi32>
          %lt3A_747 = arith.constant 12544 : i32
          %lt3A_748 = vector.broadcast %lt3A_747 : i32 to vector<16xi32>
          %lt3A_749 = arith.cmpi slt, %sub3A_743, %lt3A_748 : vector<16xi32>
          %and3A_750 = arith.andi %ge3A_746, %lt3A_749 : vector<16xi1>
          %mul3A_751 = arith.constant 8 : i32
          %mul3A_752 = arith.muli %arg1, %mul3A_751 : i32
          %add3A_753 = arith.constant 12544 : i32
          %add3A_754 = arith.addi %add3A_753, %mul3A_752 : i32
          %add3A_755 = arith.constant 80 : i32
          %add3A_756 = vector.broadcast %add3A_755 : i32 to vector<16xi32>
          %add3A_757 = arith.addi %iota3A, %add3A_756 : vector<16xi32>
          %and3A_758 = arith.constant 7 : i32
          %and3A_759 = vector.broadcast %and3A_758 : i32 to vector<16xi32>
          %and3A_760 = arith.andi %add3A_757, %and3A_759 : vector<16xi32>
          %add3A_761 = vector.broadcast %add3A_754 : i32 to vector<16xi32>
          %add3A_762 = arith.addi %add3A_761, %and3A_760 : vector<16xi32>
          %select_n3A_763 = arith.select %and3A_750, %sub3A_743, %add3A_762 : vector<16xi1>, vector<16xi32>
          %swap3A_764 = arith.constant 1 : i32
          %swap3A_765 = arith.index_cast %swap3A_764 : i32 to index
          %swap3A_766 = arith.constant 80 : index
          %swap3A_767 = tpu.vector_load %arg5[%swap3A_765, %swap3A_766] {strides = array<i32>} : memref<2x112xi32, #tpu.memory_space<vmem>>, vector<1x16xi32>,
          %swap3A_768 = vector.shape_cast %swap3A_767 : vector<1x16xi32> to vector<16xi32>
          %swap3A_769 = vector.shape_cast %select_n3A_763 : vector<16xi32> to vector<1x16xi32>
          tpu.vector_store %arg5[%swap3A_765, %swap3A_766], %swap3A_769 {strides = array<i32>} : memref<2x112xi32, #tpu.memory_space<vmem>>, vector<1x16xi32>,
          %get3A_770 = arith.constant 1 : i32
          %get3A_771 = arith.index_cast %get3A_770 : i32 to index
          %get3A_772 = arith.constant 96 : index
          %get3A_773 = tpu.vector_load %arg5[%get3A_771, %get3A_772] {strides = array<i32>} : memref<2x112xi32, #tpu.memory_space<vmem>>, vector<1x16xi32>,
          %get3A_774 = vector.shape_cast %get3A_773 : vector<1x16xi32> to vector<16xi32>
          %sub3A_775 = vector.broadcast %mul3A_11 : i32 to vector<16xi32>
          %sub3A_776 = arith.subi %get3A_774, %sub3A_775 : vector<16xi32>
          %ge3A_777 = arith.constant 0 : i32
          %ge3A_778 = vector.broadcast %ge3A_777 : i32 to vector<16xi32>
          %ge3A_779 = arith.cmpi sge, %sub3A_776, %ge3A_778 : vector<16xi32>
          %lt3A_780 = arith.constant 12544 : i32
          %lt3A_781 = vector.broadcast %lt3A_780 : i32 to vector<16xi32>
          %lt3A_782 = arith.cmpi slt, %sub3A_776, %lt3A_781 : vector<16xi32>
          %and3A_783 = arith.andi %ge3A_779, %lt3A_782 : vector<16xi1>
          %mul3A_784 = arith.constant 8 : i32
          %mul3A_785 = arith.muli %arg1, %mul3A_784 : i32
          %add3A_786 = arith.constant 12544 : i32
          %add3A_787 = arith.addi %add3A_786, %mul3A_785 : i32
          %add3A_788 = arith.constant 96 : i32
          %add3A_789 = vector.broadcast %add3A_788 : i32 to vector<16xi32>
          %add3A_790 = arith.addi %iota3A, %add3A_789 : vector<16xi32>
          %and3A_791 = arith.constant 7 : i32
          %and3A_792 = vector.broadcast %and3A_791 : i32 to vector<16xi32>
          %and3A_793 = arith.andi %add3A_790, %and3A_792 : vector<16xi32>
          %add3A_794 = vector.broadcast %add3A_787 : i32 to vector<16xi32>
          %add3A_795 = arith.addi %add3A_794, %and3A_793 : vector<16xi32>
          %select_n3A_796 = arith.select %and3A_783, %sub3A_776, %add3A_795 : vector<16xi1>, vector<16xi32>
          %swap3A_797 = arith.constant 1 : i32
          %swap3A_798 = arith.index_cast %swap3A_797 : i32 to index
          %swap3A_799 = arith.constant 96 : index
          %swap3A_800 = tpu.vector_load %arg5[%swap3A_798, %swap3A_799] {strides = array<i32>} : memref<2x112xi32, #tpu.memory_space<vmem>>, vector<1x16xi32>,
          %swap3A_801 = vector.shape_cast %swap3A_800 : vector<1x16xi32> to vector<16xi32>
          %swap3A_802 = vector.shape_cast %select_n3A_796 : vector<16xi32> to vector<1x16xi32>
          tpu.vector_store %arg5[%swap3A_798, %swap3A_799], %swap3A_802 {strides = array<i32>} : memref<2x112xi32, #tpu.memory_space<vmem>>, vector<1x16xi32>,
          %dma_start3A_803 = arith.constant 0 : i32
          %dma_start3A_804 = arith.constant 0 : i32
          %dma_start3A_805 = tpu.memref_slice %arg5[%dma_start3A_803, %dma_start3A_804] : memref<2x112xi32, #tpu.memory_space<vmem>> -> memref<1x112xi32, #tpu.memory_space<vmem>>
          %dma_start3A_806 = tpu.memref_squeeze %dma_start3A_805 : memref<1x112xi32, #tpu.memory_space<vmem>> -> memref<112xi32, #tpu.memory_space<vmem>>
          %dma_start3A_807 = arith.constant 0 : i32
          %dma_start3A_808 = arith.constant 0 : i32
          %dma_start3A_809 = tpu.memref_slice %arg3[%dma_start3A_807, %dma_start3A_808] : memref<50176x128xf32, #tpu.memory_space<hbm>> -> memref<50176x128xf32, #tpu.memory_space<hbm>>
          tpu.enqueue_indirect_dma source(%dma_start3A_809 : memref<50176x128xf32, #tpu.memory_space<hbm>>) target(%arg7 : memref<112x128xf32, #tpu.memory_space<vmem>>) offsets(%dma_start3A_806 : memref<112xi32, #tpu.memory_space<vmem>>) semaphore(%arg10 : memref<!tpu.dma_semaphore, #tpu.memory_space<semaphore_mem>>)
        } else {
        }
        %dma_wait3A_552 = arith.constant 0 : i32
        %dma_wait3A_553 = arith.constant 0 : i32
        %dma_wait3A_554 = tpu.memref_slice %arg6[%dma_wait3A_552, %dma_wait3A_553] : memref<2x112xi32, #tpu.memory_space<vmem>> -> memref<1x112xi32, #tpu.memory_space<vmem>>
        %dma_wait3A_555 = tpu.memref_squeeze %dma_wait3A_554 : memref<1x112xi32, #tpu.memory_space<vmem>> -> memref<112xi32, #tpu.memory_space<vmem>>
        %dma_wait3A_556 = arith.constant 0 : i32
        %dma_wait3A_557 = arith.constant 0 : i32
        %dma_wait3A_558 = tpu.memref_slice %arg3[%dma_wait3A_556, %dma_wait3A_557] : memref<50176x128xf32, #tpu.memory_space<hbm>> -> memref<50176x128xf32, #tpu.memory_space<hbm>>
        tpu.wait_indirect_dma semaphore(%arg11 : memref<!tpu.dma_semaphore, #tpu.memory_space<semaphore_mem>>) src(%dma_wait3A_558 : memref<50176x128xf32, #tpu.memory_space<hbm>>) dst(%arg8 : memref<112x128xf32, #tpu.memory_space<vmem>>)
        %run_scoped3A_559 = arith.constant 1 : i32
        "tpu.region"() ({
          %run_scoped3A_565 = tpu.sem_alloc : memref<!tpu.dma_semaphore, #tpu.memory_space<semaphore_mem>>
          %dma_start3A_566 = arith.constant 0 : i32
          %dma_start3A_567 = tpu.memref_slice %arg6[%run_scoped3A_559, %dma_start3A_566] : memref<2x112xi32, #tpu.memory_space<vmem>> -> memref<1x112xi32, #tpu.memory_space<vmem>>
          %dma_start3A_568 = tpu.memref_squeeze %dma_start3A_567 : memref<1x112xi32, #tpu.memory_space<vmem>> -> memref<112xi32, #tpu.memory_space<vmem>>
          %dma_start3A_569 = arith.constant 0 : i32
          %dma_start3A_570 = arith.constant 0 : i32
          %dma_start3A_571 = tpu.memref_slice %arg9[%dma_start3A_569, %dma_start3A_570] : memref<12672x128xf32, #tpu.memory_space<vmem_shared>> -> memref<12672x128xf32, #tpu.memory_space<vmem_shared>>
          tpu.enqueue_indirect_dma source(%arg8 : memref<112x128xf32, #tpu.memory_space<vmem>>) target(%dma_start3A_571 : memref<12672x128xf32, #tpu.memory_space<vmem_shared>>) offsets(%dma_start3A_568 : memref<112xi32, #tpu.memory_space<vmem>>) semaphore(%run_scoped3A_565 : memref<!tpu.dma_semaphore, #tpu.memory_space<semaphore_mem>>) {add = true}
          %dma_wait3A_572 = arith.constant 0 : i32
          %dma_wait3A_573 = tpu.memref_slice %arg6[%run_scoped3A_559, %dma_wait3A_572] : memref<2x112xi32, #tpu.memory_space<vmem>> -> memref<1x112xi32, #tpu.memory_space<vmem>>
          %dma_wait3A_574 = tpu.memref_squeeze %dma_wait3A_573 : memref<1x112xi32, #tpu.memory_space<vmem>> -> memref<112xi32, #tpu.memory_space<vmem>>
          %dma_wait3A_575 = arith.constant 0 : i32
          %dma_wait3A_576 = arith.constant 0 : i32
          %dma_wait3A_577 = tpu.memref_slice %arg9[%dma_wait3A_575, %dma_wait3A_576] : memref<12672x128xf32, #tpu.memory_space<vmem_shared>> -> memref<12672x128xf32, #tpu.memory_space<vmem_shared>>
          tpu.wait_indirect_dma semaphore(%run_scoped3A_565 : memref<!tpu.dma_semaphore, #tpu.memory_space<semaphore_mem>>) src(%arg8 : memref<112x128xf32, #tpu.memory_space<vmem>>) dst(%dma_wait3A_577 : memref<12672x128xf32, #tpu.memory_space<vmem_shared>>)
          tpu.yield
        }) : () -> ()
        %lt3A_560 = arith.constant 55 : i32
        %lt3A_561 = arith.cmpi slt, %add3A_542, %lt3A_560 : i32
        %convert_element_type3A_562 = arith.extui %lt3A_561 : i1 to i32
        %cond3A_563 = arith.constant 0 : i32
        %cond3A_564 = arith.cmpi ne, %convert_element_type3A_562, %cond3A_563 : i32
        scf.if %cond3A_564 {
          %mul3A_565 = arith.constant 2 : i32
          %mul3A_566 = arith.muli %mul3A_565, %add3A_542 : i32
          %add3A_567 = arith.constant 3 : i32
          %add3A_568 = arith.addi %mul3A_566, %add3A_567 : i32
          %mul3A_569 = arith.constant 112 : i32
          %mul3A_570 = arith.muli %arg1, %mul3A_569 : i32
          %add3A_571 = arith.addi %mul3A_570, %add3A_568 : i32
          "tpu.region"() ({
            %run_scoped3A_810 = tpu.sem_alloc : memref<!tpu.dma_semaphore, #tpu.memory_space<semaphore_mem>>
            %dma_start3A_811 = arith.constant 0 : i32
            %dma_start3A_812 = arith.constant 0 : i32
            %dma_start3A_813 = tpu.memref_slice %arg2[%add3A_571, %dma_start3A_811, %dma_start3A_812] : memref<1792x2x112xi32, #tpu.memory_space<hbm>> -> memref<1x2x112xi32, #tpu.memory_space<hbm>>
            %dma_start3A_814 = tpu.memref_squeeze %dma_start3A_813 : memref<1x2x112xi32, #tpu.memory_space<hbm>> -> memref<2x112xi32, #tpu.memory_space<hbm>>
            %dma_start3A_815 = arith.constant 0 : i32
            %dma_start3A_816 = arith.constant 0 : i32
            %dma_start3A_817 = tpu.memref_slice %arg2[%add3A_571, %dma_start3A_815, %dma_start3A_816] : memref<1792x2x112xi32, #tpu.memory_space<hbm>> -> memref<1x2x112xi32, #tpu.memory_space<hbm>>
            %dma_start3A_818 = tpu.memref_squeeze %dma_start3A_817 : memref<1x2x112xi32, #tpu.memory_space<hbm>> -> memref<2x112xi32, #tpu.memory_space<hbm>>
            tpu.enqueue_dma source(%dma_start3A_818 : memref<2x112xi32, #tpu.memory_space<hbm>>) target(%arg6 : memref<2x112xi32, #tpu.memory_space<vmem>>) target_semaphore(%run_scoped3A_810 : memref<!tpu.dma_semaphore, #tpu.memory_space<semaphore_mem>>)
            %dma_wait3A_819 = arith.constant 0 : i32
            %dma_wait3A_820 = arith.constant 0 : i32
            %dma_wait3A_821 = tpu.memref_slice %arg2[%add3A_571, %dma_wait3A_819, %dma_wait3A_820] : memref<1792x2x112xi32, #tpu.memory_space<hbm>> -> memref<1x2x112xi32, #tpu.memory_space<hbm>>
            %dma_wait3A_822 = tpu.memref_squeeze %dma_wait3A_821 : memref<1x2x112xi32, #tpu.memory_space<hbm>> -> memref<2x112xi32, #tpu.memory_space<hbm>>
            %dma_wait3A_823 = arith.constant 0 : i32
            %dma_wait3A_824 = arith.constant 0 : i32
            %dma_wait3A_825 = tpu.memref_slice %arg2[%add3A_571, %dma_wait3A_823, %dma_wait3A_824] : memref<1792x2x112xi32, #tpu.memory_space<hbm>> -> memref<1x2x112xi32, #tpu.memory_space<hbm>>
            %dma_wait3A_826 = tpu.memref_squeeze %dma_wait3A_825 : memref<1x2x112xi32, #tpu.memory_space<hbm>> -> memref<2x112xi32, #tpu.memory_space<hbm>>
            tpu.wait_dma2 semaphore(%run_scoped3A_810 : memref<!tpu.dma_semaphore, #tpu.memory_space<semaphore_mem>>) src(%dma_wait3A_826 : memref<2x112xi32, #tpu.memory_space<hbm>>) dst(%arg6 : memref<2x112xi32, #tpu.memory_space<vmem>>)
            tpu.yield
          }) : () -> ()
          %get3A_572 = arith.constant 1 : i32
          %get3A_573 = arith.index_cast %get3A_572 : i32 to index
          %get3A_574 = arith.constant 0 : index
          %get3A_575 = tpu.vector_load %arg6[%get3A_573, %get3A_574] {strides = array<i32>} : memref<2x112xi32, #tpu.memory_space<vmem>>, vector<1x16xi32>,
          %get3A_576 = vector.shape_cast %get3A_575 : vector<1x16xi32> to vector<16xi32>
          %sub3A_577 = vector.broadcast %mul3A_11 : i32 to vector<16xi32>
          %sub3A_578 = arith.subi %get3A_576, %sub3A_577 : vector<16xi32>
          %ge3A_579 = arith.constant 0 : i32
          %ge3A_580 = vector.broadcast %ge3A_579 : i32 to vector<16xi32>
          %ge3A_581 = arith.cmpi sge, %sub3A_578, %ge3A_580 : vector<16xi32>
          %lt3A_582 = arith.constant 12544 : i32
          %lt3A_583 = vector.broadcast %lt3A_582 : i32 to vector<16xi32>
          %lt3A_584 = arith.cmpi slt, %sub3A_578, %lt3A_583 : vector<16xi32>
          %and3A_585 = arith.andi %ge3A_581, %lt3A_584 : vector<16xi1>
          %mul3A_586 = arith.constant 8 : i32
          %mul3A_587 = arith.muli %arg1, %mul3A_586 : i32
          %add3A_588 = arith.constant 12544 : i32
          %add3A_589 = arith.addi %add3A_588, %mul3A_587 : i32
          %add3A_590 = arith.constant 0 : i32
          %add3A_591 = vector.broadcast %add3A_590 : i32 to vector<16xi32>
          %add3A_592 = arith.addi %iota3A, %add3A_591 : vector<16xi32>
          %and3A_593 = arith.constant 7 : i32
          %and3A_594 = vector.broadcast %and3A_593 : i32 to vector<16xi32>
          %and3A_595 = arith.andi %add3A_592, %and3A_594 : vector<16xi32>
          %add3A_596 = vector.broadcast %add3A_589 : i32 to vector<16xi32>
          %add3A_597 = arith.addi %add3A_596, %and3A_595 : vector<16xi32>
          %select_n3A_598 = arith.select %and3A_585, %sub3A_578, %add3A_597 : vector<16xi1>, vector<16xi32>
          %swap3A_599 = arith.constant 1 : i32
          %swap3A_600 = arith.index_cast %swap3A_599 : i32 to index
          %swap3A_601 = arith.constant 0 : index
          %swap3A_602 = tpu.vector_load %arg6[%swap3A_600, %swap3A_601] {strides = array<i32>} : memref<2x112xi32, #tpu.memory_space<vmem>>, vector<1x16xi32>,
          %swap3A_603 = vector.shape_cast %swap3A_602 : vector<1x16xi32> to vector<16xi32>
          %swap3A_604 = vector.shape_cast %select_n3A_598 : vector<16xi32> to vector<1x16xi32>
          tpu.vector_store %arg6[%swap3A_600, %swap3A_601], %swap3A_604 {strides = array<i32>} : memref<2x112xi32, #tpu.memory_space<vmem>>, vector<1x16xi32>,
          %get3A_605 = arith.constant 1 : i32
          %get3A_606 = arith.index_cast %get3A_605 : i32 to index
          %get3A_607 = arith.constant 16 : index
          %get3A_608 = tpu.vector_load %arg6[%get3A_606, %get3A_607] {strides = array<i32>} : memref<2x112xi32, #tpu.memory_space<vmem>>, vector<1x16xi32>,
          %get3A_609 = vector.shape_cast %get3A_608 : vector<1x16xi32> to vector<16xi32>
          %sub3A_610 = vector.broadcast %mul3A_11 : i32 to vector<16xi32>
          %sub3A_611 = arith.subi %get3A_609, %sub3A_610 : vector<16xi32>
          %ge3A_612 = arith.constant 0 : i32
          %ge3A_613 = vector.broadcast %ge3A_612 : i32 to vector<16xi32>
          %ge3A_614 = arith.cmpi sge, %sub3A_611, %ge3A_613 : vector<16xi32>
          %lt3A_615 = arith.constant 12544 : i32
          %lt3A_616 = vector.broadcast %lt3A_615 : i32 to vector<16xi32>
          %lt3A_617 = arith.cmpi slt, %sub3A_611, %lt3A_616 : vector<16xi32>
          %and3A_618 = arith.andi %ge3A_614, %lt3A_617 : vector<16xi1>
          %mul3A_619 = arith.constant 8 : i32
          %mul3A_620 = arith.muli %arg1, %mul3A_619 : i32
          %add3A_621 = arith.constant 12544 : i32
          %add3A_622 = arith.addi %add3A_621, %mul3A_620 : i32
          %add3A_623 = arith.constant 16 : i32
          %add3A_624 = vector.broadcast %add3A_623 : i32 to vector<16xi32>
          %add3A_625 = arith.addi %iota3A, %add3A_624 : vector<16xi32>
          %and3A_626 = arith.constant 7 : i32
          %and3A_627 = vector.broadcast %and3A_626 : i32 to vector<16xi32>
          %and3A_628 = arith.andi %add3A_625, %and3A_627 : vector<16xi32>
          %add3A_629 = vector.broadcast %add3A_622 : i32 to vector<16xi32>
          %add3A_630 = arith.addi %add3A_629, %and3A_628 : vector<16xi32>
          %select_n3A_631 = arith.select %and3A_618, %sub3A_611, %add3A_630 : vector<16xi1>, vector<16xi32>
          %swap3A_632 = arith.constant 1 : i32
          %swap3A_633 = arith.index_cast %swap3A_632 : i32 to index
          %swap3A_634 = arith.constant 16 : index
          %swap3A_635 = tpu.vector_load %arg6[%swap3A_633, %swap3A_634] {strides = array<i32>} : memref<2x112xi32, #tpu.memory_space<vmem>>, vector<1x16xi32>,
          %swap3A_636 = vector.shape_cast %swap3A_635 : vector<1x16xi32> to vector<16xi32>
          %swap3A_637 = vector.shape_cast %select_n3A_631 : vector<16xi32> to vector<1x16xi32>
          tpu.vector_store %arg6[%swap3A_633, %swap3A_634], %swap3A_637 {strides = array<i32>} : memref<2x112xi32, #tpu.memory_space<vmem>>, vector<1x16xi32>,
          %get3A_638 = arith.constant 1 : i32
          %get3A_639 = arith.index_cast %get3A_638 : i32 to index
          %get3A_640 = arith.constant 32 : index
          %get3A_641 = tpu.vector_load %arg6[%get3A_639, %get3A_640] {strides = array<i32>} : memref<2x112xi32, #tpu.memory_space<vmem>>, vector<1x16xi32>,
          %get3A_642 = vector.shape_cast %get3A_641 : vector<1x16xi32> to vector<16xi32>
          %sub3A_643 = vector.broadcast %mul3A_11 : i32 to vector<16xi32>
          %sub3A_644 = arith.subi %get3A_642, %sub3A_643 : vector<16xi32>
          %ge3A_645 = arith.constant 0 : i32
          %ge3A_646 = vector.broadcast %ge3A_645 : i32 to vector<16xi32>
          %ge3A_647 = arith.cmpi sge, %sub3A_644, %ge3A_646 : vector<16xi32>
          %lt3A_648 = arith.constant 12544 : i32
          %lt3A_649 = vector.broadcast %lt3A_648 : i32 to vector<16xi32>
          %lt3A_650 = arith.cmpi slt, %sub3A_644, %lt3A_649 : vector<16xi32>
          %and3A_651 = arith.andi %ge3A_647, %lt3A_650 : vector<16xi1>
          %mul3A_652 = arith.constant 8 : i32
          %mul3A_653 = arith.muli %arg1, %mul3A_652 : i32
          %add3A_654 = arith.constant 12544 : i32
          %add3A_655 = arith.addi %add3A_654, %mul3A_653 : i32
          %add3A_656 = arith.constant 32 : i32
          %add3A_657 = vector.broadcast %add3A_656 : i32 to vector<16xi32>
          %add3A_658 = arith.addi %iota3A, %add3A_657 : vector<16xi32>
          %and3A_659 = arith.constant 7 : i32
          %and3A_660 = vector.broadcast %and3A_659 : i32 to vector<16xi32>
          %and3A_661 = arith.andi %add3A_658, %and3A_660 : vector<16xi32>
          %add3A_662 = vector.broadcast %add3A_655 : i32 to vector<16xi32>
          %add3A_663 = arith.addi %add3A_662, %and3A_661 : vector<16xi32>
          %select_n3A_664 = arith.select %and3A_651, %sub3A_644, %add3A_663 : vector<16xi1>, vector<16xi32>
          %swap3A_665 = arith.constant 1 : i32
          %swap3A_666 = arith.index_cast %swap3A_665 : i32 to index
          %swap3A_667 = arith.constant 32 : index
          %swap3A_668 = tpu.vector_load %arg6[%swap3A_666, %swap3A_667] {strides = array<i32>} : memref<2x112xi32, #tpu.memory_space<vmem>>, vector<1x16xi32>,
          %swap3A_669 = vector.shape_cast %swap3A_668 : vector<1x16xi32> to vector<16xi32>
          %swap3A_670 = vector.shape_cast %select_n3A_664 : vector<16xi32> to vector<1x16xi32>
          tpu.vector_store %arg6[%swap3A_666, %swap3A_667], %swap3A_670 {strides = array<i32>} : memref<2x112xi32, #tpu.memory_space<vmem>>, vector<1x16xi32>,
          %get3A_671 = arith.constant 1 : i32
          %get3A_672 = arith.index_cast %get3A_671 : i32 to index
          %get3A_673 = arith.constant 48 : index
          %get3A_674 = tpu.vector_load %arg6[%get3A_672, %get3A_673] {strides = array<i32>} : memref<2x112xi32, #tpu.memory_space<vmem>>, vector<1x16xi32>,
          %get3A_675 = vector.shape_cast %get3A_674 : vector<1x16xi32> to vector<16xi32>
          %sub3A_676 = vector.broadcast %mul3A_11 : i32 to vector<16xi32>
          %sub3A_677 = arith.subi %get3A_675, %sub3A_676 : vector<16xi32>
          %ge3A_678 = arith.constant 0 : i32
          %ge3A_679 = vector.broadcast %ge3A_678 : i32 to vector<16xi32>
          %ge3A_680 = arith.cmpi sge, %sub3A_677, %ge3A_679 : vector<16xi32>
          %lt3A_681 = arith.constant 12544 : i32
          %lt3A_682 = vector.broadcast %lt3A_681 : i32 to vector<16xi32>
          %lt3A_683 = arith.cmpi slt, %sub3A_677, %lt3A_682 : vector<16xi32>
          %and3A_684 = arith.andi %ge3A_680, %lt3A_683 : vector<16xi1>
          %mul3A_685 = arith.constant 8 : i32
          %mul3A_686 = arith.muli %arg1, %mul3A_685 : i32
          %add3A_687 = arith.constant 12544 : i32
          %add3A_688 = arith.addi %add3A_687, %mul3A_686 : i32
          %add3A_689 = arith.constant 48 : i32
          %add3A_690 = vector.broadcast %add3A_689 : i32 to vector<16xi32>
          %add3A_691 = arith.addi %iota3A, %add3A_690 : vector<16xi32>
          %and3A_692 = arith.constant 7 : i32
          %and3A_693 = vector.broadcast %and3A_692 : i32 to vector<16xi32>
          %and3A_694 = arith.andi %add3A_691, %and3A_693 : vector<16xi32>
          %add3A_695 = vector.broadcast %add3A_688 : i32 to vector<16xi32>
          %add3A_696 = arith.addi %add3A_695, %and3A_694 : vector<16xi32>
          %select_n3A_697 = arith.select %and3A_684, %sub3A_677, %add3A_696 : vector<16xi1>, vector<16xi32>
          %swap3A_698 = arith.constant 1 : i32
          %swap3A_699 = arith.index_cast %swap3A_698 : i32 to index
          %swap3A_700 = arith.constant 48 : index
          %swap3A_701 = tpu.vector_load %arg6[%swap3A_699, %swap3A_700] {strides = array<i32>} : memref<2x112xi32, #tpu.memory_space<vmem>>, vector<1x16xi32>,
          %swap3A_702 = vector.shape_cast %swap3A_701 : vector<1x16xi32> to vector<16xi32>
          %swap3A_703 = vector.shape_cast %select_n3A_697 : vector<16xi32> to vector<1x16xi32>
          tpu.vector_store %arg6[%swap3A_699, %swap3A_700], %swap3A_703 {strides = array<i32>} : memref<2x112xi32, #tpu.memory_space<vmem>>, vector<1x16xi32>,
          %get3A_704 = arith.constant 1 : i32
          %get3A_705 = arith.index_cast %get3A_704 : i32 to index
          %get3A_706 = arith.constant 64 : index
          %get3A_707 = tpu.vector_load %arg6[%get3A_705, %get3A_706] {strides = array<i32>} : memref<2x112xi32, #tpu.memory_space<vmem>>, vector<1x16xi32>,
          %get3A_708 = vector.shape_cast %get3A_707 : vector<1x16xi32> to vector<16xi32>
          %sub3A_709 = vector.broadcast %mul3A_11 : i32 to vector<16xi32>
          %sub3A_710 = arith.subi %get3A_708, %sub3A_709 : vector<16xi32>
          %ge3A_711 = arith.constant 0 : i32
          %ge3A_712 = vector.broadcast %ge3A_711 : i32 to vector<16xi32>
          %ge3A_713 = arith.cmpi sge, %sub3A_710, %ge3A_712 : vector<16xi32>
          %lt3A_714 = arith.constant 12544 : i32
          %lt3A_715 = vector.broadcast %lt3A_714 : i32 to vector<16xi32>
          %lt3A_716 = arith.cmpi slt, %sub3A_710, %lt3A_715 : vector<16xi32>
          %and3A_717 = arith.andi %ge3A_713, %lt3A_716 : vector<16xi1>
          %mul3A_718 = arith.constant 8 : i32
          %mul3A_719 = arith.muli %arg1, %mul3A_718 : i32
          %add3A_720 = arith.constant 12544 : i32
          %add3A_721 = arith.addi %add3A_720, %mul3A_719 : i32
          %add3A_722 = arith.constant 64 : i32
          %add3A_723 = vector.broadcast %add3A_722 : i32 to vector<16xi32>
          %add3A_724 = arith.addi %iota3A, %add3A_723 : vector<16xi32>
          %and3A_725 = arith.constant 7 : i32
          %and3A_726 = vector.broadcast %and3A_725 : i32 to vector<16xi32>
          %and3A_727 = arith.andi %add3A_724, %and3A_726 : vector<16xi32>
          %add3A_728 = vector.broadcast %add3A_721 : i32 to vector<16xi32>
          %add3A_729 = arith.addi %add3A_728, %and3A_727 : vector<16xi32>
          %select_n3A_730 = arith.select %and3A_717, %sub3A_710, %add3A_729 : vector<16xi1>, vector<16xi32>
          %swap3A_731 = arith.constant 1 : i32
          %swap3A_732 = arith.index_cast %swap3A_731 : i32 to index
          %swap3A_733 = arith.constant 64 : index
          %swap3A_734 = tpu.vector_load %arg6[%swap3A_732, %swap3A_733] {strides = array<i32>} : memref<2x112xi32, #tpu.memory_space<vmem>>, vector<1x16xi32>,
          %swap3A_735 = vector.shape_cast %swap3A_734 : vector<1x16xi32> to vector<16xi32>
          %swap3A_736 = vector.shape_cast %select_n3A_730 : vector<16xi32> to vector<1x16xi32>
          tpu.vector_store %arg6[%swap3A_732, %swap3A_733], %swap3A_736 {strides = array<i32>} : memref<2x112xi32, #tpu.memory_space<vmem>>, vector<1x16xi32>,
          %get3A_737 = arith.constant 1 : i32
          %get3A_738 = arith.index_cast %get3A_737 : i32 to index
          %get3A_739 = arith.constant 80 : index
          %get3A_740 = tpu.vector_load %arg6[%get3A_738, %get3A_739] {strides = array<i32>} : memref<2x112xi32, #tpu.memory_space<vmem>>, vector<1x16xi32>,
          %get3A_741 = vector.shape_cast %get3A_740 : vector<1x16xi32> to vector<16xi32>
          %sub3A_742 = vector.broadcast %mul3A_11 : i32 to vector<16xi32>
          %sub3A_743 = arith.subi %get3A_741, %sub3A_742 : vector<16xi32>
          %ge3A_744 = arith.constant 0 : i32
          %ge3A_745 = vector.broadcast %ge3A_744 : i32 to vector<16xi32>
          %ge3A_746 = arith.cmpi sge, %sub3A_743, %ge3A_745 : vector<16xi32>
          %lt3A_747 = arith.constant 12544 : i32
          %lt3A_748 = vector.broadcast %lt3A_747 : i32 to vector<16xi32>
          %lt3A_749 = arith.cmpi slt, %sub3A_743, %lt3A_748 : vector<16xi32>
          %and3A_750 = arith.andi %ge3A_746, %lt3A_749 : vector<16xi1>
          %mul3A_751 = arith.constant 8 : i32
          %mul3A_752 = arith.muli %arg1, %mul3A_751 : i32
          %add3A_753 = arith.constant 12544 : i32
          %add3A_754 = arith.addi %add3A_753, %mul3A_752 : i32
          %add3A_755 = arith.constant 80 : i32
          %add3A_756 = vector.broadcast %add3A_755 : i32 to vector<16xi32>
          %add3A_757 = arith.addi %iota3A, %add3A_756 : vector<16xi32>
          %and3A_758 = arith.constant 7 : i32
          %and3A_759 = vector.broadcast %and3A_758 : i32 to vector<16xi32>
          %and3A_760 = arith.andi %add3A_757, %and3A_759 : vector<16xi32>
          %add3A_761 = vector.broadcast %add3A_754 : i32 to vector<16xi32>
          %add3A_762 = arith.addi %add3A_761, %and3A_760 : vector<16xi32>
          %select_n3A_763 = arith.select %and3A_750, %sub3A_743, %add3A_762 : vector<16xi1>, vector<16xi32>
          %swap3A_764 = arith.constant 1 : i32
          %swap3A_765 = arith.index_cast %swap3A_764 : i32 to index
          %swap3A_766 = arith.constant 80 : index
          %swap3A_767 = tpu.vector_load %arg6[%swap3A_765, %swap3A_766] {strides = array<i32>} : memref<2x112xi32, #tpu.memory_space<vmem>>, vector<1x16xi32>,
          %swap3A_768 = vector.shape_cast %swap3A_767 : vector<1x16xi32> to vector<16xi32>
          %swap3A_769 = vector.shape_cast %select_n3A_763 : vector<16xi32> to vector<1x16xi32>
          tpu.vector_store %arg6[%swap3A_765, %swap3A_766], %swap3A_769 {strides = array<i32>} : memref<2x112xi32, #tpu.memory_space<vmem>>, vector<1x16xi32>,
          %get3A_770 = arith.constant 1 : i32
          %get3A_771 = arith.index_cast %get3A_770 : i32 to index
          %get3A_772 = arith.constant 96 : index
          %get3A_773 = tpu.vector_load %arg6[%get3A_771, %get3A_772] {strides = array<i32>} : memref<2x112xi32, #tpu.memory_space<vmem>>, vector<1x16xi32>,
          %get3A_774 = vector.shape_cast %get3A_773 : vector<1x16xi32> to vector<16xi32>
          %sub3A_775 = vector.broadcast %mul3A_11 : i32 to vector<16xi32>
          %sub3A_776 = arith.subi %get3A_774, %sub3A_775 : vector<16xi32>
          %ge3A_777 = arith.constant 0 : i32
          %ge3A_778 = vector.broadcast %ge3A_777 : i32 to vector<16xi32>
          %ge3A_779 = arith.cmpi sge, %sub3A_776, %ge3A_778 : vector<16xi32>
          %lt3A_780 = arith.constant 12544 : i32
          %lt3A_781 = vector.broadcast %lt3A_780 : i32 to vector<16xi32>
          %lt3A_782 = arith.cmpi slt, %sub3A_776, %lt3A_781 : vector<16xi32>
          %and3A_783 = arith.andi %ge3A_779, %lt3A_782 : vector<16xi1>
          %mul3A_784 = arith.constant 8 : i32
          %mul3A_785 = arith.muli %arg1, %mul3A_784 : i32
          %add3A_786 = arith.constant 12544 : i32
          %add3A_787 = arith.addi %add3A_786, %mul3A_785 : i32
          %add3A_788 = arith.constant 96 : i32
          %add3A_789 = vector.broadcast %add3A_788 : i32 to vector<16xi32>
          %add3A_790 = arith.addi %iota3A, %add3A_789 : vector<16xi32>
          %and3A_791 = arith.constant 7 : i32
          %and3A_792 = vector.broadcast %and3A_791 : i32 to vector<16xi32>
          %and3A_793 = arith.andi %add3A_790, %and3A_792 : vector<16xi32>
          %add3A_794 = vector.broadcast %add3A_787 : i32 to vector<16xi32>
          %add3A_795 = arith.addi %add3A_794, %and3A_793 : vector<16xi32>
          %select_n3A_796 = arith.select %and3A_783, %sub3A_776, %add3A_795 : vector<16xi1>, vector<16xi32>
          %swap3A_797 = arith.constant 1 : i32
          %swap3A_798 = arith.index_cast %swap3A_797 : i32 to index
          %swap3A_799 = arith.constant 96 : index
          %swap3A_800 = tpu.vector_load %arg6[%swap3A_798, %swap3A_799] {strides = array<i32>} : memref<2x112xi32, #tpu.memory_space<vmem>>, vector<1x16xi32>,
          %swap3A_801 = vector.shape_cast %swap3A_800 : vector<1x16xi32> to vector<16xi32>
          %swap3A_802 = vector.shape_cast %select_n3A_796 : vector<16xi32> to vector<1x16xi32>
          tpu.vector_store %arg6[%swap3A_798, %swap3A_799], %swap3A_802 {strides = array<i32>} : memref<2x112xi32, #tpu.memory_space<vmem>>, vector<1x16xi32>,
          %dma_start3A_803 = arith.constant 0 : i32
          %dma_start3A_804 = arith.constant 0 : i32
          %dma_start3A_805 = tpu.memref_slice %arg6[%dma_start3A_803, %dma_start3A_804] : memref<2x112xi32, #tpu.memory_space<vmem>> -> memref<1x112xi32, #tpu.memory_space<vmem>>
          %dma_start3A_806 = tpu.memref_squeeze %dma_start3A_805 : memref<1x112xi32, #tpu.memory_space<vmem>> -> memref<112xi32, #tpu.memory_space<vmem>>
          %dma_start3A_807 = arith.constant 0 : i32
          %dma_start3A_808 = arith.constant 0 : i32
          %dma_start3A_809 = tpu.memref_slice %arg3[%dma_start3A_807, %dma_start3A_808] : memref<50176x128xf32, #tpu.memory_space<hbm>> -> memref<50176x128xf32, #tpu.memory_space<hbm>>
          tpu.enqueue_indirect_dma source(%dma_start3A_809 : memref<50176x128xf32, #tpu.memory_space<hbm>>) target(%arg8 : memref<112x128xf32, #tpu.memory_space<vmem>>) offsets(%dma_start3A_806 : memref<112xi32, #tpu.memory_space<vmem>>) semaphore(%arg11 : memref<!tpu.dma_semaphore, #tpu.memory_space<semaphore_mem>>)
        } else {
        }
      }
      %scan3A_530 = arith.constant 56 : i32
      %barrier3A_531 = arith.constant 0 : index
      tpu.barrier barrier_id(%barrier3A_531)
      %mul3A_532 = arith.constant 784 : i32
      %mul3A_533 = arith.muli %arg1, %mul3A_532 : i32
      %mul3A_534 = arith.constant 784 : i32
      %mul3A_535 = arith.muli %arg1, %mul3A_534 : i32
      %add3A_536 = arith.addi %mul3A_11, %mul3A_535 : i32
      "tpu.region"() ({
        %run_scoped3A = tpu.sem_alloc : memref<!tpu.dma_semaphore, #tpu.memory_space<semaphore_mem>>
        %dma_start3A_538 = arith.constant 0 : i32
        %dma_start3A_539 = tpu.memref_slice %arg4[%add3A_536, %dma_start3A_538] : memref<50176x128xf32, #tpu.memory_space<hbm>> -> memref<784x128xf32, #tpu.memory_space<hbm>>
        %dma_start3A_540 = arith.constant 0 : i32
        %dma_start3A_541 = tpu.memref_slice %arg9[%mul3A_533, %dma_start3A_540] : memref<12672x128xf32, #tpu.memory_space<vmem_shared>> -> memref<784x128xf32, #tpu.memory_space<vmem_shared>>
        tpu.enqueue_dma source(%dma_start3A_541 : memref<784x128xf32, #tpu.memory_space<vmem_shared>>) target(%dma_start3A_539 : memref<784x128xf32, #tpu.memory_space<hbm>>) target_semaphore(%run_scoped3A : memref<!tpu.dma_semaphore, #tpu.memory_space<semaphore_mem>>)
        %dma_wait3A = arith.constant 0 : i32
        %dma_wait3A_542 = tpu.memref_slice %arg4[%add3A_536, %dma_wait3A] : memref<50176x128xf32, #tpu.memory_space<hbm>> -> memref<784x128xf32, #tpu.memory_space<hbm>>
        %dma_wait3A_543 = arith.constant 0 : i32
        %dma_wait3A_544 = tpu.memref_slice %arg9[%mul3A_533, %dma_wait3A_543] : memref<12672x128xf32, #tpu.memory_space<vmem_shared>> -> memref<784x128xf32, #tpu.memory_space<vmem_shared>>
        tpu.wait_dma2 semaphore(%run_scoped3A : memref<!tpu.dma_semaphore, #tpu.memory_space<semaphore_mem>>) src(%dma_wait3A_544 : memref<784x128xf32, #tpu.memory_space<vmem_shared>>) dst(%dma_wait3A_542 : memref<784x128xf32, #tpu.memory_space<hbm>>)
        tpu.yield
      }) : () -> ()
      %barrier3A_537 = arith.constant 0 : index
      tpu.barrier barrier_id(%barrier3A_537)
    }
    %scan3A_3 = arith.constant 2 : i32
    return
  }
}

#map = affine_map<(d0, d1) -> (0, 0, 0)>
#map1 = affine_map<(d0, d1) -> (0, 0)>
module attributes {stable_mosaic.version = 14 : i64} {
  func.func @_edge_agg_body(%arg0: i32, %arg1: i32, %arg2: memref<1792x2x112xi32, #tpu.memory_space<hbm>>, %arg3: memref<50176x128xf32, #tpu.memory_space<hbm>>, %arg4: memref<50176x128xf32, #tpu.memory_space<hbm>>, %arg5: memref<2x112xi32, #tpu.memory_space<vmem>>, %arg6: memref<2x112xi32, #tpu.memory_space<vmem>>, %arg7: memref<112x128xf32, #tpu.memory_space<vmem>>, %arg8: memref<112x128xf32, #tpu.memory_space<vmem>>, %arg9: memref<12672x128xf32, #tpu.memory_space<vmem_shared>>, %arg10: memref<!tpu.dma_semaphore, #tpu.memory_space<semaphore_mem>>, %arg11: memref<!tpu.dma_semaphore, #tpu.memory_space<semaphore_mem>>) attributes {dimension_semantics = [#tpu.dimension_semantics<core_parallel>, #tpu.dimension_semantics<subcore_parallel>], iteration_bounds = array<i64: 2, 16>, scalar_prefetch = 0 : i64, scratch_operands = 7 : i64, tpu.core_type = #tpu.core_type<sc_vector_subcore>, window_params = [{transform_indices = #map}, {transform_indices = #map1}, {transform_indices = #map1}]} {
    %iota3A = tpu.iota {dimensions = array<i32: 0>} : vector<16xi32>
    %scan3A = arith.constant 0 : i32
    %scan3A_0 = arith.constant 2 : i32
    %scan3A_1 = arith.addi %scan3A, %scan3A_0 : i32
    %scan3A_2 = arith.constant 1 : i32
    scf.for %scan3A_4 = %scan3A to %scan3A_1 step %scan3A_2  : i32 {
      %mul3A = arith.constant 1 : i32
      %mul3A_5 = arith.muli %scan3A_4, %mul3A : i32
      %add3A = arith.constant 0 : i32
      %add3A_6 = arith.addi %add3A, %mul3A_5 : i32
      %mul3A_7 = arith.constant 2 : i32
      %mul3A_8 = arith.muli %mul3A_7, %arg0 : i32
      %add3A_9 = arith.addi %mul3A_8, %add3A_6 : i32
      %mul3A_10 = arith.constant 12544 : i32
      %mul3A_11 = arith.muli %add3A_9, %mul3A_10 : i32
      %broadcast_in_dim3A = arith.constant 0.000000e+00 : f32
      %broadcast_in_dim3A_12 = vector.broadcast %broadcast_in_dim3A : f32 to vector<16xf32>
      %scan3A_13 = arith.constant 0 : i32
      %scan3A_14 = arith.constant 112 : i32
      %scan3A_15 = arith.addi %scan3A_13, %scan3A_14 : i32
      %scan3A_16 = arith.constant 1 : i32
      scf.for %scan3A_538 = %scan3A_13 to %scan3A_15 step %scan3A_16  : i32 {
        %mul3A_539 = arith.constant 1 : i32
        %mul3A_540 = arith.muli %scan3A_538, %mul3A_539 : i32
        %add3A_541 = arith.constant 0 : i32
        %add3A_542 = arith.addi %add3A_541, %mul3A_540 : i32
        %swap3A_543 = arith.index_cast %add3A_542 : i32 to index
        %swap3A_544 = arith.constant 0 : index
        %swap3A_545 = tpu.vector_load %arg7[%swap3A_543, %swap3A_544] {strides = array<i32>} : memref<112x128xf32, #tpu.memory_space<vmem>>, vector<1x16xf32>,
        %swap3A_546 = vector.shape_cast %swap3A_545 : vector<1x16xf32> to vector<16xf32>
        %swap3A_547 = vector.shape_cast %broadcast_in_dim3A_12 : vector<16xf32> to vector<1x16xf32>
        tpu.vector_store %arg7[%swap3A_543, %swap3A_544], %swap3A_547 {strides = array<i32>} : memref<112x128xf32, #tpu.memory_space<vmem>>, vector<1x16xf32>,
        %swap3A_548 = arith.index_cast %add3A_542 : i32 to index
        %swap3A_549 = arith.constant 16 : index
        %swap3A_550 = tpu.vector_load %arg7[%swap3A_548, %swap3A_549] {strides = array<i32>} : memref<112x128xf32, #tpu.memory_space<vmem>>, vector<1x16xf32>,
        %swap3A_551 = vector.shape_cast %swap3A_550 : vector<1x16xf32> to vector<16xf32>
        %swap3A_552 = vector.shape_cast %broadcast_in_dim3A_12 : vector<16xf32> to vector<1x16xf32>
        tpu.vector_store %arg7[%swap3A_548, %swap3A_549], %swap3A_552 {strides = array<i32>} : memref<112x128xf32, #tpu.memory_space<vmem>>, vector<1x16xf32>,
        %swap3A_553 = arith.index_cast %add3A_542 : i32 to index
        %swap3A_554 = arith.constant 32 : index
        %swap3A_555 = tpu.vector_load %arg7[%swap3A_553, %swap3A_554] {strides = array<i32>} : memref<112x128xf32, #tpu.memory_space<vmem>>, vector<1x16xf32>,
        %swap3A_556 = vector.shape_cast %swap3A_555 : vector<1x16xf32> to vector<16xf32>
        %swap3A_557 = vector.shape_cast %broadcast_in_dim3A_12 : vector<16xf32> to vector<1x16xf32>
        tpu.vector_store %arg7[%swap3A_553, %swap3A_554], %swap3A_557 {strides = array<i32>} : memref<112x128xf32, #tpu.memory_space<vmem>>, vector<1x16xf32>,
        %swap3A_558 = arith.index_cast %add3A_542 : i32 to index
        %swap3A_559 = arith.constant 48 : index
        %swap3A_560 = tpu.vector_load %arg7[%swap3A_558, %swap3A_559] {strides = array<i32>} : memref<112x128xf32, #tpu.memory_space<vmem>>, vector<1x16xf32>,
        %swap3A_561 = vector.shape_cast %swap3A_560 : vector<1x16xf32> to vector<16xf32>
        %swap3A_562 = vector.shape_cast %broadcast_in_dim3A_12 : vector<16xf32> to vector<1x16xf32>
        tpu.vector_store %arg7[%swap3A_558, %swap3A_559], %swap3A_562 {strides = array<i32>} : memref<112x128xf32, #tpu.memory_space<vmem>>, vector<1x16xf32>,
        %swap3A_563 = arith.index_cast %add3A_542 : i32 to index
        %swap3A_564 = arith.constant 64 : index
        %swap3A_565 = tpu.vector_load %arg7[%swap3A_563, %swap3A_564] {strides = array<i32>} : memref<112x128xf32, #tpu.memory_space<vmem>>, vector<1x16xf32>,
        %swap3A_566 = vector.shape_cast %swap3A_565 : vector<1x16xf32> to vector<16xf32>
        %swap3A_567 = vector.shape_cast %broadcast_in_dim3A_12 : vector<16xf32> to vector<1x16xf32>
        tpu.vector_store %arg7[%swap3A_563, %swap3A_564], %swap3A_567 {strides = array<i32>} : memref<112x128xf32, #tpu.memory_space<vmem>>, vector<1x16xf32>,
        %swap3A_568 = arith.index_cast %add3A_542 : i32 to index
        %swap3A_569 = arith.constant 80 : index
        %swap3A_570 = tpu.vector_load %arg7[%swap3A_568, %swap3A_569] {strides = array<i32>} : memref<112x128xf32, #tpu.memory_space<vmem>>, vector<1x16xf32>,
        %swap3A_571 = vector.shape_cast %swap3A_570 : vector<1x16xf32> to vector<16xf32>
        %swap3A_572 = vector.shape_cast %broadcast_in_dim3A_12 : vector<16xf32> to vector<1x16xf32>
        tpu.vector_store %arg7[%swap3A_568, %swap3A_569], %swap3A_572 {strides = array<i32>} : memref<112x128xf32, #tpu.memory_space<vmem>>, vector<1x16xf32>,
        %swap3A_573 = arith.index_cast %add3A_542 : i32 to index
        %swap3A_574 = arith.constant 96 : index
        %swap3A_575 = tpu.vector_load %arg7[%swap3A_573, %swap3A_574] {strides = array<i32>} : memref<112x128xf32, #tpu.memory_space<vmem>>, vector<1x16xf32>,
        %swap3A_576 = vector.shape_cast %swap3A_575 : vector<1x16xf32> to vector<16xf32>
        %swap3A_577 = vector.shape_cast %broadcast_in_dim3A_12 : vector<16xf32> to vector<1x16xf32>
        tpu.vector_store %arg7[%swap3A_573, %swap3A_574], %swap3A_577 {strides = array<i32>} : memref<112x128xf32, #tpu.memory_space<vmem>>, vector<1x16xf32>,
        %swap3A_578 = arith.index_cast %add3A_542 : i32 to index
        %swap3A_579 = arith.constant 112 : index
        %swap3A_580 = tpu.vector_load %arg7[%swap3A_578, %swap3A_579] {strides = array<i32>} : memref<112x128xf32, #tpu.memory_space<vmem>>, vector<1x16xf32>,
        %swap3A_581 = vector.shape_cast %swap3A_580 : vector<1x16xf32> to vector<16xf32>
        %swap3A_582 = vector.shape_cast %broadcast_in_dim3A_12 : vector<16xf32> to vector<1x16xf32>
        tpu.vector_store %arg7[%swap3A_578, %swap3A_579], %swap3A_582 {strides = array<i32>} : memref<112x128xf32, #tpu.memory_space<vmem>>, vector<1x16xf32>,
      }
      %scan3A_17 = arith.constant 112 : i32
      %mul3A_18 = arith.constant 792 : i32
      %mul3A_19 = arith.muli %arg1, %mul3A_18 : i32
      %add3A_20 = arith.constant 0 : i32
      %add3A_21 = arith.addi %mul3A_19, %add3A_20 : i32
      "tpu.region"() ({
        %run_scoped3A = tpu.sem_alloc : memref<!tpu.dma_semaphore, #tpu.memory_space<semaphore_mem>>
        %dma_start3A_538 = arith.constant 0 : i32
        %dma_start3A_539 = tpu.memref_slice %arg9[%add3A_21, %dma_start3A_538] : memref<12672x128xf32, #tpu.memory_space<vmem_shared>> -> memref<112x128xf32, #tpu.memory_space<vmem_shared>>
        %dma_start3A_540 = arith.constant 0 : i32
        %dma_start3A_541 = tpu.memref_slice %arg9[%add3A_21, %dma_start3A_540] : memref<12672x128xf32, #tpu.memory_space<vmem_shared>> -> memref<112x128xf32, #tpu.memory_space<vmem_shared>>
        tpu.enqueue_dma source(%arg7 : memref<112x128xf32, #tpu.memory_space<vmem>>) target(%dma_start3A_541 : memref<112x128xf32, #tpu.memory_space<vmem_shared>>) target_semaphore(%run_scoped3A : memref<!tpu.dma_semaphore, #tpu.memory_space<semaphore_mem>>)
        %dma_wait3A = arith.constant 0 : i32
        %dma_wait3A_542 = tpu.memref_slice %arg9[%add3A_21, %dma_wait3A] : memref<12672x128xf32, #tpu.memory_space<vmem_shared>> -> memref<112x128xf32, #tpu.memory_space<vmem_shared>>
        %dma_wait3A_543 = arith.constant 0 : i32
        %dma_wait3A_544 = tpu.memref_slice %arg9[%add3A_21, %dma_wait3A_543] : memref<12672x128xf32, #tpu.memory_space<vmem_shared>> -> memref<112x128xf32, #tpu.memory_space<vmem_shared>>
        tpu.wait_dma2 semaphore(%run_scoped3A : memref<!tpu.dma_semaphore, #tpu.memory_space<semaphore_mem>>) src(%arg7 : memref<112x128xf32, #tpu.memory_space<vmem>>) dst(%dma_wait3A_544 : memref<112x128xf32, #tpu.memory_space<vmem_shared>>)
        tpu.yield
      }) : () -> ()
      %mul3A_22 = arith.constant 792 : i32
      %mul3A_23 = arith.muli %arg1, %mul3A_22 : i32
      %add3A_24 = arith.constant 112 : i32
      %add3A_25 = arith.addi %mul3A_23, %add3A_24 : i32
      "tpu.region"() ({
        %run_scoped3A = tpu.sem_alloc : memref<!tpu.dma_semaphore, #tpu.memory_space<semaphore_mem>>
        %dma_start3A_538 = arith.constant 0 : i32
        %dma_start3A_539 = tpu.memref_slice %arg9[%add3A_25, %dma_start3A_538] : memref<12672x128xf32, #tpu.memory_space<vmem_shared>> -> memref<112x128xf32, #tpu.memory_space<vmem_shared>>
        %dma_start3A_540 = arith.constant 0 : i32
        %dma_start3A_541 = tpu.memref_slice %arg9[%add3A_25, %dma_start3A_540] : memref<12672x128xf32, #tpu.memory_space<vmem_shared>> -> memref<112x128xf32, #tpu.memory_space<vmem_shared>>
        tpu.enqueue_dma source(%arg7 : memref<112x128xf32, #tpu.memory_space<vmem>>) target(%dma_start3A_541 : memref<112x128xf32, #tpu.memory_space<vmem_shared>>) target_semaphore(%run_scoped3A : memref<!tpu.dma_semaphore, #tpu.memory_space<semaphore_mem>>)
        %dma_wait3A = arith.constant 0 : i32
        %dma_wait3A_542 = tpu.memref_slice %arg9[%add3A_25, %dma_wait3A] : memref<12672x128xf32, #tpu.memory_space<vmem_shared>> -> memref<112x128xf32, #tpu.memory_space<vmem_shared>>
        %dma_wait3A_543 = arith.constant 0 : i32
        %dma_wait3A_544 = tpu.memref_slice %arg9[%add3A_25, %dma_wait3A_543] : memref<12672x128xf32, #tpu.memory_space<vmem_shared>> -> memref<112x128xf32, #tpu.memory_space<vmem_shared>>
        tpu.wait_dma2 semaphore(%run_scoped3A : memref<!tpu.dma_semaphore, #tpu.memory_space<semaphore_mem>>) src(%arg7 : memref<112x128xf32, #tpu.memory_space<vmem>>) dst(%dma_wait3A_544 : memref<112x128xf32, #tpu.memory_space<vmem_shared>>)
        tpu.yield
      }) : () -> ()
      %mul3A_26 = arith.constant 792 : i32
      %mul3A_27 = arith.muli %arg1, %mul3A_26 : i32
      %add3A_28 = arith.constant 224 : i32
      %add3A_29 = arith.addi %mul3A_27, %add3A_28 : i32
      "tpu.region"() ({
        %run_scoped3A = tpu.sem_alloc : memref<!tpu.dma_semaphore, #tpu.memory_space<semaphore_mem>>
        %dma_start3A_538 = arith.constant 0 : i32
        %dma_start3A_539 = tpu.memref_slice %arg9[%add3A_29, %dma_start3A_538] : memref<12672x128xf32, #tpu.memory_space<vmem_shared>> -> memref<112x128xf32, #tpu.memory_space<vmem_shared>>
        %dma_start3A_540 = arith.constant 0 : i32
        %dma_start3A_541 = tpu.memref_slice %arg9[%add3A_29, %dma_start3A_540] : memref<12672x128xf32, #tpu.memory_space<vmem_shared>> -> memref<112x128xf32, #tpu.memory_space<vmem_shared>>
        tpu.enqueue_dma source(%arg7 : memref<112x128xf32, #tpu.memory_space<vmem>>) target(%dma_start3A_541 : memref<112x128xf32, #tpu.memory_space<vmem_shared>>) target_semaphore(%run_scoped3A : memref<!tpu.dma_semaphore, #tpu.memory_space<semaphore_mem>>)
        %dma_wait3A = arith.constant 0 : i32
        %dma_wait3A_542 = tpu.memref_slice %arg9[%add3A_29, %dma_wait3A] : memref<12672x128xf32, #tpu.memory_space<vmem_shared>> -> memref<112x128xf32, #tpu.memory_space<vmem_shared>>
        %dma_wait3A_543 = arith.constant 0 : i32
        %dma_wait3A_544 = tpu.memref_slice %arg9[%add3A_29, %dma_wait3A_543] : memref<12672x128xf32, #tpu.memory_space<vmem_shared>> -> memref<112x128xf32, #tpu.memory_space<vmem_shared>>
        tpu.wait_dma2 semaphore(%run_scoped3A : memref<!tpu.dma_semaphore, #tpu.memory_space<semaphore_mem>>) src(%arg7 : memref<112x128xf32, #tpu.memory_space<vmem>>) dst(%dma_wait3A_544 : memref<112x128xf32, #tpu.memory_space<vmem_shared>>)
        tpu.yield
      }) : () -> ()
      %mul3A_30 = arith.constant 792 : i32
      %mul3A_31 = arith.muli %arg1, %mul3A_30 : i32
      %add3A_32 = arith.constant 336 : i32
      %add3A_33 = arith.addi %mul3A_31, %add3A_32 : i32
      "tpu.region"() ({
        %run_scoped3A = tpu.sem_alloc : memref<!tpu.dma_semaphore, #tpu.memory_space<semaphore_mem>>
        %dma_start3A_538 = arith.constant 0 : i32
        %dma_start3A_539 = tpu.memref_slice %arg9[%add3A_33, %dma_start3A_538] : memref<12672x128xf32, #tpu.memory_space<vmem_shared>> -> memref<112x128xf32, #tpu.memory_space<vmem_shared>>
        %dma_start3A_540 = arith.constant 0 : i32
        %dma_start3A_541 = tpu.memref_slice %arg9[%add3A_33, %dma_start3A_540] : memref<12672x128xf32, #tpu.memory_space<vmem_shared>> -> memref<112x128xf32, #tpu.memory_space<vmem_shared>>
        tpu.enqueue_dma source(%arg7 : memref<112x128xf32, #tpu.memory_space<vmem>>) target(%dma_start3A_541 : memref<112x128xf32, #tpu.memory_space<vmem_shared>>) target_semaphore(%run_scoped3A : memref<!tpu.dma_semaphore, #tpu.memory_space<semaphore_mem>>)
        %dma_wait3A = arith.constant 0 : i32
        %dma_wait3A_542 = tpu.memref_slice %arg9[%add3A_33, %dma_wait3A] : memref<12672x128xf32, #tpu.memory_space<vmem_shared>> -> memref<112x128xf32, #tpu.memory_space<vmem_shared>>
        %dma_wait3A_543 = arith.constant 0 : i32
        %dma_wait3A_544 = tpu.memref_slice %arg9[%add3A_33, %dma_wait3A_543] : memref<12672x128xf32, #tpu.memory_space<vmem_shared>> -> memref<112x128xf32, #tpu.memory_space<vmem_shared>>
        tpu.wait_dma2 semaphore(%run_scoped3A : memref<!tpu.dma_semaphore, #tpu.memory_space<semaphore_mem>>) src(%arg7 : memref<112x128xf32, #tpu.memory_space<vmem>>) dst(%dma_wait3A_544 : memref<112x128xf32, #tpu.memory_space<vmem_shared>>)
        tpu.yield
      }) : () -> ()
      %mul3A_34 = arith.constant 792 : i32
      %mul3A_35 = arith.muli %arg1, %mul3A_34 : i32
      %add3A_36 = arith.constant 448 : i32
      %add3A_37 = arith.addi %mul3A_35, %add3A_36 : i32
      "tpu.region"() ({
        %run_scoped3A = tpu.sem_alloc : memref<!tpu.dma_semaphore, #tpu.memory_space<semaphore_mem>>
        %dma_start3A_538 = arith.constant 0 : i32
        %dma_start3A_539 = tpu.memref_slice %arg9[%add3A_37, %dma_start3A_538] : memref<12672x128xf32, #tpu.memory_space<vmem_shared>> -> memref<112x128xf32, #tpu.memory_space<vmem_shared>>
        %dma_start3A_540 = arith.constant 0 : i32
        %dma_start3A_541 = tpu.memref_slice %arg9[%add3A_37, %dma_start3A_540] : memref<12672x128xf32, #tpu.memory_space<vmem_shared>> -> memref<112x128xf32, #tpu.memory_space<vmem_shared>>
        tpu.enqueue_dma source(%arg7 : memref<112x128xf32, #tpu.memory_space<vmem>>) target(%dma_start3A_541 : memref<112x128xf32, #tpu.memory_space<vmem_shared>>) target_semaphore(%run_scoped3A : memref<!tpu.dma_semaphore, #tpu.memory_space<semaphore_mem>>)
        %dma_wait3A = arith.constant 0 : i32
        %dma_wait3A_542 = tpu.memref_slice %arg9[%add3A_37, %dma_wait3A] : memref<12672x128xf32, #tpu.memory_space<vmem_shared>> -> memref<112x128xf32, #tpu.memory_space<vmem_shared>>
        %dma_wait3A_543 = arith.constant 0 : i32
        %dma_wait3A_544 = tpu.memref_slice %arg9[%add3A_37, %dma_wait3A_543] : memref<12672x128xf32, #tpu.memory_space<vmem_shared>> -> memref<112x128xf32, #tpu.memory_space<vmem_shared>>
        tpu.wait_dma2 semaphore(%run_scoped3A : memref<!tpu.dma_semaphore, #tpu.memory_space<semaphore_mem>>) src(%arg7 : memref<112x128xf32, #tpu.memory_space<vmem>>) dst(%dma_wait3A_544 : memref<112x128xf32, #tpu.memory_space<vmem_shared>>)
        tpu.yield
      }) : () -> ()
      %mul3A_38 = arith.constant 792 : i32
      %mul3A_39 = arith.muli %arg1, %mul3A_38 : i32
      %add3A_40 = arith.constant 560 : i32
      %add3A_41 = arith.addi %mul3A_39, %add3A_40 : i32
      "tpu.region"() ({
        %run_scoped3A = tpu.sem_alloc : memref<!tpu.dma_semaphore, #tpu.memory_space<semaphore_mem>>
        %dma_start3A_538 = arith.constant 0 : i32
        %dma_start3A_539 = tpu.memref_slice %arg9[%add3A_41, %dma_start3A_538] : memref<12672x128xf32, #tpu.memory_space<vmem_shared>> -> memref<112x128xf32, #tpu.memory_space<vmem_shared>>
        %dma_start3A_540 = arith.constant 0 : i32
        %dma_start3A_541 = tpu.memref_slice %arg9[%add3A_41, %dma_start3A_540] : memref<12672x128xf32, #tpu.memory_space<vmem_shared>> -> memref<112x128xf32, #tpu.memory_space<vmem_shared>>
        tpu.enqueue_dma source(%arg7 : memref<112x128xf32, #tpu.memory_space<vmem>>) target(%dma_start3A_541 : memref<112x128xf32, #tpu.memory_space<vmem_shared>>) target_semaphore(%run_scoped3A : memref<!tpu.dma_semaphore, #tpu.memory_space<semaphore_mem>>)
        %dma_wait3A = arith.constant 0 : i32
        %dma_wait3A_542 = tpu.memref_slice %arg9[%add3A_41, %dma_wait3A] : memref<12672x128xf32, #tpu.memory_space<vmem_shared>> -> memref<112x128xf32, #tpu.memory_space<vmem_shared>>
        %dma_wait3A_543 = arith.constant 0 : i32
        %dma_wait3A_544 = tpu.memref_slice %arg9[%add3A_41, %dma_wait3A_543] : memref<12672x128xf32, #tpu.memory_space<vmem_shared>> -> memref<112x128xf32, #tpu.memory_space<vmem_shared>>
        tpu.wait_dma2 semaphore(%run_scoped3A : memref<!tpu.dma_semaphore, #tpu.memory_space<semaphore_mem>>) src(%arg7 : memref<112x128xf32, #tpu.memory_space<vmem>>) dst(%dma_wait3A_544 : memref<112x128xf32, #tpu.memory_space<vmem_shared>>)
        tpu.yield
      }) : () -> ()
      %mul3A_42 = arith.constant 792 : i32
      %mul3A_43 = arith.muli %arg1, %mul3A_42 : i32
      %add3A_44 = arith.constant 672 : i32
      %add3A_45 = arith.addi %mul3A_43, %add3A_44 : i32
      "tpu.region"() ({
        %run_scoped3A = tpu.sem_alloc : memref<!tpu.dma_semaphore, #tpu.memory_space<semaphore_mem>>
        %dma_start3A_538 = arith.constant 0 : i32
        %dma_start3A_539 = tpu.memref_slice %arg9[%add3A_45, %dma_start3A_538] : memref<12672x128xf32, #tpu.memory_space<vmem_shared>> -> memref<112x128xf32, #tpu.memory_space<vmem_shared>>
        %dma_start3A_540 = arith.constant 0 : i32
        %dma_start3A_541 = tpu.memref_slice %arg9[%add3A_45, %dma_start3A_540] : memref<12672x128xf32, #tpu.memory_space<vmem_shared>> -> memref<112x128xf32, #tpu.memory_space<vmem_shared>>
        tpu.enqueue_dma source(%arg7 : memref<112x128xf32, #tpu.memory_space<vmem>>) target(%dma_start3A_541 : memref<112x128xf32, #tpu.memory_space<vmem_shared>>) target_semaphore(%run_scoped3A : memref<!tpu.dma_semaphore, #tpu.memory_space<semaphore_mem>>)
        %dma_wait3A = arith.constant 0 : i32
        %dma_wait3A_542 = tpu.memref_slice %arg9[%add3A_45, %dma_wait3A] : memref<12672x128xf32, #tpu.memory_space<vmem_shared>> -> memref<112x128xf32, #tpu.memory_space<vmem_shared>>
        %dma_wait3A_543 = arith.constant 0 : i32
        %dma_wait3A_544 = tpu.memref_slice %arg9[%add3A_45, %dma_wait3A_543] : memref<12672x128xf32, #tpu.memory_space<vmem_shared>> -> memref<112x128xf32, #tpu.memory_space<vmem_shared>>
        tpu.wait_dma2 semaphore(%run_scoped3A : memref<!tpu.dma_semaphore, #tpu.memory_space<semaphore_mem>>) src(%arg7 : memref<112x128xf32, #tpu.memory_space<vmem>>) dst(%dma_wait3A_544 : memref<112x128xf32, #tpu.memory_space<vmem_shared>>)
        tpu.yield
      }) : () -> ()
      %mul3A_46 = arith.constant 792 : i32
      %mul3A_47 = arith.muli %arg1, %mul3A_46 : i32
      %add3A_48 = arith.constant 784 : i32
      %add3A_49 = arith.addi %mul3A_47, %add3A_48 : i32
      "tpu.region"() ({
        %run_scoped3A = tpu.sem_alloc : memref<!tpu.dma_semaphore, #tpu.memory_space<semaphore_mem>>
        %dma_start3A_538 = arith.constant 0 : i32
        %dma_start3A_539 = arith.constant 0 : i32
        %dma_start3A_540 = tpu.memref_slice %arg7[%dma_start3A_538, %dma_start3A_539] : memref<112x128xf32, #tpu.memory_space<vmem>> -> memref<8x128xf32, #tpu.memory_space<vmem>>
        %dma_start3A_541 = arith.constant 0 : i32
        %dma_start3A_542 = tpu.memref_slice %arg9[%add3A_49, %dma_start3A_541] : memref<12672x128xf32, #tpu.memory_space<vmem_shared>> -> memref<8x128xf32, #tpu.memory_space<vmem_shared>>
        %dma_start3A_543 = arith.constant 0 : i32
        %dma_start3A_544 = tpu.memref_slice %arg9[%add3A_49, %dma_start3A_543] : memref<12672x128xf32, #tpu.memory_space<vmem_shared>> -> memref<8x128xf32, #tpu.memory_space<vmem_shared>>
        %dma_start3A_545 = arith.constant 0 : i32
        %dma_start3A_546 = arith.constant 0 : i32
        %dma_start3A_547 = tpu.memref_slice %arg7[%dma_start3A_545, %dma_start3A_546] : memref<112x128xf32, #tpu.memory_space<vmem>> -> memref<8x128xf32, #tpu.memory_space<vmem>>
        tpu.enqueue_dma source(%dma_start3A_547 : memref<8x128xf32, #tpu.memory_space<vmem>>) target(%dma_start3A_544 : memref<8x128xf32, #tpu.memory_space<vmem_shared>>) target_semaphore(%run_scoped3A : memref<!tpu.dma_semaphore, #tpu.memory_space<semaphore_mem>>)
        %dma_wait3A = arith.constant 0 : i32
        %dma_wait3A_548 = arith.constant 0 : i32
        %dma_wait3A_549 = tpu.memref_slice %arg7[%dma_wait3A, %dma_wait3A_548] : memref<112x128xf32, #tpu.memory_space<vmem>> -> memref<8x128xf32, #tpu.memory_space<vmem>>
        %dma_wait3A_550 = arith.constant 0 : i32
        %dma_wait3A_551 = tpu.memref_slice %arg9[%add3A_49, %dma_wait3A_550] : memref<12672x128xf32, #tpu.memory_space<vmem_shared>> -> memref<8x128xf32, #tpu.memory_space<vmem_shared>>
        %dma_wait3A_552 = arith.constant 0 : i32
        %dma_wait3A_553 = tpu.memref_slice %arg9[%add3A_49, %dma_wait3A_552] : memref<12672x128xf32, #tpu.memory_space<vmem_shared>> -> memref<8x128xf32, #tpu.memory_space<vmem_shared>>
        %dma_wait3A_554 = arith.constant 0 : i32
        %dma_wait3A_555 = arith.constant 0 : i32
        %dma_wait3A_556 = tpu.memref_slice %arg7[%dma_wait3A_554, %dma_wait3A_555] : memref<112x128xf32, #tpu.memory_space<vmem>> -> memref<8x128xf32, #tpu.memory_space<vmem>>
        tpu.wait_dma2 semaphore(%run_scoped3A : memref<!tpu.dma_semaphore, #tpu.memory_space<semaphore_mem>>) src(%dma_wait3A_556 : memref<8x128xf32, #tpu.memory_space<vmem>>) dst(%dma_wait3A_553 : memref<8x128xf32, #tpu.memory_space<vmem_shared>>)
        tpu.yield
      }) : () -> ()
      %barrier3A = arith.constant 0 : index
      tpu.barrier barrier_id(%barrier3A)
      %mul3A_50 = arith.constant 112 : i32
      %mul3A_51 = arith.muli %arg1, %mul3A_50 : i32
      %add3A_52 = arith.constant 0 : i32
      %add3A_53 = arith.addi %mul3A_51, %add3A_52 : i32
      "tpu.region"() ({
        %run_scoped3A = tpu.sem_alloc : memref<!tpu.dma_semaphore, #tpu.memory_space<semaphore_mem>>
        %dma_start3A_538 = arith.constant 0 : i32
        %dma_start3A_539 = arith.constant 0 : i32
        %dma_start3A_540 = tpu.memref_slice %arg2[%add3A_53, %dma_start3A_538, %dma_start3A_539] : memref<1792x2x112xi32, #tpu.memory_space<hbm>> -> memref<1x2x112xi32, #tpu.memory_space<hbm>>
        %dma_start3A_541 = tpu.memref_squeeze %dma_start3A_540 : memref<1x2x112xi32, #tpu.memory_space<hbm>> -> memref<2x112xi32, #tpu.memory_space<hbm>>
        %dma_start3A_542 = arith.constant 0 : i32
        %dma_start3A_543 = arith.constant 0 : i32
        %dma_start3A_544 = tpu.memref_slice %arg2[%add3A_53, %dma_start3A_542, %dma_start3A_543] : memref<1792x2x112xi32, #tpu.memory_space<hbm>> -> memref<1x2x112xi32, #tpu.memory_space<hbm>>
        %dma_start3A_545 = tpu.memref_squeeze %dma_start3A_544 : memref<1x2x112xi32, #tpu.memory_space<hbm>> -> memref<2x112xi32, #tpu.memory_space<hbm>>
        tpu.enqueue_dma source(%dma_start3A_545 : memref<2x112xi32, #tpu.memory_space<hbm>>) target(%arg5 : memref<2x112xi32, #tpu.memory_space<vmem>>) target_semaphore(%run_scoped3A : memref<!tpu.dma_semaphore, #tpu.memory_space<semaphore_mem>>)
        %dma_wait3A = arith.constant 0 : i32
        %dma_wait3A_546 = arith.constant 0 : i32
        %dma_wait3A_547 = tpu.memref_slice %arg2[%add3A_53, %dma_wait3A, %dma_wait3A_546] : memref<1792x2x112xi32, #tpu.memory_space<hbm>> -> memref<1x2x112xi32, #tpu.memory_space<hbm>>
        %dma_wait3A_548 = tpu.memref_squeeze %dma_wait3A_547 : memref<1x2x112xi32, #tpu.memory_space<hbm>> -> memref<2x112xi32, #tpu.memory_space<hbm>>
        %dma_wait3A_549 = arith.constant 0 : i32
        %dma_wait3A_550 = arith.constant 0 : i32
        %dma_wait3A_551 = tpu.memref_slice %arg2[%add3A_53, %dma_wait3A_549, %dma_wait3A_550] : memref<1792x2x112xi32, #tpu.memory_space<hbm>> -> memref<1x2x112xi32, #tpu.memory_space<hbm>>
        %dma_wait3A_552 = tpu.memref_squeeze %dma_wait3A_551 : memref<1x2x112xi32, #tpu.memory_space<hbm>> -> memref<2x112xi32, #tpu.memory_space<hbm>>
        tpu.wait_dma2 semaphore(%run_scoped3A : memref<!tpu.dma_semaphore, #tpu.memory_space<semaphore_mem>>) src(%dma_wait3A_552 : memref<2x112xi32, #tpu.memory_space<hbm>>) dst(%arg5 : memref<2x112xi32, #tpu.memory_space<vmem>>)
        tpu.yield
      }) : () -> ()
      %get3A = arith.constant 1 : i32
      %get3A_54 = arith.index_cast %get3A : i32 to index
      %get3A_55 = arith.constant 0 : index
      %get3A_56 = tpu.vector_load %arg5[%get3A_54, %get3A_55] {strides = array<i32>} : memref<2x112xi32, #tpu.memory_space<vmem>>, vector<1x16xi32>,
      %get3A_57 = vector.shape_cast %get3A_56 : vector<1x16xi32> to vector<16xi32>
      %sub3A = vector.broadcast %mul3A_11 : i32 to vector<16xi32>
      %sub3A_58 = arith.subi %get3A_57, %sub3A : vector<16xi32>
      %ge3A = arith.constant 0 : i32
      %ge3A_59 = vector.broadcast %ge3A : i32 to vector<16xi32>
      %ge3A_60 = arith.cmpi sge, %sub3A_58, %ge3A_59 : vector<16xi32>
      %lt3A = arith.constant 12544 : i32
      %lt3A_61 = vector.broadcast %lt3A : i32 to vector<16xi32>
      %lt3A_62 = arith.cmpi slt, %sub3A_58, %lt3A_61 : vector<16xi32>
      %and3A = arith.andi %ge3A_60, %lt3A_62 : vector<16xi1>
      %mul3A_63 = arith.constant 8 : i32
      %mul3A_64 = arith.muli %arg1, %mul3A_63 : i32
      %add3A_65 = arith.constant 12544 : i32
      %add3A_66 = arith.addi %add3A_65, %mul3A_64 : i32
      %add3A_67 = arith.constant 0 : i32
      %add3A_68 = vector.broadcast %add3A_67 : i32 to vector<16xi32>
      %add3A_69 = arith.addi %iota3A, %add3A_68 : vector<16xi32>
      %and3A_70 = arith.constant 7 : i32
      %and3A_71 = vector.broadcast %and3A_70 : i32 to vector<16xi32>
      %and3A_72 = arith.andi %add3A_69, %and3A_71 : vector<16xi32>
      %add3A_73 = vector.broadcast %add3A_66 : i32 to vector<16xi32>
      %add3A_74 = arith.addi %add3A_73, %and3A_72 : vector<16xi32>
      %select_n3A = arith.select %and3A, %sub3A_58, %add3A_74 : vector<16xi1>, vector<16xi32>
      %swap3A = arith.constant 1 : i32
      %swap3A_75 = arith.index_cast %swap3A : i32 to index
      %swap3A_76 = arith.constant 0 : index
      %swap3A_77 = tpu.vector_load %arg5[%swap3A_75, %swap3A_76] {strides = array<i32>} : memref<2x112xi32, #tpu.memory_space<vmem>>, vector<1x16xi32>,
      %swap3A_78 = vector.shape_cast %swap3A_77 : vector<1x16xi32> to vector<16xi32>
      %swap3A_79 = vector.shape_cast %select_n3A : vector<16xi32> to vector<1x16xi32>
      tpu.vector_store %arg5[%swap3A_75, %swap3A_76], %swap3A_79 {strides = array<i32>} : memref<2x112xi32, #tpu.memory_space<vmem>>, vector<1x16xi32>,
      %get3A_80 = arith.constant 1 : i32
      %get3A_81 = arith.index_cast %get3A_80 : i32 to index
      %get3A_82 = arith.constant 16 : index
      %get3A_83 = tpu.vector_load %arg5[%get3A_81, %get3A_82] {strides = array<i32>} : memref<2x112xi32, #tpu.memory_space<vmem>>, vector<1x16xi32>,
      %get3A_84 = vector.shape_cast %get3A_83 : vector<1x16xi32> to vector<16xi32>
      %sub3A_85 = vector.broadcast %mul3A_11 : i32 to vector<16xi32>
      %sub3A_86 = arith.subi %get3A_84, %sub3A_85 : vector<16xi32>
      %ge3A_87 = arith.constant 0 : i32
      %ge3A_88 = vector.broadcast %ge3A_87 : i32 to vector<16xi32>
      %ge3A_89 = arith.cmpi sge, %sub3A_86, %ge3A_88 : vector<16xi32>
      %lt3A_90 = arith.constant 12544 : i32
      %lt3A_91 = vector.broadcast %lt3A_90 : i32 to vector<16xi32>
      %lt3A_92 = arith.cmpi slt, %sub3A_86, %lt3A_91 : vector<16xi32>
      %and3A_93 = arith.andi %ge3A_89, %lt3A_92 : vector<16xi1>
      %mul3A_94 = arith.constant 8 : i32
      %mul3A_95 = arith.muli %arg1, %mul3A_94 : i32
      %add3A_96 = arith.constant 12544 : i32
      %add3A_97 = arith.addi %add3A_96, %mul3A_95 : i32
      %add3A_98 = arith.constant 16 : i32
      %add3A_99 = vector.broadcast %add3A_98 : i32 to vector<16xi32>
      %add3A_100 = arith.addi %iota3A, %add3A_99 : vector<16xi32>
      %and3A_101 = arith.constant 7 : i32
      %and3A_102 = vector.broadcast %and3A_101 : i32 to vector<16xi32>
      %and3A_103 = arith.andi %add3A_100, %and3A_102 : vector<16xi32>
      %add3A_104 = vector.broadcast %add3A_97 : i32 to vector<16xi32>
      %add3A_105 = arith.addi %add3A_104, %and3A_103 : vector<16xi32>
      %select_n3A_106 = arith.select %and3A_93, %sub3A_86, %add3A_105 : vector<16xi1>, vector<16xi32>
      %swap3A_107 = arith.constant 1 : i32
      %swap3A_108 = arith.index_cast %swap3A_107 : i32 to index
      %swap3A_109 = arith.constant 16 : index
      %swap3A_110 = tpu.vector_load %arg5[%swap3A_108, %swap3A_109] {strides = array<i32>} : memref<2x112xi32, #tpu.memory_space<vmem>>, vector<1x16xi32>,
      %swap3A_111 = vector.shape_cast %swap3A_110 : vector<1x16xi32> to vector<16xi32>
      %swap3A_112 = vector.shape_cast %select_n3A_106 : vector<16xi32> to vector<1x16xi32>
      tpu.vector_store %arg5[%swap3A_108, %swap3A_109], %swap3A_112 {strides = array<i32>} : memref<2x112xi32, #tpu.memory_space<vmem>>, vector<1x16xi32>,
      %get3A_113 = arith.constant 1 : i32
      %get3A_114 = arith.index_cast %get3A_113 : i32 to index
      %get3A_115 = arith.constant 32 : index
      %get3A_116 = tpu.vector_load %arg5[%get3A_114, %get3A_115] {strides = array<i32>} : memref<2x112xi32, #tpu.memory_space<vmem>>, vector<1x16xi32>,
      %get3A_117 = vector.shape_cast %get3A_116 : vector<1x16xi32> to vector<16xi32>
      %sub3A_118 = vector.broadcast %mul3A_11 : i32 to vector<16xi32>
      %sub3A_119 = arith.subi %get3A_117, %sub3A_118 : vector<16xi32>
      %ge3A_120 = arith.constant 0 : i32
      %ge3A_121 = vector.broadcast %ge3A_120 : i32 to vector<16xi32>
      %ge3A_122 = arith.cmpi sge, %sub3A_119, %ge3A_121 : vector<16xi32>
      %lt3A_123 = arith.constant 12544 : i32
      %lt3A_124 = vector.broadcast %lt3A_123 : i32 to vector<16xi32>
      %lt3A_125 = arith.cmpi slt, %sub3A_119, %lt3A_124 : vector<16xi32>
      %and3A_126 = arith.andi %ge3A_122, %lt3A_125 : vector<16xi1>
      %mul3A_127 = arith.constant 8 : i32
      %mul3A_128 = arith.muli %arg1, %mul3A_127 : i32
      %add3A_129 = arith.constant 12544 : i32
      %add3A_130 = arith.addi %add3A_129, %mul3A_128 : i32
      %add3A_131 = arith.constant 32 : i32
      %add3A_132 = vector.broadcast %add3A_131 : i32 to vector<16xi32>
      %add3A_133 = arith.addi %iota3A, %add3A_132 : vector<16xi32>
      %and3A_134 = arith.constant 7 : i32
      %and3A_135 = vector.broadcast %and3A_134 : i32 to vector<16xi32>
      %and3A_136 = arith.andi %add3A_133, %and3A_135 : vector<16xi32>
      %add3A_137 = vector.broadcast %add3A_130 : i32 to vector<16xi32>
      %add3A_138 = arith.addi %add3A_137, %and3A_136 : vector<16xi32>
      %select_n3A_139 = arith.select %and3A_126, %sub3A_119, %add3A_138 : vector<16xi1>, vector<16xi32>
      %swap3A_140 = arith.constant 1 : i32
      %swap3A_141 = arith.index_cast %swap3A_140 : i32 to index
      %swap3A_142 = arith.constant 32 : index
      %swap3A_143 = tpu.vector_load %arg5[%swap3A_141, %swap3A_142] {strides = array<i32>} : memref<2x112xi32, #tpu.memory_space<vmem>>, vector<1x16xi32>,
      %swap3A_144 = vector.shape_cast %swap3A_143 : vector<1x16xi32> to vector<16xi32>
      %swap3A_145 = vector.shape_cast %select_n3A_139 : vector<16xi32> to vector<1x16xi32>
      tpu.vector_store %arg5[%swap3A_141, %swap3A_142], %swap3A_145 {strides = array<i32>} : memref<2x112xi32, #tpu.memory_space<vmem>>, vector<1x16xi32>,
      %get3A_146 = arith.constant 1 : i32
      %get3A_147 = arith.index_cast %get3A_146 : i32 to index
      %get3A_148 = arith.constant 48 : index
      %get3A_149 = tpu.vector_load %arg5[%get3A_147, %get3A_148] {strides = array<i32>} : memref<2x112xi32, #tpu.memory_space<vmem>>, vector<1x16xi32>,
      %get3A_150 = vector.shape_cast %get3A_149 : vector<1x16xi32> to vector<16xi32>
      %sub3A_151 = vector.broadcast %mul3A_11 : i32 to vector<16xi32>
      %sub3A_152 = arith.subi %get3A_150, %sub3A_151 : vector<16xi32>
      %ge3A_153 = arith.constant 0 : i32
      %ge3A_154 = vector.broadcast %ge3A_153 : i32 to vector<16xi32>
      %ge3A_155 = arith.cmpi sge, %sub3A_152, %ge3A_154 : vector<16xi32>
      %lt3A_156 = arith.constant 12544 : i32
      %lt3A_157 = vector.broadcast %lt3A_156 : i32 to vector<16xi32>
      %lt3A_158 = arith.cmpi slt, %sub3A_152, %lt3A_157 : vector<16xi32>
      %and3A_159 = arith.andi %ge3A_155, %lt3A_158 : vector<16xi1>
      %mul3A_160 = arith.constant 8 : i32
      %mul3A_161 = arith.muli %arg1, %mul3A_160 : i32
      %add3A_162 = arith.constant 12544 : i32
      %add3A_163 = arith.addi %add3A_162, %mul3A_161 : i32
      %add3A_164 = arith.constant 48 : i32
      %add3A_165 = vector.broadcast %add3A_164 : i32 to vector<16xi32>
      %add3A_166 = arith.addi %iota3A, %add3A_165 : vector<16xi32>
      %and3A_167 = arith.constant 7 : i32
      %and3A_168 = vector.broadcast %and3A_167 : i32 to vector<16xi32>
      %and3A_169 = arith.andi %add3A_166, %and3A_168 : vector<16xi32>
      %add3A_170 = vector.broadcast %add3A_163 : i32 to vector<16xi32>
      %add3A_171 = arith.addi %add3A_170, %and3A_169 : vector<16xi32>
      %select_n3A_172 = arith.select %and3A_159, %sub3A_152, %add3A_171 : vector<16xi1>, vector<16xi32>
      %swap3A_173 = arith.constant 1 : i32
      %swap3A_174 = arith.index_cast %swap3A_173 : i32 to index
      %swap3A_175 = arith.constant 48 : index
      %swap3A_176 = tpu.vector_load %arg5[%swap3A_174, %swap3A_175] {strides = array<i32>} : memref<2x112xi32, #tpu.memory_space<vmem>>, vector<1x16xi32>,
      %swap3A_177 = vector.shape_cast %swap3A_176 : vector<1x16xi32> to vector<16xi32>
      %swap3A_178 = vector.shape_cast %select_n3A_172 : vector<16xi32> to vector<1x16xi32>
      tpu.vector_store %arg5[%swap3A_174, %swap3A_175], %swap3A_178 {strides = array<i32>} : memref<2x112xi32, #tpu.memory_space<vmem>>, vector<1x16xi32>,
      %get3A_179 = arith.constant 1 : i32
      %get3A_180 = arith.index_cast %get3A_179 : i32 to index
      %get3A_181 = arith.constant 64 : index
      %get3A_182 = tpu.vector_load %arg5[%get3A_180, %get3A_181] {strides = array<i32>} : memref<2x112xi32, #tpu.memory_space<vmem>>, vector<1x16xi32>,
      %get3A_183 = vector.shape_cast %get3A_182 : vector<1x16xi32> to vector<16xi32>
      %sub3A_184 = vector.broadcast %mul3A_11 : i32 to vector<16xi32>
      %sub3A_185 = arith.subi %get3A_183, %sub3A_184 : vector<16xi32>
      %ge3A_186 = arith.constant 0 : i32
      %ge3A_187 = vector.broadcast %ge3A_186 : i32 to vector<16xi32>
      %ge3A_188 = arith.cmpi sge, %sub3A_185, %ge3A_187 : vector<16xi32>
      %lt3A_189 = arith.constant 12544 : i32
      %lt3A_190 = vector.broadcast %lt3A_189 : i32 to vector<16xi32>
      %lt3A_191 = arith.cmpi slt, %sub3A_185, %lt3A_190 : vector<16xi32>
      %and3A_192 = arith.andi %ge3A_188, %lt3A_191 : vector<16xi1>
      %mul3A_193 = arith.constant 8 : i32
      %mul3A_194 = arith.muli %arg1, %mul3A_193 : i32
      %add3A_195 = arith.constant 12544 : i32
      %add3A_196 = arith.addi %add3A_195, %mul3A_194 : i32
      %add3A_197 = arith.constant 64 : i32
      %add3A_198 = vector.broadcast %add3A_197 : i32 to vector<16xi32>
      %add3A_199 = arith.addi %iota3A, %add3A_198 : vector<16xi32>
      %and3A_200 = arith.constant 7 : i32
      %and3A_201 = vector.broadcast %and3A_200 : i32 to vector<16xi32>
      %and3A_202 = arith.andi %add3A_199, %and3A_201 : vector<16xi32>
      %add3A_203 = vector.broadcast %add3A_196 : i32 to vector<16xi32>
      %add3A_204 = arith.addi %add3A_203, %and3A_202 : vector<16xi32>
      %select_n3A_205 = arith.select %and3A_192, %sub3A_185, %add3A_204 : vector<16xi1>, vector<16xi32>
      %swap3A_206 = arith.constant 1 : i32
      %swap3A_207 = arith.index_cast %swap3A_206 : i32 to index
      %swap3A_208 = arith.constant 64 : index
      %swap3A_209 = tpu.vector_load %arg5[%swap3A_207, %swap3A_208] {strides = array<i32>} : memref<2x112xi32, #tpu.memory_space<vmem>>, vector<1x16xi32>,
      %swap3A_210 = vector.shape_cast %swap3A_209 : vector<1x16xi32> to vector<16xi32>
      %swap3A_211 = vector.shape_cast %select_n3A_205 : vector<16xi32> to vector<1x16xi32>
      tpu.vector_store %arg5[%swap3A_207, %swap3A_208], %swap3A_211 {strides = array<i32>} : memref<2x112xi32, #tpu.memory_space<vmem>>, vector<1x16xi32>,
      %get3A_212 = arith.constant 1 : i32
      %get3A_213 = arith.index_cast %get3A_212 : i32 to index
      %get3A_214 = arith.constant 80 : index
      %get3A_215 = tpu.vector_load %arg5[%get3A_213, %get3A_214] {strides = array<i32>} : memref<2x112xi32, #tpu.memory_space<vmem>>, vector<1x16xi32>,
      %get3A_216 = vector.shape_cast %get3A_215 : vector<1x16xi32> to vector<16xi32>
      %sub3A_217 = vector.broadcast %mul3A_11 : i32 to vector<16xi32>
      %sub3A_218 = arith.subi %get3A_216, %sub3A_217 : vector<16xi32>
      %ge3A_219 = arith.constant 0 : i32
      %ge3A_220 = vector.broadcast %ge3A_219 : i32 to vector<16xi32>
      %ge3A_221 = arith.cmpi sge, %sub3A_218, %ge3A_220 : vector<16xi32>
      %lt3A_222 = arith.constant 12544 : i32
      %lt3A_223 = vector.broadcast %lt3A_222 : i32 to vector<16xi32>
      %lt3A_224 = arith.cmpi slt, %sub3A_218, %lt3A_223 : vector<16xi32>
      %and3A_225 = arith.andi %ge3A_221, %lt3A_224 : vector<16xi1>
      %mul3A_226 = arith.constant 8 : i32
      %mul3A_227 = arith.muli %arg1, %mul3A_226 : i32
      %add3A_228 = arith.constant 12544 : i32
      %add3A_229 = arith.addi %add3A_228, %mul3A_227 : i32
      %add3A_230 = arith.constant 80 : i32
      %add3A_231 = vector.broadcast %add3A_230 : i32 to vector<16xi32>
      %add3A_232 = arith.addi %iota3A, %add3A_231 : vector<16xi32>
      %and3A_233 = arith.constant 7 : i32
      %and3A_234 = vector.broadcast %and3A_233 : i32 to vector<16xi32>
      %and3A_235 = arith.andi %add3A_232, %and3A_234 : vector<16xi32>
      %add3A_236 = vector.broadcast %add3A_229 : i32 to vector<16xi32>
      %add3A_237 = arith.addi %add3A_236, %and3A_235 : vector<16xi32>
      %select_n3A_238 = arith.select %and3A_225, %sub3A_218, %add3A_237 : vector<16xi1>, vector<16xi32>
      %swap3A_239 = arith.constant 1 : i32
      %swap3A_240 = arith.index_cast %swap3A_239 : i32 to index
      %swap3A_241 = arith.constant 80 : index
      %swap3A_242 = tpu.vector_load %arg5[%swap3A_240, %swap3A_241] {strides = array<i32>} : memref<2x112xi32, #tpu.memory_space<vmem>>, vector<1x16xi32>,
      %swap3A_243 = vector.shape_cast %swap3A_242 : vector<1x16xi32> to vector<16xi32>
      %swap3A_244 = vector.shape_cast %select_n3A_238 : vector<16xi32> to vector<1x16xi32>
      tpu.vector_store %arg5[%swap3A_240, %swap3A_241], %swap3A_244 {strides = array<i32>} : memref<2x112xi32, #tpu.memory_space<vmem>>, vector<1x16xi32>,
      %get3A_245 = arith.constant 1 : i32
      %get3A_246 = arith.index_cast %get3A_245 : i32 to index
      %get3A_247 = arith.constant 96 : index
      %get3A_248 = tpu.vector_load %arg5[%get3A_246, %get3A_247] {strides = array<i32>} : memref<2x112xi32, #tpu.memory_space<vmem>>, vector<1x16xi32>,
      %get3A_249 = vector.shape_cast %get3A_248 : vector<1x16xi32> to vector<16xi32>
      %sub3A_250 = vector.broadcast %mul3A_11 : i32 to vector<16xi32>
      %sub3A_251 = arith.subi %get3A_249, %sub3A_250 : vector<16xi32>
      %ge3A_252 = arith.constant 0 : i32
      %ge3A_253 = vector.broadcast %ge3A_252 : i32 to vector<16xi32>
      %ge3A_254 = arith.cmpi sge, %sub3A_251, %ge3A_253 : vector<16xi32>
      %lt3A_255 = arith.constant 12544 : i32
      %lt3A_256 = vector.broadcast %lt3A_255 : i32 to vector<16xi32>
      %lt3A_257 = arith.cmpi slt, %sub3A_251, %lt3A_256 : vector<16xi32>
      %and3A_258 = arith.andi %ge3A_254, %lt3A_257 : vector<16xi1>
      %mul3A_259 = arith.constant 8 : i32
      %mul3A_260 = arith.muli %arg1, %mul3A_259 : i32
      %add3A_261 = arith.constant 12544 : i32
      %add3A_262 = arith.addi %add3A_261, %mul3A_260 : i32
      %add3A_263 = arith.constant 96 : i32
      %add3A_264 = vector.broadcast %add3A_263 : i32 to vector<16xi32>
      %add3A_265 = arith.addi %iota3A, %add3A_264 : vector<16xi32>
      %and3A_266 = arith.constant 7 : i32
      %and3A_267 = vector.broadcast %and3A_266 : i32 to vector<16xi32>
      %and3A_268 = arith.andi %add3A_265, %and3A_267 : vector<16xi32>
      %add3A_269 = vector.broadcast %add3A_262 : i32 to vector<16xi32>
      %add3A_270 = arith.addi %add3A_269, %and3A_268 : vector<16xi32>
      %select_n3A_271 = arith.select %and3A_258, %sub3A_251, %add3A_270 : vector<16xi1>, vector<16xi32>
      %swap3A_272 = arith.constant 1 : i32
      %swap3A_273 = arith.index_cast %swap3A_272 : i32 to index
      %swap3A_274 = arith.constant 96 : index
      %swap3A_275 = tpu.vector_load %arg5[%swap3A_273, %swap3A_274] {strides = array<i32>} : memref<2x112xi32, #tpu.memory_space<vmem>>, vector<1x16xi32>,
      %swap3A_276 = vector.shape_cast %swap3A_275 : vector<1x16xi32> to vector<16xi32>
      %swap3A_277 = vector.shape_cast %select_n3A_271 : vector<16xi32> to vector<1x16xi32>
      tpu.vector_store %arg5[%swap3A_273, %swap3A_274], %swap3A_277 {strides = array<i32>} : memref<2x112xi32, #tpu.memory_space<vmem>>, vector<1x16xi32>,
      %dma_start3A = arith.constant 0 : i32
      %dma_start3A_278 = arith.constant 0 : i32
      %dma_start3A_279 = tpu.memref_slice %arg5[%dma_start3A, %dma_start3A_278] : memref<2x112xi32, #tpu.memory_space<vmem>> -> memref<1x112xi32, #tpu.memory_space<vmem>>
      %dma_start3A_280 = tpu.memref_squeeze %dma_start3A_279 : memref<1x112xi32, #tpu.memory_space<vmem>> -> memref<112xi32, #tpu.memory_space<vmem>>
      %dma_start3A_281 = arith.constant 0 : i32
      %dma_start3A_282 = arith.constant 0 : i32
      %dma_start3A_283 = tpu.memref_slice %arg3[%dma_start3A_281, %dma_start3A_282] : memref<50176x128xf32, #tpu.memory_space<hbm>> -> memref<50176x128xf32, #tpu.memory_space<hbm>>
      tpu.enqueue_indirect_dma source(%dma_start3A_283 : memref<50176x128xf32, #tpu.memory_space<hbm>>) target(%arg7 : memref<112x128xf32, #tpu.memory_space<vmem>>) offsets(%dma_start3A_280 : memref<112xi32, #tpu.memory_space<vmem>>) semaphore(%arg10 : memref<!tpu.dma_semaphore, #tpu.memory_space<semaphore_mem>>)
      %mul3A_284 = arith.constant 112 : i32
      %mul3A_285 = arith.muli %arg1, %mul3A_284 : i32
      %add3A_286 = arith.constant 1 : i32
      %add3A_287 = arith.addi %mul3A_285, %add3A_286 : i32
      "tpu.region"() ({
        %run_scoped3A = tpu.sem_alloc : memref<!tpu.dma_semaphore, #tpu.memory_space<semaphore_mem>>
        %dma_start3A_538 = arith.constant 0 : i32
        %dma_start3A_539 = arith.constant 0 : i32
        %dma_start3A_540 = tpu.memref_slice %arg2[%add3A_287, %dma_start3A_538, %dma_start3A_539] : memref<1792x2x112xi32, #tpu.memory_space<hbm>> -> memref<1x2x112xi32, #tpu.memory_space<hbm>>
        %dma_start3A_541 = tpu.memref_squeeze %dma_start3A_540 : memref<1x2x112xi32, #tpu.memory_space<hbm>> -> memref<2x112xi32, #tpu.memory_space<hbm>>
        %dma_start3A_542 = arith.constant 0 : i32
        %dma_start3A_543 = arith.constant 0 : i32
        %dma_start3A_544 = tpu.memref_slice %arg2[%add3A_287, %dma_start3A_542, %dma_start3A_543] : memref<1792x2x112xi32, #tpu.memory_space<hbm>> -> memref<1x2x112xi32, #tpu.memory_space<hbm>>
        %dma_start3A_545 = tpu.memref_squeeze %dma_start3A_544 : memref<1x2x112xi32, #tpu.memory_space<hbm>> -> memref<2x112xi32, #tpu.memory_space<hbm>>
        tpu.enqueue_dma source(%dma_start3A_545 : memref<2x112xi32, #tpu.memory_space<hbm>>) target(%arg6 : memref<2x112xi32, #tpu.memory_space<vmem>>) target_semaphore(%run_scoped3A : memref<!tpu.dma_semaphore, #tpu.memory_space<semaphore_mem>>)
        %dma_wait3A = arith.constant 0 : i32
        %dma_wait3A_546 = arith.constant 0 : i32
        %dma_wait3A_547 = tpu.memref_slice %arg2[%add3A_287, %dma_wait3A, %dma_wait3A_546] : memref<1792x2x112xi32, #tpu.memory_space<hbm>> -> memref<1x2x112xi32, #tpu.memory_space<hbm>>
        %dma_wait3A_548 = tpu.memref_squeeze %dma_wait3A_547 : memref<1x2x112xi32, #tpu.memory_space<hbm>> -> memref<2x112xi32, #tpu.memory_space<hbm>>
        %dma_wait3A_549 = arith.constant 0 : i32
        %dma_wait3A_550 = arith.constant 0 : i32
        %dma_wait3A_551 = tpu.memref_slice %arg2[%add3A_287, %dma_wait3A_549, %dma_wait3A_550] : memref<1792x2x112xi32, #tpu.memory_space<hbm>> -> memref<1x2x112xi32, #tpu.memory_space<hbm>>
        %dma_wait3A_552 = tpu.memref_squeeze %dma_wait3A_551 : memref<1x2x112xi32, #tpu.memory_space<hbm>> -> memref<2x112xi32, #tpu.memory_space<hbm>>
        tpu.wait_dma2 semaphore(%run_scoped3A : memref<!tpu.dma_semaphore, #tpu.memory_space<semaphore_mem>>) src(%dma_wait3A_552 : memref<2x112xi32, #tpu.memory_space<hbm>>) dst(%arg6 : memref<2x112xi32, #tpu.memory_space<vmem>>)
        tpu.yield
      }) : () -> ()
      %get3A_288 = arith.constant 1 : i32
      %get3A_289 = arith.index_cast %get3A_288 : i32 to index
      %get3A_290 = arith.constant 0 : index
      %get3A_291 = tpu.vector_load %arg6[%get3A_289, %get3A_290] {strides = array<i32>} : memref<2x112xi32, #tpu.memory_space<vmem>>, vector<1x16xi32>,
      %get3A_292 = vector.shape_cast %get3A_291 : vector<1x16xi32> to vector<16xi32>
      %sub3A_293 = vector.broadcast %mul3A_11 : i32 to vector<16xi32>
      %sub3A_294 = arith.subi %get3A_292, %sub3A_293 : vector<16xi32>
      %ge3A_295 = arith.constant 0 : i32
      %ge3A_296 = vector.broadcast %ge3A_295 : i32 to vector<16xi32>
      %ge3A_297 = arith.cmpi sge, %sub3A_294, %ge3A_296 : vector<16xi32>
      %lt3A_298 = arith.constant 12544 : i32
      %lt3A_299 = vector.broadcast %lt3A_298 : i32 to vector<16xi32>
      %lt3A_300 = arith.cmpi slt, %sub3A_294, %lt3A_299 : vector<16xi32>
      %and3A_301 = arith.andi %ge3A_297, %lt3A_300 : vector<16xi1>
      %mul3A_302 = arith.constant 8 : i32
      %mul3A_303 = arith.muli %arg1, %mul3A_302 : i32
      %add3A_304 = arith.constant 12544 : i32
      %add3A_305 = arith.addi %add3A_304, %mul3A_303 : i32
      %add3A_306 = arith.constant 0 : i32
      %add3A_307 = vector.broadcast %add3A_306 : i32 to vector<16xi32>
      %add3A_308 = arith.addi %iota3A, %add3A_307 : vector<16xi32>
      %and3A_309 = arith.constant 7 : i32
      %and3A_310 = vector.broadcast %and3A_309 : i32 to vector<16xi32>
      %and3A_311 = arith.andi %add3A_308, %and3A_310 : vector<16xi32>
      %add3A_312 = vector.broadcast %add3A_305 : i32 to vector<16xi32>
      %add3A_313 = arith.addi %add3A_312, %and3A_311 : vector<16xi32>
      %select_n3A_314 = arith.select %and3A_301, %sub3A_294, %add3A_313 : vector<16xi1>, vector<16xi32>
      %swap3A_315 = arith.constant 1 : i32
      %swap3A_316 = arith.index_cast %swap3A_315 : i32 to index
      %swap3A_317 = arith.constant 0 : index
      %swap3A_318 = tpu.vector_load %arg6[%swap3A_316, %swap3A_317] {strides = array<i32>} : memref<2x112xi32, #tpu.memory_space<vmem>>, vector<1x16xi32>,
      %swap3A_319 = vector.shape_cast %swap3A_318 : vector<1x16xi32> to vector<16xi32>
      %swap3A_320 = vector.shape_cast %select_n3A_314 : vector<16xi32> to vector<1x16xi32>
      tpu.vector_store %arg6[%swap3A_316, %swap3A_317], %swap3A_320 {strides = array<i32>} : memref<2x112xi32, #tpu.memory_space<vmem>>, vector<1x16xi32>,
      %get3A_321 = arith.constant 1 : i32
      %get3A_322 = arith.index_cast %get3A_321 : i32 to index
      %get3A_323 = arith.constant 16 : index
      %get3A_324 = tpu.vector_load %arg6[%get3A_322, %get3A_323] {strides = array<i32>} : memref<2x112xi32, #tpu.memory_space<vmem>>, vector<1x16xi32>,
      %get3A_325 = vector.shape_cast %get3A_324 : vector<1x16xi32> to vector<16xi32>
      %sub3A_326 = vector.broadcast %mul3A_11 : i32 to vector<16xi32>
      %sub3A_327 = arith.subi %get3A_325, %sub3A_326 : vector<16xi32>
      %ge3A_328 = arith.constant 0 : i32
      %ge3A_329 = vector.broadcast %ge3A_328 : i32 to vector<16xi32>
      %ge3A_330 = arith.cmpi sge, %sub3A_327, %ge3A_329 : vector<16xi32>
      %lt3A_331 = arith.constant 12544 : i32
      %lt3A_332 = vector.broadcast %lt3A_331 : i32 to vector<16xi32>
      %lt3A_333 = arith.cmpi slt, %sub3A_327, %lt3A_332 : vector<16xi32>
      %and3A_334 = arith.andi %ge3A_330, %lt3A_333 : vector<16xi1>
      %mul3A_335 = arith.constant 8 : i32
      %mul3A_336 = arith.muli %arg1, %mul3A_335 : i32
      %add3A_337 = arith.constant 12544 : i32
      %add3A_338 = arith.addi %add3A_337, %mul3A_336 : i32
      %add3A_339 = arith.constant 16 : i32
      %add3A_340 = vector.broadcast %add3A_339 : i32 to vector<16xi32>
      %add3A_341 = arith.addi %iota3A, %add3A_340 : vector<16xi32>
      %and3A_342 = arith.constant 7 : i32
      %and3A_343 = vector.broadcast %and3A_342 : i32 to vector<16xi32>
      %and3A_344 = arith.andi %add3A_341, %and3A_343 : vector<16xi32>
      %add3A_345 = vector.broadcast %add3A_338 : i32 to vector<16xi32>
      %add3A_346 = arith.addi %add3A_345, %and3A_344 : vector<16xi32>
      %select_n3A_347 = arith.select %and3A_334, %sub3A_327, %add3A_346 : vector<16xi1>, vector<16xi32>
      %swap3A_348 = arith.constant 1 : i32
      %swap3A_349 = arith.index_cast %swap3A_348 : i32 to index
      %swap3A_350 = arith.constant 16 : index
      %swap3A_351 = tpu.vector_load %arg6[%swap3A_349, %swap3A_350] {strides = array<i32>} : memref<2x112xi32, #tpu.memory_space<vmem>>, vector<1x16xi32>,
      %swap3A_352 = vector.shape_cast %swap3A_351 : vector<1x16xi32> to vector<16xi32>
      %swap3A_353 = vector.shape_cast %select_n3A_347 : vector<16xi32> to vector<1x16xi32>
      tpu.vector_store %arg6[%swap3A_349, %swap3A_350], %swap3A_353 {strides = array<i32>} : memref<2x112xi32, #tpu.memory_space<vmem>>, vector<1x16xi32>,
      %get3A_354 = arith.constant 1 : i32
      %get3A_355 = arith.index_cast %get3A_354 : i32 to index
      %get3A_356 = arith.constant 32 : index
      %get3A_357 = tpu.vector_load %arg6[%get3A_355, %get3A_356] {strides = array<i32>} : memref<2x112xi32, #tpu.memory_space<vmem>>, vector<1x16xi32>,
      %get3A_358 = vector.shape_cast %get3A_357 : vector<1x16xi32> to vector<16xi32>
      %sub3A_359 = vector.broadcast %mul3A_11 : i32 to vector<16xi32>
      %sub3A_360 = arith.subi %get3A_358, %sub3A_359 : vector<16xi32>
      %ge3A_361 = arith.constant 0 : i32
      %ge3A_362 = vector.broadcast %ge3A_361 : i32 to vector<16xi32>
      %ge3A_363 = arith.cmpi sge, %sub3A_360, %ge3A_362 : vector<16xi32>
      %lt3A_364 = arith.constant 12544 : i32
      %lt3A_365 = vector.broadcast %lt3A_364 : i32 to vector<16xi32>
      %lt3A_366 = arith.cmpi slt, %sub3A_360, %lt3A_365 : vector<16xi32>
      %and3A_367 = arith.andi %ge3A_363, %lt3A_366 : vector<16xi1>
      %mul3A_368 = arith.constant 8 : i32
      %mul3A_369 = arith.muli %arg1, %mul3A_368 : i32
      %add3A_370 = arith.constant 12544 : i32
      %add3A_371 = arith.addi %add3A_370, %mul3A_369 : i32
      %add3A_372 = arith.constant 32 : i32
      %add3A_373 = vector.broadcast %add3A_372 : i32 to vector<16xi32>
      %add3A_374 = arith.addi %iota3A, %add3A_373 : vector<16xi32>
      %and3A_375 = arith.constant 7 : i32
      %and3A_376 = vector.broadcast %and3A_375 : i32 to vector<16xi32>
      %and3A_377 = arith.andi %add3A_374, %and3A_376 : vector<16xi32>
      %add3A_378 = vector.broadcast %add3A_371 : i32 to vector<16xi32>
      %add3A_379 = arith.addi %add3A_378, %and3A_377 : vector<16xi32>
      %select_n3A_380 = arith.select %and3A_367, %sub3A_360, %add3A_379 : vector<16xi1>, vector<16xi32>
      %swap3A_381 = arith.constant 1 : i32
      %swap3A_382 = arith.index_cast %swap3A_381 : i32 to index
      %swap3A_383 = arith.constant 32 : index
      %swap3A_384 = tpu.vector_load %arg6[%swap3A_382, %swap3A_383] {strides = array<i32>} : memref<2x112xi32, #tpu.memory_space<vmem>>, vector<1x16xi32>,
      %swap3A_385 = vector.shape_cast %swap3A_384 : vector<1x16xi32> to vector<16xi32>
      %swap3A_386 = vector.shape_cast %select_n3A_380 : vector<16xi32> to vector<1x16xi32>
      tpu.vector_store %arg6[%swap3A_382, %swap3A_383], %swap3A_386 {strides = array<i32>} : memref<2x112xi32, #tpu.memory_space<vmem>>, vector<1x16xi32>,
      %get3A_387 = arith.constant 1 : i32
      %get3A_388 = arith.index_cast %get3A_387 : i32 to index
      %get3A_389 = arith.constant 48 : index
      %get3A_390 = tpu.vector_load %arg6[%get3A_388, %get3A_389] {strides = array<i32>} : memref<2x112xi32, #tpu.memory_space<vmem>>, vector<1x16xi32>,
      %get3A_391 = vector.shape_cast %get3A_390 : vector<1x16xi32> to vector<16xi32>
      %sub3A_392 = vector.broadcast %mul3A_11 : i32 to vector<16xi32>
      %sub3A_393 = arith.subi %get3A_391, %sub3A_392 : vector<16xi32>
      %ge3A_394 = arith.constant 0 : i32
      %ge3A_395 = vector.broadcast %ge3A_394 : i32 to vector<16xi32>
      %ge3A_396 = arith.cmpi sge, %sub3A_393, %ge3A_395 : vector<16xi32>
      %lt3A_397 = arith.constant 12544 : i32
      %lt3A_398 = vector.broadcast %lt3A_397 : i32 to vector<16xi32>
      %lt3A_399 = arith.cmpi slt, %sub3A_393, %lt3A_398 : vector<16xi32>
      %and3A_400 = arith.andi %ge3A_396, %lt3A_399 : vector<16xi1>
      %mul3A_401 = arith.constant 8 : i32
      %mul3A_402 = arith.muli %arg1, %mul3A_401 : i32
      %add3A_403 = arith.constant 12544 : i32
      %add3A_404 = arith.addi %add3A_403, %mul3A_402 : i32
      %add3A_405 = arith.constant 48 : i32
      %add3A_406 = vector.broadcast %add3A_405 : i32 to vector<16xi32>
      %add3A_407 = arith.addi %iota3A, %add3A_406 : vector<16xi32>
      %and3A_408 = arith.constant 7 : i32
      %and3A_409 = vector.broadcast %and3A_408 : i32 to vector<16xi32>
      %and3A_410 = arith.andi %add3A_407, %and3A_409 : vector<16xi32>
      %add3A_411 = vector.broadcast %add3A_404 : i32 to vector<16xi32>
      %add3A_412 = arith.addi %add3A_411, %and3A_410 : vector<16xi32>
      %select_n3A_413 = arith.select %and3A_400, %sub3A_393, %add3A_412 : vector<16xi1>, vector<16xi32>
      %swap3A_414 = arith.constant 1 : i32
      %swap3A_415 = arith.index_cast %swap3A_414 : i32 to index
      %swap3A_416 = arith.constant 48 : index
      %swap3A_417 = tpu.vector_load %arg6[%swap3A_415, %swap3A_416] {strides = array<i32>} : memref<2x112xi32, #tpu.memory_space<vmem>>, vector<1x16xi32>,
      %swap3A_418 = vector.shape_cast %swap3A_417 : vector<1x16xi32> to vector<16xi32>
      %swap3A_419 = vector.shape_cast %select_n3A_413 : vector<16xi32> to vector<1x16xi32>
      tpu.vector_store %arg6[%swap3A_415, %swap3A_416], %swap3A_419 {strides = array<i32>} : memref<2x112xi32, #tpu.memory_space<vmem>>, vector<1x16xi32>,
      %get3A_420 = arith.constant 1 : i32
      %get3A_421 = arith.index_cast %get3A_420 : i32 to index
      %get3A_422 = arith.constant 64 : index
      %get3A_423 = tpu.vector_load %arg6[%get3A_421, %get3A_422] {strides = array<i32>} : memref<2x112xi32, #tpu.memory_space<vmem>>, vector<1x16xi32>,
      %get3A_424 = vector.shape_cast %get3A_423 : vector<1x16xi32> to vector<16xi32>
      %sub3A_425 = vector.broadcast %mul3A_11 : i32 to vector<16xi32>
      %sub3A_426 = arith.subi %get3A_424, %sub3A_425 : vector<16xi32>
      %ge3A_427 = arith.constant 0 : i32
      %ge3A_428 = vector.broadcast %ge3A_427 : i32 to vector<16xi32>
      %ge3A_429 = arith.cmpi sge, %sub3A_426, %ge3A_428 : vector<16xi32>
      %lt3A_430 = arith.constant 12544 : i32
      %lt3A_431 = vector.broadcast %lt3A_430 : i32 to vector<16xi32>
      %lt3A_432 = arith.cmpi slt, %sub3A_426, %lt3A_431 : vector<16xi32>
      %and3A_433 = arith.andi %ge3A_429, %lt3A_432 : vector<16xi1>
      %mul3A_434 = arith.constant 8 : i32
      %mul3A_435 = arith.muli %arg1, %mul3A_434 : i32
      %add3A_436 = arith.constant 12544 : i32
      %add3A_437 = arith.addi %add3A_436, %mul3A_435 : i32
      %add3A_438 = arith.constant 64 : i32
      %add3A_439 = vector.broadcast %add3A_438 : i32 to vector<16xi32>
      %add3A_440 = arith.addi %iota3A, %add3A_439 : vector<16xi32>
      %and3A_441 = arith.constant 7 : i32
      %and3A_442 = vector.broadcast %and3A_441 : i32 to vector<16xi32>
      %and3A_443 = arith.andi %add3A_440, %and3A_442 : vector<16xi32>
      %add3A_444 = vector.broadcast %add3A_437 : i32 to vector<16xi32>
      %add3A_445 = arith.addi %add3A_444, %and3A_443 : vector<16xi32>
      %select_n3A_446 = arith.select %and3A_433, %sub3A_426, %add3A_445 : vector<16xi1>, vector<16xi32>
      %swap3A_447 = arith.constant 1 : i32
      %swap3A_448 = arith.index_cast %swap3A_447 : i32 to index
      %swap3A_449 = arith.constant 64 : index
      %swap3A_450 = tpu.vector_load %arg6[%swap3A_448, %swap3A_449] {strides = array<i32>} : memref<2x112xi32, #tpu.memory_space<vmem>>, vector<1x16xi32>,
      %swap3A_451 = vector.shape_cast %swap3A_450 : vector<1x16xi32> to vector<16xi32>
      %swap3A_452 = vector.shape_cast %select_n3A_446 : vector<16xi32> to vector<1x16xi32>
      tpu.vector_store %arg6[%swap3A_448, %swap3A_449], %swap3A_452 {strides = array<i32>} : memref<2x112xi32, #tpu.memory_space<vmem>>, vector<1x16xi32>,
      %get3A_453 = arith.constant 1 : i32
      %get3A_454 = arith.index_cast %get3A_453 : i32 to index
      %get3A_455 = arith.constant 80 : index
      %get3A_456 = tpu.vector_load %arg6[%get3A_454, %get3A_455] {strides = array<i32>} : memref<2x112xi32, #tpu.memory_space<vmem>>, vector<1x16xi32>,
      %get3A_457 = vector.shape_cast %get3A_456 : vector<1x16xi32> to vector<16xi32>
      %sub3A_458 = vector.broadcast %mul3A_11 : i32 to vector<16xi32>
      %sub3A_459 = arith.subi %get3A_457, %sub3A_458 : vector<16xi32>
      %ge3A_460 = arith.constant 0 : i32
      %ge3A_461 = vector.broadcast %ge3A_460 : i32 to vector<16xi32>
      %ge3A_462 = arith.cmpi sge, %sub3A_459, %ge3A_461 : vector<16xi32>
      %lt3A_463 = arith.constant 12544 : i32
      %lt3A_464 = vector.broadcast %lt3A_463 : i32 to vector<16xi32>
      %lt3A_465 = arith.cmpi slt, %sub3A_459, %lt3A_464 : vector<16xi32>
      %and3A_466 = arith.andi %ge3A_462, %lt3A_465 : vector<16xi1>
      %mul3A_467 = arith.constant 8 : i32
      %mul3A_468 = arith.muli %arg1, %mul3A_467 : i32
      %add3A_469 = arith.constant 12544 : i32
      %add3A_470 = arith.addi %add3A_469, %mul3A_468 : i32
      %add3A_471 = arith.constant 80 : i32
      %add3A_472 = vector.broadcast %add3A_471 : i32 to vector<16xi32>
      %add3A_473 = arith.addi %iota3A, %add3A_472 : vector<16xi32>
      %and3A_474 = arith.constant 7 : i32
      %and3A_475 = vector.broadcast %and3A_474 : i32 to vector<16xi32>
      %and3A_476 = arith.andi %add3A_473, %and3A_475 : vector<16xi32>
      %add3A_477 = vector.broadcast %add3A_470 : i32 to vector<16xi32>
      %add3A_478 = arith.addi %add3A_477, %and3A_476 : vector<16xi32>
      %select_n3A_479 = arith.select %and3A_466, %sub3A_459, %add3A_478 : vector<16xi1>, vector<16xi32>
      %swap3A_480 = arith.constant 1 : i32
      %swap3A_481 = arith.index_cast %swap3A_480 : i32 to index
      %swap3A_482 = arith.constant 80 : index
      %swap3A_483 = tpu.vector_load %arg6[%swap3A_481, %swap3A_482] {strides = array<i32>} : memref<2x112xi32, #tpu.memory_space<vmem>>, vector<1x16xi32>,
      %swap3A_484 = vector.shape_cast %swap3A_483 : vector<1x16xi32> to vector<16xi32>
      %swap3A_485 = vector.shape_cast %select_n3A_479 : vector<16xi32> to vector<1x16xi32>
      tpu.vector_store %arg6[%swap3A_481, %swap3A_482], %swap3A_485 {strides = array<i32>} : memref<2x112xi32, #tpu.memory_space<vmem>>, vector<1x16xi32>,
      %get3A_486 = arith.constant 1 : i32
      %get3A_487 = arith.index_cast %get3A_486 : i32 to index
      %get3A_488 = arith.constant 96 : index
      %get3A_489 = tpu.vector_load %arg6[%get3A_487, %get3A_488] {strides = array<i32>} : memref<2x112xi32, #tpu.memory_space<vmem>>, vector<1x16xi32>,
      %get3A_490 = vector.shape_cast %get3A_489 : vector<1x16xi32> to vector<16xi32>
      %sub3A_491 = vector.broadcast %mul3A_11 : i32 to vector<16xi32>
      %sub3A_492 = arith.subi %get3A_490, %sub3A_491 : vector<16xi32>
      %ge3A_493 = arith.constant 0 : i32
      %ge3A_494 = vector.broadcast %ge3A_493 : i32 to vector<16xi32>
      %ge3A_495 = arith.cmpi sge, %sub3A_492, %ge3A_494 : vector<16xi32>
      %lt3A_496 = arith.constant 12544 : i32
      %lt3A_497 = vector.broadcast %lt3A_496 : i32 to vector<16xi32>
      %lt3A_498 = arith.cmpi slt, %sub3A_492, %lt3A_497 : vector<16xi32>
      %and3A_499 = arith.andi %ge3A_495, %lt3A_498 : vector<16xi1>
      %mul3A_500 = arith.constant 8 : i32
      %mul3A_501 = arith.muli %arg1, %mul3A_500 : i32
      %add3A_502 = arith.constant 12544 : i32
      %add3A_503 = arith.addi %add3A_502, %mul3A_501 : i32
      %add3A_504 = arith.constant 96 : i32
      %add3A_505 = vector.broadcast %add3A_504 : i32 to vector<16xi32>
      %add3A_506 = arith.addi %iota3A, %add3A_505 : vector<16xi32>
      %and3A_507 = arith.constant 7 : i32
      %and3A_508 = vector.broadcast %and3A_507 : i32 to vector<16xi32>
      %and3A_509 = arith.andi %add3A_506, %and3A_508 : vector<16xi32>
      %add3A_510 = vector.broadcast %add3A_503 : i32 to vector<16xi32>
      %add3A_511 = arith.addi %add3A_510, %and3A_509 : vector<16xi32>
      %select_n3A_512 = arith.select %and3A_499, %sub3A_492, %add3A_511 : vector<16xi1>, vector<16xi32>
      %swap3A_513 = arith.constant 1 : i32
      %swap3A_514 = arith.index_cast %swap3A_513 : i32 to index
      %swap3A_515 = arith.constant 96 : index
      %swap3A_516 = tpu.vector_load %arg6[%swap3A_514, %swap3A_515] {strides = array<i32>} : memref<2x112xi32, #tpu.memory_space<vmem>>, vector<1x16xi32>,
      %swap3A_517 = vector.shape_cast %swap3A_516 : vector<1x16xi32> to vector<16xi32>
      %swap3A_518 = vector.shape_cast %select_n3A_512 : vector<16xi32> to vector<1x16xi32>
      tpu.vector_store %arg6[%swap3A_514, %swap3A_515], %swap3A_518 {strides = array<i32>} : memref<2x112xi32, #tpu.memory_space<vmem>>, vector<1x16xi32>,
      %dma_start3A_519 = arith.constant 0 : i32
      %dma_start3A_520 = arith.constant 0 : i32
      %dma_start3A_521 = tpu.memref_slice %arg6[%dma_start3A_519, %dma_start3A_520] : memref<2x112xi32, #tpu.memory_space<vmem>> -> memref<1x112xi32, #tpu.memory_space<vmem>>
      %dma_start3A_522 = tpu.memref_squeeze %dma_start3A_521 : memref<1x112xi32, #tpu.memory_space<vmem>> -> memref<112xi32, #tpu.memory_space<vmem>>
      %dma_start3A_523 = arith.constant 0 : i32
      %dma_start3A_524 = arith.constant 0 : i32
      %dma_start3A_525 = tpu.memref_slice %arg3[%dma_start3A_523, %dma_start3A_524] : memref<50176x128xf32, #tpu.memory_space<hbm>> -> memref<50176x128xf32, #tpu.memory_space<hbm>>
      tpu.enqueue_indirect_dma source(%dma_start3A_525 : memref<50176x128xf32, #tpu.memory_space<hbm>>) target(%arg8 : memref<112x128xf32, #tpu.memory_space<vmem>>) offsets(%dma_start3A_522 : memref<112xi32, #tpu.memory_space<vmem>>) semaphore(%arg11 : memref<!tpu.dma_semaphore, #tpu.memory_space<semaphore_mem>>)
      %scan3A_526 = arith.constant 0 : i32
      %scan3A_527 = arith.constant 56 : i32
      %scan3A_528 = arith.addi %scan3A_526, %scan3A_527 : i32
      %scan3A_529 = arith.constant 1 : i32
      scf.for %scan3A_538 = %scan3A_526 to %scan3A_528 step %scan3A_529  : i32 {
        %mul3A_539 = arith.constant 1 : i32
        %mul3A_540 = arith.muli %scan3A_538, %mul3A_539 : i32
        %add3A_541 = arith.constant 0 : i32
        %add3A_542 = arith.addi %add3A_541, %mul3A_540 : i32
        %dma_wait3A = arith.constant 0 : i32
        %dma_wait3A_543 = arith.constant 0 : i32
        %dma_wait3A_544 = tpu.memref_slice %arg5[%dma_wait3A, %dma_wait3A_543] : memref<2x112xi32, #tpu.memory_space<vmem>> -> memref<1x112xi32, #tpu.memory_space<vmem>>
        %dma_wait3A_545 = tpu.memref_squeeze %dma_wait3A_544 : memref<1x112xi32, #tpu.memory_space<vmem>> -> memref<112xi32, #tpu.memory_space<vmem>>
        %dma_wait3A_546 = arith.constant 0 : i32
        %dma_wait3A_547 = arith.constant 0 : i32
        %dma_wait3A_548 = tpu.memref_slice %arg3[%dma_wait3A_546, %dma_wait3A_547] : memref<50176x128xf32, #tpu.memory_space<hbm>> -> memref<50176x128xf32, #tpu.memory_space<hbm>>
        tpu.wait_indirect_dma semaphore(%arg10 : memref<!tpu.dma_semaphore, #tpu.memory_space<semaphore_mem>>) src(%dma_wait3A_548 : memref<50176x128xf32, #tpu.memory_space<hbm>>) dst(%arg7 : memref<112x128xf32, #tpu.memory_space<vmem>>)
        %run_scoped3A = arith.constant 1 : i32
        "tpu.region"() ({
          %run_scoped3A_565 = tpu.sem_alloc : memref<!tpu.dma_semaphore, #tpu.memory_space<semaphore_mem>>
          %dma_start3A_566 = arith.constant 0 : i32
          %dma_start3A_567 = tpu.memref_slice %arg5[%run_scoped3A, %dma_start3A_566] : memref<2x112xi32, #tpu.memory_space<vmem>> -> memref<1x112xi32, #tpu.memory_space<vmem>>
          %dma_start3A_568 = tpu.memref_squeeze %dma_start3A_567 : memref<1x112xi32, #tpu.memory_space<vmem>> -> memref<112xi32, #tpu.memory_space<vmem>>
          %dma_start3A_569 = arith.constant 0 : i32
          %dma_start3A_570 = arith.constant 0 : i32
          %dma_start3A_571 = tpu.memref_slice %arg9[%dma_start3A_569, %dma_start3A_570] : memref<12672x128xf32, #tpu.memory_space<vmem_shared>> -> memref<12672x128xf32, #tpu.memory_space<vmem_shared>>
          tpu.enqueue_indirect_dma source(%arg7 : memref<112x128xf32, #tpu.memory_space<vmem>>) target(%dma_start3A_571 : memref<12672x128xf32, #tpu.memory_space<vmem_shared>>) offsets(%dma_start3A_568 : memref<112xi32, #tpu.memory_space<vmem>>) semaphore(%run_scoped3A_565 : memref<!tpu.dma_semaphore, #tpu.memory_space<semaphore_mem>>) {add = true}
          %dma_wait3A_572 = arith.constant 0 : i32
          %dma_wait3A_573 = tpu.memref_slice %arg5[%run_scoped3A, %dma_wait3A_572] : memref<2x112xi32, #tpu.memory_space<vmem>> -> memref<1x112xi32, #tpu.memory_space<vmem>>
          %dma_wait3A_574 = tpu.memref_squeeze %dma_wait3A_573 : memref<1x112xi32, #tpu.memory_space<vmem>> -> memref<112xi32, #tpu.memory_space<vmem>>
          %dma_wait3A_575 = arith.constant 0 : i32
          %dma_wait3A_576 = arith.constant 0 : i32
          %dma_wait3A_577 = tpu.memref_slice %arg9[%dma_wait3A_575, %dma_wait3A_576] : memref<12672x128xf32, #tpu.memory_space<vmem_shared>> -> memref<12672x128xf32, #tpu.memory_space<vmem_shared>>
          tpu.wait_indirect_dma semaphore(%run_scoped3A_565 : memref<!tpu.dma_semaphore, #tpu.memory_space<semaphore_mem>>) src(%arg7 : memref<112x128xf32, #tpu.memory_space<vmem>>) dst(%dma_wait3A_577 : memref<12672x128xf32, #tpu.memory_space<vmem_shared>>)
          tpu.yield
        }) : () -> ()
        %lt3A_549 = arith.constant 55 : i32
        %lt3A_550 = arith.cmpi slt, %add3A_542, %lt3A_549 : i32
        %convert_element_type3A = arith.extui %lt3A_550 : i1 to i32
        %cond3A = arith.constant 0 : i32
        %cond3A_551 = arith.cmpi ne, %convert_element_type3A, %cond3A : i32
        scf.if %cond3A_551 {
          %mul3A_565 = arith.constant 2 : i32
          %mul3A_566 = arith.muli %mul3A_565, %add3A_542 : i32
          %add3A_567 = arith.constant 2 : i32
          %add3A_568 = arith.addi %mul3A_566, %add3A_567 : i32
          %mul3A_569 = arith.constant 112 : i32
          %mul3A_570 = arith.muli %arg1, %mul3A_569 : i32
          %add3A_571 = arith.addi %mul3A_570, %add3A_568 : i32
          "tpu.region"() ({
            %run_scoped3A_810 = tpu.sem_alloc : memref<!tpu.dma_semaphore, #tpu.memory_space<semaphore_mem>>
            %dma_start3A_811 = arith.constant 0 : i32
            %dma_start3A_812 = arith.constant 0 : i32
            %dma_start3A_813 = tpu.memref_slice %arg2[%add3A_571, %dma_start3A_811, %dma_start3A_812] : memref<1792x2x112xi32, #tpu.memory_space<hbm>> -> memref<1x2x112xi32, #tpu.memory_space<hbm>>
            %dma_start3A_814 = tpu.memref_squeeze %dma_start3A_813 : memref<1x2x112xi32, #tpu.memory_space<hbm>> -> memref<2x112xi32, #tpu.memory_space<hbm>>
            %dma_start3A_815 = arith.constant 0 : i32
            %dma_start3A_816 = arith.constant 0 : i32
            %dma_start3A_817 = tpu.memref_slice %arg2[%add3A_571, %dma_start3A_815, %dma_start3A_816] : memref<1792x2x112xi32, #tpu.memory_space<hbm>> -> memref<1x2x112xi32, #tpu.memory_space<hbm>>
            %dma_start3A_818 = tpu.memref_squeeze %dma_start3A_817 : memref<1x2x112xi32, #tpu.memory_space<hbm>> -> memref<2x112xi32, #tpu.memory_space<hbm>>
            tpu.enqueue_dma source(%dma_start3A_818 : memref<2x112xi32, #tpu.memory_space<hbm>>) target(%arg5 : memref<2x112xi32, #tpu.memory_space<vmem>>) target_semaphore(%run_scoped3A_810 : memref<!tpu.dma_semaphore, #tpu.memory_space<semaphore_mem>>)
            %dma_wait3A_819 = arith.constant 0 : i32
            %dma_wait3A_820 = arith.constant 0 : i32
            %dma_wait3A_821 = tpu.memref_slice %arg2[%add3A_571, %dma_wait3A_819, %dma_wait3A_820] : memref<1792x2x112xi32, #tpu.memory_space<hbm>> -> memref<1x2x112xi32, #tpu.memory_space<hbm>>
            %dma_wait3A_822 = tpu.memref_squeeze %dma_wait3A_821 : memref<1x2x112xi32, #tpu.memory_space<hbm>> -> memref<2x112xi32, #tpu.memory_space<hbm>>
            %dma_wait3A_823 = arith.constant 0 : i32
            %dma_wait3A_824 = arith.constant 0 : i32
            %dma_wait3A_825 = tpu.memref_slice %arg2[%add3A_571, %dma_wait3A_823, %dma_wait3A_824] : memref<1792x2x112xi32, #tpu.memory_space<hbm>> -> memref<1x2x112xi32, #tpu.memory_space<hbm>>
            %dma_wait3A_826 = tpu.memref_squeeze %dma_wait3A_825 : memref<1x2x112xi32, #tpu.memory_space<hbm>> -> memref<2x112xi32, #tpu.memory_space<hbm>>
            tpu.wait_dma2 semaphore(%run_scoped3A_810 : memref<!tpu.dma_semaphore, #tpu.memory_space<semaphore_mem>>) src(%dma_wait3A_826 : memref<2x112xi32, #tpu.memory_space<hbm>>) dst(%arg5 : memref<2x112xi32, #tpu.memory_space<vmem>>)
            tpu.yield
          }) : () -> ()
          %get3A_572 = arith.constant 1 : i32
          %get3A_573 = arith.index_cast %get3A_572 : i32 to index
          %get3A_574 = arith.constant 0 : index
          %get3A_575 = tpu.vector_load %arg5[%get3A_573, %get3A_574] {strides = array<i32>} : memref<2x112xi32, #tpu.memory_space<vmem>>, vector<1x16xi32>,
          %get3A_576 = vector.shape_cast %get3A_575 : vector<1x16xi32> to vector<16xi32>
          %sub3A_577 = vector.broadcast %mul3A_11 : i32 to vector<16xi32>
          %sub3A_578 = arith.subi %get3A_576, %sub3A_577 : vector<16xi32>
          %ge3A_579 = arith.constant 0 : i32
          %ge3A_580 = vector.broadcast %ge3A_579 : i32 to vector<16xi32>
          %ge3A_581 = arith.cmpi sge, %sub3A_578, %ge3A_580 : vector<16xi32>
          %lt3A_582 = arith.constant 12544 : i32
          %lt3A_583 = vector.broadcast %lt3A_582 : i32 to vector<16xi32>
          %lt3A_584 = arith.cmpi slt, %sub3A_578, %lt3A_583 : vector<16xi32>
          %and3A_585 = arith.andi %ge3A_581, %lt3A_584 : vector<16xi1>
          %mul3A_586 = arith.constant 8 : i32
          %mul3A_587 = arith.muli %arg1, %mul3A_586 : i32
          %add3A_588 = arith.constant 12544 : i32
          %add3A_589 = arith.addi %add3A_588, %mul3A_587 : i32
          %add3A_590 = arith.constant 0 : i32
          %add3A_591 = vector.broadcast %add3A_590 : i32 to vector<16xi32>
          %add3A_592 = arith.addi %iota3A, %add3A_591 : vector<16xi32>
          %and3A_593 = arith.constant 7 : i32
          %and3A_594 = vector.broadcast %and3A_593 : i32 to vector<16xi32>
          %and3A_595 = arith.andi %add3A_592, %and3A_594 : vector<16xi32>
          %add3A_596 = vector.broadcast %add3A_589 : i32 to vector<16xi32>
          %add3A_597 = arith.addi %add3A_596, %and3A_595 : vector<16xi32>
          %select_n3A_598 = arith.select %and3A_585, %sub3A_578, %add3A_597 : vector<16xi1>, vector<16xi32>
          %swap3A_599 = arith.constant 1 : i32
          %swap3A_600 = arith.index_cast %swap3A_599 : i32 to index
          %swap3A_601 = arith.constant 0 : index
          %swap3A_602 = tpu.vector_load %arg5[%swap3A_600, %swap3A_601] {strides = array<i32>} : memref<2x112xi32, #tpu.memory_space<vmem>>, vector<1x16xi32>,
          %swap3A_603 = vector.shape_cast %swap3A_602 : vector<1x16xi32> to vector<16xi32>
          %swap3A_604 = vector.shape_cast %select_n3A_598 : vector<16xi32> to vector<1x16xi32>
          tpu.vector_store %arg5[%swap3A_600, %swap3A_601], %swap3A_604 {strides = array<i32>} : memref<2x112xi32, #tpu.memory_space<vmem>>, vector<1x16xi32>,
          %get3A_605 = arith.constant 1 : i32
          %get3A_606 = arith.index_cast %get3A_605 : i32 to index
          %get3A_607 = arith.constant 16 : index
          %get3A_608 = tpu.vector_load %arg5[%get3A_606, %get3A_607] {strides = array<i32>} : memref<2x112xi32, #tpu.memory_space<vmem>>, vector<1x16xi32>,
          %get3A_609 = vector.shape_cast %get3A_608 : vector<1x16xi32> to vector<16xi32>
          %sub3A_610 = vector.broadcast %mul3A_11 : i32 to vector<16xi32>
          %sub3A_611 = arith.subi %get3A_609, %sub3A_610 : vector<16xi32>
          %ge3A_612 = arith.constant 0 : i32
          %ge3A_613 = vector.broadcast %ge3A_612 : i32 to vector<16xi32>
          %ge3A_614 = arith.cmpi sge, %sub3A_611, %ge3A_613 : vector<16xi32>
          %lt3A_615 = arith.constant 12544 : i32
          %lt3A_616 = vector.broadcast %lt3A_615 : i32 to vector<16xi32>
          %lt3A_617 = arith.cmpi slt, %sub3A_611, %lt3A_616 : vector<16xi32>
          %and3A_618 = arith.andi %ge3A_614, %lt3A_617 : vector<16xi1>
          %mul3A_619 = arith.constant 8 : i32
          %mul3A_620 = arith.muli %arg1, %mul3A_619 : i32
          %add3A_621 = arith.constant 12544 : i32
          %add3A_622 = arith.addi %add3A_621, %mul3A_620 : i32
          %add3A_623 = arith.constant 16 : i32
          %add3A_624 = vector.broadcast %add3A_623 : i32 to vector<16xi32>
          %add3A_625 = arith.addi %iota3A, %add3A_624 : vector<16xi32>
          %and3A_626 = arith.constant 7 : i32
          %and3A_627 = vector.broadcast %and3A_626 : i32 to vector<16xi32>
          %and3A_628 = arith.andi %add3A_625, %and3A_627 : vector<16xi32>
          %add3A_629 = vector.broadcast %add3A_622 : i32 to vector<16xi32>
          %add3A_630 = arith.addi %add3A_629, %and3A_628 : vector<16xi32>
          %select_n3A_631 = arith.select %and3A_618, %sub3A_611, %add3A_630 : vector<16xi1>, vector<16xi32>
          %swap3A_632 = arith.constant 1 : i32
          %swap3A_633 = arith.index_cast %swap3A_632 : i32 to index
          %swap3A_634 = arith.constant 16 : index
          %swap3A_635 = tpu.vector_load %arg5[%swap3A_633, %swap3A_634] {strides = array<i32>} : memref<2x112xi32, #tpu.memory_space<vmem>>, vector<1x16xi32>,
          %swap3A_636 = vector.shape_cast %swap3A_635 : vector<1x16xi32> to vector<16xi32>
          %swap3A_637 = vector.shape_cast %select_n3A_631 : vector<16xi32> to vector<1x16xi32>
          tpu.vector_store %arg5[%swap3A_633, %swap3A_634], %swap3A_637 {strides = array<i32>} : memref<2x112xi32, #tpu.memory_space<vmem>>, vector<1x16xi32>,
          %get3A_638 = arith.constant 1 : i32
          %get3A_639 = arith.index_cast %get3A_638 : i32 to index
          %get3A_640 = arith.constant 32 : index
          %get3A_641 = tpu.vector_load %arg5[%get3A_639, %get3A_640] {strides = array<i32>} : memref<2x112xi32, #tpu.memory_space<vmem>>, vector<1x16xi32>,
          %get3A_642 = vector.shape_cast %get3A_641 : vector<1x16xi32> to vector<16xi32>
          %sub3A_643 = vector.broadcast %mul3A_11 : i32 to vector<16xi32>
          %sub3A_644 = arith.subi %get3A_642, %sub3A_643 : vector<16xi32>
          %ge3A_645 = arith.constant 0 : i32
          %ge3A_646 = vector.broadcast %ge3A_645 : i32 to vector<16xi32>
          %ge3A_647 = arith.cmpi sge, %sub3A_644, %ge3A_646 : vector<16xi32>
          %lt3A_648 = arith.constant 12544 : i32
          %lt3A_649 = vector.broadcast %lt3A_648 : i32 to vector<16xi32>
          %lt3A_650 = arith.cmpi slt, %sub3A_644, %lt3A_649 : vector<16xi32>
          %and3A_651 = arith.andi %ge3A_647, %lt3A_650 : vector<16xi1>
          %mul3A_652 = arith.constant 8 : i32
          %mul3A_653 = arith.muli %arg1, %mul3A_652 : i32
          %add3A_654 = arith.constant 12544 : i32
          %add3A_655 = arith.addi %add3A_654, %mul3A_653 : i32
          %add3A_656 = arith.constant 32 : i32
          %add3A_657 = vector.broadcast %add3A_656 : i32 to vector<16xi32>
          %add3A_658 = arith.addi %iota3A, %add3A_657 : vector<16xi32>
          %and3A_659 = arith.constant 7 : i32
          %and3A_660 = vector.broadcast %and3A_659 : i32 to vector<16xi32>
          %and3A_661 = arith.andi %add3A_658, %and3A_660 : vector<16xi32>
          %add3A_662 = vector.broadcast %add3A_655 : i32 to vector<16xi32>
          %add3A_663 = arith.addi %add3A_662, %and3A_661 : vector<16xi32>
          %select_n3A_664 = arith.select %and3A_651, %sub3A_644, %add3A_663 : vector<16xi1>, vector<16xi32>
          %swap3A_665 = arith.constant 1 : i32
          %swap3A_666 = arith.index_cast %swap3A_665 : i32 to index
          %swap3A_667 = arith.constant 32 : index
          %swap3A_668 = tpu.vector_load %arg5[%swap3A_666, %swap3A_667] {strides = array<i32>} : memref<2x112xi32, #tpu.memory_space<vmem>>, vector<1x16xi32>,
          %swap3A_669 = vector.shape_cast %swap3A_668 : vector<1x16xi32> to vector<16xi32>
          %swap3A_670 = vector.shape_cast %select_n3A_664 : vector<16xi32> to vector<1x16xi32>
          tpu.vector_store %arg5[%swap3A_666, %swap3A_667], %swap3A_670 {strides = array<i32>} : memref<2x112xi32, #tpu.memory_space<vmem>>, vector<1x16xi32>,
          %get3A_671 = arith.constant 1 : i32
          %get3A_672 = arith.index_cast %get3A_671 : i32 to index
          %get3A_673 = arith.constant 48 : index
          %get3A_674 = tpu.vector_load %arg5[%get3A_672, %get3A_673] {strides = array<i32>} : memref<2x112xi32, #tpu.memory_space<vmem>>, vector<1x16xi32>,
          %get3A_675 = vector.shape_cast %get3A_674 : vector<1x16xi32> to vector<16xi32>
          %sub3A_676 = vector.broadcast %mul3A_11 : i32 to vector<16xi32>
          %sub3A_677 = arith.subi %get3A_675, %sub3A_676 : vector<16xi32>
          %ge3A_678 = arith.constant 0 : i32
          %ge3A_679 = vector.broadcast %ge3A_678 : i32 to vector<16xi32>
          %ge3A_680 = arith.cmpi sge, %sub3A_677, %ge3A_679 : vector<16xi32>
          %lt3A_681 = arith.constant 12544 : i32
          %lt3A_682 = vector.broadcast %lt3A_681 : i32 to vector<16xi32>
          %lt3A_683 = arith.cmpi slt, %sub3A_677, %lt3A_682 : vector<16xi32>
          %and3A_684 = arith.andi %ge3A_680, %lt3A_683 : vector<16xi1>
          %mul3A_685 = arith.constant 8 : i32
          %mul3A_686 = arith.muli %arg1, %mul3A_685 : i32
          %add3A_687 = arith.constant 12544 : i32
          %add3A_688 = arith.addi %add3A_687, %mul3A_686 : i32
          %add3A_689 = arith.constant 48 : i32
          %add3A_690 = vector.broadcast %add3A_689 : i32 to vector<16xi32>
          %add3A_691 = arith.addi %iota3A, %add3A_690 : vector<16xi32>
          %and3A_692 = arith.constant 7 : i32
          %and3A_693 = vector.broadcast %and3A_692 : i32 to vector<16xi32>
          %and3A_694 = arith.andi %add3A_691, %and3A_693 : vector<16xi32>
          %add3A_695 = vector.broadcast %add3A_688 : i32 to vector<16xi32>
          %add3A_696 = arith.addi %add3A_695, %and3A_694 : vector<16xi32>
          %select_n3A_697 = arith.select %and3A_684, %sub3A_677, %add3A_696 : vector<16xi1>, vector<16xi32>
          %swap3A_698 = arith.constant 1 : i32
          %swap3A_699 = arith.index_cast %swap3A_698 : i32 to index
          %swap3A_700 = arith.constant 48 : index
          %swap3A_701 = tpu.vector_load %arg5[%swap3A_699, %swap3A_700] {strides = array<i32>} : memref<2x112xi32, #tpu.memory_space<vmem>>, vector<1x16xi32>,
          %swap3A_702 = vector.shape_cast %swap3A_701 : vector<1x16xi32> to vector<16xi32>
          %swap3A_703 = vector.shape_cast %select_n3A_697 : vector<16xi32> to vector<1x16xi32>
          tpu.vector_store %arg5[%swap3A_699, %swap3A_700], %swap3A_703 {strides = array<i32>} : memref<2x112xi32, #tpu.memory_space<vmem>>, vector<1x16xi32>,
          %get3A_704 = arith.constant 1 : i32
          %get3A_705 = arith.index_cast %get3A_704 : i32 to index
          %get3A_706 = arith.constant 64 : index
          %get3A_707 = tpu.vector_load %arg5[%get3A_705, %get3A_706] {strides = array<i32>} : memref<2x112xi32, #tpu.memory_space<vmem>>, vector<1x16xi32>,
          %get3A_708 = vector.shape_cast %get3A_707 : vector<1x16xi32> to vector<16xi32>
          %sub3A_709 = vector.broadcast %mul3A_11 : i32 to vector<16xi32>
          %sub3A_710 = arith.subi %get3A_708, %sub3A_709 : vector<16xi32>
          %ge3A_711 = arith.constant 0 : i32
          %ge3A_712 = vector.broadcast %ge3A_711 : i32 to vector<16xi32>
          %ge3A_713 = arith.cmpi sge, %sub3A_710, %ge3A_712 : vector<16xi32>
          %lt3A_714 = arith.constant 12544 : i32
          %lt3A_715 = vector.broadcast %lt3A_714 : i32 to vector<16xi32>
          %lt3A_716 = arith.cmpi slt, %sub3A_710, %lt3A_715 : vector<16xi32>
          %and3A_717 = arith.andi %ge3A_713, %lt3A_716 : vector<16xi1>
          %mul3A_718 = arith.constant 8 : i32
          %mul3A_719 = arith.muli %arg1, %mul3A_718 : i32
          %add3A_720 = arith.constant 12544 : i32
          %add3A_721 = arith.addi %add3A_720, %mul3A_719 : i32
          %add3A_722 = arith.constant 64 : i32
          %add3A_723 = vector.broadcast %add3A_722 : i32 to vector<16xi32>
          %add3A_724 = arith.addi %iota3A, %add3A_723 : vector<16xi32>
          %and3A_725 = arith.constant 7 : i32
          %and3A_726 = vector.broadcast %and3A_725 : i32 to vector<16xi32>
          %and3A_727 = arith.andi %add3A_724, %and3A_726 : vector<16xi32>
          %add3A_728 = vector.broadcast %add3A_721 : i32 to vector<16xi32>
          %add3A_729 = arith.addi %add3A_728, %and3A_727 : vector<16xi32>
          %select_n3A_730 = arith.select %and3A_717, %sub3A_710, %add3A_729 : vector<16xi1>, vector<16xi32>
          %swap3A_731 = arith.constant 1 : i32
          %swap3A_732 = arith.index_cast %swap3A_731 : i32 to index
          %swap3A_733 = arith.constant 64 : index
          %swap3A_734 = tpu.vector_load %arg5[%swap3A_732, %swap3A_733] {strides = array<i32>} : memref<2x112xi32, #tpu.memory_space<vmem>>, vector<1x16xi32>,
          %swap3A_735 = vector.shape_cast %swap3A_734 : vector<1x16xi32> to vector<16xi32>
          %swap3A_736 = vector.shape_cast %select_n3A_730 : vector<16xi32> to vector<1x16xi32>
          tpu.vector_store %arg5[%swap3A_732, %swap3A_733], %swap3A_736 {strides = array<i32>} : memref<2x112xi32, #tpu.memory_space<vmem>>, vector<1x16xi32>,
          %get3A_737 = arith.constant 1 : i32
          %get3A_738 = arith.index_cast %get3A_737 : i32 to index
          %get3A_739 = arith.constant 80 : index
          %get3A_740 = tpu.vector_load %arg5[%get3A_738, %get3A_739] {strides = array<i32>} : memref<2x112xi32, #tpu.memory_space<vmem>>, vector<1x16xi32>,
          %get3A_741 = vector.shape_cast %get3A_740 : vector<1x16xi32> to vector<16xi32>
          %sub3A_742 = vector.broadcast %mul3A_11 : i32 to vector<16xi32>
          %sub3A_743 = arith.subi %get3A_741, %sub3A_742 : vector<16xi32>
          %ge3A_744 = arith.constant 0 : i32
          %ge3A_745 = vector.broadcast %ge3A_744 : i32 to vector<16xi32>
          %ge3A_746 = arith.cmpi sge, %sub3A_743, %ge3A_745 : vector<16xi32>
          %lt3A_747 = arith.constant 12544 : i32
          %lt3A_748 = vector.broadcast %lt3A_747 : i32 to vector<16xi32>
          %lt3A_749 = arith.cmpi slt, %sub3A_743, %lt3A_748 : vector<16xi32>
          %and3A_750 = arith.andi %ge3A_746, %lt3A_749 : vector<16xi1>
          %mul3A_751 = arith.constant 8 : i32
          %mul3A_752 = arith.muli %arg1, %mul3A_751 : i32
          %add3A_753 = arith.constant 12544 : i32
          %add3A_754 = arith.addi %add3A_753, %mul3A_752 : i32
          %add3A_755 = arith.constant 80 : i32
          %add3A_756 = vector.broadcast %add3A_755 : i32 to vector<16xi32>
          %add3A_757 = arith.addi %iota3A, %add3A_756 : vector<16xi32>
          %and3A_758 = arith.constant 7 : i32
          %and3A_759 = vector.broadcast %and3A_758 : i32 to vector<16xi32>
          %and3A_760 = arith.andi %add3A_757, %and3A_759 : vector<16xi32>
          %add3A_761 = vector.broadcast %add3A_754 : i32 to vector<16xi32>
          %add3A_762 = arith.addi %add3A_761, %and3A_760 : vector<16xi32>
          %select_n3A_763 = arith.select %and3A_750, %sub3A_743, %add3A_762 : vector<16xi1>, vector<16xi32>
          %swap3A_764 = arith.constant 1 : i32
          %swap3A_765 = arith.index_cast %swap3A_764 : i32 to index
          %swap3A_766 = arith.constant 80 : index
          %swap3A_767 = tpu.vector_load %arg5[%swap3A_765, %swap3A_766] {strides = array<i32>} : memref<2x112xi32, #tpu.memory_space<vmem>>, vector<1x16xi32>,
          %swap3A_768 = vector.shape_cast %swap3A_767 : vector<1x16xi32> to vector<16xi32>
          %swap3A_769 = vector.shape_cast %select_n3A_763 : vector<16xi32> to vector<1x16xi32>
          tpu.vector_store %arg5[%swap3A_765, %swap3A_766], %swap3A_769 {strides = array<i32>} : memref<2x112xi32, #tpu.memory_space<vmem>>, vector<1x16xi32>,
          %get3A_770 = arith.constant 1 : i32
          %get3A_771 = arith.index_cast %get3A_770 : i32 to index
          %get3A_772 = arith.constant 96 : index
          %get3A_773 = tpu.vector_load %arg5[%get3A_771, %get3A_772] {strides = array<i32>} : memref<2x112xi32, #tpu.memory_space<vmem>>, vector<1x16xi32>,
          %get3A_774 = vector.shape_cast %get3A_773 : vector<1x16xi32> to vector<16xi32>
          %sub3A_775 = vector.broadcast %mul3A_11 : i32 to vector<16xi32>
          %sub3A_776 = arith.subi %get3A_774, %sub3A_775 : vector<16xi32>
          %ge3A_777 = arith.constant 0 : i32
          %ge3A_778 = vector.broadcast %ge3A_777 : i32 to vector<16xi32>
          %ge3A_779 = arith.cmpi sge, %sub3A_776, %ge3A_778 : vector<16xi32>
          %lt3A_780 = arith.constant 12544 : i32
          %lt3A_781 = vector.broadcast %lt3A_780 : i32 to vector<16xi32>
          %lt3A_782 = arith.cmpi slt, %sub3A_776, %lt3A_781 : vector<16xi32>
          %and3A_783 = arith.andi %ge3A_779, %lt3A_782 : vector<16xi1>
          %mul3A_784 = arith.constant 8 : i32
          %mul3A_785 = arith.muli %arg1, %mul3A_784 : i32
          %add3A_786 = arith.constant 12544 : i32
          %add3A_787 = arith.addi %add3A_786, %mul3A_785 : i32
          %add3A_788 = arith.constant 96 : i32
          %add3A_789 = vector.broadcast %add3A_788 : i32 to vector<16xi32>
          %add3A_790 = arith.addi %iota3A, %add3A_789 : vector<16xi32>
          %and3A_791 = arith.constant 7 : i32
          %and3A_792 = vector.broadcast %and3A_791 : i32 to vector<16xi32>
          %and3A_793 = arith.andi %add3A_790, %and3A_792 : vector<16xi32>
          %add3A_794 = vector.broadcast %add3A_787 : i32 to vector<16xi32>
          %add3A_795 = arith.addi %add3A_794, %and3A_793 : vector<16xi32>
          %select_n3A_796 = arith.select %and3A_783, %sub3A_776, %add3A_795 : vector<16xi1>, vector<16xi32>
          %swap3A_797 = arith.constant 1 : i32
          %swap3A_798 = arith.index_cast %swap3A_797 : i32 to index
          %swap3A_799 = arith.constant 96 : index
          %swap3A_800 = tpu.vector_load %arg5[%swap3A_798, %swap3A_799] {strides = array<i32>} : memref<2x112xi32, #tpu.memory_space<vmem>>, vector<1x16xi32>,
          %swap3A_801 = vector.shape_cast %swap3A_800 : vector<1x16xi32> to vector<16xi32>
          %swap3A_802 = vector.shape_cast %select_n3A_796 : vector<16xi32> to vector<1x16xi32>
          tpu.vector_store %arg5[%swap3A_798, %swap3A_799], %swap3A_802 {strides = array<i32>} : memref<2x112xi32, #tpu.memory_space<vmem>>, vector<1x16xi32>,
          %dma_start3A_803 = arith.constant 0 : i32
          %dma_start3A_804 = arith.constant 0 : i32
          %dma_start3A_805 = tpu.memref_slice %arg5[%dma_start3A_803, %dma_start3A_804] : memref<2x112xi32, #tpu.memory_space<vmem>> -> memref<1x112xi32, #tpu.memory_space<vmem>>
          %dma_start3A_806 = tpu.memref_squeeze %dma_start3A_805 : memref<1x112xi32, #tpu.memory_space<vmem>> -> memref<112xi32, #tpu.memory_space<vmem>>
          %dma_start3A_807 = arith.constant 0 : i32
          %dma_start3A_808 = arith.constant 0 : i32
          %dma_start3A_809 = tpu.memref_slice %arg3[%dma_start3A_807, %dma_start3A_808] : memref<50176x128xf32, #tpu.memory_space<hbm>> -> memref<50176x128xf32, #tpu.memory_space<hbm>>
          tpu.enqueue_indirect_dma source(%dma_start3A_809 : memref<50176x128xf32, #tpu.memory_space<hbm>>) target(%arg7 : memref<112x128xf32, #tpu.memory_space<vmem>>) offsets(%dma_start3A_806 : memref<112xi32, #tpu.memory_space<vmem>>) semaphore(%arg10 : memref<!tpu.dma_semaphore, #tpu.memory_space<semaphore_mem>>)
        } else {
        }
        %dma_wait3A_552 = arith.constant 0 : i32
        %dma_wait3A_553 = arith.constant 0 : i32
        %dma_wait3A_554 = tpu.memref_slice %arg6[%dma_wait3A_552, %dma_wait3A_553] : memref<2x112xi32, #tpu.memory_space<vmem>> -> memref<1x112xi32, #tpu.memory_space<vmem>>
        %dma_wait3A_555 = tpu.memref_squeeze %dma_wait3A_554 : memref<1x112xi32, #tpu.memory_space<vmem>> -> memref<112xi32, #tpu.memory_space<vmem>>
        %dma_wait3A_556 = arith.constant 0 : i32
        %dma_wait3A_557 = arith.constant 0 : i32
        %dma_wait3A_558 = tpu.memref_slice %arg3[%dma_wait3A_556, %dma_wait3A_557] : memref<50176x128xf32, #tpu.memory_space<hbm>> -> memref<50176x128xf32, #tpu.memory_space<hbm>>
        tpu.wait_indirect_dma semaphore(%arg11 : memref<!tpu.dma_semaphore, #tpu.memory_space<semaphore_mem>>) src(%dma_wait3A_558 : memref<50176x128xf32, #tpu.memory_space<hbm>>) dst(%arg8 : memref<112x128xf32, #tpu.memory_space<vmem>>)
        %run_scoped3A_559 = arith.constant 1 : i32
        "tpu.region"() ({
          %run_scoped3A_565 = tpu.sem_alloc : memref<!tpu.dma_semaphore, #tpu.memory_space<semaphore_mem>>
          %dma_start3A_566 = arith.constant 0 : i32
          %dma_start3A_567 = tpu.memref_slice %arg6[%run_scoped3A_559, %dma_start3A_566] : memref<2x112xi32, #tpu.memory_space<vmem>> -> memref<1x112xi32, #tpu.memory_space<vmem>>
          %dma_start3A_568 = tpu.memref_squeeze %dma_start3A_567 : memref<1x112xi32, #tpu.memory_space<vmem>> -> memref<112xi32, #tpu.memory_space<vmem>>
          %dma_start3A_569 = arith.constant 0 : i32
          %dma_start3A_570 = arith.constant 0 : i32
          %dma_start3A_571 = tpu.memref_slice %arg9[%dma_start3A_569, %dma_start3A_570] : memref<12672x128xf32, #tpu.memory_space<vmem_shared>> -> memref<12672x128xf32, #tpu.memory_space<vmem_shared>>
          tpu.enqueue_indirect_dma source(%arg8 : memref<112x128xf32, #tpu.memory_space<vmem>>) target(%dma_start3A_571 : memref<12672x128xf32, #tpu.memory_space<vmem_shared>>) offsets(%dma_start3A_568 : memref<112xi32, #tpu.memory_space<vmem>>) semaphore(%run_scoped3A_565 : memref<!tpu.dma_semaphore, #tpu.memory_space<semaphore_mem>>) {add = true}
          %dma_wait3A_572 = arith.constant 0 : i32
          %dma_wait3A_573 = tpu.memref_slice %arg6[%run_scoped3A_559, %dma_wait3A_572] : memref<2x112xi32, #tpu.memory_space<vmem>> -> memref<1x112xi32, #tpu.memory_space<vmem>>
          %dma_wait3A_574 = tpu.memref_squeeze %dma_wait3A_573 : memref<1x112xi32, #tpu.memory_space<vmem>> -> memref<112xi32, #tpu.memory_space<vmem>>
          %dma_wait3A_575 = arith.constant 0 : i32
          %dma_wait3A_576 = arith.constant 0 : i32
          %dma_wait3A_577 = tpu.memref_slice %arg9[%dma_wait3A_575, %dma_wait3A_576] : memref<12672x128xf32, #tpu.memory_space<vmem_shared>> -> memref<12672x128xf32, #tpu.memory_space<vmem_shared>>
          tpu.wait_indirect_dma semaphore(%run_scoped3A_565 : memref<!tpu.dma_semaphore, #tpu.memory_space<semaphore_mem>>) src(%arg8 : memref<112x128xf32, #tpu.memory_space<vmem>>) dst(%dma_wait3A_577 : memref<12672x128xf32, #tpu.memory_space<vmem_shared>>)
          tpu.yield
        }) : () -> ()
        %lt3A_560 = arith.constant 55 : i32
        %lt3A_561 = arith.cmpi slt, %add3A_542, %lt3A_560 : i32
        %convert_element_type3A_562 = arith.extui %lt3A_561 : i1 to i32
        %cond3A_563 = arith.constant 0 : i32
        %cond3A_564 = arith.cmpi ne, %convert_element_type3A_562, %cond3A_563 : i32
        scf.if %cond3A_564 {
          %mul3A_565 = arith.constant 2 : i32
          %mul3A_566 = arith.muli %mul3A_565, %add3A_542 : i32
          %add3A_567 = arith.constant 3 : i32
          %add3A_568 = arith.addi %mul3A_566, %add3A_567 : i32
          %mul3A_569 = arith.constant 112 : i32
          %mul3A_570 = arith.muli %arg1, %mul3A_569 : i32
          %add3A_571 = arith.addi %mul3A_570, %add3A_568 : i32
          "tpu.region"() ({
            %run_scoped3A_810 = tpu.sem_alloc : memref<!tpu.dma_semaphore, #tpu.memory_space<semaphore_mem>>
            %dma_start3A_811 = arith.constant 0 : i32
            %dma_start3A_812 = arith.constant 0 : i32
            %dma_start3A_813 = tpu.memref_slice %arg2[%add3A_571, %dma_start3A_811, %dma_start3A_812] : memref<1792x2x112xi32, #tpu.memory_space<hbm>> -> memref<1x2x112xi32, #tpu.memory_space<hbm>>
            %dma_start3A_814 = tpu.memref_squeeze %dma_start3A_813 : memref<1x2x112xi32, #tpu.memory_space<hbm>> -> memref<2x112xi32, #tpu.memory_space<hbm>>
            %dma_start3A_815 = arith.constant 0 : i32
            %dma_start3A_816 = arith.constant 0 : i32
            %dma_start3A_817 = tpu.memref_slice %arg2[%add3A_571, %dma_start3A_815, %dma_start3A_816] : memref<1792x2x112xi32, #tpu.memory_space<hbm>> -> memref<1x2x112xi32, #tpu.memory_space<hbm>>
            %dma_start3A_818 = tpu.memref_squeeze %dma_start3A_817 : memref<1x2x112xi32, #tpu.memory_space<hbm>> -> memref<2x112xi32, #tpu.memory_space<hbm>>
            tpu.enqueue_dma source(%dma_start3A_818 : memref<2x112xi32, #tpu.memory_space<hbm>>) target(%arg6 : memref<2x112xi32, #tpu.memory_space<vmem>>) target_semaphore(%run_scoped3A_810 : memref<!tpu.dma_semaphore, #tpu.memory_space<semaphore_mem>>)
            %dma_wait3A_819 = arith.constant 0 : i32
            %dma_wait3A_820 = arith.constant 0 : i32
            %dma_wait3A_821 = tpu.memref_slice %arg2[%add3A_571, %dma_wait3A_819, %dma_wait3A_820] : memref<1792x2x112xi32, #tpu.memory_space<hbm>> -> memref<1x2x112xi32, #tpu.memory_space<hbm>>
            %dma_wait3A_822 = tpu.memref_squeeze %dma_wait3A_821 : memref<1x2x112xi32, #tpu.memory_space<hbm>> -> memref<2x112xi32, #tpu.memory_space<hbm>>
            %dma_wait3A_823 = arith.constant 0 : i32
            %dma_wait3A_824 = arith.constant 0 : i32
            %dma_wait3A_825 = tpu.memref_slice %arg2[%add3A_571, %dma_wait3A_823, %dma_wait3A_824] : memref<1792x2x112xi32, #tpu.memory_space<hbm>> -> memref<1x2x112xi32, #tpu.memory_space<hbm>>
            %dma_wait3A_826 = tpu.memref_squeeze %dma_wait3A_825 : memref<1x2x112xi32, #tpu.memory_space<hbm>> -> memref<2x112xi32, #tpu.memory_space<hbm>>
            tpu.wait_dma2 semaphore(%run_scoped3A_810 : memref<!tpu.dma_semaphore, #tpu.memory_space<semaphore_mem>>) src(%dma_wait3A_826 : memref<2x112xi32, #tpu.memory_space<hbm>>) dst(%arg6 : memref<2x112xi32, #tpu.memory_space<vmem>>)
            tpu.yield
          }) : () -> ()
          %get3A_572 = arith.constant 1 : i32
          %get3A_573 = arith.index_cast %get3A_572 : i32 to index
          %get3A_574 = arith.constant 0 : index
          %get3A_575 = tpu.vector_load %arg6[%get3A_573, %get3A_574] {strides = array<i32>} : memref<2x112xi32, #tpu.memory_space<vmem>>, vector<1x16xi32>,
          %get3A_576 = vector.shape_cast %get3A_575 : vector<1x16xi32> to vector<16xi32>
          %sub3A_577 = vector.broadcast %mul3A_11 : i32 to vector<16xi32>
          %sub3A_578 = arith.subi %get3A_576, %sub3A_577 : vector<16xi32>
          %ge3A_579 = arith.constant 0 : i32
          %ge3A_580 = vector.broadcast %ge3A_579 : i32 to vector<16xi32>
          %ge3A_581 = arith.cmpi sge, %sub3A_578, %ge3A_580 : vector<16xi32>
          %lt3A_582 = arith.constant 12544 : i32
          %lt3A_583 = vector.broadcast %lt3A_582 : i32 to vector<16xi32>
          %lt3A_584 = arith.cmpi slt, %sub3A_578, %lt3A_583 : vector<16xi32>
          %and3A_585 = arith.andi %ge3A_581, %lt3A_584 : vector<16xi1>
          %mul3A_586 = arith.constant 8 : i32
          %mul3A_587 = arith.muli %arg1, %mul3A_586 : i32
          %add3A_588 = arith.constant 12544 : i32
          %add3A_589 = arith.addi %add3A_588, %mul3A_587 : i32
          %add3A_590 = arith.constant 0 : i32
          %add3A_591 = vector.broadcast %add3A_590 : i32 to vector<16xi32>
          %add3A_592 = arith.addi %iota3A, %add3A_591 : vector<16xi32>
          %and3A_593 = arith.constant 7 : i32
          %and3A_594 = vector.broadcast %and3A_593 : i32 to vector<16xi32>
          %and3A_595 = arith.andi %add3A_592, %and3A_594 : vector<16xi32>
          %add3A_596 = vector.broadcast %add3A_589 : i32 to vector<16xi32>
          %add3A_597 = arith.addi %add3A_596, %and3A_595 : vector<16xi32>
          %select_n3A_598 = arith.select %and3A_585, %sub3A_578, %add3A_597 : vector<16xi1>, vector<16xi32>
          %swap3A_599 = arith.constant 1 : i32
          %swap3A_600 = arith.index_cast %swap3A_599 : i32 to index
          %swap3A_601 = arith.constant 0 : index
          %swap3A_602 = tpu.vector_load %arg6[%swap3A_600, %swap3A_601] {strides = array<i32>} : memref<2x112xi32, #tpu.memory_space<vmem>>, vector<1x16xi32>,
          %swap3A_603 = vector.shape_cast %swap3A_602 : vector<1x16xi32> to vector<16xi32>
          %swap3A_604 = vector.shape_cast %select_n3A_598 : vector<16xi32> to vector<1x16xi32>
          tpu.vector_store %arg6[%swap3A_600, %swap3A_601], %swap3A_604 {strides = array<i32>} : memref<2x112xi32, #tpu.memory_space<vmem>>, vector<1x16xi32>,
          %get3A_605 = arith.constant 1 : i32
          %get3A_606 = arith.index_cast %get3A_605 : i32 to index
          %get3A_607 = arith.constant 16 : index
          %get3A_608 = tpu.vector_load %arg6[%get3A_606, %get3A_607] {strides = array<i32>} : memref<2x112xi32, #tpu.memory_space<vmem>>, vector<1x16xi32>,
          %get3A_609 = vector.shape_cast %get3A_608 : vector<1x16xi32> to vector<16xi32>
          %sub3A_610 = vector.broadcast %mul3A_11 : i32 to vector<16xi32>
          %sub3A_611 = arith.subi %get3A_609, %sub3A_610 : vector<16xi32>
          %ge3A_612 = arith.constant 0 : i32
          %ge3A_613 = vector.broadcast %ge3A_612 : i32 to vector<16xi32>
          %ge3A_614 = arith.cmpi sge, %sub3A_611, %ge3A_613 : vector<16xi32>
          %lt3A_615 = arith.constant 12544 : i32
          %lt3A_616 = vector.broadcast %lt3A_615 : i32 to vector<16xi32>
          %lt3A_617 = arith.cmpi slt, %sub3A_611, %lt3A_616 : vector<16xi32>
          %and3A_618 = arith.andi %ge3A_614, %lt3A_617 : vector<16xi1>
          %mul3A_619 = arith.constant 8 : i32
          %mul3A_620 = arith.muli %arg1, %mul3A_619 : i32
          %add3A_621 = arith.constant 12544 : i32
          %add3A_622 = arith.addi %add3A_621, %mul3A_620 : i32
          %add3A_623 = arith.constant 16 : i32
          %add3A_624 = vector.broadcast %add3A_623 : i32 to vector<16xi32>
          %add3A_625 = arith.addi %iota3A, %add3A_624 : vector<16xi32>
          %and3A_626 = arith.constant 7 : i32
          %and3A_627 = vector.broadcast %and3A_626 : i32 to vector<16xi32>
          %and3A_628 = arith.andi %add3A_625, %and3A_627 : vector<16xi32>
          %add3A_629 = vector.broadcast %add3A_622 : i32 to vector<16xi32>
          %add3A_630 = arith.addi %add3A_629, %and3A_628 : vector<16xi32>
          %select_n3A_631 = arith.select %and3A_618, %sub3A_611, %add3A_630 : vector<16xi1>, vector<16xi32>
          %swap3A_632 = arith.constant 1 : i32
          %swap3A_633 = arith.index_cast %swap3A_632 : i32 to index
          %swap3A_634 = arith.constant 16 : index
          %swap3A_635 = tpu.vector_load %arg6[%swap3A_633, %swap3A_634] {strides = array<i32>} : memref<2x112xi32, #tpu.memory_space<vmem>>, vector<1x16xi32>,
          %swap3A_636 = vector.shape_cast %swap3A_635 : vector<1x16xi32> to vector<16xi32>
          %swap3A_637 = vector.shape_cast %select_n3A_631 : vector<16xi32> to vector<1x16xi32>
          tpu.vector_store %arg6[%swap3A_633, %swap3A_634], %swap3A_637 {strides = array<i32>} : memref<2x112xi32, #tpu.memory_space<vmem>>, vector<1x16xi32>,
          %get3A_638 = arith.constant 1 : i32
          %get3A_639 = arith.index_cast %get3A_638 : i32 to index
          %get3A_640 = arith.constant 32 : index
          %get3A_641 = tpu.vector_load %arg6[%get3A_639, %get3A_640] {strides = array<i32>} : memref<2x112xi32, #tpu.memory_space<vmem>>, vector<1x16xi32>,
          %get3A_642 = vector.shape_cast %get3A_641 : vector<1x16xi32> to vector<16xi32>
          %sub3A_643 = vector.broadcast %mul3A_11 : i32 to vector<16xi32>
          %sub3A_644 = arith.subi %get3A_642, %sub3A_643 : vector<16xi32>
          %ge3A_645 = arith.constant 0 : i32
          %ge3A_646 = vector.broadcast %ge3A_645 : i32 to vector<16xi32>
          %ge3A_647 = arith.cmpi sge, %sub3A_644, %ge3A_646 : vector<16xi32>
          %lt3A_648 = arith.constant 12544 : i32
          %lt3A_649 = vector.broadcast %lt3A_648 : i32 to vector<16xi32>
          %lt3A_650 = arith.cmpi slt, %sub3A_644, %lt3A_649 : vector<16xi32>
          %and3A_651 = arith.andi %ge3A_647, %lt3A_650 : vector<16xi1>
          %mul3A_652 = arith.constant 8 : i32
          %mul3A_653 = arith.muli %arg1, %mul3A_652 : i32
          %add3A_654 = arith.constant 12544 : i32
          %add3A_655 = arith.addi %add3A_654, %mul3A_653 : i32
          %add3A_656 = arith.constant 32 : i32
          %add3A_657 = vector.broadcast %add3A_656 : i32 to vector<16xi32>
          %add3A_658 = arith.addi %iota3A, %add3A_657 : vector<16xi32>
          %and3A_659 = arith.constant 7 : i32
          %and3A_660 = vector.broadcast %and3A_659 : i32 to vector<16xi32>
          %and3A_661 = arith.andi %add3A_658, %and3A_660 : vector<16xi32>
          %add3A_662 = vector.broadcast %add3A_655 : i32 to vector<16xi32>
          %add3A_663 = arith.addi %add3A_662, %and3A_661 : vector<16xi32>
          %select_n3A_664 = arith.select %and3A_651, %sub3A_644, %add3A_663 : vector<16xi1>, vector<16xi32>
          %swap3A_665 = arith.constant 1 : i32
          %swap3A_666 = arith.index_cast %swap3A_665 : i32 to index
          %swap3A_667 = arith.constant 32 : index
          %swap3A_668 = tpu.vector_load %arg6[%swap3A_666, %swap3A_667] {strides = array<i32>} : memref<2x112xi32, #tpu.memory_space<vmem>>, vector<1x16xi32>,
          %swap3A_669 = vector.shape_cast %swap3A_668 : vector<1x16xi32> to vector<16xi32>
          %swap3A_670 = vector.shape_cast %select_n3A_664 : vector<16xi32> to vector<1x16xi32>
          tpu.vector_store %arg6[%swap3A_666, %swap3A_667], %swap3A_670 {strides = array<i32>} : memref<2x112xi32, #tpu.memory_space<vmem>>, vector<1x16xi32>,
          %get3A_671 = arith.constant 1 : i32
          %get3A_672 = arith.index_cast %get3A_671 : i32 to index
          %get3A_673 = arith.constant 48 : index
          %get3A_674 = tpu.vector_load %arg6[%get3A_672, %get3A_673] {strides = array<i32>} : memref<2x112xi32, #tpu.memory_space<vmem>>, vector<1x16xi32>,
          %get3A_675 = vector.shape_cast %get3A_674 : vector<1x16xi32> to vector<16xi32>
          %sub3A_676 = vector.broadcast %mul3A_11 : i32 to vector<16xi32>
          %sub3A_677 = arith.subi %get3A_675, %sub3A_676 : vector<16xi32>
          %ge3A_678 = arith.constant 0 : i32
          %ge3A_679 = vector.broadcast %ge3A_678 : i32 to vector<16xi32>
          %ge3A_680 = arith.cmpi sge, %sub3A_677, %ge3A_679 : vector<16xi32>
          %lt3A_681 = arith.constant 12544 : i32
          %lt3A_682 = vector.broadcast %lt3A_681 : i32 to vector<16xi32>
          %lt3A_683 = arith.cmpi slt, %sub3A_677, %lt3A_682 : vector<16xi32>
          %and3A_684 = arith.andi %ge3A_680, %lt3A_683 : vector<16xi1>
          %mul3A_685 = arith.constant 8 : i32
          %mul3A_686 = arith.muli %arg1, %mul3A_685 : i32
          %add3A_687 = arith.constant 12544 : i32
          %add3A_688 = arith.addi %add3A_687, %mul3A_686 : i32
          %add3A_689 = arith.constant 48 : i32
          %add3A_690 = vector.broadcast %add3A_689 : i32 to vector<16xi32>
          %add3A_691 = arith.addi %iota3A, %add3A_690 : vector<16xi32>
          %and3A_692 = arith.constant 7 : i32
          %and3A_693 = vector.broadcast %and3A_692 : i32 to vector<16xi32>
          %and3A_694 = arith.andi %add3A_691, %and3A_693 : vector<16xi32>
          %add3A_695 = vector.broadcast %add3A_688 : i32 to vector<16xi32>
          %add3A_696 = arith.addi %add3A_695, %and3A_694 : vector<16xi32>
          %select_n3A_697 = arith.select %and3A_684, %sub3A_677, %add3A_696 : vector<16xi1>, vector<16xi32>
          %swap3A_698 = arith.constant 1 : i32
          %swap3A_699 = arith.index_cast %swap3A_698 : i32 to index
          %swap3A_700 = arith.constant 48 : index
          %swap3A_701 = tpu.vector_load %arg6[%swap3A_699, %swap3A_700] {strides = array<i32>} : memref<2x112xi32, #tpu.memory_space<vmem>>, vector<1x16xi32>,
          %swap3A_702 = vector.shape_cast %swap3A_701 : vector<1x16xi32> to vector<16xi32>
          %swap3A_703 = vector.shape_cast %select_n3A_697 : vector<16xi32> to vector<1x16xi32>
          tpu.vector_store %arg6[%swap3A_699, %swap3A_700], %swap3A_703 {strides = array<i32>} : memref<2x112xi32, #tpu.memory_space<vmem>>, vector<1x16xi32>,
          %get3A_704 = arith.constant 1 : i32
          %get3A_705 = arith.index_cast %get3A_704 : i32 to index
          %get3A_706 = arith.constant 64 : index
          %get3A_707 = tpu.vector_load %arg6[%get3A_705, %get3A_706] {strides = array<i32>} : memref<2x112xi32, #tpu.memory_space<vmem>>, vector<1x16xi32>,
          %get3A_708 = vector.shape_cast %get3A_707 : vector<1x16xi32> to vector<16xi32>
          %sub3A_709 = vector.broadcast %mul3A_11 : i32 to vector<16xi32>
          %sub3A_710 = arith.subi %get3A_708, %sub3A_709 : vector<16xi32>
          %ge3A_711 = arith.constant 0 : i32
          %ge3A_712 = vector.broadcast %ge3A_711 : i32 to vector<16xi32>
          %ge3A_713 = arith.cmpi sge, %sub3A_710, %ge3A_712 : vector<16xi32>
          %lt3A_714 = arith.constant 12544 : i32
          %lt3A_715 = vector.broadcast %lt3A_714 : i32 to vector<16xi32>
          %lt3A_716 = arith.cmpi slt, %sub3A_710, %lt3A_715 : vector<16xi32>
          %and3A_717 = arith.andi %ge3A_713, %lt3A_716 : vector<16xi1>
          %mul3A_718 = arith.constant 8 : i32
          %mul3A_719 = arith.muli %arg1, %mul3A_718 : i32
          %add3A_720 = arith.constant 12544 : i32
          %add3A_721 = arith.addi %add3A_720, %mul3A_719 : i32
          %add3A_722 = arith.constant 64 : i32
          %add3A_723 = vector.broadcast %add3A_722 : i32 to vector<16xi32>
          %add3A_724 = arith.addi %iota3A, %add3A_723 : vector<16xi32>
          %and3A_725 = arith.constant 7 : i32
          %and3A_726 = vector.broadcast %and3A_725 : i32 to vector<16xi32>
          %and3A_727 = arith.andi %add3A_724, %and3A_726 : vector<16xi32>
          %add3A_728 = vector.broadcast %add3A_721 : i32 to vector<16xi32>
          %add3A_729 = arith.addi %add3A_728, %and3A_727 : vector<16xi32>
          %select_n3A_730 = arith.select %and3A_717, %sub3A_710, %add3A_729 : vector<16xi1>, vector<16xi32>
          %swap3A_731 = arith.constant 1 : i32
          %swap3A_732 = arith.index_cast %swap3A_731 : i32 to index
          %swap3A_733 = arith.constant 64 : index
          %swap3A_734 = tpu.vector_load %arg6[%swap3A_732, %swap3A_733] {strides = array<i32>} : memref<2x112xi32, #tpu.memory_space<vmem>>, vector<1x16xi32>,
          %swap3A_735 = vector.shape_cast %swap3A_734 : vector<1x16xi32> to vector<16xi32>
          %swap3A_736 = vector.shape_cast %select_n3A_730 : vector<16xi32> to vector<1x16xi32>
          tpu.vector_store %arg6[%swap3A_732, %swap3A_733], %swap3A_736 {strides = array<i32>} : memref<2x112xi32, #tpu.memory_space<vmem>>, vector<1x16xi32>,
          %get3A_737 = arith.constant 1 : i32
          %get3A_738 = arith.index_cast %get3A_737 : i32 to index
          %get3A_739 = arith.constant 80 : index
          %get3A_740 = tpu.vector_load %arg6[%get3A_738, %get3A_739] {strides = array<i32>} : memref<2x112xi32, #tpu.memory_space<vmem>>, vector<1x16xi32>,
          %get3A_741 = vector.shape_cast %get3A_740 : vector<1x16xi32> to vector<16xi32>
          %sub3A_742 = vector.broadcast %mul3A_11 : i32 to vector<16xi32>
          %sub3A_743 = arith.subi %get3A_741, %sub3A_742 : vector<16xi32>
          %ge3A_744 = arith.constant 0 : i32
          %ge3A_745 = vector.broadcast %ge3A_744 : i32 to vector<16xi32>
          %ge3A_746 = arith.cmpi sge, %sub3A_743, %ge3A_745 : vector<16xi32>
          %lt3A_747 = arith.constant 12544 : i32
          %lt3A_748 = vector.broadcast %lt3A_747 : i32 to vector<16xi32>
          %lt3A_749 = arith.cmpi slt, %sub3A_743, %lt3A_748 : vector<16xi32>
          %and3A_750 = arith.andi %ge3A_746, %lt3A_749 : vector<16xi1>
          %mul3A_751 = arith.constant 8 : i32
          %mul3A_752 = arith.muli %arg1, %mul3A_751 : i32
          %add3A_753 = arith.constant 12544 : i32
          %add3A_754 = arith.addi %add3A_753, %mul3A_752 : i32
          %add3A_755 = arith.constant 80 : i32
          %add3A_756 = vector.broadcast %add3A_755 : i32 to vector<16xi32>
          %add3A_757 = arith.addi %iota3A, %add3A_756 : vector<16xi32>
          %and3A_758 = arith.constant 7 : i32
          %and3A_759 = vector.broadcast %and3A_758 : i32 to vector<16xi32>
          %and3A_760 = arith.andi %add3A_757, %and3A_759 : vector<16xi32>
          %add3A_761 = vector.broadcast %add3A_754 : i32 to vector<16xi32>
          %add3A_762 = arith.addi %add3A_761, %and3A_760 : vector<16xi32>
          %select_n3A_763 = arith.select %and3A_750, %sub3A_743, %add3A_762 : vector<16xi1>, vector<16xi32>
          %swap3A_764 = arith.constant 1 : i32
          %swap3A_765 = arith.index_cast %swap3A_764 : i32 to index
          %swap3A_766 = arith.constant 80 : index
          %swap3A_767 = tpu.vector_load %arg6[%swap3A_765, %swap3A_766] {strides = array<i32>} : memref<2x112xi32, #tpu.memory_space<vmem>>, vector<1x16xi32>,
          %swap3A_768 = vector.shape_cast %swap3A_767 : vector<1x16xi32> to vector<16xi32>
          %swap3A_769 = vector.shape_cast %select_n3A_763 : vector<16xi32> to vector<1x16xi32>
          tpu.vector_store %arg6[%swap3A_765, %swap3A_766], %swap3A_769 {strides = array<i32>} : memref<2x112xi32, #tpu.memory_space<vmem>>, vector<1x16xi32>,
          %get3A_770 = arith.constant 1 : i32
          %get3A_771 = arith.index_cast %get3A_770 : i32 to index
          %get3A_772 = arith.constant 96 : index
          %get3A_773 = tpu.vector_load %arg6[%get3A_771, %get3A_772] {strides = array<i32>} : memref<2x112xi32, #tpu.memory_space<vmem>>, vector<1x16xi32>,
          %get3A_774 = vector.shape_cast %get3A_773 : vector<1x16xi32> to vector<16xi32>
          %sub3A_775 = vector.broadcast %mul3A_11 : i32 to vector<16xi32>
          %sub3A_776 = arith.subi %get3A_774, %sub3A_775 : vector<16xi32>
          %ge3A_777 = arith.constant 0 : i32
          %ge3A_778 = vector.broadcast %ge3A_777 : i32 to vector<16xi32>
          %ge3A_779 = arith.cmpi sge, %sub3A_776, %ge3A_778 : vector<16xi32>
          %lt3A_780 = arith.constant 12544 : i32
          %lt3A_781 = vector.broadcast %lt3A_780 : i32 to vector<16xi32>
          %lt3A_782 = arith.cmpi slt, %sub3A_776, %lt3A_781 : vector<16xi32>
          %and3A_783 = arith.andi %ge3A_779, %lt3A_782 : vector<16xi1>
          %mul3A_784 = arith.constant 8 : i32
          %mul3A_785 = arith.muli %arg1, %mul3A_784 : i32
          %add3A_786 = arith.constant 12544 : i32
          %add3A_787 = arith.addi %add3A_786, %mul3A_785 : i32
          %add3A_788 = arith.constant 96 : i32
          %add3A_789 = vector.broadcast %add3A_788 : i32 to vector<16xi32>
          %add3A_790 = arith.addi %iota3A, %add3A_789 : vector<16xi32>
          %and3A_791 = arith.constant 7 : i32
          %and3A_792 = vector.broadcast %and3A_791 : i32 to vector<16xi32>
          %and3A_793 = arith.andi %add3A_790, %and3A_792 : vector<16xi32>
          %add3A_794 = vector.broadcast %add3A_787 : i32 to vector<16xi32>
          %add3A_795 = arith.addi %add3A_794, %and3A_793 : vector<16xi32>
          %select_n3A_796 = arith.select %and3A_783, %sub3A_776, %add3A_795 : vector<16xi1>, vector<16xi32>
          %swap3A_797 = arith.constant 1 : i32
          %swap3A_798 = arith.index_cast %swap3A_797 : i32 to index
          %swap3A_799 = arith.constant 96 : index
          %swap3A_800 = tpu.vector_load %arg6[%swap3A_798, %swap3A_799] {strides = array<i32>} : memref<2x112xi32, #tpu.memory_space<vmem>>, vector<1x16xi32>,
          %swap3A_801 = vector.shape_cast %swap3A_800 : vector<1x16xi32> to vector<16xi32>
          %swap3A_802 = vector.shape_cast %select_n3A_796 : vector<16xi32> to vector<1x16xi32>
          tpu.vector_store %arg6[%swap3A_798, %swap3A_799], %swap3A_802 {strides = array<i32>} : memref<2x112xi32, #tpu.memory_space<vmem>>, vector<1x16xi32>,
          %dma_start3A_803 = arith.constant 0 : i32
          %dma_start3A_804 = arith.constant 0 : i32
          %dma_start3A_805 = tpu.memref_slice %arg6[%dma_start3A_803, %dma_start3A_804] : memref<2x112xi32, #tpu.memory_space<vmem>> -> memref<1x112xi32, #tpu.memory_space<vmem>>
          %dma_start3A_806 = tpu.memref_squeeze %dma_start3A_805 : memref<1x112xi32, #tpu.memory_space<vmem>> -> memref<112xi32, #tpu.memory_space<vmem>>
          %dma_start3A_807 = arith.constant 0 : i32
          %dma_start3A_808 = arith.constant 0 : i32
          %dma_start3A_809 = tpu.memref_slice %arg3[%dma_start3A_807, %dma_start3A_808] : memref<50176x128xf32, #tpu.memory_space<hbm>> -> memref<50176x128xf32, #tpu.memory_space<hbm>>
          tpu.enqueue_indirect_dma source(%dma_start3A_809 : memref<50176x128xf32, #tpu.memory_space<hbm>>) target(%arg8 : memref<112x128xf32, #tpu.memory_space<vmem>>) offsets(%dma_start3A_806 : memref<112xi32, #tpu.memory_space<vmem>>) semaphore(%arg11 : memref<!tpu.dma_semaphore, #tpu.memory_space<semaphore_mem>>)
        } else {
        }
      }
      %scan3A_530 = arith.constant 56 : i32
      %barrier3A_531 = arith.constant 0 : index
      tpu.barrier barrier_id(%barrier3A_531)
      %mul3A_532 = arith.constant 784 : i32
      %mul3A_533 = arith.muli %arg1, %mul3A_532 : i32
      %mul3A_534 = arith.constant 784 : i32
      %mul3A_535 = arith.muli %arg1, %mul3A_534 : i32
      %add3A_536 = arith.addi %mul3A_11, %mul3A_535 : i32
      "tpu.region"() ({
        %run_scoped3A = tpu.sem_alloc : memref<!tpu.dma_semaphore, #tpu.memory_space<semaphore_mem>>
        %dma_start3A_538 = arith.constant 0 : i32
        %dma_start3A_539 = tpu.memref_slice %arg4[%add3A_536, %dma_start3A_538] : memref<50176x128xf32, #tpu.memory_space<hbm>> -> memref<784x128xf32, #tpu.memory_space<hbm>>
        %dma_start3A_540 = arith.constant 0 : i32
        %dma_start3A_541 = tpu.memref_slice %arg9[%mul3A_533, %dma_start3A_540] : memref<12672x128xf32, #tpu.memory_space<vmem_shared>> -> memref<784x128xf32, #tpu.memory_space<vmem_shared>>
        tpu.enqueue_dma source(%dma_start3A_541 : memref<784x128xf32, #tpu.memory_space<vmem_shared>>) target(%dma_start3A_539 : memref<784x128xf32, #tpu.memory_space<hbm>>) target_semaphore(%run_scoped3A : memref<!tpu.dma_semaphore, #tpu.memory_space<semaphore_mem>>)
        %dma_wait3A = arith.constant 0 : i32
        %dma_wait3A_542 = tpu.memref_slice %arg4[%add3A_536, %dma_wait3A] : memref<50176x128xf32, #tpu.memory_space<hbm>> -> memref<784x128xf32, #tpu.memory_space<hbm>>
        %dma_wait3A_543 = arith.constant 0 : i32
        %dma_wait3A_544 = tpu.memref_slice %arg9[%mul3A_533, %dma_wait3A_543] : memref<12672x128xf32, #tpu.memory_space<vmem_shared>> -> memref<784x128xf32, #tpu.memory_space<vmem_shared>>
        tpu.wait_dma2 semaphore(%run_scoped3A : memref<!tpu.dma_semaphore, #tpu.memory_space<semaphore_mem>>) src(%dma_wait3A_544 : memref<784x128xf32, #tpu.memory_space<vmem_shared>>) dst(%dma_wait3A_542 : memref<784x128xf32, #tpu.memory_space<hbm>>)
        tpu.yield
      }) : () -> ()
      %barrier3A_537 = arith.constant 0 : index
      tpu.barrier barrier_id(%barrier3A_537)
    }
    %scan3A_3 = arith.constant 2 : i32
    return
  }
}

#map = affine_map<(d0, d1) -> (0, 0, 0)>
#map1 = affine_map<(d0, d1) -> (0, 0)>
module attributes {stable_mosaic.version = 14 : i64} {
  func.func @_edge_agg_body(%arg0: i32, %arg1: i32, %arg2: memref<1792x2x112xi32, #tpu.memory_space<hbm>>, %arg3: memref<50176x128xf32, #tpu.memory_space<hbm>>, %arg4: memref<50176x128xf32, #tpu.memory_space<hbm>>, %arg5: memref<2x112xi32, #tpu.memory_space<vmem>>, %arg6: memref<2x112xi32, #tpu.memory_space<vmem>>, %arg7: memref<112x128xf32, #tpu.memory_space<vmem>>, %arg8: memref<112x128xf32, #tpu.memory_space<vmem>>, %arg9: memref<12672x128xf32, #tpu.memory_space<vmem_shared>>, %arg10: memref<!tpu.dma_semaphore, #tpu.memory_space<semaphore_mem>>, %arg11: memref<!tpu.dma_semaphore, #tpu.memory_space<semaphore_mem>>) attributes {dimension_semantics = [#tpu.dimension_semantics<core_parallel>, #tpu.dimension_semantics<subcore_parallel>], iteration_bounds = array<i64: 2, 16>, scalar_prefetch = 0 : i64, scratch_operands = 7 : i64, tpu.core_type = #tpu.core_type<sc_vector_subcore>, window_params = [{transform_indices = #map}, {transform_indices = #map1}, {transform_indices = #map1}]} {
    %iota3A = tpu.iota {dimensions = array<i32: 0>} : vector<16xi32>
    %scan3A = arith.constant 0 : i32
    %scan3A_0 = arith.constant 2 : i32
    %scan3A_1 = arith.addi %scan3A, %scan3A_0 : i32
    %scan3A_2 = arith.constant 1 : i32
    scf.for %scan3A_4 = %scan3A to %scan3A_1 step %scan3A_2  : i32 {
      %mul3A = arith.constant 1 : i32
      %mul3A_5 = arith.muli %scan3A_4, %mul3A : i32
      %add3A = arith.constant 0 : i32
      %add3A_6 = arith.addi %add3A, %mul3A_5 : i32
      %mul3A_7 = arith.constant 2 : i32
      %mul3A_8 = arith.muli %mul3A_7, %arg0 : i32
      %add3A_9 = arith.addi %mul3A_8, %add3A_6 : i32
      %mul3A_10 = arith.constant 12544 : i32
      %mul3A_11 = arith.muli %add3A_9, %mul3A_10 : i32
      %broadcast_in_dim3A = arith.constant 0.000000e+00 : f32
      %broadcast_in_dim3A_12 = vector.broadcast %broadcast_in_dim3A : f32 to vector<16xf32>
      %scan3A_13 = arith.constant 0 : i32
      %scan3A_14 = arith.constant 112 : i32
      %scan3A_15 = arith.addi %scan3A_13, %scan3A_14 : i32
      %scan3A_16 = arith.constant 1 : i32
      scf.for %scan3A_538 = %scan3A_13 to %scan3A_15 step %scan3A_16  : i32 {
        %mul3A_539 = arith.constant 1 : i32
        %mul3A_540 = arith.muli %scan3A_538, %mul3A_539 : i32
        %add3A_541 = arith.constant 0 : i32
        %add3A_542 = arith.addi %add3A_541, %mul3A_540 : i32
        %swap3A_543 = arith.index_cast %add3A_542 : i32 to index
        %swap3A_544 = arith.constant 0 : index
        %swap3A_545 = tpu.vector_load %arg7[%swap3A_543, %swap3A_544] {strides = array<i32>} : memref<112x128xf32, #tpu.memory_space<vmem>>, vector<1x16xf32>,
        %swap3A_546 = vector.shape_cast %swap3A_545 : vector<1x16xf32> to vector<16xf32>
        %swap3A_547 = vector.shape_cast %broadcast_in_dim3A_12 : vector<16xf32> to vector<1x16xf32>
        tpu.vector_store %arg7[%swap3A_543, %swap3A_544], %swap3A_547 {strides = array<i32>} : memref<112x128xf32, #tpu.memory_space<vmem>>, vector<1x16xf32>,
        %swap3A_548 = arith.index_cast %add3A_542 : i32 to index
        %swap3A_549 = arith.constant 16 : index
        %swap3A_550 = tpu.vector_load %arg7[%swap3A_548, %swap3A_549] {strides = array<i32>} : memref<112x128xf32, #tpu.memory_space<vmem>>, vector<1x16xf32>,
        %swap3A_551 = vector.shape_cast %swap3A_550 : vector<1x16xf32> to vector<16xf32>
        %swap3A_552 = vector.shape_cast %broadcast_in_dim3A_12 : vector<16xf32> to vector<1x16xf32>
        tpu.vector_store %arg7[%swap3A_548, %swap3A_549], %swap3A_552 {strides = array<i32>} : memref<112x128xf32, #tpu.memory_space<vmem>>, vector<1x16xf32>,
        %swap3A_553 = arith.index_cast %add3A_542 : i32 to index
        %swap3A_554 = arith.constant 32 : index
        %swap3A_555 = tpu.vector_load %arg7[%swap3A_553, %swap3A_554] {strides = array<i32>} : memref<112x128xf32, #tpu.memory_space<vmem>>, vector<1x16xf32>,
        %swap3A_556 = vector.shape_cast %swap3A_555 : vector<1x16xf32> to vector<16xf32>
        %swap3A_557 = vector.shape_cast %broadcast_in_dim3A_12 : vector<16xf32> to vector<1x16xf32>
        tpu.vector_store %arg7[%swap3A_553, %swap3A_554], %swap3A_557 {strides = array<i32>} : memref<112x128xf32, #tpu.memory_space<vmem>>, vector<1x16xf32>,
        %swap3A_558 = arith.index_cast %add3A_542 : i32 to index
        %swap3A_559 = arith.constant 48 : index
        %swap3A_560 = tpu.vector_load %arg7[%swap3A_558, %swap3A_559] {strides = array<i32>} : memref<112x128xf32, #tpu.memory_space<vmem>>, vector<1x16xf32>,
        %swap3A_561 = vector.shape_cast %swap3A_560 : vector<1x16xf32> to vector<16xf32>
        %swap3A_562 = vector.shape_cast %broadcast_in_dim3A_12 : vector<16xf32> to vector<1x16xf32>
        tpu.vector_store %arg7[%swap3A_558, %swap3A_559], %swap3A_562 {strides = array<i32>} : memref<112x128xf32, #tpu.memory_space<vmem>>, vector<1x16xf32>,
        %swap3A_563 = arith.index_cast %add3A_542 : i32 to index
        %swap3A_564 = arith.constant 64 : index
        %swap3A_565 = tpu.vector_load %arg7[%swap3A_563, %swap3A_564] {strides = array<i32>} : memref<112x128xf32, #tpu.memory_space<vmem>>, vector<1x16xf32>,
        %swap3A_566 = vector.shape_cast %swap3A_565 : vector<1x16xf32> to vector<16xf32>
        %swap3A_567 = vector.shape_cast %broadcast_in_dim3A_12 : vector<16xf32> to vector<1x16xf32>
        tpu.vector_store %arg7[%swap3A_563, %swap3A_564], %swap3A_567 {strides = array<i32>} : memref<112x128xf32, #tpu.memory_space<vmem>>, vector<1x16xf32>,
        %swap3A_568 = arith.index_cast %add3A_542 : i32 to index
        %swap3A_569 = arith.constant 80 : index
        %swap3A_570 = tpu.vector_load %arg7[%swap3A_568, %swap3A_569] {strides = array<i32>} : memref<112x128xf32, #tpu.memory_space<vmem>>, vector<1x16xf32>,
        %swap3A_571 = vector.shape_cast %swap3A_570 : vector<1x16xf32> to vector<16xf32>
        %swap3A_572 = vector.shape_cast %broadcast_in_dim3A_12 : vector<16xf32> to vector<1x16xf32>
        tpu.vector_store %arg7[%swap3A_568, %swap3A_569], %swap3A_572 {strides = array<i32>} : memref<112x128xf32, #tpu.memory_space<vmem>>, vector<1x16xf32>,
        %swap3A_573 = arith.index_cast %add3A_542 : i32 to index
        %swap3A_574 = arith.constant 96 : index
        %swap3A_575 = tpu.vector_load %arg7[%swap3A_573, %swap3A_574] {strides = array<i32>} : memref<112x128xf32, #tpu.memory_space<vmem>>, vector<1x16xf32>,
        %swap3A_576 = vector.shape_cast %swap3A_575 : vector<1x16xf32> to vector<16xf32>
        %swap3A_577 = vector.shape_cast %broadcast_in_dim3A_12 : vector<16xf32> to vector<1x16xf32>
        tpu.vector_store %arg7[%swap3A_573, %swap3A_574], %swap3A_577 {strides = array<i32>} : memref<112x128xf32, #tpu.memory_space<vmem>>, vector<1x16xf32>,
        %swap3A_578 = arith.index_cast %add3A_542 : i32 to index
        %swap3A_579 = arith.constant 112 : index
        %swap3A_580 = tpu.vector_load %arg7[%swap3A_578, %swap3A_579] {strides = array<i32>} : memref<112x128xf32, #tpu.memory_space<vmem>>, vector<1x16xf32>,
        %swap3A_581 = vector.shape_cast %swap3A_580 : vector<1x16xf32> to vector<16xf32>
        %swap3A_582 = vector.shape_cast %broadcast_in_dim3A_12 : vector<16xf32> to vector<1x16xf32>
        tpu.vector_store %arg7[%swap3A_578, %swap3A_579], %swap3A_582 {strides = array<i32>} : memref<112x128xf32, #tpu.memory_space<vmem>>, vector<1x16xf32>,
      }
      %scan3A_17 = arith.constant 112 : i32
      %mul3A_18 = arith.constant 792 : i32
      %mul3A_19 = arith.muli %arg1, %mul3A_18 : i32
      %add3A_20 = arith.constant 0 : i32
      %add3A_21 = arith.addi %mul3A_19, %add3A_20 : i32
      "tpu.region"() ({
        %run_scoped3A = tpu.sem_alloc : memref<!tpu.dma_semaphore, #tpu.memory_space<semaphore_mem>>
        %dma_start3A_538 = arith.constant 0 : i32
        %dma_start3A_539 = tpu.memref_slice %arg9[%add3A_21, %dma_start3A_538] : memref<12672x128xf32, #tpu.memory_space<vmem_shared>> -> memref<112x128xf32, #tpu.memory_space<vmem_shared>>
        %dma_start3A_540 = arith.constant 0 : i32
        %dma_start3A_541 = tpu.memref_slice %arg9[%add3A_21, %dma_start3A_540] : memref<12672x128xf32, #tpu.memory_space<vmem_shared>> -> memref<112x128xf32, #tpu.memory_space<vmem_shared>>
        tpu.enqueue_dma source(%arg7 : memref<112x128xf32, #tpu.memory_space<vmem>>) target(%dma_start3A_541 : memref<112x128xf32, #tpu.memory_space<vmem_shared>>) target_semaphore(%run_scoped3A : memref<!tpu.dma_semaphore, #tpu.memory_space<semaphore_mem>>)
        %dma_wait3A = arith.constant 0 : i32
        %dma_wait3A_542 = tpu.memref_slice %arg9[%add3A_21, %dma_wait3A] : memref<12672x128xf32, #tpu.memory_space<vmem_shared>> -> memref<112x128xf32, #tpu.memory_space<vmem_shared>>
        %dma_wait3A_543 = arith.constant 0 : i32
        %dma_wait3A_544 = tpu.memref_slice %arg9[%add3A_21, %dma_wait3A_543] : memref<12672x128xf32, #tpu.memory_space<vmem_shared>> -> memref<112x128xf32, #tpu.memory_space<vmem_shared>>
        tpu.wait_dma2 semaphore(%run_scoped3A : memref<!tpu.dma_semaphore, #tpu.memory_space<semaphore_mem>>) src(%arg7 : memref<112x128xf32, #tpu.memory_space<vmem>>) dst(%dma_wait3A_544 : memref<112x128xf32, #tpu.memory_space<vmem_shared>>)
        tpu.yield
      }) : () -> ()
      %mul3A_22 = arith.constant 792 : i32
      %mul3A_23 = arith.muli %arg1, %mul3A_22 : i32
      %add3A_24 = arith.constant 112 : i32
      %add3A_25 = arith.addi %mul3A_23, %add3A_24 : i32
      "tpu.region"() ({
        %run_scoped3A = tpu.sem_alloc : memref<!tpu.dma_semaphore, #tpu.memory_space<semaphore_mem>>
        %dma_start3A_538 = arith.constant 0 : i32
        %dma_start3A_539 = tpu.memref_slice %arg9[%add3A_25, %dma_start3A_538] : memref<12672x128xf32, #tpu.memory_space<vmem_shared>> -> memref<112x128xf32, #tpu.memory_space<vmem_shared>>
        %dma_start3A_540 = arith.constant 0 : i32
        %dma_start3A_541 = tpu.memref_slice %arg9[%add3A_25, %dma_start3A_540] : memref<12672x128xf32, #tpu.memory_space<vmem_shared>> -> memref<112x128xf32, #tpu.memory_space<vmem_shared>>
        tpu.enqueue_dma source(%arg7 : memref<112x128xf32, #tpu.memory_space<vmem>>) target(%dma_start3A_541 : memref<112x128xf32, #tpu.memory_space<vmem_shared>>) target_semaphore(%run_scoped3A : memref<!tpu.dma_semaphore, #tpu.memory_space<semaphore_mem>>)
        %dma_wait3A = arith.constant 0 : i32
        %dma_wait3A_542 = tpu.memref_slice %arg9[%add3A_25, %dma_wait3A] : memref<12672x128xf32, #tpu.memory_space<vmem_shared>> -> memref<112x128xf32, #tpu.memory_space<vmem_shared>>
        %dma_wait3A_543 = arith.constant 0 : i32
        %dma_wait3A_544 = tpu.memref_slice %arg9[%add3A_25, %dma_wait3A_543] : memref<12672x128xf32, #tpu.memory_space<vmem_shared>> -> memref<112x128xf32, #tpu.memory_space<vmem_shared>>
        tpu.wait_dma2 semaphore(%run_scoped3A : memref<!tpu.dma_semaphore, #tpu.memory_space<semaphore_mem>>) src(%arg7 : memref<112x128xf32, #tpu.memory_space<vmem>>) dst(%dma_wait3A_544 : memref<112x128xf32, #tpu.memory_space<vmem_shared>>)
        tpu.yield
      }) : () -> ()
      %mul3A_26 = arith.constant 792 : i32
      %mul3A_27 = arith.muli %arg1, %mul3A_26 : i32
      %add3A_28 = arith.constant 224 : i32
      %add3A_29 = arith.addi %mul3A_27, %add3A_28 : i32
      "tpu.region"() ({
        %run_scoped3A = tpu.sem_alloc : memref<!tpu.dma_semaphore, #tpu.memory_space<semaphore_mem>>
        %dma_start3A_538 = arith.constant 0 : i32
        %dma_start3A_539 = tpu.memref_slice %arg9[%add3A_29, %dma_start3A_538] : memref<12672x128xf32, #tpu.memory_space<vmem_shared>> -> memref<112x128xf32, #tpu.memory_space<vmem_shared>>
        %dma_start3A_540 = arith.constant 0 : i32
        %dma_start3A_541 = tpu.memref_slice %arg9[%add3A_29, %dma_start3A_540] : memref<12672x128xf32, #tpu.memory_space<vmem_shared>> -> memref<112x128xf32, #tpu.memory_space<vmem_shared>>
        tpu.enqueue_dma source(%arg7 : memref<112x128xf32, #tpu.memory_space<vmem>>) target(%dma_start3A_541 : memref<112x128xf32, #tpu.memory_space<vmem_shared>>) target_semaphore(%run_scoped3A : memref<!tpu.dma_semaphore, #tpu.memory_space<semaphore_mem>>)
        %dma_wait3A = arith.constant 0 : i32
        %dma_wait3A_542 = tpu.memref_slice %arg9[%add3A_29, %dma_wait3A] : memref<12672x128xf32, #tpu.memory_space<vmem_shared>> -> memref<112x128xf32, #tpu.memory_space<vmem_shared>>
        %dma_wait3A_543 = arith.constant 0 : i32
        %dma_wait3A_544 = tpu.memref_slice %arg9[%add3A_29, %dma_wait3A_543] : memref<12672x128xf32, #tpu.memory_space<vmem_shared>> -> memref<112x128xf32, #tpu.memory_space<vmem_shared>>
        tpu.wait_dma2 semaphore(%run_scoped3A : memref<!tpu.dma_semaphore, #tpu.memory_space<semaphore_mem>>) src(%arg7 : memref<112x128xf32, #tpu.memory_space<vmem>>) dst(%dma_wait3A_544 : memref<112x128xf32, #tpu.memory_space<vmem_shared>>)
        tpu.yield
      }) : () -> ()
      %mul3A_30 = arith.constant 792 : i32
      %mul3A_31 = arith.muli %arg1, %mul3A_30 : i32
      %add3A_32 = arith.constant 336 : i32
      %add3A_33 = arith.addi %mul3A_31, %add3A_32 : i32
      "tpu.region"() ({
        %run_scoped3A = tpu.sem_alloc : memref<!tpu.dma_semaphore, #tpu.memory_space<semaphore_mem>>
        %dma_start3A_538 = arith.constant 0 : i32
        %dma_start3A_539 = tpu.memref_slice %arg9[%add3A_33, %dma_start3A_538] : memref<12672x128xf32, #tpu.memory_space<vmem_shared>> -> memref<112x128xf32, #tpu.memory_space<vmem_shared>>
        %dma_start3A_540 = arith.constant 0 : i32
        %dma_start3A_541 = tpu.memref_slice %arg9[%add3A_33, %dma_start3A_540] : memref<12672x128xf32, #tpu.memory_space<vmem_shared>> -> memref<112x128xf32, #tpu.memory_space<vmem_shared>>
        tpu.enqueue_dma source(%arg7 : memref<112x128xf32, #tpu.memory_space<vmem>>) target(%dma_start3A_541 : memref<112x128xf32, #tpu.memory_space<vmem_shared>>) target_semaphore(%run_scoped3A : memref<!tpu.dma_semaphore, #tpu.memory_space<semaphore_mem>>)
        %dma_wait3A = arith.constant 0 : i32
        %dma_wait3A_542 = tpu.memref_slice %arg9[%add3A_33, %dma_wait3A] : memref<12672x128xf32, #tpu.memory_space<vmem_shared>> -> memref<112x128xf32, #tpu.memory_space<vmem_shared>>
        %dma_wait3A_543 = arith.constant 0 : i32
        %dma_wait3A_544 = tpu.memref_slice %arg9[%add3A_33, %dma_wait3A_543] : memref<12672x128xf32, #tpu.memory_space<vmem_shared>> -> memref<112x128xf32, #tpu.memory_space<vmem_shared>>
        tpu.wait_dma2 semaphore(%run_scoped3A : memref<!tpu.dma_semaphore, #tpu.memory_space<semaphore_mem>>) src(%arg7 : memref<112x128xf32, #tpu.memory_space<vmem>>) dst(%dma_wait3A_544 : memref<112x128xf32, #tpu.memory_space<vmem_shared>>)
        tpu.yield
      }) : () -> ()
      %mul3A_34 = arith.constant 792 : i32
      %mul3A_35 = arith.muli %arg1, %mul3A_34 : i32
      %add3A_36 = arith.constant 448 : i32
      %add3A_37 = arith.addi %mul3A_35, %add3A_36 : i32
      "tpu.region"() ({
        %run_scoped3A = tpu.sem_alloc : memref<!tpu.dma_semaphore, #tpu.memory_space<semaphore_mem>>
        %dma_start3A_538 = arith.constant 0 : i32
        %dma_start3A_539 = tpu.memref_slice %arg9[%add3A_37, %dma_start3A_538] : memref<12672x128xf32, #tpu.memory_space<vmem_shared>> -> memref<112x128xf32, #tpu.memory_space<vmem_shared>>
        %dma_start3A_540 = arith.constant 0 : i32
        %dma_start3A_541 = tpu.memref_slice %arg9[%add3A_37, %dma_start3A_540] : memref<12672x128xf32, #tpu.memory_space<vmem_shared>> -> memref<112x128xf32, #tpu.memory_space<vmem_shared>>
        tpu.enqueue_dma source(%arg7 : memref<112x128xf32, #tpu.memory_space<vmem>>) target(%dma_start3A_541 : memref<112x128xf32, #tpu.memory_space<vmem_shared>>) target_semaphore(%run_scoped3A : memref<!tpu.dma_semaphore, #tpu.memory_space<semaphore_mem>>)
        %dma_wait3A = arith.constant 0 : i32
        %dma_wait3A_542 = tpu.memref_slice %arg9[%add3A_37, %dma_wait3A] : memref<12672x128xf32, #tpu.memory_space<vmem_shared>> -> memref<112x128xf32, #tpu.memory_space<vmem_shared>>
        %dma_wait3A_543 = arith.constant 0 : i32
        %dma_wait3A_544 = tpu.memref_slice %arg9[%add3A_37, %dma_wait3A_543] : memref<12672x128xf32, #tpu.memory_space<vmem_shared>> -> memref<112x128xf32, #tpu.memory_space<vmem_shared>>
        tpu.wait_dma2 semaphore(%run_scoped3A : memref<!tpu.dma_semaphore, #tpu.memory_space<semaphore_mem>>) src(%arg7 : memref<112x128xf32, #tpu.memory_space<vmem>>) dst(%dma_wait3A_544 : memref<112x128xf32, #tpu.memory_space<vmem_shared>>)
        tpu.yield
      }) : () -> ()
      %mul3A_38 = arith.constant 792 : i32
      %mul3A_39 = arith.muli %arg1, %mul3A_38 : i32
      %add3A_40 = arith.constant 560 : i32
      %add3A_41 = arith.addi %mul3A_39, %add3A_40 : i32
      "tpu.region"() ({
        %run_scoped3A = tpu.sem_alloc : memref<!tpu.dma_semaphore, #tpu.memory_space<semaphore_mem>>
        %dma_start3A_538 = arith.constant 0 : i32
        %dma_start3A_539 = tpu.memref_slice %arg9[%add3A_41, %dma_start3A_538] : memref<12672x128xf32, #tpu.memory_space<vmem_shared>> -> memref<112x128xf32, #tpu.memory_space<vmem_shared>>
        %dma_start3A_540 = arith.constant 0 : i32
        %dma_start3A_541 = tpu.memref_slice %arg9[%add3A_41, %dma_start3A_540] : memref<12672x128xf32, #tpu.memory_space<vmem_shared>> -> memref<112x128xf32, #tpu.memory_space<vmem_shared>>
        tpu.enqueue_dma source(%arg7 : memref<112x128xf32, #tpu.memory_space<vmem>>) target(%dma_start3A_541 : memref<112x128xf32, #tpu.memory_space<vmem_shared>>) target_semaphore(%run_scoped3A : memref<!tpu.dma_semaphore, #tpu.memory_space<semaphore_mem>>)
        %dma_wait3A = arith.constant 0 : i32
        %dma_wait3A_542 = tpu.memref_slice %arg9[%add3A_41, %dma_wait3A] : memref<12672x128xf32, #tpu.memory_space<vmem_shared>> -> memref<112x128xf32, #tpu.memory_space<vmem_shared>>
        %dma_wait3A_543 = arith.constant 0 : i32
        %dma_wait3A_544 = tpu.memref_slice %arg9[%add3A_41, %dma_wait3A_543] : memref<12672x128xf32, #tpu.memory_space<vmem_shared>> -> memref<112x128xf32, #tpu.memory_space<vmem_shared>>
        tpu.wait_dma2 semaphore(%run_scoped3A : memref<!tpu.dma_semaphore, #tpu.memory_space<semaphore_mem>>) src(%arg7 : memref<112x128xf32, #tpu.memory_space<vmem>>) dst(%dma_wait3A_544 : memref<112x128xf32, #tpu.memory_space<vmem_shared>>)
        tpu.yield
      }) : () -> ()
      %mul3A_42 = arith.constant 792 : i32
      %mul3A_43 = arith.muli %arg1, %mul3A_42 : i32
      %add3A_44 = arith.constant 672 : i32
      %add3A_45 = arith.addi %mul3A_43, %add3A_44 : i32
      "tpu.region"() ({
        %run_scoped3A = tpu.sem_alloc : memref<!tpu.dma_semaphore, #tpu.memory_space<semaphore_mem>>
        %dma_start3A_538 = arith.constant 0 : i32
        %dma_start3A_539 = tpu.memref_slice %arg9[%add3A_45, %dma_start3A_538] : memref<12672x128xf32, #tpu.memory_space<vmem_shared>> -> memref<112x128xf32, #tpu.memory_space<vmem_shared>>
        %dma_start3A_540 = arith.constant 0 : i32
        %dma_start3A_541 = tpu.memref_slice %arg9[%add3A_45, %dma_start3A_540] : memref<12672x128xf32, #tpu.memory_space<vmem_shared>> -> memref<112x128xf32, #tpu.memory_space<vmem_shared>>
        tpu.enqueue_dma source(%arg7 : memref<112x128xf32, #tpu.memory_space<vmem>>) target(%dma_start3A_541 : memref<112x128xf32, #tpu.memory_space<vmem_shared>>) target_semaphore(%run_scoped3A : memref<!tpu.dma_semaphore, #tpu.memory_space<semaphore_mem>>)
        %dma_wait3A = arith.constant 0 : i32
        %dma_wait3A_542 = tpu.memref_slice %arg9[%add3A_45, %dma_wait3A] : memref<12672x128xf32, #tpu.memory_space<vmem_shared>> -> memref<112x128xf32, #tpu.memory_space<vmem_shared>>
        %dma_wait3A_543 = arith.constant 0 : i32
        %dma_wait3A_544 = tpu.memref_slice %arg9[%add3A_45, %dma_wait3A_543] : memref<12672x128xf32, #tpu.memory_space<vmem_shared>> -> memref<112x128xf32, #tpu.memory_space<vmem_shared>>
        tpu.wait_dma2 semaphore(%run_scoped3A : memref<!tpu.dma_semaphore, #tpu.memory_space<semaphore_mem>>) src(%arg7 : memref<112x128xf32, #tpu.memory_space<vmem>>) dst(%dma_wait3A_544 : memref<112x128xf32, #tpu.memory_space<vmem_shared>>)
        tpu.yield
      }) : () -> ()
      %mul3A_46 = arith.constant 792 : i32
      %mul3A_47 = arith.muli %arg1, %mul3A_46 : i32
      %add3A_48 = arith.constant 784 : i32
      %add3A_49 = arith.addi %mul3A_47, %add3A_48 : i32
      "tpu.region"() ({
        %run_scoped3A = tpu.sem_alloc : memref<!tpu.dma_semaphore, #tpu.memory_space<semaphore_mem>>
        %dma_start3A_538 = arith.constant 0 : i32
        %dma_start3A_539 = arith.constant 0 : i32
        %dma_start3A_540 = tpu.memref_slice %arg7[%dma_start3A_538, %dma_start3A_539] : memref<112x128xf32, #tpu.memory_space<vmem>> -> memref<8x128xf32, #tpu.memory_space<vmem>>
        %dma_start3A_541 = arith.constant 0 : i32
        %dma_start3A_542 = tpu.memref_slice %arg9[%add3A_49, %dma_start3A_541] : memref<12672x128xf32, #tpu.memory_space<vmem_shared>> -> memref<8x128xf32, #tpu.memory_space<vmem_shared>>
        %dma_start3A_543 = arith.constant 0 : i32
        %dma_start3A_544 = tpu.memref_slice %arg9[%add3A_49, %dma_start3A_543] : memref<12672x128xf32, #tpu.memory_space<vmem_shared>> -> memref<8x128xf32, #tpu.memory_space<vmem_shared>>
        %dma_start3A_545 = arith.constant 0 : i32
        %dma_start3A_546 = arith.constant 0 : i32
        %dma_start3A_547 = tpu.memref_slice %arg7[%dma_start3A_545, %dma_start3A_546] : memref<112x128xf32, #tpu.memory_space<vmem>> -> memref<8x128xf32, #tpu.memory_space<vmem>>
        tpu.enqueue_dma source(%dma_start3A_547 : memref<8x128xf32, #tpu.memory_space<vmem>>) target(%dma_start3A_544 : memref<8x128xf32, #tpu.memory_space<vmem_shared>>) target_semaphore(%run_scoped3A : memref<!tpu.dma_semaphore, #tpu.memory_space<semaphore_mem>>)
        %dma_wait3A = arith.constant 0 : i32
        %dma_wait3A_548 = arith.constant 0 : i32
        %dma_wait3A_549 = tpu.memref_slice %arg7[%dma_wait3A, %dma_wait3A_548] : memref<112x128xf32, #tpu.memory_space<vmem>> -> memref<8x128xf32, #tpu.memory_space<vmem>>
        %dma_wait3A_550 = arith.constant 0 : i32
        %dma_wait3A_551 = tpu.memref_slice %arg9[%add3A_49, %dma_wait3A_550] : memref<12672x128xf32, #tpu.memory_space<vmem_shared>> -> memref<8x128xf32, #tpu.memory_space<vmem_shared>>
        %dma_wait3A_552 = arith.constant 0 : i32
        %dma_wait3A_553 = tpu.memref_slice %arg9[%add3A_49, %dma_wait3A_552] : memref<12672x128xf32, #tpu.memory_space<vmem_shared>> -> memref<8x128xf32, #tpu.memory_space<vmem_shared>>
        %dma_wait3A_554 = arith.constant 0 : i32
        %dma_wait3A_555 = arith.constant 0 : i32
        %dma_wait3A_556 = tpu.memref_slice %arg7[%dma_wait3A_554, %dma_wait3A_555] : memref<112x128xf32, #tpu.memory_space<vmem>> -> memref<8x128xf32, #tpu.memory_space<vmem>>
        tpu.wait_dma2 semaphore(%run_scoped3A : memref<!tpu.dma_semaphore, #tpu.memory_space<semaphore_mem>>) src(%dma_wait3A_556 : memref<8x128xf32, #tpu.memory_space<vmem>>) dst(%dma_wait3A_553 : memref<8x128xf32, #tpu.memory_space<vmem_shared>>)
        tpu.yield
      }) : () -> ()
      %barrier3A = arith.constant 0 : index
      tpu.barrier barrier_id(%barrier3A)
      %mul3A_50 = arith.constant 112 : i32
      %mul3A_51 = arith.muli %arg1, %mul3A_50 : i32
      %add3A_52 = arith.constant 0 : i32
      %add3A_53 = arith.addi %mul3A_51, %add3A_52 : i32
      "tpu.region"() ({
        %run_scoped3A = tpu.sem_alloc : memref<!tpu.dma_semaphore, #tpu.memory_space<semaphore_mem>>
        %dma_start3A_538 = arith.constant 0 : i32
        %dma_start3A_539 = arith.constant 0 : i32
        %dma_start3A_540 = tpu.memref_slice %arg2[%add3A_53, %dma_start3A_538, %dma_start3A_539] : memref<1792x2x112xi32, #tpu.memory_space<hbm>> -> memref<1x2x112xi32, #tpu.memory_space<hbm>>
        %dma_start3A_541 = tpu.memref_squeeze %dma_start3A_540 : memref<1x2x112xi32, #tpu.memory_space<hbm>> -> memref<2x112xi32, #tpu.memory_space<hbm>>
        %dma_start3A_542 = arith.constant 0 : i32
        %dma_start3A_543 = arith.constant 0 : i32
        %dma_start3A_544 = tpu.memref_slice %arg2[%add3A_53, %dma_start3A_542, %dma_start3A_543] : memref<1792x2x112xi32, #tpu.memory_space<hbm>> -> memref<1x2x112xi32, #tpu.memory_space<hbm>>
        %dma_start3A_545 = tpu.memref_squeeze %dma_start3A_544 : memref<1x2x112xi32, #tpu.memory_space<hbm>> -> memref<2x112xi32, #tpu.memory_space<hbm>>
        tpu.enqueue_dma source(%dma_start3A_545 : memref<2x112xi32, #tpu.memory_space<hbm>>) target(%arg5 : memref<2x112xi32, #tpu.memory_space<vmem>>) target_semaphore(%run_scoped3A : memref<!tpu.dma_semaphore, #tpu.memory_space<semaphore_mem>>)
        %dma_wait3A = arith.constant 0 : i32
        %dma_wait3A_546 = arith.constant 0 : i32
        %dma_wait3A_547 = tpu.memref_slice %arg2[%add3A_53, %dma_wait3A, %dma_wait3A_546] : memref<1792x2x112xi32, #tpu.memory_space<hbm>> -> memref<1x2x112xi32, #tpu.memory_space<hbm>>
        %dma_wait3A_548 = tpu.memref_squeeze %dma_wait3A_547 : memref<1x2x112xi32, #tpu.memory_space<hbm>> -> memref<2x112xi32, #tpu.memory_space<hbm>>
        %dma_wait3A_549 = arith.constant 0 : i32
        %dma_wait3A_550 = arith.constant 0 : i32
        %dma_wait3A_551 = tpu.memref_slice %arg2[%add3A_53, %dma_wait3A_549, %dma_wait3A_550] : memref<1792x2x112xi32, #tpu.memory_space<hbm>> -> memref<1x2x112xi32, #tpu.memory_space<hbm>>
        %dma_wait3A_552 = tpu.memref_squeeze %dma_wait3A_551 : memref<1x2x112xi32, #tpu.memory_space<hbm>> -> memref<2x112xi32, #tpu.memory_space<hbm>>
        tpu.wait_dma2 semaphore(%run_scoped3A : memref<!tpu.dma_semaphore, #tpu.memory_space<semaphore_mem>>) src(%dma_wait3A_552 : memref<2x112xi32, #tpu.memory_space<hbm>>) dst(%arg5 : memref<2x112xi32, #tpu.memory_space<vmem>>)
        tpu.yield
      }) : () -> ()
      %get3A = arith.constant 1 : i32
      %get3A_54 = arith.index_cast %get3A : i32 to index
      %get3A_55 = arith.constant 0 : index
      %get3A_56 = tpu.vector_load %arg5[%get3A_54, %get3A_55] {strides = array<i32>} : memref<2x112xi32, #tpu.memory_space<vmem>>, vector<1x16xi32>,
      %get3A_57 = vector.shape_cast %get3A_56 : vector<1x16xi32> to vector<16xi32>
      %sub3A = vector.broadcast %mul3A_11 : i32 to vector<16xi32>
      %sub3A_58 = arith.subi %get3A_57, %sub3A : vector<16xi32>
      %ge3A = arith.constant 0 : i32
      %ge3A_59 = vector.broadcast %ge3A : i32 to vector<16xi32>
      %ge3A_60 = arith.cmpi sge, %sub3A_58, %ge3A_59 : vector<16xi32>
      %lt3A = arith.constant 12544 : i32
      %lt3A_61 = vector.broadcast %lt3A : i32 to vector<16xi32>
      %lt3A_62 = arith.cmpi slt, %sub3A_58, %lt3A_61 : vector<16xi32>
      %and3A = arith.andi %ge3A_60, %lt3A_62 : vector<16xi1>
      %mul3A_63 = arith.constant 8 : i32
      %mul3A_64 = arith.muli %arg1, %mul3A_63 : i32
      %add3A_65 = arith.constant 12544 : i32
      %add3A_66 = arith.addi %add3A_65, %mul3A_64 : i32
      %add3A_67 = arith.constant 0 : i32
      %add3A_68 = vector.broadcast %add3A_67 : i32 to vector<16xi32>
      %add3A_69 = arith.addi %iota3A, %add3A_68 : vector<16xi32>
      %and3A_70 = arith.constant 7 : i32
      %and3A_71 = vector.broadcast %and3A_70 : i32 to vector<16xi32>
      %and3A_72 = arith.andi %add3A_69, %and3A_71 : vector<16xi32>
      %add3A_73 = vector.broadcast %add3A_66 : i32 to vector<16xi32>
      %add3A_74 = arith.addi %add3A_73, %and3A_72 : vector<16xi32>
      %select_n3A = arith.select %and3A, %sub3A_58, %add3A_74 : vector<16xi1>, vector<16xi32>
      %swap3A = arith.constant 1 : i32
      %swap3A_75 = arith.index_cast %swap3A : i32 to index
      %swap3A_76 = arith.constant 0 : index
      %swap3A_77 = tpu.vector_load %arg5[%swap3A_75, %swap3A_76] {strides = array<i32>} : memref<2x112xi32, #tpu.memory_space<vmem>>, vector<1x16xi32>,
      %swap3A_78 = vector.shape_cast %swap3A_77 : vector<1x16xi32> to vector<16xi32>
      %swap3A_79 = vector.shape_cast %select_n3A : vector<16xi32> to vector<1x16xi32>
      tpu.vector_store %arg5[%swap3A_75, %swap3A_76], %swap3A_79 {strides = array<i32>} : memref<2x112xi32, #tpu.memory_space<vmem>>, vector<1x16xi32>,
      %get3A_80 = arith.constant 1 : i32
      %get3A_81 = arith.index_cast %get3A_80 : i32 to index
      %get3A_82 = arith.constant 16 : index
      %get3A_83 = tpu.vector_load %arg5[%get3A_81, %get3A_82] {strides = array<i32>} : memref<2x112xi32, #tpu.memory_space<vmem>>, vector<1x16xi32>,
      %get3A_84 = vector.shape_cast %get3A_83 : vector<1x16xi32> to vector<16xi32>
      %sub3A_85 = vector.broadcast %mul3A_11 : i32 to vector<16xi32>
      %sub3A_86 = arith.subi %get3A_84, %sub3A_85 : vector<16xi32>
      %ge3A_87 = arith.constant 0 : i32
      %ge3A_88 = vector.broadcast %ge3A_87 : i32 to vector<16xi32>
      %ge3A_89 = arith.cmpi sge, %sub3A_86, %ge3A_88 : vector<16xi32>
      %lt3A_90 = arith.constant 12544 : i32
      %lt3A_91 = vector.broadcast %lt3A_90 : i32 to vector<16xi32>
      %lt3A_92 = arith.cmpi slt, %sub3A_86, %lt3A_91 : vector<16xi32>
      %and3A_93 = arith.andi %ge3A_89, %lt3A_92 : vector<16xi1>
      %mul3A_94 = arith.constant 8 : i32
      %mul3A_95 = arith.muli %arg1, %mul3A_94 : i32
      %add3A_96 = arith.constant 12544 : i32
      %add3A_97 = arith.addi %add3A_96, %mul3A_95 : i32
      %add3A_98 = arith.constant 16 : i32
      %add3A_99 = vector.broadcast %add3A_98 : i32 to vector<16xi32>
      %add3A_100 = arith.addi %iota3A, %add3A_99 : vector<16xi32>
      %and3A_101 = arith.constant 7 : i32
      %and3A_102 = vector.broadcast %and3A_101 : i32 to vector<16xi32>
      %and3A_103 = arith.andi %add3A_100, %and3A_102 : vector<16xi32>
      %add3A_104 = vector.broadcast %add3A_97 : i32 to vector<16xi32>
      %add3A_105 = arith.addi %add3A_104, %and3A_103 : vector<16xi32>
      %select_n3A_106 = arith.select %and3A_93, %sub3A_86, %add3A_105 : vector<16xi1>, vector<16xi32>
      %swap3A_107 = arith.constant 1 : i32
      %swap3A_108 = arith.index_cast %swap3A_107 : i32 to index
      %swap3A_109 = arith.constant 16 : index
      %swap3A_110 = tpu.vector_load %arg5[%swap3A_108, %swap3A_109] {strides = array<i32>} : memref<2x112xi32, #tpu.memory_space<vmem>>, vector<1x16xi32>,
      %swap3A_111 = vector.shape_cast %swap3A_110 : vector<1x16xi32> to vector<16xi32>
      %swap3A_112 = vector.shape_cast %select_n3A_106 : vector<16xi32> to vector<1x16xi32>
      tpu.vector_store %arg5[%swap3A_108, %swap3A_109], %swap3A_112 {strides = array<i32>} : memref<2x112xi32, #tpu.memory_space<vmem>>, vector<1x16xi32>,
      %get3A_113 = arith.constant 1 : i32
      %get3A_114 = arith.index_cast %get3A_113 : i32 to index
      %get3A_115 = arith.constant 32 : index
      %get3A_116 = tpu.vector_load %arg5[%get3A_114, %get3A_115] {strides = array<i32>} : memref<2x112xi32, #tpu.memory_space<vmem>>, vector<1x16xi32>,
      %get3A_117 = vector.shape_cast %get3A_116 : vector<1x16xi32> to vector<16xi32>
      %sub3A_118 = vector.broadcast %mul3A_11 : i32 to vector<16xi32>
      %sub3A_119 = arith.subi %get3A_117, %sub3A_118 : vector<16xi32>
      %ge3A_120 = arith.constant 0 : i32
      %ge3A_121 = vector.broadcast %ge3A_120 : i32 to vector<16xi32>
      %ge3A_122 = arith.cmpi sge, %sub3A_119, %ge3A_121 : vector<16xi32>
      %lt3A_123 = arith.constant 12544 : i32
      %lt3A_124 = vector.broadcast %lt3A_123 : i32 to vector<16xi32>
      %lt3A_125 = arith.cmpi slt, %sub3A_119, %lt3A_124 : vector<16xi32>
      %and3A_126 = arith.andi %ge3A_122, %lt3A_125 : vector<16xi1>
      %mul3A_127 = arith.constant 8 : i32
      %mul3A_128 = arith.muli %arg1, %mul3A_127 : i32
      %add3A_129 = arith.constant 12544 : i32
      %add3A_130 = arith.addi %add3A_129, %mul3A_128 : i32
      %add3A_131 = arith.constant 32 : i32
      %add3A_132 = vector.broadcast %add3A_131 : i32 to vector<16xi32>
      %add3A_133 = arith.addi %iota3A, %add3A_132 : vector<16xi32>
      %and3A_134 = arith.constant 7 : i32
      %and3A_135 = vector.broadcast %and3A_134 : i32 to vector<16xi32>
      %and3A_136 = arith.andi %add3A_133, %and3A_135 : vector<16xi32>
      %add3A_137 = vector.broadcast %add3A_130 : i32 to vector<16xi32>
      %add3A_138 = arith.addi %add3A_137, %and3A_136 : vector<16xi32>
      %select_n3A_139 = arith.select %and3A_126, %sub3A_119, %add3A_138 : vector<16xi1>, vector<16xi32>
      %swap3A_140 = arith.constant 1 : i32
      %swap3A_141 = arith.index_cast %swap3A_140 : i32 to index
      %swap3A_142 = arith.constant 32 : index
      %swap3A_143 = tpu.vector_load %arg5[%swap3A_141, %swap3A_142] {strides = array<i32>} : memref<2x112xi32, #tpu.memory_space<vmem>>, vector<1x16xi32>,
      %swap3A_144 = vector.shape_cast %swap3A_143 : vector<1x16xi32> to vector<16xi32>
      %swap3A_145 = vector.shape_cast %select_n3A_139 : vector<16xi32> to vector<1x16xi32>
      tpu.vector_store %arg5[%swap3A_141, %swap3A_142], %swap3A_145 {strides = array<i32>} : memref<2x112xi32, #tpu.memory_space<vmem>>, vector<1x16xi32>,
      %get3A_146 = arith.constant 1 : i32
      %get3A_147 = arith.index_cast %get3A_146 : i32 to index
      %get3A_148 = arith.constant 48 : index
      %get3A_149 = tpu.vector_load %arg5[%get3A_147, %get3A_148] {strides = array<i32>} : memref<2x112xi32, #tpu.memory_space<vmem>>, vector<1x16xi32>,
      %get3A_150 = vector.shape_cast %get3A_149 : vector<1x16xi32> to vector<16xi32>
      %sub3A_151 = vector.broadcast %mul3A_11 : i32 to vector<16xi32>
      %sub3A_152 = arith.subi %get3A_150, %sub3A_151 : vector<16xi32>
      %ge3A_153 = arith.constant 0 : i32
      %ge3A_154 = vector.broadcast %ge3A_153 : i32 to vector<16xi32>
      %ge3A_155 = arith.cmpi sge, %sub3A_152, %ge3A_154 : vector<16xi32>
      %lt3A_156 = arith.constant 12544 : i32
      %lt3A_157 = vector.broadcast %lt3A_156 : i32 to vector<16xi32>
      %lt3A_158 = arith.cmpi slt, %sub3A_152, %lt3A_157 : vector<16xi32>
      %and3A_159 = arith.andi %ge3A_155, %lt3A_158 : vector<16xi1>
      %mul3A_160 = arith.constant 8 : i32
      %mul3A_161 = arith.muli %arg1, %mul3A_160 : i32
      %add3A_162 = arith.constant 12544 : i32
      %add3A_163 = arith.addi %add3A_162, %mul3A_161 : i32
      %add3A_164 = arith.constant 48 : i32
      %add3A_165 = vector.broadcast %add3A_164 : i32 to vector<16xi32>
      %add3A_166 = arith.addi %iota3A, %add3A_165 : vector<16xi32>
      %and3A_167 = arith.constant 7 : i32
      %and3A_168 = vector.broadcast %and3A_167 : i32 to vector<16xi32>
      %and3A_169 = arith.andi %add3A_166, %and3A_168 : vector<16xi32>
      %add3A_170 = vector.broadcast %add3A_163 : i32 to vector<16xi32>
      %add3A_171 = arith.addi %add3A_170, %and3A_169 : vector<16xi32>
      %select_n3A_172 = arith.select %and3A_159, %sub3A_152, %add3A_171 : vector<16xi1>, vector<16xi32>
      %swap3A_173 = arith.constant 1 : i32
      %swap3A_174 = arith.index_cast %swap3A_173 : i32 to index
      %swap3A_175 = arith.constant 48 : index
      %swap3A_176 = tpu.vector_load %arg5[%swap3A_174, %swap3A_175] {strides = array<i32>} : memref<2x112xi32, #tpu.memory_space<vmem>>, vector<1x16xi32>,
      %swap3A_177 = vector.shape_cast %swap3A_176 : vector<1x16xi32> to vector<16xi32>
      %swap3A_178 = vector.shape_cast %select_n3A_172 : vector<16xi32> to vector<1x16xi32>
      tpu.vector_store %arg5[%swap3A_174, %swap3A_175], %swap3A_178 {strides = array<i32>} : memref<2x112xi32, #tpu.memory_space<vmem>>, vector<1x16xi32>,
      %get3A_179 = arith.constant 1 : i32
      %get3A_180 = arith.index_cast %get3A_179 : i32 to index
      %get3A_181 = arith.constant 64 : index
      %get3A_182 = tpu.vector_load %arg5[%get3A_180, %get3A_181] {strides = array<i32>} : memref<2x112xi32, #tpu.memory_space<vmem>>, vector<1x16xi32>,
      %get3A_183 = vector.shape_cast %get3A_182 : vector<1x16xi32> to vector<16xi32>
      %sub3A_184 = vector.broadcast %mul3A_11 : i32 to vector<16xi32>
      %sub3A_185 = arith.subi %get3A_183, %sub3A_184 : vector<16xi32>
      %ge3A_186 = arith.constant 0 : i32
      %ge3A_187 = vector.broadcast %ge3A_186 : i32 to vector<16xi32>
      %ge3A_188 = arith.cmpi sge, %sub3A_185, %ge3A_187 : vector<16xi32>
      %lt3A_189 = arith.constant 12544 : i32
      %lt3A_190 = vector.broadcast %lt3A_189 : i32 to vector<16xi32>
      %lt3A_191 = arith.cmpi slt, %sub3A_185, %lt3A_190 : vector<16xi32>
      %and3A_192 = arith.andi %ge3A_188, %lt3A_191 : vector<16xi1>
      %mul3A_193 = arith.constant 8 : i32
      %mul3A_194 = arith.muli %arg1, %mul3A_193 : i32
      %add3A_195 = arith.constant 12544 : i32
      %add3A_196 = arith.addi %add3A_195, %mul3A_194 : i32
      %add3A_197 = arith.constant 64 : i32
      %add3A_198 = vector.broadcast %add3A_197 : i32 to vector<16xi32>
      %add3A_199 = arith.addi %iota3A, %add3A_198 : vector<16xi32>
      %and3A_200 = arith.constant 7 : i32
      %and3A_201 = vector.broadcast %and3A_200 : i32 to vector<16xi32>
      %and3A_202 = arith.andi %add3A_199, %and3A_201 : vector<16xi32>
      %add3A_203 = vector.broadcast %add3A_196 : i32 to vector<16xi32>
      %add3A_204 = arith.addi %add3A_203, %and3A_202 : vector<16xi32>
      %select_n3A_205 = arith.select %and3A_192, %sub3A_185, %add3A_204 : vector<16xi1>, vector<16xi32>
      %swap3A_206 = arith.constant 1 : i32
      %swap3A_207 = arith.index_cast %swap3A_206 : i32 to index
      %swap3A_208 = arith.constant 64 : index
      %swap3A_209 = tpu.vector_load %arg5[%swap3A_207, %swap3A_208] {strides = array<i32>} : memref<2x112xi32, #tpu.memory_space<vmem>>, vector<1x16xi32>,
      %swap3A_210 = vector.shape_cast %swap3A_209 : vector<1x16xi32> to vector<16xi32>
      %swap3A_211 = vector.shape_cast %select_n3A_205 : vector<16xi32> to vector<1x16xi32>
      tpu.vector_store %arg5[%swap3A_207, %swap3A_208], %swap3A_211 {strides = array<i32>} : memref<2x112xi32, #tpu.memory_space<vmem>>, vector<1x16xi32>,
      %get3A_212 = arith.constant 1 : i32
      %get3A_213 = arith.index_cast %get3A_212 : i32 to index
      %get3A_214 = arith.constant 80 : index
      %get3A_215 = tpu.vector_load %arg5[%get3A_213, %get3A_214] {strides = array<i32>} : memref<2x112xi32, #tpu.memory_space<vmem>>, vector<1x16xi32>,
      %get3A_216 = vector.shape_cast %get3A_215 : vector<1x16xi32> to vector<16xi32>
      %sub3A_217 = vector.broadcast %mul3A_11 : i32 to vector<16xi32>
      %sub3A_218 = arith.subi %get3A_216, %sub3A_217 : vector<16xi32>
      %ge3A_219 = arith.constant 0 : i32
      %ge3A_220 = vector.broadcast %ge3A_219 : i32 to vector<16xi32>
      %ge3A_221 = arith.cmpi sge, %sub3A_218, %ge3A_220 : vector<16xi32>
      %lt3A_222 = arith.constant 12544 : i32
      %lt3A_223 = vector.broadcast %lt3A_222 : i32 to vector<16xi32>
      %lt3A_224 = arith.cmpi slt, %sub3A_218, %lt3A_223 : vector<16xi32>
      %and3A_225 = arith.andi %ge3A_221, %lt3A_224 : vector<16xi1>
      %mul3A_226 = arith.constant 8 : i32
      %mul3A_227 = arith.muli %arg1, %mul3A_226 : i32
      %add3A_228 = arith.constant 12544 : i32
      %add3A_229 = arith.addi %add3A_228, %mul3A_227 : i32
      %add3A_230 = arith.constant 80 : i32
      %add3A_231 = vector.broadcast %add3A_230 : i32 to vector<16xi32>
      %add3A_232 = arith.addi %iota3A, %add3A_231 : vector<16xi32>
      %and3A_233 = arith.constant 7 : i32
      %and3A_234 = vector.broadcast %and3A_233 : i32 to vector<16xi32>
      %and3A_235 = arith.andi %add3A_232, %and3A_234 : vector<16xi32>
      %add3A_236 = vector.broadcast %add3A_229 : i32 to vector<16xi32>
      %add3A_237 = arith.addi %add3A_236, %and3A_235 : vector<16xi32>
      %select_n3A_238 = arith.select %and3A_225, %sub3A_218, %add3A_237 : vector<16xi1>, vector<16xi32>
      %swap3A_239 = arith.constant 1 : i32
      %swap3A_240 = arith.index_cast %swap3A_239 : i32 to index
      %swap3A_241 = arith.constant 80 : index
      %swap3A_242 = tpu.vector_load %arg5[%swap3A_240, %swap3A_241] {strides = array<i32>} : memref<2x112xi32, #tpu.memory_space<vmem>>, vector<1x16xi32>,
      %swap3A_243 = vector.shape_cast %swap3A_242 : vector<1x16xi32> to vector<16xi32>
      %swap3A_244 = vector.shape_cast %select_n3A_238 : vector<16xi32> to vector<1x16xi32>
      tpu.vector_store %arg5[%swap3A_240, %swap3A_241], %swap3A_244 {strides = array<i32>} : memref<2x112xi32, #tpu.memory_space<vmem>>, vector<1x16xi32>,
      %get3A_245 = arith.constant 1 : i32
      %get3A_246 = arith.index_cast %get3A_245 : i32 to index
      %get3A_247 = arith.constant 96 : index
      %get3A_248 = tpu.vector_load %arg5[%get3A_246, %get3A_247] {strides = array<i32>} : memref<2x112xi32, #tpu.memory_space<vmem>>, vector<1x16xi32>,
      %get3A_249 = vector.shape_cast %get3A_248 : vector<1x16xi32> to vector<16xi32>
      %sub3A_250 = vector.broadcast %mul3A_11 : i32 to vector<16xi32>
      %sub3A_251 = arith.subi %get3A_249, %sub3A_250 : vector<16xi32>
      %ge3A_252 = arith.constant 0 : i32
      %ge3A_253 = vector.broadcast %ge3A_252 : i32 to vector<16xi32>
      %ge3A_254 = arith.cmpi sge, %sub3A_251, %ge3A_253 : vector<16xi32>
      %lt3A_255 = arith.constant 12544 : i32
      %lt3A_256 = vector.broadcast %lt3A_255 : i32 to vector<16xi32>
      %lt3A_257 = arith.cmpi slt, %sub3A_251, %lt3A_256 : vector<16xi32>
      %and3A_258 = arith.andi %ge3A_254, %lt3A_257 : vector<16xi1>
      %mul3A_259 = arith.constant 8 : i32
      %mul3A_260 = arith.muli %arg1, %mul3A_259 : i32
      %add3A_261 = arith.constant 12544 : i32
      %add3A_262 = arith.addi %add3A_261, %mul3A_260 : i32
      %add3A_263 = arith.constant 96 : i32
      %add3A_264 = vector.broadcast %add3A_263 : i32 to vector<16xi32>
      %add3A_265 = arith.addi %iota3A, %add3A_264 : vector<16xi32>
      %and3A_266 = arith.constant 7 : i32
      %and3A_267 = vector.broadcast %and3A_266 : i32 to vector<16xi32>
      %and3A_268 = arith.andi %add3A_265, %and3A_267 : vector<16xi32>
      %add3A_269 = vector.broadcast %add3A_262 : i32 to vector<16xi32>
      %add3A_270 = arith.addi %add3A_269, %and3A_268 : vector<16xi32>
      %select_n3A_271 = arith.select %and3A_258, %sub3A_251, %add3A_270 : vector<16xi1>, vector<16xi32>
      %swap3A_272 = arith.constant 1 : i32
      %swap3A_273 = arith.index_cast %swap3A_272 : i32 to index
      %swap3A_274 = arith.constant 96 : index
      %swap3A_275 = tpu.vector_load %arg5[%swap3A_273, %swap3A_274] {strides = array<i32>} : memref<2x112xi32, #tpu.memory_space<vmem>>, vector<1x16xi32>,
      %swap3A_276 = vector.shape_cast %swap3A_275 : vector<1x16xi32> to vector<16xi32>
      %swap3A_277 = vector.shape_cast %select_n3A_271 : vector<16xi32> to vector<1x16xi32>
      tpu.vector_store %arg5[%swap3A_273, %swap3A_274], %swap3A_277 {strides = array<i32>} : memref<2x112xi32, #tpu.memory_space<vmem>>, vector<1x16xi32>,
      %dma_start3A = arith.constant 0 : i32
      %dma_start3A_278 = arith.constant 0 : i32
      %dma_start3A_279 = tpu.memref_slice %arg5[%dma_start3A, %dma_start3A_278] : memref<2x112xi32, #tpu.memory_space<vmem>> -> memref<1x112xi32, #tpu.memory_space<vmem>>
      %dma_start3A_280 = tpu.memref_squeeze %dma_start3A_279 : memref<1x112xi32, #tpu.memory_space<vmem>> -> memref<112xi32, #tpu.memory_space<vmem>>
      %dma_start3A_281 = arith.constant 0 : i32
      %dma_start3A_282 = arith.constant 0 : i32
      %dma_start3A_283 = tpu.memref_slice %arg3[%dma_start3A_281, %dma_start3A_282] : memref<50176x128xf32, #tpu.memory_space<hbm>> -> memref<50176x128xf32, #tpu.memory_space<hbm>>
      tpu.enqueue_indirect_dma source(%dma_start3A_283 : memref<50176x128xf32, #tpu.memory_space<hbm>>) target(%arg7 : memref<112x128xf32, #tpu.memory_space<vmem>>) offsets(%dma_start3A_280 : memref<112xi32, #tpu.memory_space<vmem>>) semaphore(%arg10 : memref<!tpu.dma_semaphore, #tpu.memory_space<semaphore_mem>>)
      %mul3A_284 = arith.constant 112 : i32
      %mul3A_285 = arith.muli %arg1, %mul3A_284 : i32
      %add3A_286 = arith.constant 1 : i32
      %add3A_287 = arith.addi %mul3A_285, %add3A_286 : i32
      "tpu.region"() ({
        %run_scoped3A = tpu.sem_alloc : memref<!tpu.dma_semaphore, #tpu.memory_space<semaphore_mem>>
        %dma_start3A_538 = arith.constant 0 : i32
        %dma_start3A_539 = arith.constant 0 : i32
        %dma_start3A_540 = tpu.memref_slice %arg2[%add3A_287, %dma_start3A_538, %dma_start3A_539] : memref<1792x2x112xi32, #tpu.memory_space<hbm>> -> memref<1x2x112xi32, #tpu.memory_space<hbm>>
        %dma_start3A_541 = tpu.memref_squeeze %dma_start3A_540 : memref<1x2x112xi32, #tpu.memory_space<hbm>> -> memref<2x112xi32, #tpu.memory_space<hbm>>
        %dma_start3A_542 = arith.constant 0 : i32
        %dma_start3A_543 = arith.constant 0 : i32
        %dma_start3A_544 = tpu.memref_slice %arg2[%add3A_287, %dma_start3A_542, %dma_start3A_543] : memref<1792x2x112xi32, #tpu.memory_space<hbm>> -> memref<1x2x112xi32, #tpu.memory_space<hbm>>
        %dma_start3A_545 = tpu.memref_squeeze %dma_start3A_544 : memref<1x2x112xi32, #tpu.memory_space<hbm>> -> memref<2x112xi32, #tpu.memory_space<hbm>>
        tpu.enqueue_dma source(%dma_start3A_545 : memref<2x112xi32, #tpu.memory_space<hbm>>) target(%arg6 : memref<2x112xi32, #tpu.memory_space<vmem>>) target_semaphore(%run_scoped3A : memref<!tpu.dma_semaphore, #tpu.memory_space<semaphore_mem>>)
        %dma_wait3A = arith.constant 0 : i32
        %dma_wait3A_546 = arith.constant 0 : i32
        %dma_wait3A_547 = tpu.memref_slice %arg2[%add3A_287, %dma_wait3A, %dma_wait3A_546] : memref<1792x2x112xi32, #tpu.memory_space<hbm>> -> memref<1x2x112xi32, #tpu.memory_space<hbm>>
        %dma_wait3A_548 = tpu.memref_squeeze %dma_wait3A_547 : memref<1x2x112xi32, #tpu.memory_space<hbm>> -> memref<2x112xi32, #tpu.memory_space<hbm>>
        %dma_wait3A_549 = arith.constant 0 : i32
        %dma_wait3A_550 = arith.constant 0 : i32
        %dma_wait3A_551 = tpu.memref_slice %arg2[%add3A_287, %dma_wait3A_549, %dma_wait3A_550] : memref<1792x2x112xi32, #tpu.memory_space<hbm>> -> memref<1x2x112xi32, #tpu.memory_space<hbm>>
        %dma_wait3A_552 = tpu.memref_squeeze %dma_wait3A_551 : memref<1x2x112xi32, #tpu.memory_space<hbm>> -> memref<2x112xi32, #tpu.memory_space<hbm>>
        tpu.wait_dma2 semaphore(%run_scoped3A : memref<!tpu.dma_semaphore, #tpu.memory_space<semaphore_mem>>) src(%dma_wait3A_552 : memref<2x112xi32, #tpu.memory_space<hbm>>) dst(%arg6 : memref<2x112xi32, #tpu.memory_space<vmem>>)
        tpu.yield
      }) : () -> ()
      %get3A_288 = arith.constant 1 : i32
      %get3A_289 = arith.index_cast %get3A_288 : i32 to index
      %get3A_290 = arith.constant 0 : index
      %get3A_291 = tpu.vector_load %arg6[%get3A_289, %get3A_290] {strides = array<i32>} : memref<2x112xi32, #tpu.memory_space<vmem>>, vector<1x16xi32>,
      %get3A_292 = vector.shape_cast %get3A_291 : vector<1x16xi32> to vector<16xi32>
      %sub3A_293 = vector.broadcast %mul3A_11 : i32 to vector<16xi32>
      %sub3A_294 = arith.subi %get3A_292, %sub3A_293 : vector<16xi32>
      %ge3A_295 = arith.constant 0 : i32
      %ge3A_296 = vector.broadcast %ge3A_295 : i32 to vector<16xi32>
      %ge3A_297 = arith.cmpi sge, %sub3A_294, %ge3A_296 : vector<16xi32>
      %lt3A_298 = arith.constant 12544 : i32
      %lt3A_299 = vector.broadcast %lt3A_298 : i32 to vector<16xi32>
      %lt3A_300 = arith.cmpi slt, %sub3A_294, %lt3A_299 : vector<16xi32>
      %and3A_301 = arith.andi %ge3A_297, %lt3A_300 : vector<16xi1>
      %mul3A_302 = arith.constant 8 : i32
      %mul3A_303 = arith.muli %arg1, %mul3A_302 : i32
      %add3A_304 = arith.constant 12544 : i32
      %add3A_305 = arith.addi %add3A_304, %mul3A_303 : i32
      %add3A_306 = arith.constant 0 : i32
      %add3A_307 = vector.broadcast %add3A_306 : i32 to vector<16xi32>
      %add3A_308 = arith.addi %iota3A, %add3A_307 : vector<16xi32>
      %and3A_309 = arith.constant 7 : i32
      %and3A_310 = vector.broadcast %and3A_309 : i32 to vector<16xi32>
      %and3A_311 = arith.andi %add3A_308, %and3A_310 : vector<16xi32>
      %add3A_312 = vector.broadcast %add3A_305 : i32 to vector<16xi32>
      %add3A_313 = arith.addi %add3A_312, %and3A_311 : vector<16xi32>
      %select_n3A_314 = arith.select %and3A_301, %sub3A_294, %add3A_313 : vector<16xi1>, vector<16xi32>
      %swap3A_315 = arith.constant 1 : i32
      %swap3A_316 = arith.index_cast %swap3A_315 : i32 to index
      %swap3A_317 = arith.constant 0 : index
      %swap3A_318 = tpu.vector_load %arg6[%swap3A_316, %swap3A_317] {strides = array<i32>} : memref<2x112xi32, #tpu.memory_space<vmem>>, vector<1x16xi32>,
      %swap3A_319 = vector.shape_cast %swap3A_318 : vector<1x16xi32> to vector<16xi32>
      %swap3A_320 = vector.shape_cast %select_n3A_314 : vector<16xi32> to vector<1x16xi32>
      tpu.vector_store %arg6[%swap3A_316, %swap3A_317], %swap3A_320 {strides = array<i32>} : memref<2x112xi32, #tpu.memory_space<vmem>>, vector<1x16xi32>,
      %get3A_321 = arith.constant 1 : i32
      %get3A_322 = arith.index_cast %get3A_321 : i32 to index
      %get3A_323 = arith.constant 16 : index
      %get3A_324 = tpu.vector_load %arg6[%get3A_322, %get3A_323] {strides = array<i32>} : memref<2x112xi32, #tpu.memory_space<vmem>>, vector<1x16xi32>,
      %get3A_325 = vector.shape_cast %get3A_324 : vector<1x16xi32> to vector<16xi32>
      %sub3A_326 = vector.broadcast %mul3A_11 : i32 to vector<16xi32>
      %sub3A_327 = arith.subi %get3A_325, %sub3A_326 : vector<16xi32>
      %ge3A_328 = arith.constant 0 : i32
      %ge3A_329 = vector.broadcast %ge3A_328 : i32 to vector<16xi32>
      %ge3A_330 = arith.cmpi sge, %sub3A_327, %ge3A_329 : vector<16xi32>
      %lt3A_331 = arith.constant 12544 : i32
      %lt3A_332 = vector.broadcast %lt3A_331 : i32 to vector<16xi32>
      %lt3A_333 = arith.cmpi slt, %sub3A_327, %lt3A_332 : vector<16xi32>
      %and3A_334 = arith.andi %ge3A_330, %lt3A_333 : vector<16xi1>
      %mul3A_335 = arith.constant 8 : i32
      %mul3A_336 = arith.muli %arg1, %mul3A_335 : i32
      %add3A_337 = arith.constant 12544 : i32
      %add3A_338 = arith.addi %add3A_337, %mul3A_336 : i32
      %add3A_339 = arith.constant 16 : i32
      %add3A_340 = vector.broadcast %add3A_339 : i32 to vector<16xi32>
      %add3A_341 = arith.addi %iota3A, %add3A_340 : vector<16xi32>
      %and3A_342 = arith.constant 7 : i32
      %and3A_343 = vector.broadcast %and3A_342 : i32 to vector<16xi32>
      %and3A_344 = arith.andi %add3A_341, %and3A_343 : vector<16xi32>
      %add3A_345 = vector.broadcast %add3A_338 : i32 to vector<16xi32>
      %add3A_346 = arith.addi %add3A_345, %and3A_344 : vector<16xi32>
      %select_n3A_347 = arith.select %and3A_334, %sub3A_327, %add3A_346 : vector<16xi1>, vector<16xi32>
      %swap3A_348 = arith.constant 1 : i32
      %swap3A_349 = arith.index_cast %swap3A_348 : i32 to index
      %swap3A_350 = arith.constant 16 : index
      %swap3A_351 = tpu.vector_load %arg6[%swap3A_349, %swap3A_350] {strides = array<i32>} : memref<2x112xi32, #tpu.memory_space<vmem>>, vector<1x16xi32>,
      %swap3A_352 = vector.shape_cast %swap3A_351 : vector<1x16xi32> to vector<16xi32>
      %swap3A_353 = vector.shape_cast %select_n3A_347 : vector<16xi32> to vector<1x16xi32>
      tpu.vector_store %arg6[%swap3A_349, %swap3A_350], %swap3A_353 {strides = array<i32>} : memref<2x112xi32, #tpu.memory_space<vmem>>, vector<1x16xi32>,
      %get3A_354 = arith.constant 1 : i32
      %get3A_355 = arith.index_cast %get3A_354 : i32 to index
      %get3A_356 = arith.constant 32 : index
      %get3A_357 = tpu.vector_load %arg6[%get3A_355, %get3A_356] {strides = array<i32>} : memref<2x112xi32, #tpu.memory_space<vmem>>, vector<1x16xi32>,
      %get3A_358 = vector.shape_cast %get3A_357 : vector<1x16xi32> to vector<16xi32>
      %sub3A_359 = vector.broadcast %mul3A_11 : i32 to vector<16xi32>
      %sub3A_360 = arith.subi %get3A_358, %sub3A_359 : vector<16xi32>
      %ge3A_361 = arith.constant 0 : i32
      %ge3A_362 = vector.broadcast %ge3A_361 : i32 to vector<16xi32>
      %ge3A_363 = arith.cmpi sge, %sub3A_360, %ge3A_362 : vector<16xi32>
      %lt3A_364 = arith.constant 12544 : i32
      %lt3A_365 = vector.broadcast %lt3A_364 : i32 to vector<16xi32>
      %lt3A_366 = arith.cmpi slt, %sub3A_360, %lt3A_365 : vector<16xi32>
      %and3A_367 = arith.andi %ge3A_363, %lt3A_366 : vector<16xi1>
      %mul3A_368 = arith.constant 8 : i32
      %mul3A_369 = arith.muli %arg1, %mul3A_368 : i32
      %add3A_370 = arith.constant 12544 : i32
      %add3A_371 = arith.addi %add3A_370, %mul3A_369 : i32
      %add3A_372 = arith.constant 32 : i32
      %add3A_373 = vector.broadcast %add3A_372 : i32 to vector<16xi32>
      %add3A_374 = arith.addi %iota3A, %add3A_373 : vector<16xi32>
      %and3A_375 = arith.constant 7 : i32
      %and3A_376 = vector.broadcast %and3A_375 : i32 to vector<16xi32>
      %and3A_377 = arith.andi %add3A_374, %and3A_376 : vector<16xi32>
      %add3A_378 = vector.broadcast %add3A_371 : i32 to vector<16xi32>
      %add3A_379 = arith.addi %add3A_378, %and3A_377 : vector<16xi32>
      %select_n3A_380 = arith.select %and3A_367, %sub3A_360, %add3A_379 : vector<16xi1>, vector<16xi32>
      %swap3A_381 = arith.constant 1 : i32
      %swap3A_382 = arith.index_cast %swap3A_381 : i32 to index
      %swap3A_383 = arith.constant 32 : index
      %swap3A_384 = tpu.vector_load %arg6[%swap3A_382, %swap3A_383] {strides = array<i32>} : memref<2x112xi32, #tpu.memory_space<vmem>>, vector<1x16xi32>,
      %swap3A_385 = vector.shape_cast %swap3A_384 : vector<1x16xi32> to vector<16xi32>
      %swap3A_386 = vector.shape_cast %select_n3A_380 : vector<16xi32> to vector<1x16xi32>
      tpu.vector_store %arg6[%swap3A_382, %swap3A_383], %swap3A_386 {strides = array<i32>} : memref<2x112xi32, #tpu.memory_space<vmem>>, vector<1x16xi32>,
      %get3A_387 = arith.constant 1 : i32
      %get3A_388 = arith.index_cast %get3A_387 : i32 to index
      %get3A_389 = arith.constant 48 : index
      %get3A_390 = tpu.vector_load %arg6[%get3A_388, %get3A_389] {strides = array<i32>} : memref<2x112xi32, #tpu.memory_space<vmem>>, vector<1x16xi32>,
      %get3A_391 = vector.shape_cast %get3A_390 : vector<1x16xi32> to vector<16xi32>
      %sub3A_392 = vector.broadcast %mul3A_11 : i32 to vector<16xi32>
      %sub3A_393 = arith.subi %get3A_391, %sub3A_392 : vector<16xi32>
      %ge3A_394 = arith.constant 0 : i32
      %ge3A_395 = vector.broadcast %ge3A_394 : i32 to vector<16xi32>
      %ge3A_396 = arith.cmpi sge, %sub3A_393, %ge3A_395 : vector<16xi32>
      %lt3A_397 = arith.constant 12544 : i32
      %lt3A_398 = vector.broadcast %lt3A_397 : i32 to vector<16xi32>
      %lt3A_399 = arith.cmpi slt, %sub3A_393, %lt3A_398 : vector<16xi32>
      %and3A_400 = arith.andi %ge3A_396, %lt3A_399 : vector<16xi1>
      %mul3A_401 = arith.constant 8 : i32
      %mul3A_402 = arith.muli %arg1, %mul3A_401 : i32
      %add3A_403 = arith.constant 12544 : i32
      %add3A_404 = arith.addi %add3A_403, %mul3A_402 : i32
      %add3A_405 = arith.constant 48 : i32
      %add3A_406 = vector.broadcast %add3A_405 : i32 to vector<16xi32>
      %add3A_407 = arith.addi %iota3A, %add3A_406 : vector<16xi32>
      %and3A_408 = arith.constant 7 : i32
      %and3A_409 = vector.broadcast %and3A_408 : i32 to vector<16xi32>
      %and3A_410 = arith.andi %add3A_407, %and3A_409 : vector<16xi32>
      %add3A_411 = vector.broadcast %add3A_404 : i32 to vector<16xi32>
      %add3A_412 = arith.addi %add3A_411, %and3A_410 : vector<16xi32>
      %select_n3A_413 = arith.select %and3A_400, %sub3A_393, %add3A_412 : vector<16xi1>, vector<16xi32>
      %swap3A_414 = arith.constant 1 : i32
      %swap3A_415 = arith.index_cast %swap3A_414 : i32 to index
      %swap3A_416 = arith.constant 48 : index
      %swap3A_417 = tpu.vector_load %arg6[%swap3A_415, %swap3A_416] {strides = array<i32>} : memref<2x112xi32, #tpu.memory_space<vmem>>, vector<1x16xi32>,
      %swap3A_418 = vector.shape_cast %swap3A_417 : vector<1x16xi32> to vector<16xi32>
      %swap3A_419 = vector.shape_cast %select_n3A_413 : vector<16xi32> to vector<1x16xi32>
      tpu.vector_store %arg6[%swap3A_415, %swap3A_416], %swap3A_419 {strides = array<i32>} : memref<2x112xi32, #tpu.memory_space<vmem>>, vector<1x16xi32>,
      %get3A_420 = arith.constant 1 : i32
      %get3A_421 = arith.index_cast %get3A_420 : i32 to index
      %get3A_422 = arith.constant 64 : index
      %get3A_423 = tpu.vector_load %arg6[%get3A_421, %get3A_422] {strides = array<i32>} : memref<2x112xi32, #tpu.memory_space<vmem>>, vector<1x16xi32>,
      %get3A_424 = vector.shape_cast %get3A_423 : vector<1x16xi32> to vector<16xi32>
      %sub3A_425 = vector.broadcast %mul3A_11 : i32 to vector<16xi32>
      %sub3A_426 = arith.subi %get3A_424, %sub3A_425 : vector<16xi32>
      %ge3A_427 = arith.constant 0 : i32
      %ge3A_428 = vector.broadcast %ge3A_427 : i32 to vector<16xi32>
      %ge3A_429 = arith.cmpi sge, %sub3A_426, %ge3A_428 : vector<16xi32>
      %lt3A_430 = arith.constant 12544 : i32
      %lt3A_431 = vector.broadcast %lt3A_430 : i32 to vector<16xi32>
      %lt3A_432 = arith.cmpi slt, %sub3A_426, %lt3A_431 : vector<16xi32>
      %and3A_433 = arith.andi %ge3A_429, %lt3A_432 : vector<16xi1>
      %mul3A_434 = arith.constant 8 : i32
      %mul3A_435 = arith.muli %arg1, %mul3A_434 : i32
      %add3A_436 = arith.constant 12544 : i32
      %add3A_437 = arith.addi %add3A_436, %mul3A_435 : i32
      %add3A_438 = arith.constant 64 : i32
      %add3A_439 = vector.broadcast %add3A_438 : i32 to vector<16xi32>
      %add3A_440 = arith.addi %iota3A, %add3A_439 : vector<16xi32>
      %and3A_441 = arith.constant 7 : i32
      %and3A_442 = vector.broadcast %and3A_441 : i32 to vector<16xi32>
      %and3A_443 = arith.andi %add3A_440, %and3A_442 : vector<16xi32>
      %add3A_444 = vector.broadcast %add3A_437 : i32 to vector<16xi32>
      %add3A_445 = arith.addi %add3A_444, %and3A_443 : vector<16xi32>
      %select_n3A_446 = arith.select %and3A_433, %sub3A_426, %add3A_445 : vector<16xi1>, vector<16xi32>
      %swap3A_447 = arith.constant 1 : i32
      %swap3A_448 = arith.index_cast %swap3A_447 : i32 to index
      %swap3A_449 = arith.constant 64 : index
      %swap3A_450 = tpu.vector_load %arg6[%swap3A_448, %swap3A_449] {strides = array<i32>} : memref<2x112xi32, #tpu.memory_space<vmem>>, vector<1x16xi32>,
      %swap3A_451 = vector.shape_cast %swap3A_450 : vector<1x16xi32> to vector<16xi32>
      %swap3A_452 = vector.shape_cast %select_n3A_446 : vector<16xi32> to vector<1x16xi32>
      tpu.vector_store %arg6[%swap3A_448, %swap3A_449], %swap3A_452 {strides = array<i32>} : memref<2x112xi32, #tpu.memory_space<vmem>>, vector<1x16xi32>,
      %get3A_453 = arith.constant 1 : i32
      %get3A_454 = arith.index_cast %get3A_453 : i32 to index
      %get3A_455 = arith.constant 80 : index
      %get3A_456 = tpu.vector_load %arg6[%get3A_454, %get3A_455] {strides = array<i32>} : memref<2x112xi32, #tpu.memory_space<vmem>>, vector<1x16xi32>,
      %get3A_457 = vector.shape_cast %get3A_456 : vector<1x16xi32> to vector<16xi32>
      %sub3A_458 = vector.broadcast %mul3A_11 : i32 to vector<16xi32>
      %sub3A_459 = arith.subi %get3A_457, %sub3A_458 : vector<16xi32>
      %ge3A_460 = arith.constant 0 : i32
      %ge3A_461 = vector.broadcast %ge3A_460 : i32 to vector<16xi32>
      %ge3A_462 = arith.cmpi sge, %sub3A_459, %ge3A_461 : vector<16xi32>
      %lt3A_463 = arith.constant 12544 : i32
      %lt3A_464 = vector.broadcast %lt3A_463 : i32 to vector<16xi32>
      %lt3A_465 = arith.cmpi slt, %sub3A_459, %lt3A_464 : vector<16xi32>
      %and3A_466 = arith.andi %ge3A_462, %lt3A_465 : vector<16xi1>
      %mul3A_467 = arith.constant 8 : i32
      %mul3A_468 = arith.muli %arg1, %mul3A_467 : i32
      %add3A_469 = arith.constant 12544 : i32
      %add3A_470 = arith.addi %add3A_469, %mul3A_468 : i32
      %add3A_471 = arith.constant 80 : i32
      %add3A_472 = vector.broadcast %add3A_471 : i32 to vector<16xi32>
      %add3A_473 = arith.addi %iota3A, %add3A_472 : vector<16xi32>
      %and3A_474 = arith.constant 7 : i32
      %and3A_475 = vector.broadcast %and3A_474 : i32 to vector<16xi32>
      %and3A_476 = arith.andi %add3A_473, %and3A_475 : vector<16xi32>
      %add3A_477 = vector.broadcast %add3A_470 : i32 to vector<16xi32>
      %add3A_478 = arith.addi %add3A_477, %and3A_476 : vector<16xi32>
      %select_n3A_479 = arith.select %and3A_466, %sub3A_459, %add3A_478 : vector<16xi1>, vector<16xi32>
      %swap3A_480 = arith.constant 1 : i32
      %swap3A_481 = arith.index_cast %swap3A_480 : i32 to index
      %swap3A_482 = arith.constant 80 : index
      %swap3A_483 = tpu.vector_load %arg6[%swap3A_481, %swap3A_482] {strides = array<i32>} : memref<2x112xi32, #tpu.memory_space<vmem>>, vector<1x16xi32>,
      %swap3A_484 = vector.shape_cast %swap3A_483 : vector<1x16xi32> to vector<16xi32>
      %swap3A_485 = vector.shape_cast %select_n3A_479 : vector<16xi32> to vector<1x16xi32>
      tpu.vector_store %arg6[%swap3A_481, %swap3A_482], %swap3A_485 {strides = array<i32>} : memref<2x112xi32, #tpu.memory_space<vmem>>, vector<1x16xi32>,
      %get3A_486 = arith.constant 1 : i32
      %get3A_487 = arith.index_cast %get3A_486 : i32 to index
      %get3A_488 = arith.constant 96 : index
      %get3A_489 = tpu.vector_load %arg6[%get3A_487, %get3A_488] {strides = array<i32>} : memref<2x112xi32, #tpu.memory_space<vmem>>, vector<1x16xi32>,
      %get3A_490 = vector.shape_cast %get3A_489 : vector<1x16xi32> to vector<16xi32>
      %sub3A_491 = vector.broadcast %mul3A_11 : i32 to vector<16xi32>
      %sub3A_492 = arith.subi %get3A_490, %sub3A_491 : vector<16xi32>
      %ge3A_493 = arith.constant 0 : i32
      %ge3A_494 = vector.broadcast %ge3A_493 : i32 to vector<16xi32>
      %ge3A_495 = arith.cmpi sge, %sub3A_492, %ge3A_494 : vector<16xi32>
      %lt3A_496 = arith.constant 12544 : i32
      %lt3A_497 = vector.broadcast %lt3A_496 : i32 to vector<16xi32>
      %lt3A_498 = arith.cmpi slt, %sub3A_492, %lt3A_497 : vector<16xi32>
      %and3A_499 = arith.andi %ge3A_495, %lt3A_498 : vector<16xi1>
      %mul3A_500 = arith.constant 8 : i32
      %mul3A_501 = arith.muli %arg1, %mul3A_500 : i32
      %add3A_502 = arith.constant 12544 : i32
      %add3A_503 = arith.addi %add3A_502, %mul3A_501 : i32
      %add3A_504 = arith.constant 96 : i32
      %add3A_505 = vector.broadcast %add3A_504 : i32 to vector<16xi32>
      %add3A_506 = arith.addi %iota3A, %add3A_505 : vector<16xi32>
      %and3A_507 = arith.constant 7 : i32
      %and3A_508 = vector.broadcast %and3A_507 : i32 to vector<16xi32>
      %and3A_509 = arith.andi %add3A_506, %and3A_508 : vector<16xi32>
      %add3A_510 = vector.broadcast %add3A_503 : i32 to vector<16xi32>
      %add3A_511 = arith.addi %add3A_510, %and3A_509 : vector<16xi32>
      %select_n3A_512 = arith.select %and3A_499, %sub3A_492, %add3A_511 : vector<16xi1>, vector<16xi32>
      %swap3A_513 = arith.constant 1 : i32
      %swap3A_514 = arith.index_cast %swap3A_513 : i32 to index
      %swap3A_515 = arith.constant 96 : index
      %swap3A_516 = tpu.vector_load %arg6[%swap3A_514, %swap3A_515] {strides = array<i32>} : memref<2x112xi32, #tpu.memory_space<vmem>>, vector<1x16xi32>,
      %swap3A_517 = vector.shape_cast %swap3A_516 : vector<1x16xi32> to vector<16xi32>
      %swap3A_518 = vector.shape_cast %select_n3A_512 : vector<16xi32> to vector<1x16xi32>
      tpu.vector_store %arg6[%swap3A_514, %swap3A_515], %swap3A_518 {strides = array<i32>} : memref<2x112xi32, #tpu.memory_space<vmem>>, vector<1x16xi32>,
      %dma_start3A_519 = arith.constant 0 : i32
      %dma_start3A_520 = arith.constant 0 : i32
      %dma_start3A_521 = tpu.memref_slice %arg6[%dma_start3A_519, %dma_start3A_520] : memref<2x112xi32, #tpu.memory_space<vmem>> -> memref<1x112xi32, #tpu.memory_space<vmem>>
      %dma_start3A_522 = tpu.memref_squeeze %dma_start3A_521 : memref<1x112xi32, #tpu.memory_space<vmem>> -> memref<112xi32, #tpu.memory_space<vmem>>
      %dma_start3A_523 = arith.constant 0 : i32
      %dma_start3A_524 = arith.constant 0 : i32
      %dma_start3A_525 = tpu.memref_slice %arg3[%dma_start3A_523, %dma_start3A_524] : memref<50176x128xf32, #tpu.memory_space<hbm>> -> memref<50176x128xf32, #tpu.memory_space<hbm>>
      tpu.enqueue_indirect_dma source(%dma_start3A_525 : memref<50176x128xf32, #tpu.memory_space<hbm>>) target(%arg8 : memref<112x128xf32, #tpu.memory_space<vmem>>) offsets(%dma_start3A_522 : memref<112xi32, #tpu.memory_space<vmem>>) semaphore(%arg11 : memref<!tpu.dma_semaphore, #tpu.memory_space<semaphore_mem>>)
      %scan3A_526 = arith.constant 0 : i32
      %scan3A_527 = arith.constant 56 : i32
      %scan3A_528 = arith.addi %scan3A_526, %scan3A_527 : i32
      %scan3A_529 = arith.constant 1 : i32
      scf.for %scan3A_538 = %scan3A_526 to %scan3A_528 step %scan3A_529  : i32 {
        %mul3A_539 = arith.constant 1 : i32
        %mul3A_540 = arith.muli %scan3A_538, %mul3A_539 : i32
        %add3A_541 = arith.constant 0 : i32
        %add3A_542 = arith.addi %add3A_541, %mul3A_540 : i32
        %dma_wait3A = arith.constant 0 : i32
        %dma_wait3A_543 = arith.constant 0 : i32
        %dma_wait3A_544 = tpu.memref_slice %arg5[%dma_wait3A, %dma_wait3A_543] : memref<2x112xi32, #tpu.memory_space<vmem>> -> memref<1x112xi32, #tpu.memory_space<vmem>>
        %dma_wait3A_545 = tpu.memref_squeeze %dma_wait3A_544 : memref<1x112xi32, #tpu.memory_space<vmem>> -> memref<112xi32, #tpu.memory_space<vmem>>
        %dma_wait3A_546 = arith.constant 0 : i32
        %dma_wait3A_547 = arith.constant 0 : i32
        %dma_wait3A_548 = tpu.memref_slice %arg3[%dma_wait3A_546, %dma_wait3A_547] : memref<50176x128xf32, #tpu.memory_space<hbm>> -> memref<50176x128xf32, #tpu.memory_space<hbm>>
        tpu.wait_indirect_dma semaphore(%arg10 : memref<!tpu.dma_semaphore, #tpu.memory_space<semaphore_mem>>) src(%dma_wait3A_548 : memref<50176x128xf32, #tpu.memory_space<hbm>>) dst(%arg7 : memref<112x128xf32, #tpu.memory_space<vmem>>)
        %run_scoped3A = arith.constant 1 : i32
        "tpu.region"() ({
          %run_scoped3A_565 = tpu.sem_alloc : memref<!tpu.dma_semaphore, #tpu.memory_space<semaphore_mem>>
          %dma_start3A_566 = arith.constant 0 : i32
          %dma_start3A_567 = tpu.memref_slice %arg5[%run_scoped3A, %dma_start3A_566] : memref<2x112xi32, #tpu.memory_space<vmem>> -> memref<1x112xi32, #tpu.memory_space<vmem>>
          %dma_start3A_568 = tpu.memref_squeeze %dma_start3A_567 : memref<1x112xi32, #tpu.memory_space<vmem>> -> memref<112xi32, #tpu.memory_space<vmem>>
          %dma_start3A_569 = arith.constant 0 : i32
          %dma_start3A_570 = arith.constant 0 : i32
          %dma_start3A_571 = tpu.memref_slice %arg9[%dma_start3A_569, %dma_start3A_570] : memref<12672x128xf32, #tpu.memory_space<vmem_shared>> -> memref<12672x128xf32, #tpu.memory_space<vmem_shared>>
          tpu.enqueue_indirect_dma source(%arg7 : memref<112x128xf32, #tpu.memory_space<vmem>>) target(%dma_start3A_571 : memref<12672x128xf32, #tpu.memory_space<vmem_shared>>) offsets(%dma_start3A_568 : memref<112xi32, #tpu.memory_space<vmem>>) semaphore(%run_scoped3A_565 : memref<!tpu.dma_semaphore, #tpu.memory_space<semaphore_mem>>) {add = true}
          %dma_wait3A_572 = arith.constant 0 : i32
          %dma_wait3A_573 = tpu.memref_slice %arg5[%run_scoped3A, %dma_wait3A_572] : memref<2x112xi32, #tpu.memory_space<vmem>> -> memref<1x112xi32, #tpu.memory_space<vmem>>
          %dma_wait3A_574 = tpu.memref_squeeze %dma_wait3A_573 : memref<1x112xi32, #tpu.memory_space<vmem>> -> memref<112xi32, #tpu.memory_space<vmem>>
          %dma_wait3A_575 = arith.constant 0 : i32
          %dma_wait3A_576 = arith.constant 0 : i32
          %dma_wait3A_577 = tpu.memref_slice %arg9[%dma_wait3A_575, %dma_wait3A_576] : memref<12672x128xf32, #tpu.memory_space<vmem_shared>> -> memref<12672x128xf32, #tpu.memory_space<vmem_shared>>
          tpu.wait_indirect_dma semaphore(%run_scoped3A_565 : memref<!tpu.dma_semaphore, #tpu.memory_space<semaphore_mem>>) src(%arg7 : memref<112x128xf32, #tpu.memory_space<vmem>>) dst(%dma_wait3A_577 : memref<12672x128xf32, #tpu.memory_space<vmem_shared>>)
          tpu.yield
        }) : () -> ()
        %lt3A_549 = arith.constant 55 : i32
        %lt3A_550 = arith.cmpi slt, %add3A_542, %lt3A_549 : i32
        %convert_element_type3A = arith.extui %lt3A_550 : i1 to i32
        %cond3A = arith.constant 0 : i32
        %cond3A_551 = arith.cmpi ne, %convert_element_type3A, %cond3A : i32
        scf.if %cond3A_551 {
          %mul3A_565 = arith.constant 2 : i32
          %mul3A_566 = arith.muli %mul3A_565, %add3A_542 : i32
          %add3A_567 = arith.constant 2 : i32
          %add3A_568 = arith.addi %mul3A_566, %add3A_567 : i32
          %mul3A_569 = arith.constant 112 : i32
          %mul3A_570 = arith.muli %arg1, %mul3A_569 : i32
          %add3A_571 = arith.addi %mul3A_570, %add3A_568 : i32
          "tpu.region"() ({
            %run_scoped3A_810 = tpu.sem_alloc : memref<!tpu.dma_semaphore, #tpu.memory_space<semaphore_mem>>
            %dma_start3A_811 = arith.constant 0 : i32
            %dma_start3A_812 = arith.constant 0 : i32
            %dma_start3A_813 = tpu.memref_slice %arg2[%add3A_571, %dma_start3A_811, %dma_start3A_812] : memref<1792x2x112xi32, #tpu.memory_space<hbm>> -> memref<1x2x112xi32, #tpu.memory_space<hbm>>
            %dma_start3A_814 = tpu.memref_squeeze %dma_start3A_813 : memref<1x2x112xi32, #tpu.memory_space<hbm>> -> memref<2x112xi32, #tpu.memory_space<hbm>>
            %dma_start3A_815 = arith.constant 0 : i32
            %dma_start3A_816 = arith.constant 0 : i32
            %dma_start3A_817 = tpu.memref_slice %arg2[%add3A_571, %dma_start3A_815, %dma_start3A_816] : memref<1792x2x112xi32, #tpu.memory_space<hbm>> -> memref<1x2x112xi32, #tpu.memory_space<hbm>>
            %dma_start3A_818 = tpu.memref_squeeze %dma_start3A_817 : memref<1x2x112xi32, #tpu.memory_space<hbm>> -> memref<2x112xi32, #tpu.memory_space<hbm>>
            tpu.enqueue_dma source(%dma_start3A_818 : memref<2x112xi32, #tpu.memory_space<hbm>>) target(%arg5 : memref<2x112xi32, #tpu.memory_space<vmem>>) target_semaphore(%run_scoped3A_810 : memref<!tpu.dma_semaphore, #tpu.memory_space<semaphore_mem>>)
            %dma_wait3A_819 = arith.constant 0 : i32
            %dma_wait3A_820 = arith.constant 0 : i32
            %dma_wait3A_821 = tpu.memref_slice %arg2[%add3A_571, %dma_wait3A_819, %dma_wait3A_820] : memref<1792x2x112xi32, #tpu.memory_space<hbm>> -> memref<1x2x112xi32, #tpu.memory_space<hbm>>
            %dma_wait3A_822 = tpu.memref_squeeze %dma_wait3A_821 : memref<1x2x112xi32, #tpu.memory_space<hbm>> -> memref<2x112xi32, #tpu.memory_space<hbm>>
            %dma_wait3A_823 = arith.constant 0 : i32
            %dma_wait3A_824 = arith.constant 0 : i32
            %dma_wait3A_825 = tpu.memref_slice %arg2[%add3A_571, %dma_wait3A_823, %dma_wait3A_824] : memref<1792x2x112xi32, #tpu.memory_space<hbm>> -> memref<1x2x112xi32, #tpu.memory_space<hbm>>
            %dma_wait3A_826 = tpu.memref_squeeze %dma_wait3A_825 : memref<1x2x112xi32, #tpu.memory_space<hbm>> -> memref<2x112xi32, #tpu.memory_space<hbm>>
            tpu.wait_dma2 semaphore(%run_scoped3A_810 : memref<!tpu.dma_semaphore, #tpu.memory_space<semaphore_mem>>) src(%dma_wait3A_826 : memref<2x112xi32, #tpu.memory_space<hbm>>) dst(%arg5 : memref<2x112xi32, #tpu.memory_space<vmem>>)
            tpu.yield
          }) : () -> ()
          %get3A_572 = arith.constant 1 : i32
          %get3A_573 = arith.index_cast %get3A_572 : i32 to index
          %get3A_574 = arith.constant 0 : index
          %get3A_575 = tpu.vector_load %arg5[%get3A_573, %get3A_574] {strides = array<i32>} : memref<2x112xi32, #tpu.memory_space<vmem>>, vector<1x16xi32>,
          %get3A_576 = vector.shape_cast %get3A_575 : vector<1x16xi32> to vector<16xi32>
          %sub3A_577 = vector.broadcast %mul3A_11 : i32 to vector<16xi32>
          %sub3A_578 = arith.subi %get3A_576, %sub3A_577 : vector<16xi32>
          %ge3A_579 = arith.constant 0 : i32
          %ge3A_580 = vector.broadcast %ge3A_579 : i32 to vector<16xi32>
          %ge3A_581 = arith.cmpi sge, %sub3A_578, %ge3A_580 : vector<16xi32>
          %lt3A_582 = arith.constant 12544 : i32
          %lt3A_583 = vector.broadcast %lt3A_582 : i32 to vector<16xi32>
          %lt3A_584 = arith.cmpi slt, %sub3A_578, %lt3A_583 : vector<16xi32>
          %and3A_585 = arith.andi %ge3A_581, %lt3A_584 : vector<16xi1>
          %mul3A_586 = arith.constant 8 : i32
          %mul3A_587 = arith.muli %arg1, %mul3A_586 : i32
          %add3A_588 = arith.constant 12544 : i32
          %add3A_589 = arith.addi %add3A_588, %mul3A_587 : i32
          %add3A_590 = arith.constant 0 : i32
          %add3A_591 = vector.broadcast %add3A_590 : i32 to vector<16xi32>
          %add3A_592 = arith.addi %iota3A, %add3A_591 : vector<16xi32>
          %and3A_593 = arith.constant 7 : i32
          %and3A_594 = vector.broadcast %and3A_593 : i32 to vector<16xi32>
          %and3A_595 = arith.andi %add3A_592, %and3A_594 : vector<16xi32>
          %add3A_596 = vector.broadcast %add3A_589 : i32 to vector<16xi32>
          %add3A_597 = arith.addi %add3A_596, %and3A_595 : vector<16xi32>
          %select_n3A_598 = arith.select %and3A_585, %sub3A_578, %add3A_597 : vector<16xi1>, vector<16xi32>
          %swap3A_599 = arith.constant 1 : i32
          %swap3A_600 = arith.index_cast %swap3A_599 : i32 to index
          %swap3A_601 = arith.constant 0 : index
          %swap3A_602 = tpu.vector_load %arg5[%swap3A_600, %swap3A_601] {strides = array<i32>} : memref<2x112xi32, #tpu.memory_space<vmem>>, vector<1x16xi32>,
          %swap3A_603 = vector.shape_cast %swap3A_602 : vector<1x16xi32> to vector<16xi32>
          %swap3A_604 = vector.shape_cast %select_n3A_598 : vector<16xi32> to vector<1x16xi32>
          tpu.vector_store %arg5[%swap3A_600, %swap3A_601], %swap3A_604 {strides = array<i32>} : memref<2x112xi32, #tpu.memory_space<vmem>>, vector<1x16xi32>,
          %get3A_605 = arith.constant 1 : i32
          %get3A_606 = arith.index_cast %get3A_605 : i32 to index
          %get3A_607 = arith.constant 16 : index
          %get3A_608 = tpu.vector_load %arg5[%get3A_606, %get3A_607] {strides = array<i32>} : memref<2x112xi32, #tpu.memory_space<vmem>>, vector<1x16xi32>,
          %get3A_609 = vector.shape_cast %get3A_608 : vector<1x16xi32> to vector<16xi32>
          %sub3A_610 = vector.broadcast %mul3A_11 : i32 to vector<16xi32>
          %sub3A_611 = arith.subi %get3A_609, %sub3A_610 : vector<16xi32>
          %ge3A_612 = arith.constant 0 : i32
          %ge3A_613 = vector.broadcast %ge3A_612 : i32 to vector<16xi32>
          %ge3A_614 = arith.cmpi sge, %sub3A_611, %ge3A_613 : vector<16xi32>
          %lt3A_615 = arith.constant 12544 : i32
          %lt3A_616 = vector.broadcast %lt3A_615 : i32 to vector<16xi32>
          %lt3A_617 = arith.cmpi slt, %sub3A_611, %lt3A_616 : vector<16xi32>
          %and3A_618 = arith.andi %ge3A_614, %lt3A_617 : vector<16xi1>
          %mul3A_619 = arith.constant 8 : i32
          %mul3A_620 = arith.muli %arg1, %mul3A_619 : i32
          %add3A_621 = arith.constant 12544 : i32
          %add3A_622 = arith.addi %add3A_621, %mul3A_620 : i32
          %add3A_623 = arith.constant 16 : i32
          %add3A_624 = vector.broadcast %add3A_623 : i32 to vector<16xi32>
          %add3A_625 = arith.addi %iota3A, %add3A_624 : vector<16xi32>
          %and3A_626 = arith.constant 7 : i32
          %and3A_627 = vector.broadcast %and3A_626 : i32 to vector<16xi32>
          %and3A_628 = arith.andi %add3A_625, %and3A_627 : vector<16xi32>
          %add3A_629 = vector.broadcast %add3A_622 : i32 to vector<16xi32>
          %add3A_630 = arith.addi %add3A_629, %and3A_628 : vector<16xi32>
          %select_n3A_631 = arith.select %and3A_618, %sub3A_611, %add3A_630 : vector<16xi1>, vector<16xi32>
          %swap3A_632 = arith.constant 1 : i32
          %swap3A_633 = arith.index_cast %swap3A_632 : i32 to index
          %swap3A_634 = arith.constant 16 : index
          %swap3A_635 = tpu.vector_load %arg5[%swap3A_633, %swap3A_634] {strides = array<i32>} : memref<2x112xi32, #tpu.memory_space<vmem>>, vector<1x16xi32>,
          %swap3A_636 = vector.shape_cast %swap3A_635 : vector<1x16xi32> to vector<16xi32>
          %swap3A_637 = vector.shape_cast %select_n3A_631 : vector<16xi32> to vector<1x16xi32>
          tpu.vector_store %arg5[%swap3A_633, %swap3A_634], %swap3A_637 {strides = array<i32>} : memref<2x112xi32, #tpu.memory_space<vmem>>, vector<1x16xi32>,
          %get3A_638 = arith.constant 1 : i32
          %get3A_639 = arith.index_cast %get3A_638 : i32 to index
          %get3A_640 = arith.constant 32 : index
          %get3A_641 = tpu.vector_load %arg5[%get3A_639, %get3A_640] {strides = array<i32>} : memref<2x112xi32, #tpu.memory_space<vmem>>, vector<1x16xi32>,
          %get3A_642 = vector.shape_cast %get3A_641 : vector<1x16xi32> to vector<16xi32>
          %sub3A_643 = vector.broadcast %mul3A_11 : i32 to vector<16xi32>
          %sub3A_644 = arith.subi %get3A_642, %sub3A_643 : vector<16xi32>
          %ge3A_645 = arith.constant 0 : i32
          %ge3A_646 = vector.broadcast %ge3A_645 : i32 to vector<16xi32>
          %ge3A_647 = arith.cmpi sge, %sub3A_644, %ge3A_646 : vector<16xi32>
          %lt3A_648 = arith.constant 12544 : i32
          %lt3A_649 = vector.broadcast %lt3A_648 : i32 to vector<16xi32>
          %lt3A_650 = arith.cmpi slt, %sub3A_644, %lt3A_649 : vector<16xi32>
          %and3A_651 = arith.andi %ge3A_647, %lt3A_650 : vector<16xi1>
          %mul3A_652 = arith.constant 8 : i32
          %mul3A_653 = arith.muli %arg1, %mul3A_652 : i32
          %add3A_654 = arith.constant 12544 : i32
          %add3A_655 = arith.addi %add3A_654, %mul3A_653 : i32
          %add3A_656 = arith.constant 32 : i32
          %add3A_657 = vector.broadcast %add3A_656 : i32 to vector<16xi32>
          %add3A_658 = arith.addi %iota3A, %add3A_657 : vector<16xi32>
          %and3A_659 = arith.constant 7 : i32
          %and3A_660 = vector.broadcast %and3A_659 : i32 to vector<16xi32>
          %and3A_661 = arith.andi %add3A_658, %and3A_660 : vector<16xi32>
          %add3A_662 = vector.broadcast %add3A_655 : i32 to vector<16xi32>
          %add3A_663 = arith.addi %add3A_662, %and3A_661 : vector<16xi32>
          %select_n3A_664 = arith.select %and3A_651, %sub3A_644, %add3A_663 : vector<16xi1>, vector<16xi32>
          %swap3A_665 = arith.constant 1 : i32
          %swap3A_666 = arith.index_cast %swap3A_665 : i32 to index
          %swap3A_667 = arith.constant 32 : index
          %swap3A_668 = tpu.vector_load %arg5[%swap3A_666, %swap3A_667] {strides = array<i32>} : memref<2x112xi32, #tpu.memory_space<vmem>>, vector<1x16xi32>,
          %swap3A_669 = vector.shape_cast %swap3A_668 : vector<1x16xi32> to vector<16xi32>
          %swap3A_670 = vector.shape_cast %select_n3A_664 : vector<16xi32> to vector<1x16xi32>
          tpu.vector_store %arg5[%swap3A_666, %swap3A_667], %swap3A_670 {strides = array<i32>} : memref<2x112xi32, #tpu.memory_space<vmem>>, vector<1x16xi32>,
          %get3A_671 = arith.constant 1 : i32
          %get3A_672 = arith.index_cast %get3A_671 : i32 to index
          %get3A_673 = arith.constant 48 : index
          %get3A_674 = tpu.vector_load %arg5[%get3A_672, %get3A_673] {strides = array<i32>} : memref<2x112xi32, #tpu.memory_space<vmem>>, vector<1x16xi32>,
          %get3A_675 = vector.shape_cast %get3A_674 : vector<1x16xi32> to vector<16xi32>
          %sub3A_676 = vector.broadcast %mul3A_11 : i32 to vector<16xi32>
          %sub3A_677 = arith.subi %get3A_675, %sub3A_676 : vector<16xi32>
          %ge3A_678 = arith.constant 0 : i32
          %ge3A_679 = vector.broadcast %ge3A_678 : i32 to vector<16xi32>
          %ge3A_680 = arith.cmpi sge, %sub3A_677, %ge3A_679 : vector<16xi32>
          %lt3A_681 = arith.constant 12544 : i32
          %lt3A_682 = vector.broadcast %lt3A_681 : i32 to vector<16xi32>
          %lt3A_683 = arith.cmpi slt, %sub3A_677, %lt3A_682 : vector<16xi32>
          %and3A_684 = arith.andi %ge3A_680, %lt3A_683 : vector<16xi1>
          %mul3A_685 = arith.constant 8 : i32
          %mul3A_686 = arith.muli %arg1, %mul3A_685 : i32
          %add3A_687 = arith.constant 12544 : i32
          %add3A_688 = arith.addi %add3A_687, %mul3A_686 : i32
          %add3A_689 = arith.constant 48 : i32
          %add3A_690 = vector.broadcast %add3A_689 : i32 to vector<16xi32>
          %add3A_691 = arith.addi %iota3A, %add3A_690 : vector<16xi32>
          %and3A_692 = arith.constant 7 : i32
          %and3A_693 = vector.broadcast %and3A_692 : i32 to vector<16xi32>
          %and3A_694 = arith.andi %add3A_691, %and3A_693 : vector<16xi32>
          %add3A_695 = vector.broadcast %add3A_688 : i32 to vector<16xi32>
          %add3A_696 = arith.addi %add3A_695, %and3A_694 : vector<16xi32>
          %select_n3A_697 = arith.select %and3A_684, %sub3A_677, %add3A_696 : vector<16xi1>, vector<16xi32>
          %swap3A_698 = arith.constant 1 : i32
          %swap3A_699 = arith.index_cast %swap3A_698 : i32 to index
          %swap3A_700 = arith.constant 48 : index
          %swap3A_701 = tpu.vector_load %arg5[%swap3A_699, %swap3A_700] {strides = array<i32>} : memref<2x112xi32, #tpu.memory_space<vmem>>, vector<1x16xi32>,
          %swap3A_702 = vector.shape_cast %swap3A_701 : vector<1x16xi32> to vector<16xi32>
          %swap3A_703 = vector.shape_cast %select_n3A_697 : vector<16xi32> to vector<1x16xi32>
          tpu.vector_store %arg5[%swap3A_699, %swap3A_700], %swap3A_703 {strides = array<i32>} : memref<2x112xi32, #tpu.memory_space<vmem>>, vector<1x16xi32>,
          %get3A_704 = arith.constant 1 : i32
          %get3A_705 = arith.index_cast %get3A_704 : i32 to index
          %get3A_706 = arith.constant 64 : index
          %get3A_707 = tpu.vector_load %arg5[%get3A_705, %get3A_706] {strides = array<i32>} : memref<2x112xi32, #tpu.memory_space<vmem>>, vector<1x16xi32>,
          %get3A_708 = vector.shape_cast %get3A_707 : vector<1x16xi32> to vector<16xi32>
          %sub3A_709 = vector.broadcast %mul3A_11 : i32 to vector<16xi32>
          %sub3A_710 = arith.subi %get3A_708, %sub3A_709 : vector<16xi32>
          %ge3A_711 = arith.constant 0 : i32
          %ge3A_712 = vector.broadcast %ge3A_711 : i32 to vector<16xi32>
          %ge3A_713 = arith.cmpi sge, %sub3A_710, %ge3A_712 : vector<16xi32>
          %lt3A_714 = arith.constant 12544 : i32
          %lt3A_715 = vector.broadcast %lt3A_714 : i32 to vector<16xi32>
          %lt3A_716 = arith.cmpi slt, %sub3A_710, %lt3A_715 : vector<16xi32>
          %and3A_717 = arith.andi %ge3A_713, %lt3A_716 : vector<16xi1>
          %mul3A_718 = arith.constant 8 : i32
          %mul3A_719 = arith.muli %arg1, %mul3A_718 : i32
          %add3A_720 = arith.constant 12544 : i32
          %add3A_721 = arith.addi %add3A_720, %mul3A_719 : i32
          %add3A_722 = arith.constant 64 : i32
          %add3A_723 = vector.broadcast %add3A_722 : i32 to vector<16xi32>
          %add3A_724 = arith.addi %iota3A, %add3A_723 : vector<16xi32>
          %and3A_725 = arith.constant 7 : i32
          %and3A_726 = vector.broadcast %and3A_725 : i32 to vector<16xi32>
          %and3A_727 = arith.andi %add3A_724, %and3A_726 : vector<16xi32>
          %add3A_728 = vector.broadcast %add3A_721 : i32 to vector<16xi32>
          %add3A_729 = arith.addi %add3A_728, %and3A_727 : vector<16xi32>
          %select_n3A_730 = arith.select %and3A_717, %sub3A_710, %add3A_729 : vector<16xi1>, vector<16xi32>
          %swap3A_731 = arith.constant 1 : i32
          %swap3A_732 = arith.index_cast %swap3A_731 : i32 to index
          %swap3A_733 = arith.constant 64 : index
          %swap3A_734 = tpu.vector_load %arg5[%swap3A_732, %swap3A_733] {strides = array<i32>} : memref<2x112xi32, #tpu.memory_space<vmem>>, vector<1x16xi32>,
          %swap3A_735 = vector.shape_cast %swap3A_734 : vector<1x16xi32> to vector<16xi32>
          %swap3A_736 = vector.shape_cast %select_n3A_730 : vector<16xi32> to vector<1x16xi32>
          tpu.vector_store %arg5[%swap3A_732, %swap3A_733], %swap3A_736 {strides = array<i32>} : memref<2x112xi32, #tpu.memory_space<vmem>>, vector<1x16xi32>,
          %get3A_737 = arith.constant 1 : i32
          %get3A_738 = arith.index_cast %get3A_737 : i32 to index
          %get3A_739 = arith.constant 80 : index
          %get3A_740 = tpu.vector_load %arg5[%get3A_738, %get3A_739] {strides = array<i32>} : memref<2x112xi32, #tpu.memory_space<vmem>>, vector<1x16xi32>,
          %get3A_741 = vector.shape_cast %get3A_740 : vector<1x16xi32> to vector<16xi32>
          %sub3A_742 = vector.broadcast %mul3A_11 : i32 to vector<16xi32>
          %sub3A_743 = arith.subi %get3A_741, %sub3A_742 : vector<16xi32>
          %ge3A_744 = arith.constant 0 : i32
          %ge3A_745 = vector.broadcast %ge3A_744 : i32 to vector<16xi32>
          %ge3A_746 = arith.cmpi sge, %sub3A_743, %ge3A_745 : vector<16xi32>
          %lt3A_747 = arith.constant 12544 : i32
          %lt3A_748 = vector.broadcast %lt3A_747 : i32 to vector<16xi32>
          %lt3A_749 = arith.cmpi slt, %sub3A_743, %lt3A_748 : vector<16xi32>
          %and3A_750 = arith.andi %ge3A_746, %lt3A_749 : vector<16xi1>
          %mul3A_751 = arith.constant 8 : i32
          %mul3A_752 = arith.muli %arg1, %mul3A_751 : i32
          %add3A_753 = arith.constant 12544 : i32
          %add3A_754 = arith.addi %add3A_753, %mul3A_752 : i32
          %add3A_755 = arith.constant 80 : i32
          %add3A_756 = vector.broadcast %add3A_755 : i32 to vector<16xi32>
          %add3A_757 = arith.addi %iota3A, %add3A_756 : vector<16xi32>
          %and3A_758 = arith.constant 7 : i32
          %and3A_759 = vector.broadcast %and3A_758 : i32 to vector<16xi32>
          %and3A_760 = arith.andi %add3A_757, %and3A_759 : vector<16xi32>
          %add3A_761 = vector.broadcast %add3A_754 : i32 to vector<16xi32>
          %add3A_762 = arith.addi %add3A_761, %and3A_760 : vector<16xi32>
          %select_n3A_763 = arith.select %and3A_750, %sub3A_743, %add3A_762 : vector<16xi1>, vector<16xi32>
          %swap3A_764 = arith.constant 1 : i32
          %swap3A_765 = arith.index_cast %swap3A_764 : i32 to index
          %swap3A_766 = arith.constant 80 : index
          %swap3A_767 = tpu.vector_load %arg5[%swap3A_765, %swap3A_766] {strides = array<i32>} : memref<2x112xi32, #tpu.memory_space<vmem>>, vector<1x16xi32>,
          %swap3A_768 = vector.shape_cast %swap3A_767 : vector<1x16xi32> to vector<16xi32>
          %swap3A_769 = vector.shape_cast %select_n3A_763 : vector<16xi32> to vector<1x16xi32>
          tpu.vector_store %arg5[%swap3A_765, %swap3A_766], %swap3A_769 {strides = array<i32>} : memref<2x112xi32, #tpu.memory_space<vmem>>, vector<1x16xi32>,
          %get3A_770 = arith.constant 1 : i32
          %get3A_771 = arith.index_cast %get3A_770 : i32 to index
          %get3A_772 = arith.constant 96 : index
          %get3A_773 = tpu.vector_load %arg5[%get3A_771, %get3A_772] {strides = array<i32>} : memref<2x112xi32, #tpu.memory_space<vmem>>, vector<1x16xi32>,
          %get3A_774 = vector.shape_cast %get3A_773 : vector<1x16xi32> to vector<16xi32>
          %sub3A_775 = vector.broadcast %mul3A_11 : i32 to vector<16xi32>
          %sub3A_776 = arith.subi %get3A_774, %sub3A_775 : vector<16xi32>
          %ge3A_777 = arith.constant 0 : i32
          %ge3A_778 = vector.broadcast %ge3A_777 : i32 to vector<16xi32>
          %ge3A_779 = arith.cmpi sge, %sub3A_776, %ge3A_778 : vector<16xi32>
          %lt3A_780 = arith.constant 12544 : i32
          %lt3A_781 = vector.broadcast %lt3A_780 : i32 to vector<16xi32>
          %lt3A_782 = arith.cmpi slt, %sub3A_776, %lt3A_781 : vector<16xi32>
          %and3A_783 = arith.andi %ge3A_779, %lt3A_782 : vector<16xi1>
          %mul3A_784 = arith.constant 8 : i32
          %mul3A_785 = arith.muli %arg1, %mul3A_784 : i32
          %add3A_786 = arith.constant 12544 : i32
          %add3A_787 = arith.addi %add3A_786, %mul3A_785 : i32
          %add3A_788 = arith.constant 96 : i32
          %add3A_789 = vector.broadcast %add3A_788 : i32 to vector<16xi32>
          %add3A_790 = arith.addi %iota3A, %add3A_789 : vector<16xi32>
          %and3A_791 = arith.constant 7 : i32
          %and3A_792 = vector.broadcast %and3A_791 : i32 to vector<16xi32>
          %and3A_793 = arith.andi %add3A_790, %and3A_792 : vector<16xi32>
          %add3A_794 = vector.broadcast %add3A_787 : i32 to vector<16xi32>
          %add3A_795 = arith.addi %add3A_794, %and3A_793 : vector<16xi32>
          %select_n3A_796 = arith.select %and3A_783, %sub3A_776, %add3A_795 : vector<16xi1>, vector<16xi32>
          %swap3A_797 = arith.constant 1 : i32
          %swap3A_798 = arith.index_cast %swap3A_797 : i32 to index
          %swap3A_799 = arith.constant 96 : index
          %swap3A_800 = tpu.vector_load %arg5[%swap3A_798, %swap3A_799] {strides = array<i32>} : memref<2x112xi32, #tpu.memory_space<vmem>>, vector<1x16xi32>,
          %swap3A_801 = vector.shape_cast %swap3A_800 : vector<1x16xi32> to vector<16xi32>
          %swap3A_802 = vector.shape_cast %select_n3A_796 : vector<16xi32> to vector<1x16xi32>
          tpu.vector_store %arg5[%swap3A_798, %swap3A_799], %swap3A_802 {strides = array<i32>} : memref<2x112xi32, #tpu.memory_space<vmem>>, vector<1x16xi32>,
          %dma_start3A_803 = arith.constant 0 : i32
          %dma_start3A_804 = arith.constant 0 : i32
          %dma_start3A_805 = tpu.memref_slice %arg5[%dma_start3A_803, %dma_start3A_804] : memref<2x112xi32, #tpu.memory_space<vmem>> -> memref<1x112xi32, #tpu.memory_space<vmem>>
          %dma_start3A_806 = tpu.memref_squeeze %dma_start3A_805 : memref<1x112xi32, #tpu.memory_space<vmem>> -> memref<112xi32, #tpu.memory_space<vmem>>
          %dma_start3A_807 = arith.constant 0 : i32
          %dma_start3A_808 = arith.constant 0 : i32
          %dma_start3A_809 = tpu.memref_slice %arg3[%dma_start3A_807, %dma_start3A_808] : memref<50176x128xf32, #tpu.memory_space<hbm>> -> memref<50176x128xf32, #tpu.memory_space<hbm>>
          tpu.enqueue_indirect_dma source(%dma_start3A_809 : memref<50176x128xf32, #tpu.memory_space<hbm>>) target(%arg7 : memref<112x128xf32, #tpu.memory_space<vmem>>) offsets(%dma_start3A_806 : memref<112xi32, #tpu.memory_space<vmem>>) semaphore(%arg10 : memref<!tpu.dma_semaphore, #tpu.memory_space<semaphore_mem>>)
        } else {
        }
        %dma_wait3A_552 = arith.constant 0 : i32
        %dma_wait3A_553 = arith.constant 0 : i32
        %dma_wait3A_554 = tpu.memref_slice %arg6[%dma_wait3A_552, %dma_wait3A_553] : memref<2x112xi32, #tpu.memory_space<vmem>> -> memref<1x112xi32, #tpu.memory_space<vmem>>
        %dma_wait3A_555 = tpu.memref_squeeze %dma_wait3A_554 : memref<1x112xi32, #tpu.memory_space<vmem>> -> memref<112xi32, #tpu.memory_space<vmem>>
        %dma_wait3A_556 = arith.constant 0 : i32
        %dma_wait3A_557 = arith.constant 0 : i32
        %dma_wait3A_558 = tpu.memref_slice %arg3[%dma_wait3A_556, %dma_wait3A_557] : memref<50176x128xf32, #tpu.memory_space<hbm>> -> memref<50176x128xf32, #tpu.memory_space<hbm>>
        tpu.wait_indirect_dma semaphore(%arg11 : memref<!tpu.dma_semaphore, #tpu.memory_space<semaphore_mem>>) src(%dma_wait3A_558 : memref<50176x128xf32, #tpu.memory_space<hbm>>) dst(%arg8 : memref<112x128xf32, #tpu.memory_space<vmem>>)
        %run_scoped3A_559 = arith.constant 1 : i32
        "tpu.region"() ({
          %run_scoped3A_565 = tpu.sem_alloc : memref<!tpu.dma_semaphore, #tpu.memory_space<semaphore_mem>>
          %dma_start3A_566 = arith.constant 0 : i32
          %dma_start3A_567 = tpu.memref_slice %arg6[%run_scoped3A_559, %dma_start3A_566] : memref<2x112xi32, #tpu.memory_space<vmem>> -> memref<1x112xi32, #tpu.memory_space<vmem>>
          %dma_start3A_568 = tpu.memref_squeeze %dma_start3A_567 : memref<1x112xi32, #tpu.memory_space<vmem>> -> memref<112xi32, #tpu.memory_space<vmem>>
          %dma_start3A_569 = arith.constant 0 : i32
          %dma_start3A_570 = arith.constant 0 : i32
          %dma_start3A_571 = tpu.memref_slice %arg9[%dma_start3A_569, %dma_start3A_570] : memref<12672x128xf32, #tpu.memory_space<vmem_shared>> -> memref<12672x128xf32, #tpu.memory_space<vmem_shared>>
          tpu.enqueue_indirect_dma source(%arg8 : memref<112x128xf32, #tpu.memory_space<vmem>>) target(%dma_start3A_571 : memref<12672x128xf32, #tpu.memory_space<vmem_shared>>) offsets(%dma_start3A_568 : memref<112xi32, #tpu.memory_space<vmem>>) semaphore(%run_scoped3A_565 : memref<!tpu.dma_semaphore, #tpu.memory_space<semaphore_mem>>) {add = true}
          %dma_wait3A_572 = arith.constant 0 : i32
          %dma_wait3A_573 = tpu.memref_slice %arg6[%run_scoped3A_559, %dma_wait3A_572] : memref<2x112xi32, #tpu.memory_space<vmem>> -> memref<1x112xi32, #tpu.memory_space<vmem>>
          %dma_wait3A_574 = tpu.memref_squeeze %dma_wait3A_573 : memref<1x112xi32, #tpu.memory_space<vmem>> -> memref<112xi32, #tpu.memory_space<vmem>>
          %dma_wait3A_575 = arith.constant 0 : i32
          %dma_wait3A_576 = arith.constant 0 : i32
          %dma_wait3A_577 = tpu.memref_slice %arg9[%dma_wait3A_575, %dma_wait3A_576] : memref<12672x128xf32, #tpu.memory_space<vmem_shared>> -> memref<12672x128xf32, #tpu.memory_space<vmem_shared>>
          tpu.wait_indirect_dma semaphore(%run_scoped3A_565 : memref<!tpu.dma_semaphore, #tpu.memory_space<semaphore_mem>>) src(%arg8 : memref<112x128xf32, #tpu.memory_space<vmem>>) dst(%dma_wait3A_577 : memref<12672x128xf32, #tpu.memory_space<vmem_shared>>)
          tpu.yield
        }) : () -> ()
        %lt3A_560 = arith.constant 55 : i32
        %lt3A_561 = arith.cmpi slt, %add3A_542, %lt3A_560 : i32
        %convert_element_type3A_562 = arith.extui %lt3A_561 : i1 to i32
        %cond3A_563 = arith.constant 0 : i32
        %cond3A_564 = arith.cmpi ne, %convert_element_type3A_562, %cond3A_563 : i32
        scf.if %cond3A_564 {
          %mul3A_565 = arith.constant 2 : i32
          %mul3A_566 = arith.muli %mul3A_565, %add3A_542 : i32
          %add3A_567 = arith.constant 3 : i32
          %add3A_568 = arith.addi %mul3A_566, %add3A_567 : i32
          %mul3A_569 = arith.constant 112 : i32
          %mul3A_570 = arith.muli %arg1, %mul3A_569 : i32
          %add3A_571 = arith.addi %mul3A_570, %add3A_568 : i32
          "tpu.region"() ({
            %run_scoped3A_810 = tpu.sem_alloc : memref<!tpu.dma_semaphore, #tpu.memory_space<semaphore_mem>>
            %dma_start3A_811 = arith.constant 0 : i32
            %dma_start3A_812 = arith.constant 0 : i32
            %dma_start3A_813 = tpu.memref_slice %arg2[%add3A_571, %dma_start3A_811, %dma_start3A_812] : memref<1792x2x112xi32, #tpu.memory_space<hbm>> -> memref<1x2x112xi32, #tpu.memory_space<hbm>>
            %dma_start3A_814 = tpu.memref_squeeze %dma_start3A_813 : memref<1x2x112xi32, #tpu.memory_space<hbm>> -> memref<2x112xi32, #tpu.memory_space<hbm>>
            %dma_start3A_815 = arith.constant 0 : i32
            %dma_start3A_816 = arith.constant 0 : i32
            %dma_start3A_817 = tpu.memref_slice %arg2[%add3A_571, %dma_start3A_815, %dma_start3A_816] : memref<1792x2x112xi32, #tpu.memory_space<hbm>> -> memref<1x2x112xi32, #tpu.memory_space<hbm>>
            %dma_start3A_818 = tpu.memref_squeeze %dma_start3A_817 : memref<1x2x112xi32, #tpu.memory_space<hbm>> -> memref<2x112xi32, #tpu.memory_space<hbm>>
            tpu.enqueue_dma source(%dma_start3A_818 : memref<2x112xi32, #tpu.memory_space<hbm>>) target(%arg6 : memref<2x112xi32, #tpu.memory_space<vmem>>) target_semaphore(%run_scoped3A_810 : memref<!tpu.dma_semaphore, #tpu.memory_space<semaphore_mem>>)
            %dma_wait3A_819 = arith.constant 0 : i32
            %dma_wait3A_820 = arith.constant 0 : i32
            %dma_wait3A_821 = tpu.memref_slice %arg2[%add3A_571, %dma_wait3A_819, %dma_wait3A_820] : memref<1792x2x112xi32, #tpu.memory_space<hbm>> -> memref<1x2x112xi32, #tpu.memory_space<hbm>>
            %dma_wait3A_822 = tpu.memref_squeeze %dma_wait3A_821 : memref<1x2x112xi32, #tpu.memory_space<hbm>> -> memref<2x112xi32, #tpu.memory_space<hbm>>
            %dma_wait3A_823 = arith.constant 0 : i32
            %dma_wait3A_824 = arith.constant 0 : i32
            %dma_wait3A_825 = tpu.memref_slice %arg2[%add3A_571, %dma_wait3A_823, %dma_wait3A_824] : memref<1792x2x112xi32, #tpu.memory_space<hbm>> -> memref<1x2x112xi32, #tpu.memory_space<hbm>>
            %dma_wait3A_826 = tpu.memref_squeeze %dma_wait3A_825 : memref<1x2x112xi32, #tpu.memory_space<hbm>> -> memref<2x112xi32, #tpu.memory_space<hbm>>
            tpu.wait_dma2 semaphore(%run_scoped3A_810 : memref<!tpu.dma_semaphore, #tpu.memory_space<semaphore_mem>>) src(%dma_wait3A_826 : memref<2x112xi32, #tpu.memory_space<hbm>>) dst(%arg6 : memref<2x112xi32, #tpu.memory_space<vmem>>)
            tpu.yield
          }) : () -> ()
          %get3A_572 = arith.constant 1 : i32
          %get3A_573 = arith.index_cast %get3A_572 : i32 to index
          %get3A_574 = arith.constant 0 : index
          %get3A_575 = tpu.vector_load %arg6[%get3A_573, %get3A_574] {strides = array<i32>} : memref<2x112xi32, #tpu.memory_space<vmem>>, vector<1x16xi32>,
          %get3A_576 = vector.shape_cast %get3A_575 : vector<1x16xi32> to vector<16xi32>
          %sub3A_577 = vector.broadcast %mul3A_11 : i32 to vector<16xi32>
          %sub3A_578 = arith.subi %get3A_576, %sub3A_577 : vector<16xi32>
          %ge3A_579 = arith.constant 0 : i32
          %ge3A_580 = vector.broadcast %ge3A_579 : i32 to vector<16xi32>
          %ge3A_581 = arith.cmpi sge, %sub3A_578, %ge3A_580 : vector<16xi32>
          %lt3A_582 = arith.constant 12544 : i32
          %lt3A_583 = vector.broadcast %lt3A_582 : i32 to vector<16xi32>
          %lt3A_584 = arith.cmpi slt, %sub3A_578, %lt3A_583 : vector<16xi32>
          %and3A_585 = arith.andi %ge3A_581, %lt3A_584 : vector<16xi1>
          %mul3A_586 = arith.constant 8 : i32
          %mul3A_587 = arith.muli %arg1, %mul3A_586 : i32
          %add3A_588 = arith.constant 12544 : i32
          %add3A_589 = arith.addi %add3A_588, %mul3A_587 : i32
          %add3A_590 = arith.constant 0 : i32
          %add3A_591 = vector.broadcast %add3A_590 : i32 to vector<16xi32>
          %add3A_592 = arith.addi %iota3A, %add3A_591 : vector<16xi32>
          %and3A_593 = arith.constant 7 : i32
          %and3A_594 = vector.broadcast %and3A_593 : i32 to vector<16xi32>
          %and3A_595 = arith.andi %add3A_592, %and3A_594 : vector<16xi32>
          %add3A_596 = vector.broadcast %add3A_589 : i32 to vector<16xi32>
          %add3A_597 = arith.addi %add3A_596, %and3A_595 : vector<16xi32>
          %select_n3A_598 = arith.select %and3A_585, %sub3A_578, %add3A_597 : vector<16xi1>, vector<16xi32>
          %swap3A_599 = arith.constant 1 : i32
          %swap3A_600 = arith.index_cast %swap3A_599 : i32 to index
          %swap3A_601 = arith.constant 0 : index
          %swap3A_602 = tpu.vector_load %arg6[%swap3A_600, %swap3A_601] {strides = array<i32>} : memref<2x112xi32, #tpu.memory_space<vmem>>, vector<1x16xi32>,
          %swap3A_603 = vector.shape_cast %swap3A_602 : vector<1x16xi32> to vector<16xi32>
          %swap3A_604 = vector.shape_cast %select_n3A_598 : vector<16xi32> to vector<1x16xi32>
          tpu.vector_store %arg6[%swap3A_600, %swap3A_601], %swap3A_604 {strides = array<i32>} : memref<2x112xi32, #tpu.memory_space<vmem>>, vector<1x16xi32>,
          %get3A_605 = arith.constant 1 : i32
          %get3A_606 = arith.index_cast %get3A_605 : i32 to index
          %get3A_607 = arith.constant 16 : index
          %get3A_608 = tpu.vector_load %arg6[%get3A_606, %get3A_607] {strides = array<i32>} : memref<2x112xi32, #tpu.memory_space<vmem>>, vector<1x16xi32>,
          %get3A_609 = vector.shape_cast %get3A_608 : vector<1x16xi32> to vector<16xi32>
          %sub3A_610 = vector.broadcast %mul3A_11 : i32 to vector<16xi32>
          %sub3A_611 = arith.subi %get3A_609, %sub3A_610 : vector<16xi32>
          %ge3A_612 = arith.constant 0 : i32
          %ge3A_613 = vector.broadcast %ge3A_612 : i32 to vector<16xi32>
          %ge3A_614 = arith.cmpi sge, %sub3A_611, %ge3A_613 : vector<16xi32>
          %lt3A_615 = arith.constant 12544 : i32
          %lt3A_616 = vector.broadcast %lt3A_615 : i32 to vector<16xi32>
          %lt3A_617 = arith.cmpi slt, %sub3A_611, %lt3A_616 : vector<16xi32>
          %and3A_618 = arith.andi %ge3A_614, %lt3A_617 : vector<16xi1>
          %mul3A_619 = arith.constant 8 : i32
          %mul3A_620 = arith.muli %arg1, %mul3A_619 : i32
          %add3A_621 = arith.constant 12544 : i32
          %add3A_622 = arith.addi %add3A_621, %mul3A_620 : i32
          %add3A_623 = arith.constant 16 : i32
          %add3A_624 = vector.broadcast %add3A_623 : i32 to vector<16xi32>
          %add3A_625 = arith.addi %iota3A, %add3A_624 : vector<16xi32>
          %and3A_626 = arith.constant 7 : i32
          %and3A_627 = vector.broadcast %and3A_626 : i32 to vector<16xi32>
          %and3A_628 = arith.andi %add3A_625, %and3A_627 : vector<16xi32>
          %add3A_629 = vector.broadcast %add3A_622 : i32 to vector<16xi32>
          %add3A_630 = arith.addi %add3A_629, %and3A_628 : vector<16xi32>
          %select_n3A_631 = arith.select %and3A_618, %sub3A_611, %add3A_630 : vector<16xi1>, vector<16xi32>
          %swap3A_632 = arith.constant 1 : i32
          %swap3A_633 = arith.index_cast %swap3A_632 : i32 to index
          %swap3A_634 = arith.constant 16 : index
          %swap3A_635 = tpu.vector_load %arg6[%swap3A_633, %swap3A_634] {strides = array<i32>} : memref<2x112xi32, #tpu.memory_space<vmem>>, vector<1x16xi32>,
          %swap3A_636 = vector.shape_cast %swap3A_635 : vector<1x16xi32> to vector<16xi32>
          %swap3A_637 = vector.shape_cast %select_n3A_631 : vector<16xi32> to vector<1x16xi32>
          tpu.vector_store %arg6[%swap3A_633, %swap3A_634], %swap3A_637 {strides = array<i32>} : memref<2x112xi32, #tpu.memory_space<vmem>>, vector<1x16xi32>,
          %get3A_638 = arith.constant 1 : i32
          %get3A_639 = arith.index_cast %get3A_638 : i32 to index
          %get3A_640 = arith.constant 32 : index
          %get3A_641 = tpu.vector_load %arg6[%get3A_639, %get3A_640] {strides = array<i32>} : memref<2x112xi32, #tpu.memory_space<vmem>>, vector<1x16xi32>,
          %get3A_642 = vector.shape_cast %get3A_641 : vector<1x16xi32> to vector<16xi32>
          %sub3A_643 = vector.broadcast %mul3A_11 : i32 to vector<16xi32>
          %sub3A_644 = arith.subi %get3A_642, %sub3A_643 : vector<16xi32>
          %ge3A_645 = arith.constant 0 : i32
          %ge3A_646 = vector.broadcast %ge3A_645 : i32 to vector<16xi32>
          %ge3A_647 = arith.cmpi sge, %sub3A_644, %ge3A_646 : vector<16xi32>
          %lt3A_648 = arith.constant 12544 : i32
          %lt3A_649 = vector.broadcast %lt3A_648 : i32 to vector<16xi32>
          %lt3A_650 = arith.cmpi slt, %sub3A_644, %lt3A_649 : vector<16xi32>
          %and3A_651 = arith.andi %ge3A_647, %lt3A_650 : vector<16xi1>
          %mul3A_652 = arith.constant 8 : i32
          %mul3A_653 = arith.muli %arg1, %mul3A_652 : i32
          %add3A_654 = arith.constant 12544 : i32
          %add3A_655 = arith.addi %add3A_654, %mul3A_653 : i32
          %add3A_656 = arith.constant 32 : i32
          %add3A_657 = vector.broadcast %add3A_656 : i32 to vector<16xi32>
          %add3A_658 = arith.addi %iota3A, %add3A_657 : vector<16xi32>
          %and3A_659 = arith.constant 7 : i32
          %and3A_660 = vector.broadcast %and3A_659 : i32 to vector<16xi32>
          %and3A_661 = arith.andi %add3A_658, %and3A_660 : vector<16xi32>
          %add3A_662 = vector.broadcast %add3A_655 : i32 to vector<16xi32>
          %add3A_663 = arith.addi %add3A_662, %and3A_661 : vector<16xi32>
          %select_n3A_664 = arith.select %and3A_651, %sub3A_644, %add3A_663 : vector<16xi1>, vector<16xi32>
          %swap3A_665 = arith.constant 1 : i32
          %swap3A_666 = arith.index_cast %swap3A_665 : i32 to index
          %swap3A_667 = arith.constant 32 : index
          %swap3A_668 = tpu.vector_load %arg6[%swap3A_666, %swap3A_667] {strides = array<i32>} : memref<2x112xi32, #tpu.memory_space<vmem>>, vector<1x16xi32>,
          %swap3A_669 = vector.shape_cast %swap3A_668 : vector<1x16xi32> to vector<16xi32>
          %swap3A_670 = vector.shape_cast %select_n3A_664 : vector<16xi32> to vector<1x16xi32>
          tpu.vector_store %arg6[%swap3A_666, %swap3A_667], %swap3A_670 {strides = array<i32>} : memref<2x112xi32, #tpu.memory_space<vmem>>, vector<1x16xi32>,
          %get3A_671 = arith.constant 1 : i32
          %get3A_672 = arith.index_cast %get3A_671 : i32 to index
          %get3A_673 = arith.constant 48 : index
          %get3A_674 = tpu.vector_load %arg6[%get3A_672, %get3A_673] {strides = array<i32>} : memref<2x112xi32, #tpu.memory_space<vmem>>, vector<1x16xi32>,
          %get3A_675 = vector.shape_cast %get3A_674 : vector<1x16xi32> to vector<16xi32>
          %sub3A_676 = vector.broadcast %mul3A_11 : i32 to vector<16xi32>
          %sub3A_677 = arith.subi %get3A_675, %sub3A_676 : vector<16xi32>
          %ge3A_678 = arith.constant 0 : i32
          %ge3A_679 = vector.broadcast %ge3A_678 : i32 to vector<16xi32>
          %ge3A_680 = arith.cmpi sge, %sub3A_677, %ge3A_679 : vector<16xi32>
          %lt3A_681 = arith.constant 12544 : i32
          %lt3A_682 = vector.broadcast %lt3A_681 : i32 to vector<16xi32>
          %lt3A_683 = arith.cmpi slt, %sub3A_677, %lt3A_682 : vector<16xi32>
          %and3A_684 = arith.andi %ge3A_680, %lt3A_683 : vector<16xi1>
          %mul3A_685 = arith.constant 8 : i32
          %mul3A_686 = arith.muli %arg1, %mul3A_685 : i32
          %add3A_687 = arith.constant 12544 : i32
          %add3A_688 = arith.addi %add3A_687, %mul3A_686 : i32
          %add3A_689 = arith.constant 48 : i32
          %add3A_690 = vector.broadcast %add3A_689 : i32 to vector<16xi32>
          %add3A_691 = arith.addi %iota3A, %add3A_690 : vector<16xi32>
          %and3A_692 = arith.constant 7 : i32
          %and3A_693 = vector.broadcast %and3A_692 : i32 to vector<16xi32>
          %and3A_694 = arith.andi %add3A_691, %and3A_693 : vector<16xi32>
          %add3A_695 = vector.broadcast %add3A_688 : i32 to vector<16xi32>
          %add3A_696 = arith.addi %add3A_695, %and3A_694 : vector<16xi32>
          %select_n3A_697 = arith.select %and3A_684, %sub3A_677, %add3A_696 : vector<16xi1>, vector<16xi32>
          %swap3A_698 = arith.constant 1 : i32
          %swap3A_699 = arith.index_cast %swap3A_698 : i32 to index
          %swap3A_700 = arith.constant 48 : index
          %swap3A_701 = tpu.vector_load %arg6[%swap3A_699, %swap3A_700] {strides = array<i32>} : memref<2x112xi32, #tpu.memory_space<vmem>>, vector<1x16xi32>,
          %swap3A_702 = vector.shape_cast %swap3A_701 : vector<1x16xi32> to vector<16xi32>
          %swap3A_703 = vector.shape_cast %select_n3A_697 : vector<16xi32> to vector<1x16xi32>
          tpu.vector_store %arg6[%swap3A_699, %swap3A_700], %swap3A_703 {strides = array<i32>} : memref<2x112xi32, #tpu.memory_space<vmem>>, vector<1x16xi32>,
          %get3A_704 = arith.constant 1 : i32
          %get3A_705 = arith.index_cast %get3A_704 : i32 to index
          %get3A_706 = arith.constant 64 : index
          %get3A_707 = tpu.vector_load %arg6[%get3A_705, %get3A_706] {strides = array<i32>} : memref<2x112xi32, #tpu.memory_space<vmem>>, vector<1x16xi32>,
          %get3A_708 = vector.shape_cast %get3A_707 : vector<1x16xi32> to vector<16xi32>
          %sub3A_709 = vector.broadcast %mul3A_11 : i32 to vector<16xi32>
          %sub3A_710 = arith.subi %get3A_708, %sub3A_709 : vector<16xi32>
          %ge3A_711 = arith.constant 0 : i32
          %ge3A_712 = vector.broadcast %ge3A_711 : i32 to vector<16xi32>
          %ge3A_713 = arith.cmpi sge, %sub3A_710, %ge3A_712 : vector<16xi32>
          %lt3A_714 = arith.constant 12544 : i32
          %lt3A_715 = vector.broadcast %lt3A_714 : i32 to vector<16xi32>
          %lt3A_716 = arith.cmpi slt, %sub3A_710, %lt3A_715 : vector<16xi32>
          %and3A_717 = arith.andi %ge3A_713, %lt3A_716 : vector<16xi1>
          %mul3A_718 = arith.constant 8 : i32
          %mul3A_719 = arith.muli %arg1, %mul3A_718 : i32
          %add3A_720 = arith.constant 12544 : i32
          %add3A_721 = arith.addi %add3A_720, %mul3A_719 : i32
          %add3A_722 = arith.constant 64 : i32
          %add3A_723 = vector.broadcast %add3A_722 : i32 to vector<16xi32>
          %add3A_724 = arith.addi %iota3A, %add3A_723 : vector<16xi32>
          %and3A_725 = arith.constant 7 : i32
          %and3A_726 = vector.broadcast %and3A_725 : i32 to vector<16xi32>
          %and3A_727 = arith.andi %add3A_724, %and3A_726 : vector<16xi32>
          %add3A_728 = vector.broadcast %add3A_721 : i32 to vector<16xi32>
          %add3A_729 = arith.addi %add3A_728, %and3A_727 : vector<16xi32>
          %select_n3A_730 = arith.select %and3A_717, %sub3A_710, %add3A_729 : vector<16xi1>, vector<16xi32>
          %swap3A_731 = arith.constant 1 : i32
          %swap3A_732 = arith.index_cast %swap3A_731 : i32 to index
          %swap3A_733 = arith.constant 64 : index
          %swap3A_734 = tpu.vector_load %arg6[%swap3A_732, %swap3A_733] {strides = array<i32>} : memref<2x112xi32, #tpu.memory_space<vmem>>, vector<1x16xi32>,
          %swap3A_735 = vector.shape_cast %swap3A_734 : vector<1x16xi32> to vector<16xi32>
          %swap3A_736 = vector.shape_cast %select_n3A_730 : vector<16xi32> to vector<1x16xi32>
          tpu.vector_store %arg6[%swap3A_732, %swap3A_733], %swap3A_736 {strides = array<i32>} : memref<2x112xi32, #tpu.memory_space<vmem>>, vector<1x16xi32>,
          %get3A_737 = arith.constant 1 : i32
          %get3A_738 = arith.index_cast %get3A_737 : i32 to index
          %get3A_739 = arith.constant 80 : index
          %get3A_740 = tpu.vector_load %arg6[%get3A_738, %get3A_739] {strides = array<i32>} : memref<2x112xi32, #tpu.memory_space<vmem>>, vector<1x16xi32>,
          %get3A_741 = vector.shape_cast %get3A_740 : vector<1x16xi32> to vector<16xi32>
          %sub3A_742 = vector.broadcast %mul3A_11 : i32 to vector<16xi32>
          %sub3A_743 = arith.subi %get3A_741, %sub3A_742 : vector<16xi32>
          %ge3A_744 = arith.constant 0 : i32
          %ge3A_745 = vector.broadcast %ge3A_744 : i32 to vector<16xi32>
          %ge3A_746 = arith.cmpi sge, %sub3A_743, %ge3A_745 : vector<16xi32>
          %lt3A_747 = arith.constant 12544 : i32
          %lt3A_748 = vector.broadcast %lt3A_747 : i32 to vector<16xi32>
          %lt3A_749 = arith.cmpi slt, %sub3A_743, %lt3A_748 : vector<16xi32>
          %and3A_750 = arith.andi %ge3A_746, %lt3A_749 : vector<16xi1>
          %mul3A_751 = arith.constant 8 : i32
          %mul3A_752 = arith.muli %arg1, %mul3A_751 : i32
          %add3A_753 = arith.constant 12544 : i32
          %add3A_754 = arith.addi %add3A_753, %mul3A_752 : i32
          %add3A_755 = arith.constant 80 : i32
          %add3A_756 = vector.broadcast %add3A_755 : i32 to vector<16xi32>
          %add3A_757 = arith.addi %iota3A, %add3A_756 : vector<16xi32>
          %and3A_758 = arith.constant 7 : i32
          %and3A_759 = vector.broadcast %and3A_758 : i32 to vector<16xi32>
          %and3A_760 = arith.andi %add3A_757, %and3A_759 : vector<16xi32>
          %add3A_761 = vector.broadcast %add3A_754 : i32 to vector<16xi32>
          %add3A_762 = arith.addi %add3A_761, %and3A_760 : vector<16xi32>
          %select_n3A_763 = arith.select %and3A_750, %sub3A_743, %add3A_762 : vector<16xi1>, vector<16xi32>
          %swap3A_764 = arith.constant 1 : i32
          %swap3A_765 = arith.index_cast %swap3A_764 : i32 to index
          %swap3A_766 = arith.constant 80 : index
          %swap3A_767 = tpu.vector_load %arg6[%swap3A_765, %swap3A_766] {strides = array<i32>} : memref<2x112xi32, #tpu.memory_space<vmem>>, vector<1x16xi32>,
          %swap3A_768 = vector.shape_cast %swap3A_767 : vector<1x16xi32> to vector<16xi32>
          %swap3A_769 = vector.shape_cast %select_n3A_763 : vector<16xi32> to vector<1x16xi32>
          tpu.vector_store %arg6[%swap3A_765, %swap3A_766], %swap3A_769 {strides = array<i32>} : memref<2x112xi32, #tpu.memory_space<vmem>>, vector<1x16xi32>,
          %get3A_770 = arith.constant 1 : i32
          %get3A_771 = arith.index_cast %get3A_770 : i32 to index
          %get3A_772 = arith.constant 96 : index
          %get3A_773 = tpu.vector_load %arg6[%get3A_771, %get3A_772] {strides = array<i32>} : memref<2x112xi32, #tpu.memory_space<vmem>>, vector<1x16xi32>,
          %get3A_774 = vector.shape_cast %get3A_773 : vector<1x16xi32> to vector<16xi32>
          %sub3A_775 = vector.broadcast %mul3A_11 : i32 to vector<16xi32>
          %sub3A_776 = arith.subi %get3A_774, %sub3A_775 : vector<16xi32>
          %ge3A_777 = arith.constant 0 : i32
          %ge3A_778 = vector.broadcast %ge3A_777 : i32 to vector<16xi32>
          %ge3A_779 = arith.cmpi sge, %sub3A_776, %ge3A_778 : vector<16xi32>
          %lt3A_780 = arith.constant 12544 : i32
          %lt3A_781 = vector.broadcast %lt3A_780 : i32 to vector<16xi32>
          %lt3A_782 = arith.cmpi slt, %sub3A_776, %lt3A_781 : vector<16xi32>
          %and3A_783 = arith.andi %ge3A_779, %lt3A_782 : vector<16xi1>
          %mul3A_784 = arith.constant 8 : i32
          %mul3A_785 = arith.muli %arg1, %mul3A_784 : i32
          %add3A_786 = arith.constant 12544 : i32
          %add3A_787 = arith.addi %add3A_786, %mul3A_785 : i32
          %add3A_788 = arith.constant 96 : i32
          %add3A_789 = vector.broadcast %add3A_788 : i32 to vector<16xi32>
          %add3A_790 = arith.addi %iota3A, %add3A_789 : vector<16xi32>
          %and3A_791 = arith.constant 7 : i32
          %and3A_792 = vector.broadcast %and3A_791 : i32 to vector<16xi32>
          %and3A_793 = arith.andi %add3A_790, %and3A_792 : vector<16xi32>
          %add3A_794 = vector.broadcast %add3A_787 : i32 to vector<16xi32>
          %add3A_795 = arith.addi %add3A_794, %and3A_793 : vector<16xi32>
          %select_n3A_796 = arith.select %and3A_783, %sub3A_776, %add3A_795 : vector<16xi1>, vector<16xi32>
          %swap3A_797 = arith.constant 1 : i32
          %swap3A_798 = arith.index_cast %swap3A_797 : i32 to index
          %swap3A_799 = arith.constant 96 : index
          %swap3A_800 = tpu.vector_load %arg6[%swap3A_798, %swap3A_799] {strides = array<i32>} : memref<2x112xi32, #tpu.memory_space<vmem>>, vector<1x16xi32>,
          %swap3A_801 = vector.shape_cast %swap3A_800 : vector<1x16xi32> to vector<16xi32>
          %swap3A_802 = vector.shape_cast %select_n3A_796 : vector<16xi32> to vector<1x16xi32>
          tpu.vector_store %arg6[%swap3A_798, %swap3A_799], %swap3A_802 {strides = array<i32>} : memref<2x112xi32, #tpu.memory_space<vmem>>, vector<1x16xi32>,
          %dma_start3A_803 = arith.constant 0 : i32
          %dma_start3A_804 = arith.constant 0 : i32
          %dma_start3A_805 = tpu.memref_slice %arg6[%dma_start3A_803, %dma_start3A_804] : memref<2x112xi32, #tpu.memory_space<vmem>> -> memref<1x112xi32, #tpu.memory_space<vmem>>
          %dma_start3A_806 = tpu.memref_squeeze %dma_start3A_805 : memref<1x112xi32, #tpu.memory_space<vmem>> -> memref<112xi32, #tpu.memory_space<vmem>>
          %dma_start3A_807 = arith.constant 0 : i32
          %dma_start3A_808 = arith.constant 0 : i32
          %dma_start3A_809 = tpu.memref_slice %arg3[%dma_start3A_807, %dma_start3A_808] : memref<50176x128xf32, #tpu.memory_space<hbm>> -> memref<50176x128xf32, #tpu.memory_space<hbm>>
          tpu.enqueue_indirect_dma source(%dma_start3A_809 : memref<50176x128xf32, #tpu.memory_space<hbm>>) target(%arg8 : memref<112x128xf32, #tpu.memory_space<vmem>>) offsets(%dma_start3A_806 : memref<112xi32, #tpu.memory_space<vmem>>) semaphore(%arg11 : memref<!tpu.dma_semaphore, #tpu.memory_space<semaphore_mem>>)
        } else {
        }
      }
      %scan3A_530 = arith.constant 56 : i32
      %barrier3A_531 = arith.constant 0 : index
      tpu.barrier barrier_id(%barrier3A_531)
      %mul3A_532 = arith.constant 784 : i32
      %mul3A_533 = arith.muli %arg1, %mul3A_532 : i32
      %mul3A_534 = arith.constant 784 : i32
      %mul3A_535 = arith.muli %arg1, %mul3A_534 : i32
      %add3A_536 = arith.addi %mul3A_11, %mul3A_535 : i32
      "tpu.region"() ({
        %run_scoped3A = tpu.sem_alloc : memref<!tpu.dma_semaphore, #tpu.memory_space<semaphore_mem>>
        %dma_start3A_538 = arith.constant 0 : i32
        %dma_start3A_539 = tpu.memref_slice %arg4[%add3A_536, %dma_start3A_538] : memref<50176x128xf32, #tpu.memory_space<hbm>> -> memref<784x128xf32, #tpu.memory_space<hbm>>
        %dma_start3A_540 = arith.constant 0 : i32
        %dma_start3A_541 = tpu.memref_slice %arg9[%mul3A_533, %dma_start3A_540] : memref<12672x128xf32, #tpu.memory_space<vmem_shared>> -> memref<784x128xf32, #tpu.memory_space<vmem_shared>>
        tpu.enqueue_dma source(%dma_start3A_541 : memref<784x128xf32, #tpu.memory_space<vmem_shared>>) target(%dma_start3A_539 : memref<784x128xf32, #tpu.memory_space<hbm>>) target_semaphore(%run_scoped3A : memref<!tpu.dma_semaphore, #tpu.memory_space<semaphore_mem>>)
        %dma_wait3A = arith.constant 0 : i32
        %dma_wait3A_542 = tpu.memref_slice %arg4[%add3A_536, %dma_wait3A] : memref<50176x128xf32, #tpu.memory_space<hbm>> -> memref<784x128xf32, #tpu.memory_space<hbm>>
        %dma_wait3A_543 = arith.constant 0 : i32
        %dma_wait3A_544 = tpu.memref_slice %arg9[%mul3A_533, %dma_wait3A_543] : memref<12672x128xf32, #tpu.memory_space<vmem_shared>> -> memref<784x128xf32, #tpu.memory_space<vmem_shared>>
        tpu.wait_dma2 semaphore(%run_scoped3A : memref<!tpu.dma_semaphore, #tpu.memory_space<semaphore_mem>>) src(%dma_wait3A_544 : memref<784x128xf32, #tpu.memory_space<vmem_shared>>) dst(%dma_wait3A_542 : memref<784x128xf32, #tpu.memory_space<hbm>>)
        tpu.yield
      }) : () -> ()
      %barrier3A_537 = arith.constant 0 : index
      tpu.barrier barrier_id(%barrier3A_537)
    }
    %scan3A_3 = arith.constant 2 : i32
    return
  }
}

#map = affine_map<(d0, d1) -> (0, 0)>
#map1 = affine_map<(d0, d1) -> (0)>
module attributes {stable_mosaic.version = 14 : i64} {
  func.func @_readout_body(%arg0: i32, %arg1: i32, %arg2: memref<50176x128xf32, #tpu.memory_space<hbm>>, %arg3: memref<50176xi32, #tpu.memory_space<hbm>>, %arg4: memref<1024xi32, #tpu.memory_space<hbm>>, %arg5: memref<1024xi32, #tpu.memory_space<hbm>>, %arg6: memref<2048x128xf32, #tpu.memory_space<hbm>>, %arg7: memref<1024x128xf32, #tpu.memory_space<hbm>>, %arg8: memref<1024x128xf32, #tpu.memory_space<hbm>>, %arg9: memref<1x112xi32, #tpu.memory_space<vmem>>, %arg10: memref<1x112xi32, #tpu.memory_space<vmem>>, %arg11: memref<112x128xf32, #tpu.memory_space<vmem>>, %arg12: memref<112x128xf32, #tpu.memory_space<vmem>>, %arg13: memref<64xi32, #tpu.memory_space<vmem>>, %arg14: memref<64x128xf32, #tpu.memory_space<vmem>>, %arg15: memref<2176x128xf32, #tpu.memory_space<vmem_shared>>, %arg16: memref<!tpu.dma_semaphore, #tpu.memory_space<semaphore_mem>>, %arg17: memref<!tpu.dma_semaphore, #tpu.memory_space<semaphore_mem>>) attributes {dimension_semantics = [#tpu.dimension_semantics<core_parallel>, #tpu.dimension_semantics<subcore_parallel>], iteration_bounds = array<i64: 2, 16>, scalar_prefetch = 0 : i64, scratch_operands = 9 : i64, tpu.core_type = #tpu.core_type<sc_vector_subcore>, window_params = [{transform_indices = #map}, {transform_indices = #map1}, {transform_indices = #map1}, {transform_indices = #map1}, {transform_indices = #map}, {transform_indices = #map}, {transform_indices = #map}]} {
    %eq3A = arith.constant 0 : i32
    %eq3A_0 = arith.cmpi eq, %arg0, %eq3A : i32
    %convert_element_type3A = arith.extui %eq3A_0 : i1 to i32
    %cond3A = arith.constant 0 : i32
    %cond3A_1 = arith.cmpi ne, %convert_element_type3A, %cond3A : i32
    scf.if %cond3A_1 {
      %broadcast_in_dim3A = arith.constant 0.000000e+00 : f32
      %broadcast_in_dim3A_2 = vector.broadcast %broadcast_in_dim3A : f32 to vector<16xf32>
      %scan3A = arith.constant 0 : i32
      %scan3A_3 = arith.constant 112 : i32
      %scan3A_4 = arith.addi %scan3A, %scan3A_3 : i32
      %scan3A_5 = arith.constant 1 : i32
      scf.for %scan3A_57 = %scan3A to %scan3A_4 step %scan3A_5  : i32 {
        %mul3A_58 = arith.constant 1 : i32
        %mul3A_59 = arith.muli %scan3A_57, %mul3A_58 : i32
        %add3A_60 = arith.constant 0 : i32
        %add3A_61 = arith.addi %add3A_60, %mul3A_59 : i32
        %swap3A = arith.index_cast %add3A_61 : i32 to index
        %swap3A_62 = arith.constant 0 : index
        %swap3A_63 = tpu.vector_load %arg11[%swap3A, %swap3A_62] {strides = array<i32>} : memref<112x128xf32, #tpu.memory_space<vmem>>, vector<1x16xf32>,
        %swap3A_64 = vector.shape_cast %swap3A_63 : vector<1x16xf32> to vector<16xf32>
        %swap3A_65 = vector.shape_cast %broadcast_in_dim3A_2 : vector<16xf32> to vector<1x16xf32>
        tpu.vector_store %arg11[%swap3A, %swap3A_62], %swap3A_65 {strides = array<i32>} : memref<112x128xf32, #tpu.memory_space<vmem>>, vector<1x16xf32>,
        %swap3A_66 = arith.index_cast %add3A_61 : i32 to index
        %swap3A_67 = arith.constant 16 : index
        %swap3A_68 = tpu.vector_load %arg11[%swap3A_66, %swap3A_67] {strides = array<i32>} : memref<112x128xf32, #tpu.memory_space<vmem>>, vector<1x16xf32>,
        %swap3A_69 = vector.shape_cast %swap3A_68 : vector<1x16xf32> to vector<16xf32>
        %swap3A_70 = vector.shape_cast %broadcast_in_dim3A_2 : vector<16xf32> to vector<1x16xf32>
        tpu.vector_store %arg11[%swap3A_66, %swap3A_67], %swap3A_70 {strides = array<i32>} : memref<112x128xf32, #tpu.memory_space<vmem>>, vector<1x16xf32>,
        %swap3A_71 = arith.index_cast %add3A_61 : i32 to index
        %swap3A_72 = arith.constant 32 : index
        %swap3A_73 = tpu.vector_load %arg11[%swap3A_71, %swap3A_72] {strides = array<i32>} : memref<112x128xf32, #tpu.memory_space<vmem>>, vector<1x16xf32>,
        %swap3A_74 = vector.shape_cast %swap3A_73 : vector<1x16xf32> to vector<16xf32>
        %swap3A_75 = vector.shape_cast %broadcast_in_dim3A_2 : vector<16xf32> to vector<1x16xf32>
        tpu.vector_store %arg11[%swap3A_71, %swap3A_72], %swap3A_75 {strides = array<i32>} : memref<112x128xf32, #tpu.memory_space<vmem>>, vector<1x16xf32>,
        %swap3A_76 = arith.index_cast %add3A_61 : i32 to index
        %swap3A_77 = arith.constant 48 : index
        %swap3A_78 = tpu.vector_load %arg11[%swap3A_76, %swap3A_77] {strides = array<i32>} : memref<112x128xf32, #tpu.memory_space<vmem>>, vector<1x16xf32>,
        %swap3A_79 = vector.shape_cast %swap3A_78 : vector<1x16xf32> to vector<16xf32>
        %swap3A_80 = vector.shape_cast %broadcast_in_dim3A_2 : vector<16xf32> to vector<1x16xf32>
        tpu.vector_store %arg11[%swap3A_76, %swap3A_77], %swap3A_80 {strides = array<i32>} : memref<112x128xf32, #tpu.memory_space<vmem>>, vector<1x16xf32>,
        %swap3A_81 = arith.index_cast %add3A_61 : i32 to index
        %swap3A_82 = arith.constant 64 : index
        %swap3A_83 = tpu.vector_load %arg11[%swap3A_81, %swap3A_82] {strides = array<i32>} : memref<112x128xf32, #tpu.memory_space<vmem>>, vector<1x16xf32>,
        %swap3A_84 = vector.shape_cast %swap3A_83 : vector<1x16xf32> to vector<16xf32>
        %swap3A_85 = vector.shape_cast %broadcast_in_dim3A_2 : vector<16xf32> to vector<1x16xf32>
        tpu.vector_store %arg11[%swap3A_81, %swap3A_82], %swap3A_85 {strides = array<i32>} : memref<112x128xf32, #tpu.memory_space<vmem>>, vector<1x16xf32>,
        %swap3A_86 = arith.index_cast %add3A_61 : i32 to index
        %swap3A_87 = arith.constant 80 : index
        %swap3A_88 = tpu.vector_load %arg11[%swap3A_86, %swap3A_87] {strides = array<i32>} : memref<112x128xf32, #tpu.memory_space<vmem>>, vector<1x16xf32>,
        %swap3A_89 = vector.shape_cast %swap3A_88 : vector<1x16xf32> to vector<16xf32>
        %swap3A_90 = vector.shape_cast %broadcast_in_dim3A_2 : vector<16xf32> to vector<1x16xf32>
        tpu.vector_store %arg11[%swap3A_86, %swap3A_87], %swap3A_90 {strides = array<i32>} : memref<112x128xf32, #tpu.memory_space<vmem>>, vector<1x16xf32>,
        %swap3A_91 = arith.index_cast %add3A_61 : i32 to index
        %swap3A_92 = arith.constant 96 : index
        %swap3A_93 = tpu.vector_load %arg11[%swap3A_91, %swap3A_92] {strides = array<i32>} : memref<112x128xf32, #tpu.memory_space<vmem>>, vector<1x16xf32>,
        %swap3A_94 = vector.shape_cast %swap3A_93 : vector<1x16xf32> to vector<16xf32>
        %swap3A_95 = vector.shape_cast %broadcast_in_dim3A_2 : vector<16xf32> to vector<1x16xf32>
        tpu.vector_store %arg11[%swap3A_91, %swap3A_92], %swap3A_95 {strides = array<i32>} : memref<112x128xf32, #tpu.memory_space<vmem>>, vector<1x16xf32>,
        %swap3A_96 = arith.index_cast %add3A_61 : i32 to index
        %swap3A_97 = arith.constant 112 : index
        %swap3A_98 = tpu.vector_load %arg11[%swap3A_96, %swap3A_97] {strides = array<i32>} : memref<112x128xf32, #tpu.memory_space<vmem>>, vector<1x16xf32>,
        %swap3A_99 = vector.shape_cast %swap3A_98 : vector<1x16xf32> to vector<16xf32>
        %swap3A_100 = vector.shape_cast %broadcast_in_dim3A_2 : vector<16xf32> to vector<1x16xf32>
        tpu.vector_store %arg11[%swap3A_96, %swap3A_97], %swap3A_100 {strides = array<i32>} : memref<112x128xf32, #tpu.memory_space<vmem>>, vector<1x16xf32>,
      }
      %scan3A_6 = arith.constant 112 : i32
      %mul3A = arith.constant 136 : i32
      %mul3A_7 = arith.muli %arg1, %mul3A : i32
      "tpu.region"() ({
        %run_scoped3A_57 = tpu.sem_alloc : memref<!tpu.dma_semaphore, #tpu.memory_space<semaphore_mem>>
        %dma_start3A_58 = arith.constant 0 : i32
        %dma_start3A_59 = tpu.memref_slice %arg15[%mul3A_7, %dma_start3A_58] : memref<2176x128xf32, #tpu.memory_space<vmem_shared>> -> memref<112x128xf32, #tpu.memory_space<vmem_shared>>
        %dma_start3A_60 = arith.constant 0 : i32
        %dma_start3A_61 = tpu.memref_slice %arg15[%mul3A_7, %dma_start3A_60] : memref<2176x128xf32, #tpu.memory_space<vmem_shared>> -> memref<112x128xf32, #tpu.memory_space<vmem_shared>>
        tpu.enqueue_dma source(%arg11 : memref<112x128xf32, #tpu.memory_space<vmem>>) target(%dma_start3A_61 : memref<112x128xf32, #tpu.memory_space<vmem_shared>>) target_semaphore(%run_scoped3A_57 : memref<!tpu.dma_semaphore, #tpu.memory_space<semaphore_mem>>)
        %dma_wait3A_62 = arith.constant 0 : i32
        %dma_wait3A_63 = tpu.memref_slice %arg15[%mul3A_7, %dma_wait3A_62] : memref<2176x128xf32, #tpu.memory_space<vmem_shared>> -> memref<112x128xf32, #tpu.memory_space<vmem_shared>>
        %dma_wait3A_64 = arith.constant 0 : i32
        %dma_wait3A_65 = tpu.memref_slice %arg15[%mul3A_7, %dma_wait3A_64] : memref<2176x128xf32, #tpu.memory_space<vmem_shared>> -> memref<112x128xf32, #tpu.memory_space<vmem_shared>>
        tpu.wait_dma2 semaphore(%run_scoped3A_57 : memref<!tpu.dma_semaphore, #tpu.memory_space<semaphore_mem>>) src(%arg11 : memref<112x128xf32, #tpu.memory_space<vmem>>) dst(%dma_wait3A_65 : memref<112x128xf32, #tpu.memory_space<vmem_shared>>)
        tpu.yield
      }) : () -> ()
      %mul3A_8 = arith.constant 136 : i32
      %mul3A_9 = arith.muli %arg1, %mul3A_8 : i32
      %add3A = arith.constant 112 : i32
      %add3A_10 = arith.addi %mul3A_9, %add3A : i32
      "tpu.region"() ({
        %run_scoped3A_57 = tpu.sem_alloc : memref<!tpu.dma_semaphore, #tpu.memory_space<semaphore_mem>>
        %dma_start3A_58 = arith.constant 0 : i32
        %dma_start3A_59 = arith.constant 0 : i32
        %dma_start3A_60 = tpu.memref_slice %arg11[%dma_start3A_58, %dma_start3A_59] : memref<112x128xf32, #tpu.memory_space<vmem>> -> memref<24x128xf32, #tpu.memory_space<vmem>>
        %dma_start3A_61 = arith.constant 0 : i32
        %dma_start3A_62 = tpu.memref_slice %arg15[%add3A_10, %dma_start3A_61] : memref<2176x128xf32, #tpu.memory_space<vmem_shared>> -> memref<24x128xf32, #tpu.memory_space<vmem_shared>>
        %dma_start3A_63 = arith.constant 0 : i32
        %dma_start3A_64 = tpu.memref_slice %arg15[%add3A_10, %dma_start3A_63] : memref<2176x128xf32, #tpu.memory_space<vmem_shared>> -> memref<24x128xf32, #tpu.memory_space<vmem_shared>>
        %dma_start3A_65 = arith.constant 0 : i32
        %dma_start3A_66 = arith.constant 0 : i32
        %dma_start3A_67 = tpu.memref_slice %arg11[%dma_start3A_65, %dma_start3A_66] : memref<112x128xf32, #tpu.memory_space<vmem>> -> memref<24x128xf32, #tpu.memory_space<vmem>>
        tpu.enqueue_dma source(%dma_start3A_67 : memref<24x128xf32, #tpu.memory_space<vmem>>) target(%dma_start3A_64 : memref<24x128xf32, #tpu.memory_space<vmem_shared>>) target_semaphore(%run_scoped3A_57 : memref<!tpu.dma_semaphore, #tpu.memory_space<semaphore_mem>>)
        %dma_wait3A_68 = arith.constant 0 : i32
        %dma_wait3A_69 = arith.constant 0 : i32
        %dma_wait3A_70 = tpu.memref_slice %arg11[%dma_wait3A_68, %dma_wait3A_69] : memref<112x128xf32, #tpu.memory_space<vmem>> -> memref<24x128xf32, #tpu.memory_space<vmem>>
        %dma_wait3A_71 = arith.constant 0 : i32
        %dma_wait3A_72 = tpu.memref_slice %arg15[%add3A_10, %dma_wait3A_71] : memref<2176x128xf32, #tpu.memory_space<vmem_shared>> -> memref<24x128xf32, #tpu.memory_space<vmem_shared>>
        %dma_wait3A_73 = arith.constant 0 : i32
        %dma_wait3A_74 = tpu.memref_slice %arg15[%add3A_10, %dma_wait3A_73] : memref<2176x128xf32, #tpu.memory_space<vmem_shared>> -> memref<24x128xf32, #tpu.memory_space<vmem_shared>>
        %dma_wait3A_75 = arith.constant 0 : i32
        %dma_wait3A_76 = arith.constant 0 : i32
        %dma_wait3A_77 = tpu.memref_slice %arg11[%dma_wait3A_75, %dma_wait3A_76] : memref<112x128xf32, #tpu.memory_space<vmem>> -> memref<24x128xf32, #tpu.memory_space<vmem>>
        tpu.wait_dma2 semaphore(%run_scoped3A_57 : memref<!tpu.dma_semaphore, #tpu.memory_space<semaphore_mem>>) src(%dma_wait3A_77 : memref<24x128xf32, #tpu.memory_space<vmem>>) dst(%dma_wait3A_74 : memref<24x128xf32, #tpu.memory_space<vmem_shared>>)
        tpu.yield
      }) : () -> ()
      %barrier3A = arith.constant 0 : index
      tpu.barrier barrier_id(%barrier3A)
      %mul3A_11 = arith.constant 3136 : i32
      %mul3A_12 = arith.muli %arg1, %mul3A_11 : i32
      %add3A_13 = arith.constant 0 : i32
      %add3A_14 = arith.addi %mul3A_12, %add3A_13 : i32
      %run_scoped3A = arith.constant 0 : i32
      "tpu.region"() ({
        %run_scoped3A_57 = tpu.sem_alloc : memref<!tpu.dma_semaphore, #tpu.memory_space<semaphore_mem>>
        %dma_start3A_58 = arith.constant 0 : i32
        %dma_start3A_59 = tpu.memref_slice %arg9[%run_scoped3A, %dma_start3A_58] : memref<1x112xi32, #tpu.memory_space<vmem>> -> memref<1x112xi32, #tpu.memory_space<vmem>>
        %dma_start3A_60 = tpu.memref_squeeze %dma_start3A_59 : memref<1x112xi32, #tpu.memory_space<vmem>> -> memref<112xi32, #tpu.memory_space<vmem>>
        %dma_start3A_61 = tpu.memref_slice %arg3[%add3A_14] : memref<50176xi32, #tpu.memory_space<hbm>> -> memref<112xi32, #tpu.memory_space<hbm>>
        %dma_start3A_62 = arith.constant 0 : i32
        %dma_start3A_63 = tpu.memref_slice %arg9[%run_scoped3A, %dma_start3A_62] : memref<1x112xi32, #tpu.memory_space<vmem>> -> memref<1x112xi32, #tpu.memory_space<vmem>>
        %dma_start3A_64 = tpu.memref_squeeze %dma_start3A_63 : memref<1x112xi32, #tpu.memory_space<vmem>> -> memref<112xi32, #tpu.memory_space<vmem>>
        %dma_start3A_65 = tpu.memref_slice %arg3[%add3A_14] : memref<50176xi32, #tpu.memory_space<hbm>> -> memref<112xi32, #tpu.memory_space<hbm>>
        tpu.enqueue_dma source(%dma_start3A_65 : memref<112xi32, #tpu.memory_space<hbm>>) target(%dma_start3A_64 : memref<112xi32, #tpu.memory_space<vmem>>) target_semaphore(%run_scoped3A_57 : memref<!tpu.dma_semaphore, #tpu.memory_space<semaphore_mem>>)
        %dma_wait3A_66 = arith.constant 0 : i32
        %dma_wait3A_67 = tpu.memref_slice %arg9[%run_scoped3A, %dma_wait3A_66] : memref<1x112xi32, #tpu.memory_space<vmem>> -> memref<1x112xi32, #tpu.memory_space<vmem>>
        %dma_wait3A_68 = tpu.memref_squeeze %dma_wait3A_67 : memref<1x112xi32, #tpu.memory_space<vmem>> -> memref<112xi32, #tpu.memory_space<vmem>>
        %dma_wait3A_69 = tpu.memref_slice %arg3[%add3A_14] : memref<50176xi32, #tpu.memory_space<hbm>> -> memref<112xi32, #tpu.memory_space<hbm>>
        %dma_wait3A_70 = arith.constant 0 : i32
        %dma_wait3A_71 = tpu.memref_slice %arg9[%run_scoped3A, %dma_wait3A_70] : memref<1x112xi32, #tpu.memory_space<vmem>> -> memref<1x112xi32, #tpu.memory_space<vmem>>
        %dma_wait3A_72 = tpu.memref_squeeze %dma_wait3A_71 : memref<1x112xi32, #tpu.memory_space<vmem>> -> memref<112xi32, #tpu.memory_space<vmem>>
        %dma_wait3A_73 = tpu.memref_slice %arg3[%add3A_14] : memref<50176xi32, #tpu.memory_space<hbm>> -> memref<112xi32, #tpu.memory_space<hbm>>
        tpu.wait_dma2 semaphore(%run_scoped3A_57 : memref<!tpu.dma_semaphore, #tpu.memory_space<semaphore_mem>>) src(%dma_wait3A_73 : memref<112xi32, #tpu.memory_space<hbm>>) dst(%dma_wait3A_72 : memref<112xi32, #tpu.memory_space<vmem>>)
        tpu.yield
      }) : () -> ()
      %dma_start3A = arith.constant 0 : i32
      %dma_start3A_15 = tpu.memref_slice %arg2[%add3A_14, %dma_start3A] : memref<50176x128xf32, #tpu.memory_space<hbm>> -> memref<112x128xf32, #tpu.memory_space<hbm>>
      %dma_start3A_16 = arith.constant 0 : i32
      %dma_start3A_17 = tpu.memref_slice %arg2[%add3A_14, %dma_start3A_16] : memref<50176x128xf32, #tpu.memory_space<hbm>> -> memref<112x128xf32, #tpu.memory_space<hbm>>
      tpu.enqueue_dma source(%dma_start3A_17 : memref<112x128xf32, #tpu.memory_space<hbm>>) target(%arg11 : memref<112x128xf32, #tpu.memory_space<vmem>>) target_semaphore(%arg16 : memref<!tpu.dma_semaphore, #tpu.memory_space<semaphore_mem>>)
      %mul3A_18 = arith.constant 3136 : i32
      %mul3A_19 = arith.muli %arg1, %mul3A_18 : i32
      %add3A_20 = arith.constant 112 : i32
      %add3A_21 = arith.addi %mul3A_19, %add3A_20 : i32
      %run_scoped3A_22 = arith.constant 0 : i32
      "tpu.region"() ({
        %run_scoped3A_57 = tpu.sem_alloc : memref<!tpu.dma_semaphore, #tpu.memory_space<semaphore_mem>>
        %dma_start3A_58 = arith.constant 0 : i32
        %dma_start3A_59 = tpu.memref_slice %arg10[%run_scoped3A_22, %dma_start3A_58] : memref<1x112xi32, #tpu.memory_space<vmem>> -> memref<1x112xi32, #tpu.memory_space<vmem>>
        %dma_start3A_60 = tpu.memref_squeeze %dma_start3A_59 : memref<1x112xi32, #tpu.memory_space<vmem>> -> memref<112xi32, #tpu.memory_space<vmem>>
        %dma_start3A_61 = tpu.memref_slice %arg3[%add3A_21] : memref<50176xi32, #tpu.memory_space<hbm>> -> memref<112xi32, #tpu.memory_space<hbm>>
        %dma_start3A_62 = arith.constant 0 : i32
        %dma_start3A_63 = tpu.memref_slice %arg10[%run_scoped3A_22, %dma_start3A_62] : memref<1x112xi32, #tpu.memory_space<vmem>> -> memref<1x112xi32, #tpu.memory_space<vmem>>
        %dma_start3A_64 = tpu.memref_squeeze %dma_start3A_63 : memref<1x112xi32, #tpu.memory_space<vmem>> -> memref<112xi32, #tpu.memory_space<vmem>>
        %dma_start3A_65 = tpu.memref_slice %arg3[%add3A_21] : memref<50176xi32, #tpu.memory_space<hbm>> -> memref<112xi32, #tpu.memory_space<hbm>>
        tpu.enqueue_dma source(%dma_start3A_65 : memref<112xi32, #tpu.memory_space<hbm>>) target(%dma_start3A_64 : memref<112xi32, #tpu.memory_space<vmem>>) target_semaphore(%run_scoped3A_57 : memref<!tpu.dma_semaphore, #tpu.memory_space<semaphore_mem>>)
        %dma_wait3A_66 = arith.constant 0 : i32
        %dma_wait3A_67 = tpu.memref_slice %arg10[%run_scoped3A_22, %dma_wait3A_66] : memref<1x112xi32, #tpu.memory_space<vmem>> -> memref<1x112xi32, #tpu.memory_space<vmem>>
        %dma_wait3A_68 = tpu.memref_squeeze %dma_wait3A_67 : memref<1x112xi32, #tpu.memory_space<vmem>> -> memref<112xi32, #tpu.memory_space<vmem>>
        %dma_wait3A_69 = tpu.memref_slice %arg3[%add3A_21] : memref<50176xi32, #tpu.memory_space<hbm>> -> memref<112xi32, #tpu.memory_space<hbm>>
        %dma_wait3A_70 = arith.constant 0 : i32
        %dma_wait3A_71 = tpu.memref_slice %arg10[%run_scoped3A_22, %dma_wait3A_70] : memref<1x112xi32, #tpu.memory_space<vmem>> -> memref<1x112xi32, #tpu.memory_space<vmem>>
        %dma_wait3A_72 = tpu.memref_squeeze %dma_wait3A_71 : memref<1x112xi32, #tpu.memory_space<vmem>> -> memref<112xi32, #tpu.memory_space<vmem>>
        %dma_wait3A_73 = tpu.memref_slice %arg3[%add3A_21] : memref<50176xi32, #tpu.memory_space<hbm>> -> memref<112xi32, #tpu.memory_space<hbm>>
        tpu.wait_dma2 semaphore(%run_scoped3A_57 : memref<!tpu.dma_semaphore, #tpu.memory_space<semaphore_mem>>) src(%dma_wait3A_73 : memref<112xi32, #tpu.memory_space<hbm>>) dst(%dma_wait3A_72 : memref<112xi32, #tpu.memory_space<vmem>>)
        tpu.yield
      }) : () -> ()
      %dma_start3A_23 = arith.constant 0 : i32
      %dma_start3A_24 = tpu.memref_slice %arg2[%add3A_21, %dma_start3A_23] : memref<50176x128xf32, #tpu.memory_space<hbm>> -> memref<112x128xf32, #tpu.memory_space<hbm>>
      %dma_start3A_25 = arith.constant 0 : i32
      %dma_start3A_26 = tpu.memref_slice %arg2[%add3A_21, %dma_start3A_25] : memref<50176x128xf32, #tpu.memory_space<hbm>> -> memref<112x128xf32, #tpu.memory_space<hbm>>
      tpu.enqueue_dma source(%dma_start3A_26 : memref<112x128xf32, #tpu.memory_space<hbm>>) target(%arg12 : memref<112x128xf32, #tpu.memory_space<vmem>>) target_semaphore(%arg17 : memref<!tpu.dma_semaphore, #tpu.memory_space<semaphore_mem>>)
      %scan3A_27 = arith.constant 0 : i32
      %scan3A_28 = arith.constant 14 : i32
      %scan3A_29 = arith.addi %scan3A_27, %scan3A_28 : i32
      %scan3A_30 = arith.constant 1 : i32
      scf.for %scan3A_57 = %scan3A_27 to %scan3A_29 step %scan3A_30  : i32 {
        %mul3A_58 = arith.constant 1 : i32
        %mul3A_59 = arith.muli %scan3A_57, %mul3A_58 : i32
        %add3A_60 = arith.constant 0 : i32
        %add3A_61 = arith.addi %add3A_60, %mul3A_59 : i32
        %dma_wait3A_62 = arith.constant 0 : i32
        %dma_wait3A_63 = arith.constant 0 : i32
        %dma_wait3A_64 = tpu.memref_slice %arg2[%dma_wait3A_62, %dma_wait3A_63] : memref<50176x128xf32, #tpu.memory_space<hbm>> -> memref<112x128xf32, #tpu.memory_space<hbm>>
        %dma_wait3A_65 = arith.constant 0 : i32
        %dma_wait3A_66 = arith.constant 0 : i32
        %dma_wait3A_67 = tpu.memref_slice %arg2[%dma_wait3A_65, %dma_wait3A_66] : memref<50176x128xf32, #tpu.memory_space<hbm>> -> memref<112x128xf32, #tpu.memory_space<hbm>>
        tpu.wait_dma2 semaphore(%arg16 : memref<!tpu.dma_semaphore, #tpu.memory_space<semaphore_mem>>) src(%dma_wait3A_67 : memref<112x128xf32, #tpu.memory_space<hbm>>) dst(%arg11 : memref<112x128xf32, #tpu.memory_space<vmem>>)
        %run_scoped3A_68 = arith.constant 0 : i32
        "tpu.region"() ({
          %run_scoped3A_85 = tpu.sem_alloc : memref<!tpu.dma_semaphore, #tpu.memory_space<semaphore_mem>>
          %dma_start3A_86 = arith.constant 0 : i32
          %dma_start3A_87 = tpu.memref_slice %arg9[%run_scoped3A_68, %dma_start3A_86] : memref<1x112xi32, #tpu.memory_space<vmem>> -> memref<1x112xi32, #tpu.memory_space<vmem>>
          %dma_start3A_88 = tpu.memref_squeeze %dma_start3A_87 : memref<1x112xi32, #tpu.memory_space<vmem>> -> memref<112xi32, #tpu.memory_space<vmem>>
          %dma_start3A_89 = arith.constant 0 : i32
          %dma_start3A_90 = arith.constant 0 : i32
          %dma_start3A_91 = tpu.memref_slice %arg15[%dma_start3A_89, %dma_start3A_90] : memref<2176x128xf32, #tpu.memory_space<vmem_shared>> -> memref<2176x128xf32, #tpu.memory_space<vmem_shared>>
          tpu.enqueue_indirect_dma source(%arg11 : memref<112x128xf32, #tpu.memory_space<vmem>>) target(%dma_start3A_91 : memref<2176x128xf32, #tpu.memory_space<vmem_shared>>) offsets(%dma_start3A_88 : memref<112xi32, #tpu.memory_space<vmem>>) semaphore(%run_scoped3A_85 : memref<!tpu.dma_semaphore, #tpu.memory_space<semaphore_mem>>) {add = true}
          %dma_wait3A_92 = arith.constant 0 : i32
          %dma_wait3A_93 = tpu.memref_slice %arg9[%run_scoped3A_68, %dma_wait3A_92] : memref<1x112xi32, #tpu.memory_space<vmem>> -> memref<1x112xi32, #tpu.memory_space<vmem>>
          %dma_wait3A_94 = tpu.memref_squeeze %dma_wait3A_93 : memref<1x112xi32, #tpu.memory_space<vmem>> -> memref<112xi32, #tpu.memory_space<vmem>>
          %dma_wait3A_95 = arith.constant 0 : i32
          %dma_wait3A_96 = arith.constant 0 : i32
          %dma_wait3A_97 = tpu.memref_slice %arg15[%dma_wait3A_95, %dma_wait3A_96] : memref<2176x128xf32, #tpu.memory_space<vmem_shared>> -> memref<2176x128xf32, #tpu.memory_space<vmem_shared>>
          tpu.wait_indirect_dma semaphore(%run_scoped3A_85 : memref<!tpu.dma_semaphore, #tpu.memory_space<semaphore_mem>>) src(%arg11 : memref<112x128xf32, #tpu.memory_space<vmem>>) dst(%dma_wait3A_97 : memref<2176x128xf32, #tpu.memory_space<vmem_shared>>)
          tpu.yield
        }) : () -> ()
        %lt3A = arith.constant 13 : i32
        %lt3A_69 = arith.cmpi slt, %add3A_61, %lt3A : i32
        %convert_element_type3A_70 = arith.extui %lt3A_69 : i1 to i32
        %cond3A_71 = arith.constant 0 : i32
        %cond3A_72 = arith.cmpi ne, %convert_element_type3A_70, %cond3A_71 : i32
        scf.if %cond3A_72 {
          %mul3A_85 = arith.constant 2 : i32
          %mul3A_86 = arith.muli %mul3A_85, %add3A_61 : i32
          %add3A_87 = arith.constant 2 : i32
          %add3A_88 = arith.addi %mul3A_86, %add3A_87 : i32
          %mul3A_89 = arith.constant 3136 : i32
          %mul3A_90 = arith.muli %arg1, %mul3A_89 : i32
          %mul3A_91 = arith.constant 112 : i32
          %mul3A_92 = arith.muli %add3A_88, %mul3A_91 : i32
          %add3A_93 = arith.addi %mul3A_90, %mul3A_92 : i32
          %run_scoped3A_94 = arith.constant 0 : i32
          "tpu.region"() ({
            %run_scoped3A_99 = tpu.sem_alloc : memref<!tpu.dma_semaphore, #tpu.memory_space<semaphore_mem>>
            %dma_start3A_100 = arith.constant 0 : i32
            %dma_start3A_101 = tpu.memref_slice %arg9[%run_scoped3A_94, %dma_start3A_100] : memref<1x112xi32, #tpu.memory_space<vmem>> -> memref<1x112xi32, #tpu.memory_space<vmem>>
            %dma_start3A_102 = tpu.memref_squeeze %dma_start3A_101 : memref<1x112xi32, #tpu.memory_space<vmem>> -> memref<112xi32, #tpu.memory_space<vmem>>
            %dma_start3A_103 = tpu.memref_slice %arg3[%add3A_93] : memref<50176xi32, #tpu.memory_space<hbm>> -> memref<112xi32, #tpu.memory_space<hbm>>
            %dma_start3A_104 = arith.constant 0 : i32
            %dma_start3A_105 = tpu.memref_slice %arg9[%run_scoped3A_94, %dma_start3A_104] : memref<1x112xi32, #tpu.memory_space<vmem>> -> memref<1x112xi32, #tpu.memory_space<vmem>>
            %dma_start3A_106 = tpu.memref_squeeze %dma_start3A_105 : memref<1x112xi32, #tpu.memory_space<vmem>> -> memref<112xi32, #tpu.memory_space<vmem>>
            %dma_start3A_107 = tpu.memref_slice %arg3[%add3A_93] : memref<50176xi32, #tpu.memory_space<hbm>> -> memref<112xi32, #tpu.memory_space<hbm>>
            tpu.enqueue_dma source(%dma_start3A_107 : memref<112xi32, #tpu.memory_space<hbm>>) target(%dma_start3A_106 : memref<112xi32, #tpu.memory_space<vmem>>) target_semaphore(%run_scoped3A_99 : memref<!tpu.dma_semaphore, #tpu.memory_space<semaphore_mem>>)
            %dma_wait3A_108 = arith.constant 0 : i32
            %dma_wait3A_109 = tpu.memref_slice %arg9[%run_scoped3A_94, %dma_wait3A_108] : memref<1x112xi32, #tpu.memory_space<vmem>> -> memref<1x112xi32, #tpu.memory_space<vmem>>
            %dma_wait3A_110 = tpu.memref_squeeze %dma_wait3A_109 : memref<1x112xi32, #tpu.memory_space<vmem>> -> memref<112xi32, #tpu.memory_space<vmem>>
            %dma_wait3A_111 = tpu.memref_slice %arg3[%add3A_93] : memref<50176xi32, #tpu.memory_space<hbm>> -> memref<112xi32, #tpu.memory_space<hbm>>
            %dma_wait3A_112 = arith.constant 0 : i32
            %dma_wait3A_113 = tpu.memref_slice %arg9[%run_scoped3A_94, %dma_wait3A_112] : memref<1x112xi32, #tpu.memory_space<vmem>> -> memref<1x112xi32, #tpu.memory_space<vmem>>
            %dma_wait3A_114 = tpu.memref_squeeze %dma_wait3A_113 : memref<1x112xi32, #tpu.memory_space<vmem>> -> memref<112xi32, #tpu.memory_space<vmem>>
            %dma_wait3A_115 = tpu.memref_slice %arg3[%add3A_93] : memref<50176xi32, #tpu.memory_space<hbm>> -> memref<112xi32, #tpu.memory_space<hbm>>
            tpu.wait_dma2 semaphore(%run_scoped3A_99 : memref<!tpu.dma_semaphore, #tpu.memory_space<semaphore_mem>>) src(%dma_wait3A_115 : memref<112xi32, #tpu.memory_space<hbm>>) dst(%dma_wait3A_114 : memref<112xi32, #tpu.memory_space<vmem>>)
            tpu.yield
          }) : () -> ()
          %dma_start3A_95 = arith.constant 0 : i32
          %dma_start3A_96 = tpu.memref_slice %arg2[%add3A_93, %dma_start3A_95] : memref<50176x128xf32, #tpu.memory_space<hbm>> -> memref<112x128xf32, #tpu.memory_space<hbm>>
          %dma_start3A_97 = arith.constant 0 : i32
          %dma_start3A_98 = tpu.memref_slice %arg2[%add3A_93, %dma_start3A_97] : memref<50176x128xf32, #tpu.memory_space<hbm>> -> memref<112x128xf32, #tpu.memory_space<hbm>>
          tpu.enqueue_dma source(%dma_start3A_98 : memref<112x128xf32, #tpu.memory_space<hbm>>) target(%arg11 : memref<112x128xf32, #tpu.memory_space<vmem>>) target_semaphore(%arg16 : memref<!tpu.dma_semaphore, #tpu.memory_space<semaphore_mem>>)
        } else {
        }
        %dma_wait3A_73 = arith.constant 0 : i32
        %dma_wait3A_74 = arith.constant 0 : i32
        %dma_wait3A_75 = tpu.memref_slice %arg2[%dma_wait3A_73, %dma_wait3A_74] : memref<50176x128xf32, #tpu.memory_space<hbm>> -> memref<112x128xf32, #tpu.memory_space<hbm>>
        %dma_wait3A_76 = arith.constant 0 : i32
        %dma_wait3A_77 = arith.constant 0 : i32
        %dma_wait3A_78 = tpu.memref_slice %arg2[%dma_wait3A_76, %dma_wait3A_77] : memref<50176x128xf32, #tpu.memory_space<hbm>> -> memref<112x128xf32, #tpu.memory_space<hbm>>
        tpu.wait_dma2 semaphore(%arg17 : memref<!tpu.dma_semaphore, #tpu.memory_space<semaphore_mem>>) src(%dma_wait3A_78 : memref<112x128xf32, #tpu.memory_space<hbm>>) dst(%arg12 : memref<112x128xf32, #tpu.memory_space<vmem>>)
        %run_scoped3A_79 = arith.constant 0 : i32
        "tpu.region"() ({
          %run_scoped3A_85 = tpu.sem_alloc : memref<!tpu.dma_semaphore, #tpu.memory_space<semaphore_mem>>
          %dma_start3A_86 = arith.constant 0 : i32
          %dma_start3A_87 = tpu.memref_slice %arg10[%run_scoped3A_79, %dma_start3A_86] : memref<1x112xi32, #tpu.memory_space<vmem>> -> memref<1x112xi32, #tpu.memory_space<vmem>>
          %dma_start3A_88 = tpu.memref_squeeze %dma_start3A_87 : memref<1x112xi32, #tpu.memory_space<vmem>> -> memref<112xi32, #tpu.memory_space<vmem>>
          %dma_start3A_89 = arith.constant 0 : i32
          %dma_start3A_90 = arith.constant 0 : i32
          %dma_start3A_91 = tpu.memref_slice %arg15[%dma_start3A_89, %dma_start3A_90] : memref<2176x128xf32, #tpu.memory_space<vmem_shared>> -> memref<2176x128xf32, #tpu.memory_space<vmem_shared>>
          tpu.enqueue_indirect_dma source(%arg12 : memref<112x128xf32, #tpu.memory_space<vmem>>) target(%dma_start3A_91 : memref<2176x128xf32, #tpu.memory_space<vmem_shared>>) offsets(%dma_start3A_88 : memref<112xi32, #tpu.memory_space<vmem>>) semaphore(%run_scoped3A_85 : memref<!tpu.dma_semaphore, #tpu.memory_space<semaphore_mem>>) {add = true}
          %dma_wait3A_92 = arith.constant 0 : i32
          %dma_wait3A_93 = tpu.memref_slice %arg10[%run_scoped3A_79, %dma_wait3A_92] : memref<1x112xi32, #tpu.memory_space<vmem>> -> memref<1x112xi32, #tpu.memory_space<vmem>>
          %dma_wait3A_94 = tpu.memref_squeeze %dma_wait3A_93 : memref<1x112xi32, #tpu.memory_space<vmem>> -> memref<112xi32, #tpu.memory_space<vmem>>
          %dma_wait3A_95 = arith.constant 0 : i32
          %dma_wait3A_96 = arith.constant 0 : i32
          %dma_wait3A_97 = tpu.memref_slice %arg15[%dma_wait3A_95, %dma_wait3A_96] : memref<2176x128xf32, #tpu.memory_space<vmem_shared>> -> memref<2176x128xf32, #tpu.memory_space<vmem_shared>>
          tpu.wait_indirect_dma semaphore(%run_scoped3A_85 : memref<!tpu.dma_semaphore, #tpu.memory_space<semaphore_mem>>) src(%arg12 : memref<112x128xf32, #tpu.memory_space<vmem>>) dst(%dma_wait3A_97 : memref<2176x128xf32, #tpu.memory_space<vmem_shared>>)
          tpu.yield
        }) : () -> ()
        %lt3A_80 = arith.constant 13 : i32
        %lt3A_81 = arith.cmpi slt, %add3A_61, %lt3A_80 : i32
        %convert_element_type3A_82 = arith.extui %lt3A_81 : i1 to i32
        %cond3A_83 = arith.constant 0 : i32
        %cond3A_84 = arith.cmpi ne, %convert_element_type3A_82, %cond3A_83 : i32
        scf.if %cond3A_84 {
          %mul3A_85 = arith.constant 2 : i32
          %mul3A_86 = arith.muli %mul3A_85, %add3A_61 : i32
          %add3A_87 = arith.constant 3 : i32
          %add3A_88 = arith.addi %mul3A_86, %add3A_87 : i32
          %mul3A_89 = arith.constant 3136 : i32
          %mul3A_90 = arith.muli %arg1, %mul3A_89 : i32
          %mul3A_91 = arith.constant 112 : i32
          %mul3A_92 = arith.muli %add3A_88, %mul3A_91 : i32
          %add3A_93 = arith.addi %mul3A_90, %mul3A_92 : i32
          %run_scoped3A_94 = arith.constant 0 : i32
          "tpu.region"() ({
            %run_scoped3A_99 = tpu.sem_alloc : memref<!tpu.dma_semaphore, #tpu.memory_space<semaphore_mem>>
            %dma_start3A_100 = arith.constant 0 : i32
            %dma_start3A_101 = tpu.memref_slice %arg10[%run_scoped3A_94, %dma_start3A_100] : memref<1x112xi32, #tpu.memory_space<vmem>> -> memref<1x112xi32, #tpu.memory_space<vmem>>
            %dma_start3A_102 = tpu.memref_squeeze %dma_start3A_101 : memref<1x112xi32, #tpu.memory_space<vmem>> -> memref<112xi32, #tpu.memory_space<vmem>>
            %dma_start3A_103 = tpu.memref_slice %arg3[%add3A_93] : memref<50176xi32, #tpu.memory_space<hbm>> -> memref<112xi32, #tpu.memory_space<hbm>>
            %dma_start3A_104 = arith.constant 0 : i32
            %dma_start3A_105 = tpu.memref_slice %arg10[%run_scoped3A_94, %dma_start3A_104] : memref<1x112xi32, #tpu.memory_space<vmem>> -> memref<1x112xi32, #tpu.memory_space<vmem>>
            %dma_start3A_106 = tpu.memref_squeeze %dma_start3A_105 : memref<1x112xi32, #tpu.memory_space<vmem>> -> memref<112xi32, #tpu.memory_space<vmem>>
            %dma_start3A_107 = tpu.memref_slice %arg3[%add3A_93] : memref<50176xi32, #tpu.memory_space<hbm>> -> memref<112xi32, #tpu.memory_space<hbm>>
            tpu.enqueue_dma source(%dma_start3A_107 : memref<112xi32, #tpu.memory_space<hbm>>) target(%dma_start3A_106 : memref<112xi32, #tpu.memory_space<vmem>>) target_semaphore(%run_scoped3A_99 : memref<!tpu.dma_semaphore, #tpu.memory_space<semaphore_mem>>)
            %dma_wait3A_108 = arith.constant 0 : i32
            %dma_wait3A_109 = tpu.memref_slice %arg10[%run_scoped3A_94, %dma_wait3A_108] : memref<1x112xi32, #tpu.memory_space<vmem>> -> memref<1x112xi32, #tpu.memory_space<vmem>>
            %dma_wait3A_110 = tpu.memref_squeeze %dma_wait3A_109 : memref<1x112xi32, #tpu.memory_space<vmem>> -> memref<112xi32, #tpu.memory_space<vmem>>
            %dma_wait3A_111 = tpu.memref_slice %arg3[%add3A_93] : memref<50176xi32, #tpu.memory_space<hbm>> -> memref<112xi32, #tpu.memory_space<hbm>>
            %dma_wait3A_112 = arith.constant 0 : i32
            %dma_wait3A_113 = tpu.memref_slice %arg10[%run_scoped3A_94, %dma_wait3A_112] : memref<1x112xi32, #tpu.memory_space<vmem>> -> memref<1x112xi32, #tpu.memory_space<vmem>>
            %dma_wait3A_114 = tpu.memref_squeeze %dma_wait3A_113 : memref<1x112xi32, #tpu.memory_space<vmem>> -> memref<112xi32, #tpu.memory_space<vmem>>
            %dma_wait3A_115 = tpu.memref_slice %arg3[%add3A_93] : memref<50176xi32, #tpu.memory_space<hbm>> -> memref<112xi32, #tpu.memory_space<hbm>>
            tpu.wait_dma2 semaphore(%run_scoped3A_99 : memref<!tpu.dma_semaphore, #tpu.memory_space<semaphore_mem>>) src(%dma_wait3A_115 : memref<112xi32, #tpu.memory_space<hbm>>) dst(%dma_wait3A_114 : memref<112xi32, #tpu.memory_space<vmem>>)
            tpu.yield
          }) : () -> ()
          %dma_start3A_95 = arith.constant 0 : i32
          %dma_start3A_96 = tpu.memref_slice %arg2[%add3A_93, %dma_start3A_95] : memref<50176x128xf32, #tpu.memory_space<hbm>> -> memref<112x128xf32, #tpu.memory_space<hbm>>
          %dma_start3A_97 = arith.constant 0 : i32
          %dma_start3A_98 = tpu.memref_slice %arg2[%add3A_93, %dma_start3A_97] : memref<50176x128xf32, #tpu.memory_space<hbm>> -> memref<112x128xf32, #tpu.memory_space<hbm>>
          tpu.enqueue_dma source(%dma_start3A_98 : memref<112x128xf32, #tpu.memory_space<hbm>>) target(%arg12 : memref<112x128xf32, #tpu.memory_space<vmem>>) target_semaphore(%arg17 : memref<!tpu.dma_semaphore, #tpu.memory_space<semaphore_mem>>)
        } else {
        }
      }
      %scan3A_31 = arith.constant 14 : i32
      %barrier3A_32 = arith.constant 0 : index
      tpu.barrier barrier_id(%barrier3A_32)
      %mul3A_33 = arith.constant 128 : i32
      %mul3A_34 = arith.muli %arg1, %mul3A_33 : i32
      %mul3A_35 = arith.constant 128 : i32
      %mul3A_36 = arith.muli %arg1, %mul3A_35 : i32
      "tpu.region"() ({
        %run_scoped3A_57 = tpu.sem_alloc : memref<!tpu.dma_semaphore, #tpu.memory_space<semaphore_mem>>
        %dma_start3A_58 = arith.constant 0 : i32
        %dma_start3A_59 = tpu.memref_slice %arg6[%mul3A_36, %dma_start3A_58] : memref<2048x128xf32, #tpu.memory_space<hbm>> -> memref<128x128xf32, #tpu.memory_space<hbm>>
        %dma_start3A_60 = arith.constant 0 : i32
        %dma_start3A_61 = tpu.memref_slice %arg15[%mul3A_34, %dma_start3A_60] : memref<2176x128xf32, #tpu.memory_space<vmem_shared>> -> memref<128x128xf32, #tpu.memory_space<vmem_shared>>
        tpu.enqueue_dma source(%dma_start3A_61 : memref<128x128xf32, #tpu.memory_space<vmem_shared>>) target(%dma_start3A_59 : memref<128x128xf32, #tpu.memory_space<hbm>>) target_semaphore(%run_scoped3A_57 : memref<!tpu.dma_semaphore, #tpu.memory_space<semaphore_mem>>)
        %dma_wait3A_62 = arith.constant 0 : i32
        %dma_wait3A_63 = tpu.memref_slice %arg6[%mul3A_36, %dma_wait3A_62] : memref<2048x128xf32, #tpu.memory_space<hbm>> -> memref<128x128xf32, #tpu.memory_space<hbm>>
        %dma_wait3A_64 = arith.constant 0 : i32
        %dma_wait3A_65 = tpu.memref_slice %arg15[%mul3A_34, %dma_wait3A_64] : memref<2176x128xf32, #tpu.memory_space<vmem_shared>> -> memref<128x128xf32, #tpu.memory_space<vmem_shared>>
        tpu.wait_dma2 semaphore(%run_scoped3A_57 : memref<!tpu.dma_semaphore, #tpu.memory_space<semaphore_mem>>) src(%dma_wait3A_65 : memref<128x128xf32, #tpu.memory_space<vmem_shared>>) dst(%dma_wait3A_63 : memref<128x128xf32, #tpu.memory_space<hbm>>)
        tpu.yield
      }) : () -> ()
      %barrier3A_37 = arith.constant 0 : index
      tpu.barrier barrier_id(%barrier3A_37)
      %mul3A_38 = arith.constant 64 : i32
      %mul3A_39 = arith.muli %arg1, %mul3A_38 : i32
      "tpu.region"() ({
        %run_scoped3A_57 = tpu.sem_alloc : memref<!tpu.dma_semaphore, #tpu.memory_space<semaphore_mem>>
        %dma_start3A_58 = tpu.memref_slice %arg4[%mul3A_39] : memref<1024xi32, #tpu.memory_space<hbm>> -> memref<64xi32, #tpu.memory_space<hbm>>
        %dma_start3A_59 = tpu.memref_slice %arg4[%mul3A_39] : memref<1024xi32, #tpu.memory_space<hbm>> -> memref<64xi32, #tpu.memory_space<hbm>>
        tpu.enqueue_dma source(%dma_start3A_59 : memref<64xi32, #tpu.memory_space<hbm>>) target(%arg13 : memref<64xi32, #tpu.memory_space<vmem>>) target_semaphore(%run_scoped3A_57 : memref<!tpu.dma_semaphore, #tpu.memory_space<semaphore_mem>>)
        %dma_wait3A_60 = tpu.memref_slice %arg4[%mul3A_39] : memref<1024xi32, #tpu.memory_space<hbm>> -> memref<64xi32, #tpu.memory_space<hbm>>
        %dma_wait3A_61 = tpu.memref_slice %arg4[%mul3A_39] : memref<1024xi32, #tpu.memory_space<hbm>> -> memref<64xi32, #tpu.memory_space<hbm>>
        tpu.wait_dma2 semaphore(%run_scoped3A_57 : memref<!tpu.dma_semaphore, #tpu.memory_space<semaphore_mem>>) src(%dma_wait3A_61 : memref<64xi32, #tpu.memory_space<hbm>>) dst(%arg13 : memref<64xi32, #tpu.memory_space<vmem>>)
        tpu.yield
      }) : () -> ()
      %dma_start3A_40 = arith.constant 0 : i32
      %dma_start3A_41 = arith.constant 0 : i32
      %dma_start3A_42 = tpu.memref_slice %arg6[%dma_start3A_40, %dma_start3A_41] : memref<2048x128xf32, #tpu.memory_space<hbm>> -> memref<2048x128xf32, #tpu.memory_space<hbm>>
      tpu.enqueue_indirect_dma source(%dma_start3A_42 : memref<2048x128xf32, #tpu.memory_space<hbm>>) target(%arg14 : memref<64x128xf32, #tpu.memory_space<vmem>>) offsets(%arg13 : memref<64xi32, #tpu.memory_space<vmem>>) semaphore(%arg16 : memref<!tpu.dma_semaphore, #tpu.memory_space<semaphore_mem>>)
      %dma_wait3A = arith.constant 0 : i32
      %dma_wait3A_43 = arith.constant 0 : i32
      %dma_wait3A_44 = tpu.memref_slice %arg6[%dma_wait3A, %dma_wait3A_43] : memref<2048x128xf32, #tpu.memory_space<hbm>> -> memref<2048x128xf32, #tpu.memory_space<hbm>>
      tpu.wait_indirect_dma semaphore(%arg16 : memref<!tpu.dma_semaphore, #tpu.memory_space<semaphore_mem>>) src(%dma_wait3A_44 : memref<2048x128xf32, #tpu.memory_space<hbm>>) dst(%arg14 : memref<64x128xf32, #tpu.memory_space<vmem>>)
      %mul3A_45 = arith.constant 64 : i32
      %mul3A_46 = arith.muli %arg1, %mul3A_45 : i32
      "tpu.region"() ({
        %run_scoped3A_57 = tpu.sem_alloc : memref<!tpu.dma_semaphore, #tpu.memory_space<semaphore_mem>>
        %dma_start3A_58 = arith.constant 0 : i32
        %dma_start3A_59 = tpu.memref_slice %arg7[%mul3A_46, %dma_start3A_58] : memref<1024x128xf32, #tpu.memory_space<hbm>> -> memref<64x128xf32, #tpu.memory_space<hbm>>
        %dma_start3A_60 = arith.constant 0 : i32
        %dma_start3A_61 = tpu.memref_slice %arg7[%mul3A_46, %dma_start3A_60] : memref<1024x128xf32, #tpu.memory_space<hbm>> -> memref<64x128xf32, #tpu.memory_space<hbm>>
        tpu.enqueue_dma source(%arg14 : memref<64x128xf32, #tpu.memory_space<vmem>>) target(%dma_start3A_61 : memref<64x128xf32, #tpu.memory_space<hbm>>) target_semaphore(%run_scoped3A_57 : memref<!tpu.dma_semaphore, #tpu.memory_space<semaphore_mem>>)
        %dma_wait3A_62 = arith.constant 0 : i32
        %dma_wait3A_63 = tpu.memref_slice %arg7[%mul3A_46, %dma_wait3A_62] : memref<1024x128xf32, #tpu.memory_space<hbm>> -> memref<64x128xf32, #tpu.memory_space<hbm>>
        %dma_wait3A_64 = arith.constant 0 : i32
        %dma_wait3A_65 = tpu.memref_slice %arg7[%mul3A_46, %dma_wait3A_64] : memref<1024x128xf32, #tpu.memory_space<hbm>> -> memref<64x128xf32, #tpu.memory_space<hbm>>
        tpu.wait_dma2 semaphore(%run_scoped3A_57 : memref<!tpu.dma_semaphore, #tpu.memory_space<semaphore_mem>>) src(%arg14 : memref<64x128xf32, #tpu.memory_space<vmem>>) dst(%dma_wait3A_65 : memref<64x128xf32, #tpu.memory_space<hbm>>)
        tpu.yield
      }) : () -> ()
      %mul3A_47 = arith.constant 64 : i32
      %mul3A_48 = arith.muli %arg1, %mul3A_47 : i32
      "tpu.region"() ({
        %run_scoped3A_57 = tpu.sem_alloc : memref<!tpu.dma_semaphore, #tpu.memory_space<semaphore_mem>>
        %dma_start3A_58 = tpu.memref_slice %arg5[%mul3A_48] : memref<1024xi32, #tpu.memory_space<hbm>> -> memref<64xi32, #tpu.memory_space<hbm>>
        %dma_start3A_59 = tpu.memref_slice %arg5[%mul3A_48] : memref<1024xi32, #tpu.memory_space<hbm>> -> memref<64xi32, #tpu.memory_space<hbm>>
        tpu.enqueue_dma source(%dma_start3A_59 : memref<64xi32, #tpu.memory_space<hbm>>) target(%arg13 : memref<64xi32, #tpu.memory_space<vmem>>) target_semaphore(%run_scoped3A_57 : memref<!tpu.dma_semaphore, #tpu.memory_space<semaphore_mem>>)
        %dma_wait3A_60 = tpu.memref_slice %arg5[%mul3A_48] : memref<1024xi32, #tpu.memory_space<hbm>> -> memref<64xi32, #tpu.memory_space<hbm>>
        %dma_wait3A_61 = tpu.memref_slice %arg5[%mul3A_48] : memref<1024xi32, #tpu.memory_space<hbm>> -> memref<64xi32, #tpu.memory_space<hbm>>
        tpu.wait_dma2 semaphore(%run_scoped3A_57 : memref<!tpu.dma_semaphore, #tpu.memory_space<semaphore_mem>>) src(%dma_wait3A_61 : memref<64xi32, #tpu.memory_space<hbm>>) dst(%arg13 : memref<64xi32, #tpu.memory_space<vmem>>)
        tpu.yield
      }) : () -> ()
      %dma_start3A_49 = arith.constant 0 : i32
      %dma_start3A_50 = arith.constant 0 : i32
      %dma_start3A_51 = tpu.memref_slice %arg6[%dma_start3A_49, %dma_start3A_50] : memref<2048x128xf32, #tpu.memory_space<hbm>> -> memref<2048x128xf32, #tpu.memory_space<hbm>>
      tpu.enqueue_indirect_dma source(%dma_start3A_51 : memref<2048x128xf32, #tpu.memory_space<hbm>>) target(%arg14 : memref<64x128xf32, #tpu.memory_space<vmem>>) offsets(%arg13 : memref<64xi32, #tpu.memory_space<vmem>>) semaphore(%arg16 : memref<!tpu.dma_semaphore, #tpu.memory_space<semaphore_mem>>)
      %dma_wait3A_52 = arith.constant 0 : i32
      %dma_wait3A_53 = arith.constant 0 : i32
      %dma_wait3A_54 = tpu.memref_slice %arg6[%dma_wait3A_52, %dma_wait3A_53] : memref<2048x128xf32, #tpu.memory_space<hbm>> -> memref<2048x128xf32, #tpu.memory_space<hbm>>
      tpu.wait_indirect_dma semaphore(%arg16 : memref<!tpu.dma_semaphore, #tpu.memory_space<semaphore_mem>>) src(%dma_wait3A_54 : memref<2048x128xf32, #tpu.memory_space<hbm>>) dst(%arg14 : memref<64x128xf32, #tpu.memory_space<vmem>>)
      %mul3A_55 = arith.constant 64 : i32
      %mul3A_56 = arith.muli %arg1, %mul3A_55 : i32
      "tpu.region"() ({
        %run_scoped3A_57 = tpu.sem_alloc : memref<!tpu.dma_semaphore, #tpu.memory_space<semaphore_mem>>
        %dma_start3A_58 = arith.constant 0 : i32
        %dma_start3A_59 = tpu.memref_slice %arg8[%mul3A_56, %dma_start3A_58] : memref<1024x128xf32, #tpu.memory_space<hbm>> -> memref<64x128xf32, #tpu.memory_space<hbm>>
        %dma_start3A_60 = arith.constant 0 : i32
        %dma_start3A_61 = tpu.memref_slice %arg8[%mul3A_56, %dma_start3A_60] : memref<1024x128xf32, #tpu.memory_space<hbm>> -> memref<64x128xf32, #tpu.memory_space<hbm>>
        tpu.enqueue_dma source(%arg14 : memref<64x128xf32, #tpu.memory_space<vmem>>) target(%dma_start3A_61 : memref<64x128xf32, #tpu.memory_space<hbm>>) target_semaphore(%run_scoped3A_57 : memref<!tpu.dma_semaphore, #tpu.memory_space<semaphore_mem>>)
        %dma_wait3A_62 = arith.constant 0 : i32
        %dma_wait3A_63 = tpu.memref_slice %arg8[%mul3A_56, %dma_wait3A_62] : memref<1024x128xf32, #tpu.memory_space<hbm>> -> memref<64x128xf32, #tpu.memory_space<hbm>>
        %dma_wait3A_64 = arith.constant 0 : i32
        %dma_wait3A_65 = tpu.memref_slice %arg8[%mul3A_56, %dma_wait3A_64] : memref<1024x128xf32, #tpu.memory_space<hbm>> -> memref<64x128xf32, #tpu.memory_space<hbm>>
        tpu.wait_dma2 semaphore(%run_scoped3A_57 : memref<!tpu.dma_semaphore, #tpu.memory_space<semaphore_mem>>) src(%arg14 : memref<64x128xf32, #tpu.memory_space<vmem>>) dst(%dma_wait3A_65 : memref<64x128xf32, #tpu.memory_space<hbm>>)
        tpu.yield
      }) : () -> ()
    } else {
    }
    return
  }
}

module attributes {stable_mosaic.version = 14 : i64} {
  func.func @_conv_mlp_body(%arg0: i32, %arg1: memref<512x128xf32, #tpu.memory_space<vmem>>, %arg2: memref<512x128xf32, #tpu.memory_space<vmem>>, %arg3: memref<128x128xf32, #tpu.memory_space<vmem>>, %arg4: memref<1x128xf32, #tpu.memory_space<vmem>>, %arg5: memref<128x128xf32, #tpu.memory_space<vmem>>, %arg6: memref<1x128xf32, #tpu.memory_space<vmem>>, %arg7: memref<512x128xf32, #tpu.memory_space<vmem>>) attributes {dimension_semantics = [#tpu.dimension_semantics<arbitrary>], iteration_bounds = array<i64: 98>, scalar_prefetch = 0 : i64, scratch_operands = 0 : i64, tpu.core_type = #tpu.core_type<tc>, window_params = [{transform_indices = @transform_0, window_bounds = array<i64: 512, 128>}, {transform_indices = @transform_1, window_bounds = array<i64: 512, 128>}, {pipeline_mode = #tpu.pipeline_mode<synchronous>, transform_indices = @transform_2, window_bounds = array<i64: 128, 128>}, {pipeline_mode = #tpu.pipeline_mode<synchronous>, transform_indices = @transform_3, window_bounds = array<i64: 1, 128>}, {pipeline_mode = #tpu.pipeline_mode<synchronous>, transform_indices = @transform_4, window_bounds = array<i64: 128, 128>}, {pipeline_mode = #tpu.pipeline_mode<synchronous>, transform_indices = @transform_5, window_bounds = array<i64: 1, 128>}, {transform_indices = @transform_6, window_bounds = array<i64: 512, 128>}]} {
    %get3A = arith.constant 0 : index
    %get3A_0 = arith.constant 0 : index
    %get3A_1 = vector.load %arg1[%get3A, %get3A_0] : memref<512x128xf32, #tpu.memory_space<vmem>>, vector<512x128xf32>
    %get3A_2 = arith.constant 0 : index
    %get3A_3 = arith.constant 0 : index
    %get3A_4 = vector.load %arg2[%get3A_2, %get3A_3] : memref<512x128xf32, #tpu.memory_space<vmem>>, vector<512x128xf32>
    %add3A = arith.addf %get3A_1, %get3A_4 : vector<512x128xf32>
    %get3A_5 = arith.constant 0 : index
    %get3A_6 = arith.constant 0 : index
    %get3A_7 = vector.load %arg3[%get3A_5, %get3A_6] : memref<128x128xf32, #tpu.memory_space<vmem>>, vector<128x128xf32>
    %dot_general3A = arith.constant dense<0.000000e+00> : vector<512x128xf32>
    %dot_general3A_8 = tpu.matmul %add3A, %get3A_7, %dot_general3A {dimension_numbers = #tpu.dot_dimension_numbers<[1], [0], [0], [1], [0, 0, 1, 1], [], []>, transpose_lhs_hint = false} : vector<512x128xf32>, vector<128x128xf32>, vector<512x128xf32> -> vector<512x128xf32>
    %get3A_9 = arith.constant 0 : index
    %get3A_10 = arith.constant 0 : index
    %get3A_11 = vector.load %arg4[%get3A_9, %get3A_10] : memref<1x128xf32, #tpu.memory_space<vmem>>, vector<1x128xf32>
    %add3A_12 = vector.broadcast %get3A_11 : vector<1x128xf32> to vector<512x128xf32>
    %add3A_13 = arith.addf %dot_general3A_8, %add3A_12 : vector<512x128xf32>
    %max3A = arith.constant 0.000000e+00 : f32
    %max3A_14 = vector.broadcast %max3A : f32 to vector<512x128xf32>
    %max3A_15 = arith.maximumf %add3A_13, %max3A_14 : vector<512x128xf32>
    %get3A_16 = arith.constant 0 : index
    %get3A_17 = arith.constant 0 : index
    %get3A_18 = vector.load %arg5[%get3A_16, %get3A_17] : memref<128x128xf32, #tpu.memory_space<vmem>>, vector<128x128xf32>
    %dot_general3A_19 = arith.constant dense<0.000000e+00> : vector<512x128xf32>
    %dot_general3A_20 = tpu.matmul %max3A_15, %get3A_18, %dot_general3A_19 {dimension_numbers = #tpu.dot_dimension_numbers<[1], [0], [0], [1], [0, 0, 1, 1], [], []>, transpose_lhs_hint = false} : vector<512x128xf32>, vector<128x128xf32>, vector<512x128xf32> -> vector<512x128xf32>
    %get3A_21 = arith.constant 0 : index
    %get3A_22 = arith.constant 0 : index
    %get3A_23 = vector.load %arg6[%get3A_21, %get3A_22] : memref<1x128xf32, #tpu.memory_space<vmem>>, vector<1x128xf32>
    %add3A_24 = vector.broadcast %get3A_23 : vector<1x128xf32> to vector<512x128xf32>
    %add3A_25 = arith.addf %dot_general3A_20, %add3A_24 : vector<512x128xf32>
    %max3A_26 = arith.constant 0.000000e+00 : f32
    %max3A_27 = vector.broadcast %max3A_26 : f32 to vector<512x128xf32>
    %max3A_28 = arith.maximumf %add3A_25, %max3A_27 : vector<512x128xf32>
    %swap3A = arith.constant 0 : index
    %swap3A_29 = arith.constant 0 : index
    %swap3A_30 = vector.load %arg7[%swap3A, %swap3A_29] : memref<512x128xf32, #tpu.memory_space<vmem>>, vector<512x128xf32>
    tpu.vector_store %arg7[%swap3A, %swap3A_29], %max3A_28 {strides = array<i32>} : memref<512x128xf32, #tpu.memory_space<vmem>>, vector<512x128xf32>,
    return
  }
  func.func @transform_0(%arg0: i32) -> (i32, i32) {
    %c0_i32 = arith.constant 0 : i32
    %c0_i32_0 = arith.constant 0 : i32
    return %arg0, %c0_i32 : i32, i32
  }
  func.func @transform_1(%arg0: i32) -> (i32, i32) {
    %c0_i32 = arith.constant 0 : i32
    %c0_i32_0 = arith.constant 0 : i32
    return %arg0, %c0_i32 : i32, i32
  }
  func.func @transform_2(%arg0: i32) -> (i32, i32) {
    %c0_i32 = arith.constant 0 : i32
    %c0_i32_0 = arith.constant 0 : i32
    %c0_i32_1 = arith.constant 0 : i32
    return %c0_i32, %c0_i32_0 : i32, i32
  }
  func.func @transform_3(%arg0: i32) -> (i32, i32) {
    %c0_i32 = arith.constant 0 : i32
    %c0_i32_0 = arith.constant 0 : i32
    %c0_i32_1 = arith.constant 0 : i32
    return %c0_i32, %c0_i32_0 : i32, i32
  }
  func.func @transform_4(%arg0: i32) -> (i32, i32) {
    %c0_i32 = arith.constant 0 : i32
    %c0_i32_0 = arith.constant 0 : i32
    %c0_i32_1 = arith.constant 0 : i32
    return %c0_i32, %c0_i32_0 : i32, i32
  }
  func.func @transform_5(%arg0: i32) -> (i32, i32) {
    %c0_i32 = arith.constant 0 : i32
    %c0_i32_0 = arith.constant 0 : i32
    %c0_i32_1 = arith.constant 0 : i32
    return %c0_i32, %c0_i32_0 : i32, i32
  }
  func.func @transform_6(%arg0: i32) -> (i32, i32) {
    %c0_i32 = arith.constant 0 : i32
    %c0_i32_0 = arith.constant 0 : i32
    return %arg0, %c0_i32 : i32, i32
  }
}

module attributes {stable_mosaic.version = 14 : i64} {
  func.func @_head_body(%arg0: memref<1024x128xf32, #tpu.memory_space<vmem>>, %arg1: memref<1024x128xf32, #tpu.memory_space<vmem>>, %arg2: memref<128x512xf32, #tpu.memory_space<vmem>>, %arg3: memref<128x512xf32, #tpu.memory_space<vmem>>, %arg4: memref<1x512xf32, #tpu.memory_space<vmem>>, %arg5: memref<1x512xf32, #tpu.memory_space<vmem>>, %arg6: memref<1x512xf32, #tpu.memory_space<vmem>>, %arg7: memref<512x1024xf32, #tpu.memory_space<vmem>>, %arg8: memref<1x1024xf32, #tpu.memory_space<vmem>>, %arg9: memref<1x1024xf32, #tpu.memory_space<vmem>>, %arg10: memref<1x1024xf32, #tpu.memory_space<vmem>>, %arg11: memref<1024x896xf32, #tpu.memory_space<vmem>>, %arg12: memref<1x896xf32, #tpu.memory_space<vmem>>, %arg13: memref<1024x1xi32, #tpu.memory_space<vmem>>, %arg14: memref<1024x1xf32, #tpu.memory_space<vmem>>) attributes {dimension_semantics = [], scalar_prefetch = 0 : i64, scratch_operands = 0 : i64, tpu.core_type = #tpu.core_type<tc>} {
    %get3A = arith.constant 0 : index
    %get3A_0 = arith.constant 0 : index
    %get3A_1 = vector.load %arg0[%get3A, %get3A_0] : memref<1024x128xf32, #tpu.memory_space<vmem>>, vector<1024x128xf32>
    %get3A_2 = arith.constant 0 : index
    %get3A_3 = arith.constant 0 : index
    %get3A_4 = vector.load %arg2[%get3A_2, %get3A_3] : memref<128x512xf32, #tpu.memory_space<vmem>>, vector<128x512xf32>
    %dot_general3A = arith.constant dense<0.000000e+00> : vector<1024x512xf32>
    %dot_general3A_5 = tpu.matmul %get3A_1, %get3A_4, %dot_general3A {dimension_numbers = #tpu.dot_dimension_numbers<[1], [0], [0], [1], [0, 0, 1, 1], [], []>, transpose_lhs_hint = false} : vector<1024x128xf32>, vector<128x512xf32>, vector<1024x512xf32> -> vector<1024x512xf32>
    %get3A_6 = arith.constant 0 : index
    %get3A_7 = arith.constant 0 : index
    %get3A_8 = vector.load %arg1[%get3A_6, %get3A_7] : memref<1024x128xf32, #tpu.memory_space<vmem>>, vector<1024x128xf32>
    %get3A_9 = arith.constant 0 : index
    %get3A_10 = arith.constant 0 : index
    %get3A_11 = vector.load %arg3[%get3A_9, %get3A_10] : memref<128x512xf32, #tpu.memory_space<vmem>>, vector<128x512xf32>
    %dot_general3A_12 = arith.constant dense<0.000000e+00> : vector<1024x512xf32>
    %dot_general3A_13 = tpu.matmul %get3A_8, %get3A_11, %dot_general3A_12 {dimension_numbers = #tpu.dot_dimension_numbers<[1], [0], [0], [1], [0, 0, 1, 1], [], []>, transpose_lhs_hint = false} : vector<1024x128xf32>, vector<128x512xf32>, vector<1024x512xf32> -> vector<1024x512xf32>
    %add3A = arith.addf %dot_general3A_5, %dot_general3A_13 : vector<1024x512xf32>
    %get3A_14 = arith.constant 0 : index
    %get3A_15 = arith.constant 0 : index
    %get3A_16 = vector.load %arg4[%get3A_14, %get3A_15] : memref<1x512xf32, #tpu.memory_space<vmem>>, vector<1x512xf32>
    %add3A_17 = vector.broadcast %get3A_16 : vector<1x512xf32> to vector<1024x512xf32>
    %add3A_18 = arith.addf %add3A, %add3A_17 : vector<1024x512xf32>
    %get3A_19 = arith.constant 0 : index
    %get3A_20 = arith.constant 0 : index
    %get3A_21 = vector.load %arg5[%get3A_19, %get3A_20] : memref<1x512xf32, #tpu.memory_space<vmem>>, vector<1x512xf32>
    %get3A_22 = arith.constant 0 : index
    %get3A_23 = arith.constant 0 : index
    %get3A_24 = vector.load %arg6[%get3A_22, %get3A_23] : memref<1x512xf32, #tpu.memory_space<vmem>>, vector<1x512xf32>
    %reduce_sum3A = arith.constant dense<0.000000e+00> : vector<1024xf32>
    %reduce_sum3A_25 = vector.multi_reduction <add>, %add3A_18, %reduce_sum3A [1] : vector<1024x512xf32> to vector<1024xf32>
    %broadcast_in_dim3A = vector.shape_cast %reduce_sum3A_25 : vector<1024xf32> to vector<1024x1xf32>
    %div3A = arith.constant 5.120000e+02 : f32
    %div3A_26 = vector.broadcast %div3A : f32 to vector<1024x1xf32>
    %div3A_27 = arith.divf %broadcast_in_dim3A, %div3A_26 : vector<1024x1xf32>
    %sub3A = vector.broadcast %div3A_27 : vector<1024x1xf32> to vector<1024x512xf32>
    %sub3A_28 = arith.subf %add3A_18, %sub3A : vector<1024x512xf32>
    %sub3A_29 = vector.broadcast %div3A_27 : vector<1024x1xf32> to vector<1024x512xf32>
    %sub3A_30 = arith.subf %add3A_18, %sub3A_29 : vector<1024x512xf32>
    %mul3A = arith.mulf %sub3A_28, %sub3A_30 : vector<1024x512xf32>
    %reduce_sum3A_31 = arith.constant dense<0.000000e+00> : vector<1024xf32>
    %reduce_sum3A_32 = vector.multi_reduction <add>, %mul3A, %reduce_sum3A_31 [1] : vector<1024x512xf32> to vector<1024xf32>
    %broadcast_in_dim3A_33 = vector.shape_cast %reduce_sum3A_32 : vector<1024xf32> to vector<1024x1xf32>
    %div3A_34 = arith.constant 5.120000e+02 : f32
    %div3A_35 = vector.broadcast %div3A_34 : f32 to vector<1024x1xf32>
    %div3A_36 = arith.divf %broadcast_in_dim3A_33, %div3A_35 : vector<1024x1xf32>
    %sub3A_37 = vector.broadcast %div3A_27 : vector<1024x1xf32> to vector<1024x512xf32>
    %sub3A_38 = arith.subf %add3A_18, %sub3A_37 : vector<1024x512xf32>
    %add3A_39 = arith.constant 9.99999974E-6 : f32
    %add3A_40 = vector.broadcast %add3A_39 : f32 to vector<1024x1xf32>
    %add3A_41 = arith.addf %div3A_36, %add3A_40 : vector<1024x1xf32>
    %rsqrt3A = math.rsqrt %add3A_41 : vector<1024x1xf32>
    %mul3A_42 = vector.broadcast %rsqrt3A : vector<1024x1xf32> to vector<1024x512xf32>
    %mul3A_43 = arith.mulf %sub3A_38, %mul3A_42 : vector<1024x512xf32>
    %mul3A_44 = vector.broadcast %get3A_21 : vector<1x512xf32> to vector<1024x512xf32>
    %mul3A_45 = arith.mulf %mul3A_43, %mul3A_44 : vector<1024x512xf32>
    %add3A_46 = vector.broadcast %get3A_24 : vector<1x512xf32> to vector<1024x512xf32>
    %add3A_47 = arith.addf %mul3A_45, %add3A_46 : vector<1024x512xf32>
    %max3A = arith.constant 0.000000e+00 : f32
    %max3A_48 = vector.broadcast %max3A : f32 to vector<1024x512xf32>
    %max3A_49 = arith.maximumf %add3A_47, %max3A_48 : vector<1024x512xf32>
    %get3A_50 = arith.constant 0 : index
    %get3A_51 = arith.constant 0 : index
    %get3A_52 = vector.load %arg7[%get3A_50, %get3A_51] : memref<512x1024xf32, #tpu.memory_space<vmem>>, vector<512x1024xf32>
    %dot_general3A_53 = arith.constant dense<0.000000e+00> : vector<1024x1024xf32>
    %dot_general3A_54 = tpu.matmul %max3A_49, %get3A_52, %dot_general3A_53 {dimension_numbers = #tpu.dot_dimension_numbers<[1], [0], [0], [1], [0, 0, 1, 1], [], []>, transpose_lhs_hint = false} : vector<1024x512xf32>, vector<512x1024xf32>, vector<1024x1024xf32> -> vector<1024x1024xf32>
    %get3A_55 = arith.constant 0 : index
    %get3A_56 = arith.constant 0 : index
    %get3A_57 = vector.load %arg8[%get3A_55, %get3A_56] : memref<1x1024xf32, #tpu.memory_space<vmem>>, vector<1x1024xf32>
    %add3A_58 = vector.broadcast %get3A_57 : vector<1x1024xf32> to vector<1024x1024xf32>
    %add3A_59 = arith.addf %dot_general3A_54, %add3A_58 : vector<1024x1024xf32>
    %get3A_60 = arith.constant 0 : index
    %get3A_61 = arith.constant 0 : index
    %get3A_62 = vector.load %arg9[%get3A_60, %get3A_61] : memref<1x1024xf32, #tpu.memory_space<vmem>>, vector<1x1024xf32>
    %get3A_63 = arith.constant 0 : index
    %get3A_64 = arith.constant 0 : index
    %get3A_65 = vector.load %arg10[%get3A_63, %get3A_64] : memref<1x1024xf32, #tpu.memory_space<vmem>>, vector<1x1024xf32>
    %reduce_sum3A_66 = arith.constant dense<0.000000e+00> : vector<1024xf32>
    %reduce_sum3A_67 = vector.multi_reduction <add>, %add3A_59, %reduce_sum3A_66 [1] : vector<1024x1024xf32> to vector<1024xf32>
    %broadcast_in_dim3A_68 = vector.shape_cast %reduce_sum3A_67 : vector<1024xf32> to vector<1024x1xf32>
    %div3A_69 = arith.constant 1.024000e+03 : f32
    %div3A_70 = vector.broadcast %div3A_69 : f32 to vector<1024x1xf32>
    %div3A_71 = arith.divf %broadcast_in_dim3A_68, %div3A_70 : vector<1024x1xf32>
    %sub3A_72 = vector.broadcast %div3A_71 : vector<1024x1xf32> to vector<1024x1024xf32>
    %sub3A_73 = arith.subf %add3A_59, %sub3A_72 : vector<1024x1024xf32>
    %sub3A_74 = vector.broadcast %div3A_71 : vector<1024x1xf32> to vector<1024x1024xf32>
    %sub3A_75 = arith.subf %add3A_59, %sub3A_74 : vector<1024x1024xf32>
    %mul3A_76 = arith.mulf %sub3A_73, %sub3A_75 : vector<1024x1024xf32>
    %reduce_sum3A_77 = arith.constant dense<0.000000e+00> : vector<1024xf32>
    %reduce_sum3A_78 = vector.multi_reduction <add>, %mul3A_76, %reduce_sum3A_77 [1] : vector<1024x1024xf32> to vector<1024xf32>
    %broadcast_in_dim3A_79 = vector.shape_cast %reduce_sum3A_78 : vector<1024xf32> to vector<1024x1xf32>
    %div3A_80 = arith.constant 1.024000e+03 : f32
    %div3A_81 = vector.broadcast %div3A_80 : f32 to vector<1024x1xf32>
    %div3A_82 = arith.divf %broadcast_in_dim3A_79, %div3A_81 : vector<1024x1xf32>
    %sub3A_83 = vector.broadcast %div3A_71 : vector<1024x1xf32> to vector<1024x1024xf32>
    %sub3A_84 = arith.subf %add3A_59, %sub3A_83 : vector<1024x1024xf32>
    %add3A_85 = arith.constant 9.99999974E-6 : f32
    %add3A_86 = vector.broadcast %add3A_85 : f32 to vector<1024x1xf32>
    %add3A_87 = arith.addf %div3A_82, %add3A_86 : vector<1024x1xf32>
    %rsqrt3A_88 = math.rsqrt %add3A_87 : vector<1024x1xf32>
    %mul3A_89 = vector.broadcast %rsqrt3A_88 : vector<1024x1xf32> to vector<1024x1024xf32>
    %mul3A_90 = arith.mulf %sub3A_84, %mul3A_89 : vector<1024x1024xf32>
    %mul3A_91 = vector.broadcast %get3A_62 : vector<1x1024xf32> to vector<1024x1024xf32>
    %mul3A_92 = arith.mulf %mul3A_90, %mul3A_91 : vector<1024x1024xf32>
    %add3A_93 = vector.broadcast %get3A_65 : vector<1x1024xf32> to vector<1024x1024xf32>
    %add3A_94 = arith.addf %mul3A_92, %add3A_93 : vector<1024x1024xf32>
    %max3A_95 = arith.constant 0.000000e+00 : f32
    %max3A_96 = vector.broadcast %max3A_95 : f32 to vector<1024x1024xf32>
    %max3A_97 = arith.maximumf %add3A_94, %max3A_96 : vector<1024x1024xf32>
    %get3A_98 = arith.constant 0 : index
    %get3A_99 = arith.constant 0 : index
    %get3A_100 = vector.load %arg11[%get3A_98, %get3A_99] : memref<1024x896xf32, #tpu.memory_space<vmem>>, vector<1024x896xf32>
    %dot_general3A_101 = arith.constant dense<0.000000e+00> : vector<1024x896xf32>
    %dot_general3A_102 = tpu.matmul %max3A_97, %get3A_100, %dot_general3A_101 {dimension_numbers = #tpu.dot_dimension_numbers<[1], [0], [0], [1], [0, 0, 1, 1], [], []>, transpose_lhs_hint = false} : vector<1024x1024xf32>, vector<1024x896xf32>, vector<1024x896xf32> -> vector<1024x896xf32>
    %get3A_103 = arith.constant 0 : index
    %get3A_104 = arith.constant 0 : index
    %get3A_105 = vector.load %arg12[%get3A_103, %get3A_104] : memref<1x896xf32, #tpu.memory_space<vmem>>, vector<1x896xf32>
    %add3A_106 = vector.broadcast %get3A_105 : vector<1x896xf32> to vector<1024x896xf32>
    %add3A_107 = arith.addf %dot_general3A_102, %add3A_106 : vector<1024x896xf32>
    %iota3A = tpu.iota {dimensions = array<i32: 1>} : vector<1024x896xi32>
    %get3A_108 = arith.constant 0 : index
    %get3A_109 = arith.constant 0 : index
    %get3A_110 = vector.load %arg13[%get3A_108, %get3A_109] : memref<1024x1xi32, #tpu.memory_space<vmem>>, vector<1024x1xi32>
    %eq3A = vector.broadcast %get3A_110 : vector<1024x1xi32> to vector<1024x896xi32>
    %eq3A_111 = arith.cmpi eq, %iota3A, %eq3A : vector<1024x896xi32>
    %jit3A = arith.constant 0.000000e+00 : f32
    %broadcast_in_dim3A_112 = vector.broadcast %jit3A : f32 to vector<1024x896xf32>
    %select_n3A = arith.select %eq3A_111, %add3A_107, %broadcast_in_dim3A_112 : vector<1024x896xi1>, vector<1024x896xf32>
    %reduce_sum3A_113 = arith.constant dense<0.000000e+00> : vector<1024xf32>
    %reduce_sum3A_114 = vector.multi_reduction <add>, %select_n3A, %reduce_sum3A_113 [1] : vector<1024x896xf32> to vector<1024xf32>
    %broadcast_in_dim3A_115 = vector.shape_cast %reduce_sum3A_114 : vector<1024xf32> to vector<1024x1xf32>
    %swap3A = arith.constant 0 : index
    %swap3A_116 = arith.constant 0 : index
    %swap3A_117 = vector.load %arg14[%swap3A, %swap3A_116] : memref<1024x1xf32, #tpu.memory_space<vmem>>, vector<1024x1xf32>
    tpu.vector_store %arg14[%swap3A, %swap3A_116], %broadcast_in_dim3A_115 {strides = array<i32>} : memref<1024x1xf32, #tpu.memory_space<vmem>>, vector<1024x1xf32>,
    return
  }
}

</mosaic_0001>

<sc_bundles>
// kernel: kernel.10.cloned.1.call-start
scs
__scs_entry_jumppad:
0x0: {  	(pc) =	sbr.rel $0x88, $3  }
0x1: {  	(tag) =	ssettag $0x0;
	lr =	simm.s32 $0x1  }
0x2: {  	[smem:$0x3F85] =	sst lr;
	_ =	strace $0xD0000000  }
0x3: {  	_ = 	snop  }
0x4: {  	_ = 	snop  }
0x5: {  	_ = 	snop  }
0x6: {  	_ = 	snop  }
0x7: {  	_ = 	snop  }
__scs_overlays_trampoline_lowered:
0x8: {  	[smem:$0x3F94] =	sst s0  }
0x9: {  	[smem:$0x3F95] =	sst s1  }
0xa: {  	[smem:$0x3F96] =	sst s2  }
0xb: {  	[smem:$0x3F97] =	sst s3  }
0xc: {  	[smem:$0x3F98] =	sst s4  }
0xd: {  	[smem:$0x3F99] =	sst s5  }
0xe: {  	[smem:$0x3F9A] =	sst s6  }
0xf: {  	[smem:$0x3F9B] =	sst s7  }
0x10: {  	[smem:$0x3F9C] =	sst s8  }
0x11: {  	[smem:$0x3F9D] =	sst s9;
	s0 =	simm.s32 @!p0 $0x0  }
0x12: {  	s1 =	sld [smem:$0x3F83];
	s0 =	simm.s32 @p0 $0x1  }
0x13: {  	[smem:$0x3F9E] =	sst s0;
	s0 =	simm.s32 @!p1 $0x0  }
0x14: {  	s2 =	sld [smem:$0x3F82];
	s0 =	simm.s32 @p1 $0x1  }
0x15: {  	[smem:$0x3F9F] =	sst s0;
	s0 =	simm.s32 @!p2 $0x0  }
0x16: {  	s3 =	sld [smem:$0x3FDB];
	s0 =	simm.s32 @p2 $0x1  }
0x17: {  	s4 =	simm.s32 $0x1BF5;
	[smem:$0x3FA1] =	sst s0  }
0x18: {  	s0 =	sld [smem:$0x3F84];
	_ =	swait.ge [sflag:s4], $0x0  }
0x19: {  	s7 =	sld [smem:$0x3F85]  }
0x1a: {  	s8 =	sadd.s32 $0xFFFFE003, lr  }
0x1b: {  	s9 =	sadd.s32 $0xFFFFFEF7, lr;
	s5 =	simm.s32 $0xFFFFFFFF;
	p2 =	slt.u32 s8, $0xFFFFF086  }
0x1c: {  	p1 =	slt.u32 s9, $0xF7A;
	s5 =	simm.s32 @!p2 $0x0  }
0x1d: {  	s5 =	simm.s32 @p1 $0x1;
	p0 =	seq.s32 s7, s2  }
0x1e: {  	s7 =	smul.u32 @!p0 $0xF7A, s2;
	p2 =	seq.s32 @!p0 s5, $0x0  }
0x1f: {  	s9 =	smul.u32 $0xF7A, s1;
	s8 =	simm.s32 @!p0 $0x1BF5;
	p2 =	por !p2, p0  }
0x20: {  	[sflag:s8] =	ssyncset.s32 @!p0 $0xFFFFF086;
	s6 =	sadd.s32 @!p0 s3, s7;
	s7 =	simm.s32 @!p0 $0x108  }
0x21: {  	s3 =	sadd.s32 s3, s9;
	s6 =	sadd.s32 @!p0 $0x88, s6;
	s7 =	simm.s32 @p2 $0x1082  }
0x22: {  	[simem:s7], [sflag:s8] =	dma.local @!p0 [hbm:s6], $0xF7A  }
0x23: {  	s9 =	sor.u32 $0xD0000000, s2;
	s6 =	simm.s32 $0x108;
	_ =	swait.ge @!p0 [sflag:s8], $0x0  }
0x24: {  	s3 =	sadd.s32 $0x88, s3;
	s6 =	simm.s32 @!p1 $0x1082;
	[sflag:s4] =	ssyncset.s32 $0xFFFFF086  }
0x25: {  	[simem:s6], [sflag:s4] =	dma.local [hbm:s3], $0xF7A  }
0x26: {  	[smem:$0x3F85] =	sst s1;
	(tag) =	ssettag s2;
	_ =	strace s9  }
0x27: {  	s1 =	sld [smem:$0x3F95]  }
0x28: {  	s2 =	sld [smem:$0x3F96]  }
0x29: {  	s4 =	sld [smem:$0x3F98]  }
0x2a: {  	p0 =	seq.s32 s5, $0x0;
	s5 =	sld [smem:$0x3F99]  }
0x2b: {  	s6 =	sld [smem:$0x3F9A]  }
0x2c: {  	s7 =	sld [smem:$0x3F9B]  }
0x2d: {  	s3 =	simm.s32 $0x108;
	s8 =	sld [smem:$0x3F9C]  }
0x2e: {  	s3 =	simm.s32 @!p0 $0x1082;
	s9 =	sld [smem:$0x3F9D]  }
0x2f: {  	lr =	sadd.s32 s0, s3;
	s0 =	sld [smem:$0x3F94]  }
0x30: {  	s3 =	sld [smem:$0x3F97]  }
0x31: {  	[smem:$0x3FA0] =	sst s10  }
0x32: {  	s10 =	sld [smem:$0x3F9E];
	_ =	sdelay $0x3  }
0x33: {  	p0 =	seq.s32 s10, $0x1;
	s10 =	sld [smem:$0x3FA0];
	_ =	sdelay $0x3  }
0x34: {  	[smem:$0x3FA0] =	sst s10  }
0x35: {  	s10 =	sld [smem:$0x3F9F];
	_ =	sdelay $0x3  }
0x36: {  	p1 =	seq.s32 s10, $0x1;
	s10 =	sld [smem:$0x3FA0];
	_ =	sdelay $0x3  }
0x37: {  	[smem:$0x3FA0] =	sst s10  }
0x38: {  	s10 =	sld [smem:$0x3FA1]  }
0x39: {  	_ = 	snop;
	(pc) =	sbr.ind lr, $3  }
0x3a: {  	_ = 	snop  }
0x3b: {  	_ = 	snop  }
0x3c: {  	p2 =	seq.s32 s10, $0x1;
	s10 =	sld [smem:$0x3FA0]  }
0x3d: {  	_ =	shalt  }
0x3e: {  	_ =	shalt  }
0x3f: {  	_ =	shalt  }
0x40: {  	_ =	shalt  }
0x41: {  	_ =	shalt  }
0x42: {  	_ =	shalt  }
0x43: {  	_ =	shalt  }
0x44: {  	_ =	shalt  }
0x45: {  	_ =	shalt  }
0x46: {  	_ =	shalt  }
0x47: {  	_ =	shalt  }
0x48: {  	_ =	shalt  }
0x49: {  	_ =	shalt  }
0x4a: {  	_ =	shalt  }
0x4b: {  	_ =	shalt  }
0x4c: {  	_ =	shalt  }
0x4d: {  	_ =	shalt  }
0x4e: {  	_ =	shalt  }
0x4f: {  	_ =	shalt  }
0x50: {  	_ =	shalt  }
0x51: {  	_ =	shalt  }
0x52: {  	_ =	shalt  }
0x53: {  	_ =	shalt  }
0x54: {  	_ =	shalt  }
0x55: {  	_ =	shalt  }
0x56: {  	_ =	shalt  }
0x57: {  	_ =	shalt  }
0x58: {  	_ =	shalt  }
0x59: {  	_ =	shalt  }
0x5a: {  	_ =	shalt  }
0x5b: {  	_ =	shalt  }
0x5c: {  	_ =	shalt  }
0x5d: {  	_ =	shalt  }
0x5e: {  	_ =	shalt  }
0x5f: {  	_ =	shalt  }
0x60: {  	_ =	shalt  }
0x61: {  	_ =	shalt  }
0x62: {  	_ =	shalt  }
0x63: {  	_ =	shalt  }
0x64: {  	_ =	shalt  }
0x65: {  	_ =	shalt  }
0x66: {  	_ =	shalt  }
0x67: {  	_ =	shalt  }
0x68: {  	_ =	shalt  }
0x69: {  	_ =	shalt  }
0x6a: {  	_ =	shalt  }
0x6b: {  	_ =	shalt  }
0x6c: {  	_ =	shalt  }
0x6d: {  	_ =	shalt  }
0x6e: {  	_ =	shalt  }
0x6f: {  	_ =	shalt  }
0x70: {  	_ =	shalt  }
0x71: {  	_ =	shalt  }
0x72: {  	_ =	shalt  }
0x73: {  	_ =	shalt  }
0x74: {  	_ =	shalt  }
0x75: {  	_ =	shalt  }
0x76: {  	_ =	shalt  }
0x77: {  	_ =	shalt  }
0x78: {  	_ =	shalt  }
0x79: {  	_ =	shalt  }
0x7a: {  	_ =	shalt  }
0x7b: {  	_ =	shalt  }
0x7c: {  	_ =	shalt  }
0x7d: {  	_ =	shalt  }
0x7e: {  	_ =	shalt  }
0x7f: {  	_ =	shalt  }
0x80: {  	_ =	shalt  }
0x81: {  	_ =	shalt  }
0x82: {  	_ =	shalt  }
0x83: {  	_ =	shalt  }
0x84: {  	_ =	shalt  }
0x85: {  	_ =	shalt  }
0x86: {  	_ =	shalt  }
0x87: {  	_ =	shalt  }
.Lfunc_end0:
.L_simem_size_0:
called_computation_lowered:
.L_overlay_start_0:
0x88: {  	s2 =	sld [smem:$0x3FD9]  }
0x89: {  	s3 =	sld [smem:$0x3FFE];
	_ =	sdelay $0x1  }
0x8a: {  	s1 =	srdreg.scid  }
0x8b: {  	s0 =	sand.u32 $0x1, s1  }
0x8c: {  	s16 =	sshll.u32 s0, $0xA;
	s2 =	sadd.s32 s3, s2  }
0x8d: {  	s2 =	sadd.s32 s2, s16  }
0x8e: {  	[smem:$0x3FAC] =	sst s2  }
0x8f: {  	_ = 	snop  }
0x90: {  	(tm) =	ssettm $0x1  }
0x91: {  	s17 =	sld [smem:$0x3FFB];
	_ =	sdelay $0x3  }
0x92: {  	_ =	strace s17  }
0x93: {  	s2 =	sld [smem:$0x3FFC];
	_ =	sdelay $0x3  }
0x94: {  	_ =	strace s2  }
0x95: {  	s2 =	sld [smem:$0x3FFD];
	_ =	sdelay $0x3  }
0x96: {  	_ =	strace s2  }
0x97: {  	_ =	strace $0x8FFFFFFF  }
0x98: {  	s18 =	sld [smem:$0x3FDB];
	_ =	sdelay $0x1  }
0x99: {  	s19 =	simm.s32 $_scs_section_size  }
0x9a: {  	s4 =	simm.s32 $_size__tile_overlayer_lowered;
	s5 =	simm.s32 $_tile_overlayer_lowered  }
0x9b: {  	s22 =	simm.s32 $0x1BFF;
	s21 =	sshll.u32 s5, $0x1;
	s2 =	sadd.s32 s19, s18  }
0x9c: {  	s6 =	simm.s32 $0x0;
	s20 =	sshll.u32 s4, $0x1;
	s4 =	sadd.s32 s21, s2  }
0x9d: {  	[timem:s6], [sflag:s22] =	dma.local [hbm:s4], s20  }
0x9e: {  	_ =	swait.ge [sflag:s22], s20  }
0x9f: {  	s3 =	ssub.s32 $0x0, s20;
	[sflag:s22] =	ssyncset.done $0x0  }
0xa0: {  	[sflag:s22] =	ssyncadd.s32 s3;
	_ =	sdelay $0x1  }
0xa1: {  	s23 =	simm.s32 $0x1B8B  }
0xa2: {  	_ =	swait.ge [sflag:s23], $0x1  }
0xa3: {  	[sflag:s23] =	ssyncset.done $0x0  }
0xa4: {  	s25 =	simm.s32 $0x1B8E;
	s24 =	sld [smem:$0x3FFE];
	[sflag:s23] =	ssyncadd.s32 $0xFFFFFFFF  }
0xa5: {  	s26 =	simm.s32 $execute0_lowered;
	[smem:$0x3FD2] =	sst s25  }
0xa6: {  	s4 =	sshll.u32 s26, $0x1;
	_ =	strace $0x80000046;
	[dreg:$0x1] =	wrdreg $0xFFFFFFFF  }
0xa7: {  	s28 =	simm.s32 $_size_execute0_lowered;
	s2 =	sadd.s32 s2, s4;
	[dreg:$0x0] =	wrdreg $0x0  }
0xa8: {  	s4 =	sshll.u32 s28, $0x1;
	[dreg:$0x2] =	wrdreg s2  }
0xa9: {  	[dreg:$0x3] =	wrdreg s4  }
0xaa: {  	[dreg:$0x4] =	wrdreg $0xC0  }
0xab: {  	_ =	task [dreg:s6], $0x5FFFF  }
0xac: {  	[dreg:$0x1] =	wrdreg $0xFFFFFFFF  }
0xad: {  	[dreg:$0x0] =	wrdreg $0x60  }
0xae: {  	[dreg:$0x2] =	wrdreg s24  }
0xaf: {  	[dreg:$0x3] =	wrdreg $0x72000  }
0xb0: {  	[dreg:$0x4] =	wrdreg $0x9  }
0xb1: {  	_ =	task.clear_ibuf [dreg:s6], $0x5FFFF;
	_ =	strace $0x90000046  }
0xb2: {  	s29 =	simm.s32 $0x9;
	_ =	strace $0x80000048  }
0xb3: {  	_ =	swait.ge [sflag:s29], $0x1  }
0xb4: {  	[sflag:s29] =	ssyncadd.s32 $0xFFFFFFFF  }
0xb5: {  	_ =	strace $0x90000048  }
0xb6: {  	_ =	sfence  }
0xb7: {  	s30 =	sld [smem:$0x0];
	_ =	sdelay $0x2  }
0xb8: {  	s31 =	sshll.u32 s1, $0xD;
	s1 =	sshrl.u32 s1, $0x2  }
0xb9: {  	s3 =	sand.u32 $0x4000, s31;
	s1 =	sadd.s32 s1, s30  }
0xba: {  	s0 =	sor.u32 s3, s0;
	s1 =	sshll.u32 s1, $0x11  }
0xbb: {  	s0 =	sor.u32 s1, s0  }
0xbc: {  	s0 =	sadd.s32 $0x8F2B, s0  }
0xbd: {  	[sflag:s0] =	ssyncadd.remote.s32 $0x1  }
0xbe: {  	_ =	sfence.sel $0xFFFF  }
0xbf: {  	[dreg:$0x0] =	wrdreg $0xFFFFFFFF;
	(pc) =	sbr.abs _section_cstart, $3  }
0xc0: {  	[dreg:$0x1] =	wrdreg $0xFFFFFFFF  }
0xc1: {  	_ =	task.clear_ibuf [dreg:s6], $0x2FFFF;
	_ =	strace $0x9FFFFFFF  }
0xc2: {  	(tm) =	ssettm $0x7FFFFFFF  }
0xc3: {  	_ =	shalt  }
tec
execute0_lowered:
.L_overlay_start_1:
0x0: {  	(tag) =	ssettag $0x1  }
0x1: {  	s0 =	rddreg [dreg:$0x0]  }
0x2: {  	s2 =	rddreg [dreg:$0x1]  }
0x3: {  	s3 =	simm.s32 $0x0;
	s1 =	stileid.u32;
	s5 =	srdreg.scid  }
0x4: {  	s19 =	simm.s32 $0x200;
	s20 =	simm.s32 $0x3;
	s21 =	simm.s32 $0x70  }
0x5: {  	s22 =	simm.s32 $0x100;
	s23 =	simm.s32 $0x3A00;
	s25 =	simm.s32 $0x1  }
0x6: {  	s26 =	simm.s32 $0x80;
	s28 =	simm.s32 $0x2;
	s4 =	smul.u32 $0xE00, s1  }
0x7: {  	s29 =	simm.s32 $0x180;
	[smem:$0x7FF] =	sst s3;
	s7 =	smul.u32 $0x63000, s1  }
0x8: {  	s6 =	sand.u32 $0x1, s5;
	s5 =	sadd.s32 $0xD5600, s0;
	s17 =	smul.u32 $0x62000, s1  }
0x9: {  	s18 =	sshll.u32 s1, $0x3;
	_ =	strace $0x80000047;
	s8 =	ssub.s32 $0x2, s6  }
0xa: {  	v0 =	vlaneseq.u32;
	s6 =	sshll.u32 s6, $0x1;
	s18 =	sor.u32 $0x3100, s18;
	s16 =	sadd.s32 s4, s0  }
0xb: {  	v0 =	vand.u32 $0x7, v0;
	s4 =	sadd.s32 $0x11600, s0;
	s31 =	sshrl.u32 s8, $0x1;
	s7 =	sshrl.u32 s7, $0x2  }
0xc: {  	s17 =	sshrl.u32 s17, $0x2;
	v0 =	vor.u32 s18, v0;
	s18 =	simm.s32 $0x0;
	s0 =	ssub.s32 s8, s31  }
0xd: {  	s7 =	sadd.s32 s7, s2;
	s15 =	sadd.s32 $0x3600, s16;
	s16 =	sadd.s32 $0x3620, s16  }
0xe: {  	s24 =	sadd.s32 s17, s2;
	s17 =	smul.u32 $0x310, s1;
	s8 =	sadd.s32 $0x3800, s7  }
0xf: {  	s9 =	sadd.s32 $0x7000, s7;
	s10 =	sadd.s32 $0xA800, s7;
	s11 =	sadd.s32 $0xE000, s7  }
0x10: {  	s12 =	sadd.s32 $0x11800, s7;
	s13 =	sadd.s32 $0x15000, s7;
	s0 =	smax.u32 s0, $0x1  }
0x11: {  	v1 =	vimm.f32 $0.0e+00;
	s14 =	sadd.s32 $0x18800, s7;
	s24 =	sshrl.u32 s24, $0x3;
	[dreg:$0x3] =	wrdreg s0  }
.LBB2_1:
0x12: {  	[dreg:$0x4] =	wrdreg s18;
	p1 =	por $0x1, $0x1;
	s0 =	simm.s32 $0x0  }
.LBB2_2:
0x13: {  	p0 =	por p1, p1;
	s18 =	simm.s32 $0x0;
	s31 =	simm.s32 $0x200  }
.LBB2_3:
0x14: {  	p1 =	sne.s32 s31, $0xDE00;
	[tilespmem:s18+$0x270] =	vst v1  }
0x15: {  	[tilespmem:s18+$0x200] =	vst v1  }
0x16: {  	[tilespmem:s18+$0x210] =	vst v1  }
.Ltmp0:
0x17: {  	[tilespmem:s18+$0x220] =	vst v1;
	(pc) =	sbr.rel @p1 .LBB2_3-.Ltmp0, $4  }
0x18: {  	[tilespmem:s18+$0x230] =	vst v1  }
0x19: {  	[tilespmem:s18+$0x240] =	vst v1  }
0x1a: {  	[tilespmem:s18+$0x250] =	vst v1  }
0x1b: {  	[tilespmem:s18+$0x260] =	vst v1;
	s18 =	sshra.s32 s31, $0x2;
	s31 =	sadd.s32 $0x200, s31  }
0x1c: {  	[tilespmem:s18+$0x270] =	vst v1  }
0x1d: {  	[tilespmem:s18+$0x200] =	vst v1  }
0x1e: {  	[tilespmem:s18+$0x210] =	vst v1  }
0x1f: {  	[tilespmem:s18+$0x220] =	vst v1  }
0x20: {  	[tilespmem:s18+$0x230] =	vst v1  }
0x21: {  	[tilespmem:s18+$0x240] =	vst v1  }
0x22: {  	[tilespmem:s18+$0x250] =	vst v1  }
0x23: {  	[tilespmem:s18+$0x260] =	vst v1  }
0x24: {  	[spmem:s7] =	stream.linear.scatter [tilespmem:s19], [sflag:$0x3], $0x3800, $0x38;
	[tilespmem:$0x1FE00] =	vst v63  }
0x25: {  	_ =	swait.ge [sflag:s20], $0x3800  }
0x26: {  	[sflag:s20] =	ssyncset.done $0x0  }
0x27: {  	[sflag:s20] =	ssyncadd.s32 $0xFFFFC800  }
0x28: {  	[spmem:s8] =	stream.linear.scatter [tilespmem:s19], [sflag:$0x3], $0x3800, $0x38;
	[tilespmem:$0x1FE00] =	vst v63  }
0x29: {  	_ =	swait.ge [sflag:s20], $0x3800  }
0x2a: {  	[sflag:s20] =	ssyncset.done $0x0  }
0x2b: {  	[sflag:s20] =	ssyncadd.s32 $0xFFFFC800  }
0x2c: {  	[spmem:s9] =	stream.linear.scatter [tilespmem:s19], [sflag:$0x3], $0x3800, $0x38;
	[tilespmem:$0x1FE00] =	vst v63  }
0x2d: {  	_ =	swait.ge [sflag:s20], $0x3800  }
0x2e: {  	[sflag:s20] =	ssyncset.done $0x0  }
0x2f: {  	[sflag:s20] =	ssyncadd.s32 $0xFFFFC800  }
0x30: {  	[spmem:s10] =	stream.linear.scatter [tilespmem:s19], [sflag:$0x3], $0x3800, $0x38;
	[tilespmem:$0x1FE00] =	vst v63  }
0x31: {  	_ =	swait.ge [sflag:s20], $0x3800  }
0x32: {  	[sflag:s20] =	ssyncset.done $0x0  }
0x33: {  	[sflag:s20] =	ssyncadd.s32 $0xFFFFC800  }
0x34: {  	[spmem:s11] =	stream.linear.scatter [tilespmem:s19], [sflag:$0x3], $0x3800, $0x38;
	[tilespmem:$0x1FE00] =	vst v63  }
0x35: {  	_ =	swait.ge [sflag:s20], $0x3800  }
0x36: {  	[sflag:s20] =	ssyncset.done $0x0  }
0x37: {  	[sflag:s20] =	ssyncadd.s32 $0xFFFFC800  }
0x38: {  	[spmem:s12] =	stream.linear.scatter [tilespmem:s19], [sflag:$0x3], $0x3800, $0x38;
	[tilespmem:$0x1FE00] =	vst v63  }
0x39: {  	_ =	swait.ge [sflag:s20], $0x3800  }
0x3a: {  	[sflag:s20] =	ssyncset.done $0x0  }
0x3b: {  	[sflag:s20] =	ssyncadd.s32 $0xFFFFC800  }
0x3c: {  	[spmem:s13] =	stream.linear.scatter [tilespmem:s19], [sflag:$0x3], $0x3800, $0x38;
	[tilespmem:$0x1FE00] =	vst v63  }
0x3d: {  	_ =	swait.ge [sflag:s20], $0x3800  }
0x3e: {  	[sflag:s20] =	ssyncset.done $0x0  }
0x3f: {  	[sflag:s20] =	ssyncadd.s32 $0xFFFFC800  }
0x40: {  	[spmem:s14] =	stream.linear.scatter [tilespmem:s19], [sflag:$0x3], $0x400, $0x38;
	[tilespmem:$0x1FE00] =	vst v63  }
0x41: {  	_ =	swait.ge [sflag:s20], $0x400  }
0x42: {  	[sflag:s20] =	ssyncset.done $0x0  }
0x43: {  	[sflag:s20] =	ssyncadd.s32 $0xFFFFFC00  }
0x44: {  	[bflag:$0x0] =	sbarrier.arrive $0xFFFF  }
0x45: {  	[tilespmem:s3], [sflag:$0x3] =	stream.linear.gather [hbm4b:s15+s3], $0x100, $0x38;
	[tilespmem:$0x1FE00] =	vst v63  }
0x46: {  	_ =	swait.ge [sflag:s20], $0x100  }
0x47: {  	[sflag:s20] =	ssyncset.done $0x0  }
0x48: {  	[sflag:s20] =	ssyncadd.s32 $0xFFFFFF00  }
0x49: {  	v3 =	vld [tilespmem:$0x80]  }
0x4a: {  	s0 =	sor.u32 s6, s0;
	v4 =	vld [tilespmem:$0x90]  }
0x4b: {  	s31 =	smul.u32 $0x3100, s0;
	v5 =	vld [tilespmem:$0xA0]  }
0x4c: {  	v6 =	vld [tilespmem:$0xB0]  }
0x4d: {  	v2 =	vmov s31;
	v7 =	vld [tilespmem:$0xC0]  }
0x4e: {  	v8 =	vld [tilespmem:$0xD0];
	v3 =	vsub.s32 v3, v2  }
0x4f: {  	v9 =	vld [tilespmem:$0xE0];
	v4 =	vsub.s32 v4, v2;
	vm0 =	vlt.u32 v3, $0x3100  }
0x50: {  	v5 =	vsub.s32 v5, v2;
	vm9 =	vlt.u32 v4, $0x3100;
	v3 =	vsel vm0, v3, v0  }
0x51: {  	vm10 =	vlt.u32 v5, $0x3100;
	[tilespmem:$0x80] =	vst v3;
	v3 =	vsel vm9, v4, v0;
	v4 =	vsub.s32 v6, v2  }
0x52: {  	[tilespmem:$0x90] =	vst v3;
	v3 =	vsel vm10, v5, v0;
	vm11 =	vlt.u32 v4, $0x3100;
	v5 =	vsub.s32 v7, v2  }
0x53: {  	[tilespmem:$0xA0] =	vst v3;
	v3 =	vsel vm11, v4, v0;
	vm12 =	vlt.u32 v5, $0x3100;
	v4 =	vsub.s32 v8, v2  }
0x54: {  	[tilespmem:$0xB0] =	vst v3;
	v3 =	vsel vm12, v5, v0;
	vm13 =	vlt.u32 v4, $0x3100;
	v5 =	vsub.s32 v9, v2  }
0x55: {  	[tilespmem:$0xC0] =	vst v3;
	v3 =	vsel vm13, v4, v0;
	vm14 =	vlt.u32 v5, $0x3100  }
0x56: {  	[tilespmem:$0xD0] =	vst v3;
	v3 =	vsel vm14, v5, v0  }
0x57: {  	[tilespmem:$0xE0] =	vst v3  }
0x58: {  	[tilespmem:s19], [sflag:$0x1] =	stream.indirect.gather [hbm4b:s4+s21], $0x80, s3, s21, $0xb8;
	[tilespmem:$0x1FE00] =	vst v63  }
0x59: {  	_ = 	snop  }
0x5a: {  	[tilespmem:s22], [sflag:$0x3] =	stream.linear.gather [hbm4b:s16+s3], $0x100, $0x38;
	[tilespmem:$0x1FE00] =	vst v63  }
0x5b: {  	_ =	swait.ge [sflag:s20], $0x100  }
0x5c: {  	[sflag:s20] =	ssyncset.done $0x0  }
0x5d: {  	[sflag:s20] =	ssyncadd.s32 $0xFFFFFF00  }
0x5e: {  	v3 =	vld [tilespmem:$0x180]  }
0x5f: {  	v4 =	vld [tilespmem:$0x190]  }
0x60: {  	v5 =	vld [tilespmem:$0x1A0]  }
0x61: {  	v6 =	vld [tilespmem:$0x1B0]  }
0x62: {  	v7 =	vld [tilespmem:$0x1C0]  }
0x63: {  	v8 =	vld [tilespmem:$0x1D0];
	v3 =	vsub.s32 v3, v2  }
0x64: {  	v62 =	vld [tilespmem:$0x1E0];
	v4 =	vsub.s32 v4, v2;
	vm15 =	vlt.u32 v3, $0x3100  }
0x65: {  	v5 =	vsub.s32 v5, v2;
	vm4 =	vlt.u32 v4, $0x3100;
	v3 =	vsel vm15, v3, v0  }
0x66: {  	vm5 =	vlt.u32 v5, $0x3100;
	[tilespmem:$0x180] =	vst v3;
	v3 =	vsel vm4, v4, v0;
	v4 =	vsub.s32 v6, v2  }
0x67: {  	[tilespmem:$0x190] =	vst v3;
	v3 =	vsel vm5, v5, v0;
	vm6 =	vlt.u32 v4, $0x3100;
	v5 =	vsub.s32 v7, v2  }
0x68: {  	[tilespmem:$0x1A0] =	vst v3;
	v3 =	vsel vm6, v4, v0;
	vm7 =	vlt.u32 v5, $0x3100;
	v4 =	vsub.s32 v8, v2  }
0x69: {  	[tilespmem:$0x1B0] =	vst v3;
	v3 =	vsel vm7, v5, v0;
	vm8 =	vlt.u32 v4, $0x3100;
	v5 =	vsub.s32 v62, v2  }
0x6a: {  	[tilespmem:$0x1C0] =	vst v3;
	v3 =	vsel vm8, v4, v0;
	vm9 =	vlt.u32 v5, $0x3100  }
0x6b: {  	[tilespmem:$0x1D0] =	vst v3;
	v3 =	vsel vm9, v5, v0  }
0x6c: {  	[tilespmem:$0x1E0] =	vst v3  }
0x6d: {  	[tilespmem:s23], [sflag:$0x2] =	stream.indirect.gather [hbm4b:s4+s21], $0x80, s22, s21, $0xb8;
	[tilespmem:$0x1FE00] =	vst v63  }
0x6e: {  	_ =	swait.ge [sflag:s25], $0x3800  }
0x6f: {  	[sflag:s25] =	ssyncset.done $0x0  }
0x70: {  	[sflag:s25] =	ssyncadd.s32 $0xFFFFC800  }
0x71: {  	[spmem:s2] =	stream.indirect.scatter.add.f32 [tilespmem:s19], [sflag:$0x3], $0x80, s26, s21, $0xb8;
	[tilespmem:$0x1FE00] =	vst v63  }
0x72: {  	_ =	swait.ge [sflag:s20], $0x3800  }
0x73: {  	s0 =	sadd.s32 $0xFFFFF240, s15;
	[sflag:s20] =	ssyncset.done $0x0  }
0x74: {  	s30 =	sadd.s32 $0xE00, s0;
	[sflag:s20] =	ssyncadd.s32 $0xFFFFC800  }
0x75: {  	[tilespmem:s3], [sflag:$0x3] =	stream.linear.gather [hbm4b:s30+s3], $0x100, $0x38;
	[tilespmem:$0x1FE00] =	vst v63  }
0x76: {  	_ =	swait.ge [sflag:s20], $0x100  }
0x77: {  	[sflag:s20] =	ssyncset.done $0x0  }
0x78: {  	[sflag:s20] =	ssyncadd.s32 $0xFFFFFF00  }
0x79: {  	v3 =	vld [tilespmem:$0xE0]  }
0x7a: {  	v4 =	vld [tilespmem:$0xB0]  }
0x7b: {  	v6 =	vld [tilespmem:$0xA0]  }
0x7c: {  	v5 =	vld [tilespmem:$0xD0]  }
0x7d: {  	v7 =	vld [tilespmem:$0x90]  }
0x7e: {  	v8 =	vld [tilespmem:$0x80];
	v3 =	vsub.s32 v3, v2  }
0x7f: {  	v63 =	vld [tilespmem:$0xC0];
	v4 =	vsub.s32 v4, v2;
	vm10 =	vlt.u32 v3, $0x3100  }
0x80: {  	v6 =	vsub.s32 v6, v2;
	vm1 =	vlt.u32 v4, $0x3100;
	v3 =	vsel vm10, v3, v0  }
0x81: {  	v5 =	vsub.s32 v5, v2;
	vm12 =	vlt.u32 v6, $0x3100;
	v4 =	vsel vm1, v4, v0;
	[tilespmem:$0xE0] =	vst v3  }
0x82: {  	vm11 =	vlt.u32 v5, $0x3100;
	v6 =	vsel vm12, v6, v0;
	v3 =	vsub.s32 v7, v2;
	[tilespmem:$0xB0] =	vst v4  }
0x83: {  	v4 =	vsel vm11, v5, v0;
	v5 =	vsub.s32 v8, v2;
	[tilespmem:$0xA0] =	vst v6;
	vm13 =	vlt.u32 v3, $0x3100  }
0x84: {  	[tilespmem:$0xD0] =	vst v4;
	vm14 =	vlt.u32 v5, $0x3100;
	v4 =	vsub.s32 v63, v2;
	v3 =	vsel vm13, v3, v0  }
0x85: {  	v5 =	vsel vm14, v5, v0;
	vm15 =	vlt.u32 v4, $0x3100;
	[tilespmem:$0x90] =	vst v3  }
0x86: {  	[tilespmem:$0x80] =	vst v5;
	v3 =	vsel vm15, v4, v0  }
0x87: {  	[tilespmem:$0xC0] =	vst v3  }
0x88: {  	[tilespmem:s19], [sflag:$0x1] =	stream.indirect.gather [hbm4b:s4+s21], $0x80, s3, s21, $0xb8;
	[tilespmem:$0x1FE00] =	vst v63  }
0x89: {  	_ =	swait.ge [sflag:s28], $0x3800  }
0x8a: {  	[sflag:s28] =	ssyncset.done $0x0  }
0x8b: {  	[sflag:s28] =	ssyncadd.s32 $0xFFFFC800  }
0x8c: {  	[spmem:s2] =	stream.indirect.scatter.add.f32 [tilespmem:s23], [sflag:$0x3], $0x80, s29, s21, $0xb8;
	[tilespmem:$0x1FE00] =	vst v63  }
0x8d: {  	_ =	swait.ge [sflag:s20], $0x3800  }
0x8e: {  	[sflag:s20] =	ssyncset.done $0x0  }
0x8f: {  	s0 =	sadd.s32 $0xE20, s0;
	[sflag:s20] =	ssyncadd.s32 $0xFFFFC800  }
0x90: {  	[tilespmem:s22], [sflag:$0x3] =	stream.linear.gather [hbm4b:s0+s3], $0x100, $0x38;
	[tilespmem:$0x1FE00] =	vst v63  }
0x91: {  	_ =	swait.ge [sflag:s20], $0x100  }
0x92: {  	[sflag:s20] =	ssyncset.done $0x0  }
0x93: {  	[sflag:s20] =	ssyncadd.s32 $0xFFFFFF00  }
0x94: {  	v7 =	vld [tilespmem:$0x190]  }
0x95: {  	v3 =	vld [tilespmem:$0x1D0]  }
0x96: {  	v6 =	vld [tilespmem:$0x1A0]  }
0x97: {  	v5 =	vld [tilespmem:$0x1B0]  }
0x98: {  	s0 =	simm.s32 $0xFFFFF280;
	v4 =	vld [tilespmem:$0x1C0]  }
.LBB2_5:
0x99: {  	p1 =	sne.s32 s0, $0xFFFFFFC0;
	v8 =	vld [tilespmem:$0x180];
	s18 =	smov.u32 s0;
	s0 =	sadd.s32 $0x40, s0  }
0x9a: {  	v7 =	vsub.s32 v7, v2;
	v3 =	vsub.s32 v3, v2;
	v9 =	vld [tilespmem:$0x1E0]  }
0x9b: {  	vm0 =	vlt.u32 v7, $0x3100;
	v6 =	vsub.s32 v6, v2;
	vm1 =	vlt.u32 v3, $0x3100  }
0x9c: {  	v7 =	vsel vm0, v7, v0;
	vm0 =	vlt.u32 v6, $0x3100;
	v5 =	vsub.s32 v5, v2  }
0x9d: {  	[tilespmem:$0x190] =	vst v7;
	v6 =	vsel vm0, v6, v0;
	vm0 =	vlt.u32 v5, $0x3100;
	v4 =	vsub.s32 v4, v2  }
0x9e: {  	v7 =	vsub.s32 v8, v2;
	[tilespmem:$0x1A0] =	vst v6;
	v5 =	vsel vm0, v5, v0;
	vm0 =	vlt.u32 v4, $0x3100  }
0x9f: {  	vm2 =	vlt.u32 v7, $0x3100;
	[tilespmem:$0x1B0] =	vst v5;
	v4 =	vsel vm0, v4, v0;
	v5 =	vsub.s32 v9, v2  }
0xa0: {  	v3 =	vsel vm1, v3, v0;
	v6 =	vsel vm2, v7, v0;
	[tilespmem:$0x1C0] =	vst v4;
	vm0 =	vlt.u32 v5, $0x3100  }
0xa1: {  	[tilespmem:$0x180] =	vst v6;
	v4 =	vsel vm0, v5, v0  }
0xa2: {  	[tilespmem:$0x1E0] =	vst v4  }
0xa3: {  	[tilespmem:$0x1D0] =	vst v3  }
0xa4: {  	[tilespmem:s23], [sflag:$0x2] =	stream.indirect.gather [hbm4b:s4+s21], $0x80, s22, s21, $0xb8;
	[tilespmem:$0x1FE00] =	vst v63  }
0xa5: {  	_ =	swait.ge [sflag:s25], $0x3800  }
0xa6: {  	[sflag:s25] =	ssyncset.done $0x0  }
0xa7: {  	[sflag:s25] =	ssyncadd.s32 $0xFFFFC800  }
0xa8: {  	[spmem:s2] =	stream.indirect.scatter.add.f32 [tilespmem:s19], [sflag:$0x3], $0x80, s26, s21, $0xb8;
	[tilespmem:$0x1FE00] =	vst v63  }
0xa9: {  	_ =	swait.ge [sflag:s20], $0x3800  }
0xaa: {  	s18 =	sadd.s32 s18, s15;
	[sflag:s20] =	ssyncset.done $0x0  }
0xab: {  	s30 =	sadd.s32 $0xE00, s18;
	[sflag:s20] =	ssyncadd.s32 $0xFFFFC800  }
0xac: {  	[tilespmem:s3], [sflag:$0x3] =	stream.linear.gather [hbm4b:s30+s3], $0x100, $0x38;
	[tilespmem:$0x1FE00] =	vst v63  }
0xad: {  	_ =	swait.ge [sflag:s20], $0x100  }
0xae: {  	[sflag:s20] =	ssyncset.done $0x0  }
0xaf: {  	[sflag:s20] =	ssyncadd.s32 $0xFFFFFF00  }
0xb0: {  	v3 =	vld [tilespmem:$0xE0]  }
0xb1: {  	v4 =	vld [tilespmem:$0xB0]  }
0xb2: {  	v5 =	vld [tilespmem:$0xD0]  }
0xb3: {  	v6 =	vld [tilespmem:$0xA0]  }
0xb4: {  	v7 =	vld [tilespmem:$0x90]  }
0xb5: {  	v8 =	vld [tilespmem:$0x80];
	v3 =	vsub.s32 v3, v2  }
0xb6: {  	v4 =	vsub.s32 v4, v2;
	v9 =	vld [tilespmem:$0xC0];
	vm0 =	vlt.u32 v3, $0x3100  }
0xb7: {  	vm1 =	vlt.u32 v4, $0x3100;
	v5 =	vsub.s32 v5, v2;
	v3 =	vsel vm0, v3, v0  }
0xb8: {  	v6 =	vsub.s32 v6, v2;
	v4 =	vsel vm1, v4, v0;
	vm0 =	vlt.u32 v5, $0x3100;
	[tilespmem:$0xE0] =	vst v3  }
0xb9: {  	v3 =	vsub.s32 v7, v2;
	vm1 =	vlt.u32 v6, $0x3100;
	[tilespmem:$0xB0] =	vst v4;
	v4 =	vsel vm0, v5, v0  }
0xba: {  	v5 =	vsub.s32 v8, v2;
	vm0 =	vlt.u32 v3, $0x3100;
	v6 =	vsel vm1, v6, v0;
	[tilespmem:$0xD0] =	vst v4  }
0xbb: {  	vm1 =	vlt.u32 v5, $0x3100;
	v3 =	vsel vm0, v3, v0;
	[tilespmem:$0xA0] =	vst v6;
	v4 =	vsub.s32 v9, v2  }
0xbc: {  	v5 =	vsel vm1, v5, v0;
	[tilespmem:$0x90] =	vst v3;
	vm0 =	vlt.u32 v4, $0x3100  }
0xbd: {  	[tilespmem:$0x80] =	vst v5;
	v3 =	vsel vm0, v4, v0  }
0xbe: {  	[tilespmem:$0xC0] =	vst v3  }
0xbf: {  	[tilespmem:s19], [sflag:$0x1] =	stream.indirect.gather [hbm4b:s4+s21], $0x80, s3, s21, $0xb8;
	[tilespmem:$0x1FE00] =	vst v63  }
0xc0: {  	_ =	swait.ge [sflag:s28], $0x3800  }
0xc1: {  	[sflag:s28] =	ssyncset.done $0x0  }
0xc2: {  	[sflag:s28] =	ssyncadd.s32 $0xFFFFC800  }
0xc3: {  	[spmem:s2] =	stream.indirect.scatter.add.f32 [tilespmem:s23], [sflag:$0x3], $0x80, s29, s21, $0xb8;
	[tilespmem:$0x1FE00] =	vst v63  }
0xc4: {  	_ =	swait.ge [sflag:s20], $0x3800  }
0xc5: {  	[sflag:s20] =	ssyncset.done $0x0  }
0xc6: {  	s18 =	sadd.s32 $0xE20, s18;
	[sflag:s20] =	ssyncadd.s32 $0xFFFFC800  }
0xc7: {  	[tilespmem:s22], [sflag:$0x3] =	stream.linear.gather [hbm4b:s18+s3], $0x100, $0x38;
	[tilespmem:$0x1FE00] =	vst v63  }
0xc8: {  	_ =	swait.ge [sflag:s20], $0x100  }
0xc9: {  	[sflag:s20] =	ssyncset.done $0x0  }
0xca: {  	[sflag:s20] =	ssyncadd.s32 $0xFFFFFF00  }
.Ltmp1:
0xcb: {  	v7 =	vld [tilespmem:$0x190];
	(pc) =	sbr.rel @p1 .LBB2_5-.Ltmp1, $4  }
0xcc: {  	v3 =	vld [tilespmem:$0x1D0]  }
0xcd: {  	v6 =	vld [tilespmem:$0x1A0]  }
0xce: {  	v5 =	vld [tilespmem:$0x1B0]  }
0xcf: {  	v4 =	vld [tilespmem:$0x1C0]  }
0xd0: {  	v8 =	vld [tilespmem:$0x180]  }
0xd1: {  	v9 =	vld [tilespmem:$0x1E0]  }
0xd2: {  	v7 =	vsub.s32 v7, v2;
	v6 =	vsub.s32 v6, v2  }
0xd3: {  	vm0 =	vlt.u32 v7, $0x3100;
	vm11 =	vlt.u32 v6, $0x3100  }
0xd4: {  	v7 =	vsel vm0, v7, v0;
	v5 =	vsub.s32 v5, v2;
	v6 =	vsel vm11, v6, v0  }
0xd5: {  	[tilespmem:$0x190] =	vst v7;
	vm12 =	vlt.u32 v5, $0x3100;
	v4 =	vsub.s32 v4, v2;
	v62 =	vsub.s32 v8, v2  }
0xd6: {  	[tilespmem:$0x1A0] =	vst v6;
	v5 =	vsel vm12, v5, v0;
	vm13 =	vlt.u32 v4, $0x3100;
	v63 =	vsub.s32 v9, v2  }
0xd7: {  	v2 =	vsub.s32 v3, v2;
	vm1 =	vlt.u32 v62, $0x3100;
	[tilespmem:$0x1B0] =	vst v5;
	v4 =	vsel vm13, v4, v0  }
0xd8: {  	vm15 =	vlt.u32 v2, $0x3100;
	v3 =	vsel vm1, v62, v0;
	[tilespmem:$0x1C0] =	vst v4  }
0xd9: {  	vm14 =	vlt.u32 v63, $0x3100;
	v2 =	vsel vm15, v2, v0;
	[tilespmem:$0x180] =	vst v3  }
0xda: {  	v3 =	vsel vm14, v63, v0;
	[tilespmem:$0x1D0] =	vst v2  }
0xdb: {  	[tilespmem:$0x1E0] =	vst v3  }
0xdc: {  	[tilespmem:s23], [sflag:$0x2] =	stream.indirect.gather [hbm4b:s4+s21], $0x80, s22, s21, $0xb8;
	[tilespmem:$0x1FE00] =	vst v63  }
0xdd: {  	_ =	swait.ge [sflag:s25], $0x3800  }
0xde: {  	[sflag:s25] =	ssyncset.done $0x0  }
0xdf: {  	[sflag:s25] =	ssyncadd.s32 $0xFFFFC800  }
0xe0: {  	[spmem:s2] =	stream.indirect.scatter.add.f32 [tilespmem:s19], [sflag:$0x3], $0x80, s26, s21, $0xb8;
	[tilespmem:$0x1FE00] =	vst v63  }
0xe1: {  	_ =	swait.ge [sflag:s20], $0x3800  }
0xe2: {  	[sflag:s20] =	ssyncset.done $0x0  }
0xe3: {  	[sflag:s20] =	ssyncadd.s32 $0xFFFFC800  }
0xe4: {  	_ =	swait.ge [sflag:s28], $0x3800  }
0xe5: {  	[sflag:s28] =	ssyncset.done $0x0  }
0xe6: {  	[sflag:s28] =	ssyncadd.s32 $0xFFFFC800  }
0xe7: {  	[spmem:s2] =	stream.indirect.scatter.add.f32 [tilespmem:s23], [sflag:$0x3], $0x80, s29, s21, $0xb8;
	[tilespmem:$0x1FE00] =	vst v63  }
0xe8: {  	_ =	swait.ge [sflag:s20], $0x3800  }
0xe9: {  	s0 =	sadd.s32 s17, s31;
	[sflag:s20] =	ssyncset.done $0x0  }
0xea: {  	s18 =	sshll.u32 s1, $0x6;
	s0 =	sshll.u32 s0, $0x4;
	[sflag:s20] =	ssyncadd.s32 $0xFFFFC800  }
0xeb: {  	s18 =	sor.u32 $0x1C03, s18;
	s0 =	sadd.s32 s5, s0;
	[bflag:$0x0] =	sbarrier.arrive $0xFFFF  }
0xec: {  	[hbm:s0], [sflag:s18] =	dma.local [spmem:s24], $0x3100  }
.Ltmp2:
0xed: {  	_ =	swait.ge [sflag:s20], $0x3100;
	(pc) =	sbr.rel @p0 .LBB2_2-.Ltmp2, $4  }
0xee: {  	[sflag:s20] =	ssyncset.done $0x0  }
0xef: {  	[sflag:s20] =	ssyncadd.s32 $0xFFFFCF00  }
0xf0: {  	[bflag:$0x0] =	sbarrier.arrive $0xFFFF  }
0xf1: {  	p1 =	por $0x0, $0x0;
	s0 =	simm.s32 $0x1  }
0xf2: {  	s18 =	rddreg [dreg:$0x4]  }
0xf3: {  	s0 =	rddreg [dreg:$0x3];
	s18 =	sadd.s32 $0x1, s18  }
0xf4: {  	p0 =	sne.s32 s18, s0  }
.Ltmp3:
0xf5: {  	_ = 	snop;
	(pc) =	sbr.rel @p0 .LBB2_1-.Ltmp3, $1  }
0xf6: {  	_ =	sdelay $0x3  }
0xf7: {  	_ =	sfence.sel $0x180000  }
0xf8: {  	[bflag:$0x0] =	sbarrier.arrive $0xFFFF  }
0xf9: {  	_ =	strace $0x90000047  }
0xfa: {  	[bflag:$0x2] =	sbarrier.arrive $0xFFFF  }
0xfb: {  	p0 =	sne.s32 s1, $0x0;
	s0 =	rddreg [dreg:$0x2]  }
0xfc: {  	s0 =	sadd.s32 @!p0 $0x100000, s0  }
0xfd: {  	[sflag:s0] =	ssyncadd.tile.s32 @!p0 $0x1;
	_ =	shalt  }
.Lfunc_end2:
_tile_overlayer_lowered:
.L_overlay_start_2:
0xfe: {  	(tag) =	ssettag $0x2  }
0xff: {  	s0 =	rddreg [dreg:$0x0];
	s2 =	stileid.u32  }
0x100: {  	s1 =	rddreg [dreg:$0x1];
	p0 =	sne.s32 s2, $0x0  }
0x101: {  	s3 =	rddreg [dreg:$0x2];
	[bflag:$0x3] =	sbarrier.arrive $0xFFFF;
	s2 =	simm.s32 @!p0 $0x1C03  }
0x102: {  	[timem:s3], [sflag:s2] =	dma.local @!p0 [hbm:s0], s1  }
0x103: {  	s0 =	simm.s32 @!p0 $0x3  }
0x104: {  	_ =	swait.ge @!p0 [sflag:s0], s1  }
0x105: {  	s1 =	ssub.s32 @!p0 $0x0, s1;
	[sflag:s0] =	ssyncset.done @!p0 $0x0  }
0x106: {  	[sflag:s0] =	ssyncadd.s32 @!p0 s1  }
0x107: {  	[bflag:$0x3] =	sbarrier.arrive $0xFFFF  }
0x108: {  	_ =	shalt  }

// kernel: kernel.13.cloned.1.call-start
scs
__scs_entry_jumppad:
0x0: {  	(pc) =	sbr.rel $0x88, $3  }
0x1: {  	(tag) =	ssettag $0x0;
	lr =	simm.s32 $0x1  }
0x2: {  	[smem:$0x3F85] =	sst lr;
	_ =	strace $0xD0000000  }
0x3: {  	_ = 	snop  }
0x4: {  	_ = 	snop  }
0x5: {  	_ = 	snop  }
0x6: {  	_ = 	snop  }
0x7: {  	_ = 	snop  }
__scs_overlays_trampoline_lowered:
0x8: {  	[smem:$0x3F94] =	sst s0  }
0x9: {  	[smem:$0x3F95] =	sst s1  }
0xa: {  	[smem:$0x3F96] =	sst s2  }
0xb: {  	[smem:$0x3F97] =	sst s3  }
0xc: {  	[smem:$0x3F98] =	sst s4  }
0xd: {  	[smem:$0x3F99] =	sst s5  }
0xe: {  	[smem:$0x3F9A] =	sst s6  }
0xf: {  	[smem:$0x3F9B] =	sst s7  }
0x10: {  	[smem:$0x3F9C] =	sst s8  }
0x11: {  	[smem:$0x3F9D] =	sst s9;
	s0 =	simm.s32 @!p0 $0x0  }
0x12: {  	s1 =	sld [smem:$0x3F83];
	s0 =	simm.s32 @p0 $0x1  }
0x13: {  	[smem:$0x3F9E] =	sst s0;
	s0 =	simm.s32 @!p1 $0x0  }
0x14: {  	s2 =	sld [smem:$0x3F82];
	s0 =	simm.s32 @p1 $0x1  }
0x15: {  	[smem:$0x3F9F] =	sst s0;
	s0 =	simm.s32 @!p2 $0x0  }
0x16: {  	s3 =	sld [smem:$0x3FDB];
	s0 =	simm.s32 @p2 $0x1  }
0x17: {  	s4 =	simm.s32 $0x1BF5;
	[smem:$0x3FA1] =	sst s0  }
0x18: {  	s0 =	sld [smem:$0x3F84];
	_ =	swait.ge [sflag:s4], $0x0  }
0x19: {  	s7 =	sld [smem:$0x3F85]  }
0x1a: {  	s8 =	sadd.s32 $0xFFFFE003, lr  }
0x1b: {  	s9 =	sadd.s32 $0xFFFFFEF7, lr;
	s5 =	simm.s32 $0xFFFFFFFF;
	p2 =	slt.u32 s8, $0xFFFFF086  }
0x1c: {  	p1 =	slt.u32 s9, $0xF7A;
	s5 =	simm.s32 @!p2 $0x0  }
0x1d: {  	s5 =	simm.s32 @p1 $0x1;
	p0 =	seq.s32 s7, s2  }
0x1e: {  	s7 =	smul.u32 @!p0 $0xF7A, s2;
	p2 =	seq.s32 @!p0 s5, $0x0  }
0x1f: {  	s9 =	smul.u32 $0xF7A, s1;
	s8 =	simm.s32 @!p0 $0x1BF5;
	p2 =	por !p2, p0  }
0x20: {  	[sflag:s8] =	ssyncset.s32 @!p0 $0xFFFFF086;
	s6 =	sadd.s32 @!p0 s3, s7;
	s7 =	simm.s32 @!p0 $0x108  }
0x21: {  	s3 =	sadd.s32 s3, s9;
	s6 =	sadd.s32 @!p0 $0x88, s6;
	s7 =	simm.s32 @p2 $0x1082  }
0x22: {  	[simem:s7], [sflag:s8] =	dma.local @!p0 [hbm:s6], $0xF7A  }
0x23: {  	s9 =	sor.u32 $0xD0000000, s2;
	s6 =	simm.s32 $0x108;
	_ =	swait.ge @!p0 [sflag:s8], $0x0  }
0x24: {  	s3 =	sadd.s32 $0x88, s3;
	s6 =	simm.s32 @!p1 $0x1082;
	[sflag:s4] =	ssyncset.s32 $0xFFFFF086  }
0x25: {  	[simem:s6], [sflag:s4] =	dma.local [hbm:s3], $0xF7A  }
0x26: {  	[smem:$0x3F85] =	sst s1;
	(tag) =	ssettag s2;
	_ =	strace s9  }
0x27: {  	s1 =	sld [smem:$0x3F95]  }
0x28: {  	s2 =	sld [smem:$0x3F96]  }
0x29: {  	s4 =	sld [smem:$0x3F98]  }
0x2a: {  	p0 =	seq.s32 s5, $0x0;
	s5 =	sld [smem:$0x3F99]  }
0x2b: {  	s6 =	sld [smem:$0x3F9A]  }
0x2c: {  	s7 =	sld [smem:$0x3F9B]  }
0x2d: {  	s3 =	simm.s32 $0x108;
	s8 =	sld [smem:$0x3F9C]  }
0x2e: {  	s3 =	simm.s32 @!p0 $0x1082;
	s9 =	sld [smem:$0x3F9D]  }
0x2f: {  	lr =	sadd.s32 s0, s3;
	s0 =	sld [smem:$0x3F94]  }
0x30: {  	s3 =	sld [smem:$0x3F97]  }
0x31: {  	[smem:$0x3FA0] =	sst s10  }
0x32: {  	s10 =	sld [smem:$0x3F9E];
	_ =	sdelay $0x3  }
0x33: {  	p0 =	seq.s32 s10, $0x1;
	s10 =	sld [smem:$0x3FA0];
	_ =	sdelay $0x3  }
0x34: {  	[smem:$0x3FA0] =	sst s10  }
0x35: {  	s10 =	sld [smem:$0x3F9F];
	_ =	sdelay $0x3  }
0x36: {  	p1 =	seq.s32 s10, $0x1;
	s10 =	sld [smem:$0x3FA0];
	_ =	sdelay $0x3  }
0x37: {  	[smem:$0x3FA0] =	sst s10  }
0x38: {  	s10 =	sld [smem:$0x3FA1]  }
0x39: {  	_ = 	snop;
	(pc) =	sbr.ind lr, $3  }
0x3a: {  	_ = 	snop  }
0x3b: {  	_ = 	snop  }
0x3c: {  	p2 =	seq.s32 s10, $0x1;
	s10 =	sld [smem:$0x3FA0]  }
0x3d: {  	_ =	shalt  }
0x3e: {  	_ =	shalt  }
0x3f: {  	_ =	shalt  }
0x40: {  	_ =	shalt  }
0x41: {  	_ =	shalt  }
0x42: {  	_ =	shalt  }
0x43: {  	_ =	shalt  }
0x44: {  	_ =	shalt  }
0x45: {  	_ =	shalt  }
0x46: {  	_ =	shalt  }
0x47: {  	_ =	shalt  }
0x48: {  	_ =	shalt  }
0x49: {  	_ =	shalt  }
0x4a: {  	_ =	shalt  }
0x4b: {  	_ =	shalt  }
0x4c: {  	_ =	shalt  }
0x4d: {  	_ =	shalt  }
0x4e: {  	_ =	shalt  }
0x4f: {  	_ =	shalt  }
0x50: {  	_ =	shalt  }
0x51: {  	_ =	shalt  }
0x52: {  	_ =	shalt  }
0x53: {  	_ =	shalt  }
0x54: {  	_ =	shalt  }
0x55: {  	_ =	shalt  }
0x56: {  	_ =	shalt  }
0x57: {  	_ =	shalt  }
0x58: {  	_ =	shalt  }
0x59: {  	_ =	shalt  }
0x5a: {  	_ =	shalt  }
0x5b: {  	_ =	shalt  }
0x5c: {  	_ =	shalt  }
0x5d: {  	_ =	shalt  }
0x5e: {  	_ =	shalt  }
0x5f: {  	_ =	shalt  }
0x60: {  	_ =	shalt  }
0x61: {  	_ =	shalt  }
0x62: {  	_ =	shalt  }
0x63: {  	_ =	shalt  }
0x64: {  	_ =	shalt  }
0x65: {  	_ =	shalt  }
0x66: {  	_ =	shalt  }
0x67: {  	_ =	shalt  }
0x68: {  	_ =	shalt  }
0x69: {  	_ =	shalt  }
0x6a: {  	_ =	shalt  }
0x6b: {  	_ =	shalt  }
0x6c: {  	_ =	shalt  }
0x6d: {  	_ =	shalt  }
0x6e: {  	_ =	shalt  }
0x6f: {  	_ =	shalt  }
0x70: {  	_ =	shalt  }
0x71: {  	_ =	shalt  }
0x72: {  	_ =	shalt  }
0x73: {  	_ =	shalt  }
0x74: {  	_ =	shalt  }
0x75: {  	_ =	shalt  }
0x76: {  	_ =	shalt  }
0x77: {  	_ =	shalt  }
0x78: {  	_ =	shalt  }
0x79: {  	_ =	shalt  }
0x7a: {  	_ =	shalt  }
0x7b: {  	_ =	shalt  }
0x7c: {  	_ =	shalt  }
0x7d: {  	_ =	shalt  }
0x7e: {  	_ =	shalt  }
0x7f: {  	_ =	shalt  }
0x80: {  	_ =	shalt  }
0x81: {  	_ =	shalt  }
0x82: {  	_ =	shalt  }
0x83: {  	_ =	shalt  }
0x84: {  	_ =	shalt  }
0x85: {  	_ =	shalt  }
0x86: {  	_ =	shalt  }
0x87: {  	_ =	shalt  }
.Lfunc_end0:
.L_simem_size_0:
called_computation.1_lowered:
.L_overlay_start_0:
0x88: {  	s2 =	sld [smem:$0x3FD9]  }
0x89: {  	s3 =	sld [smem:$0x3FFE];
	_ =	sdelay $0x1  }
0x8a: {  	s1 =	srdreg.scid  }
0x8b: {  	s0 =	sand.u32 $0x1, s1  }
0x8c: {  	s16 =	sshll.u32 s0, $0xA;
	s2 =	sadd.s32 s3, s2  }
0x8d: {  	s2 =	sadd.s32 s2, s16  }
0x8e: {  	[smem:$0x3FAC] =	sst s2  }
0x8f: {  	_ = 	snop  }
0x90: {  	(tm) =	ssettm $0x1  }
0x91: {  	s17 =	sld [smem:$0x3FFB];
	_ =	sdelay $0x3  }
0x92: {  	_ =	strace s17  }
0x93: {  	s2 =	sld [smem:$0x3FFC];
	_ =	sdelay $0x3  }
0x94: {  	_ =	strace s2  }
0x95: {  	s2 =	sld [smem:$0x3FFD];
	_ =	sdelay $0x3  }
0x96: {  	_ =	strace s2  }
0x97: {  	_ =	strace $0x8FFFFFFF  }
0x98: {  	s18 =	sld [smem:$0x3FDB];
	_ =	sdelay $0x1  }
0x99: {  	s19 =	simm.s32 $_scs_section_size  }
0x9a: {  	s4 =	simm.s32 $_size__tile_overlayer_lowered;
	s5 =	simm.s32 $_tile_overlayer_lowered  }
0x9b: {  	s22 =	simm.s32 $0x1BFF;
	s21 =	sshll.u32 s5, $0x1;
	s2 =	sadd.s32 s19, s18  }
0x9c: {  	s6 =	simm.s32 $0x0;
	s20 =	sshll.u32 s4, $0x1;
	s4 =	sadd.s32 s21, s2  }
0x9d: {  	[timem:s6], [sflag:s22] =	dma.local [hbm:s4], s20  }
0x9e: {  	_ =	swait.ge [sflag:s22], s20  }
0x9f: {  	s3 =	ssub.s32 $0x0, s20;
	[sflag:s22] =	ssyncset.done $0x0  }
0xa0: {  	[sflag:s22] =	ssyncadd.s32 s3;
	_ =	sdelay $0x1  }
0xa1: {  	s23 =	simm.s32 $0x1B8B  }
0xa2: {  	_ =	swait.ge [sflag:s23], $0x1  }
0xa3: {  	[sflag:s23] =	ssyncset.done $0x0  }
0xa4: {  	s25 =	simm.s32 $0x1B8E;
	s24 =	sld [smem:$0x3FFE];
	[sflag:s23] =	ssyncadd.s32 $0xFFFFFFFF  }
0xa5: {  	s26 =	simm.s32 $execute0_lowered;
	[smem:$0x3FD2] =	sst s25  }
0xa6: {  	s4 =	sshll.u32 s26, $0x1;
	_ =	strace $0x80000049;
	[dreg:$0x1] =	wrdreg $0xFFFFFFFF  }
0xa7: {  	s28 =	simm.s32 $_size_execute0_lowered;
	s2 =	sadd.s32 s2, s4;
	[dreg:$0x0] =	wrdreg $0x0  }
0xa8: {  	s4 =	sshll.u32 s28, $0x1;
	[dreg:$0x2] =	wrdreg s2  }
0xa9: {  	[dreg:$0x3] =	wrdreg s4  }
0xaa: {  	[dreg:$0x4] =	wrdreg $0xC0  }
0xab: {  	_ =	task [dreg:s6], $0x5FFFF  }
0xac: {  	[dreg:$0x1] =	wrdreg $0xFFFFFFFF  }
0xad: {  	[dreg:$0x0] =	wrdreg $0x60  }
0xae: {  	[dreg:$0x2] =	wrdreg s24  }
0xaf: {  	[dreg:$0x3] =	wrdreg $0x72000  }
0xb0: {  	[dreg:$0x4] =	wrdreg $0x9  }
0xb1: {  	_ =	task.clear_ibuf [dreg:s6], $0x5FFFF;
	_ =	strace $0x90000049  }
0xb2: {  	s29 =	simm.s32 $0x9;
	_ =	strace $0x8000004B  }
0xb3: {  	_ =	swait.ge [sflag:s29], $0x1  }
0xb4: {  	[sflag:s29] =	ssyncadd.s32 $0xFFFFFFFF  }
0xb5: {  	_ =	strace $0x9000004B  }
0xb6: {  	_ =	sfence  }
0xb7: {  	s30 =	sld [smem:$0x0];
	_ =	sdelay $0x2  }
0xb8: {  	s31 =	sshll.u32 s1, $0xD;
	s1 =	sshrl.u32 s1, $0x2  }
0xb9: {  	s3 =	sand.u32 $0x4000, s31;
	s1 =	sadd.s32 s1, s30  }
0xba: {  	s0 =	sor.u32 s3, s0;
	s1 =	sshll.u32 s1, $0x11  }
0xbb: {  	s0 =	sor.u32 s1, s0  }
0xbc: {  	s0 =	sadd.s32 $0x8F2B, s0  }
0xbd: {  	[sflag:s0] =	ssyncadd.remote.s32 $0x1  }
0xbe: {  	_ =	sfence.sel $0xFFFF  }
0xbf: {  	[dreg:$0x0] =	wrdreg $0xFFFFFFFF;
	(pc) =	sbr.abs _section_cstart, $3  }
0xc0: {  	[dreg:$0x1] =	wrdreg $0xFFFFFFFF  }
0xc1: {  	_ =	task.clear_ibuf [dreg:s6], $0x2FFFF;
	_ =	strace $0x9FFFFFFF  }
0xc2: {  	(tm) =	ssettm $0x7FFFFFFF  }
0xc3: {  	_ =	shalt  }
tec
execute0_lowered:
.L_overlay_start_1:
0x0: {  	(tag) =	ssettag $0x1  }
0x1: {  	s0 =	rddreg [dreg:$0x0]  }
0x2: {  	s2 =	rddreg [dreg:$0x1]  }
0x3: {  	s3 =	simm.s32 $0x0;
	s1 =	stileid.u32;
	s5 =	srdreg.scid  }
0x4: {  	s19 =	simm.s32 $0x200;
	s20 =	simm.s32 $0x3;
	s21 =	simm.s32 $0x70  }
0x5: {  	s22 =	simm.s32 $0x100;
	s23 =	simm.s32 $0x3A00;
	s25 =	simm.s32 $0x1  }
0x6: {  	s26 =	simm.s32 $0x80;
	s28 =	simm.s32 $0x2;
	s4 =	smul.u32 $0xE00, s1  }
0x7: {  	s29 =	simm.s32 $0x180;
	[smem:$0x7FF] =	sst s3;
	s7 =	smul.u32 $0x63000, s1  }
0x8: {  	s6 =	sand.u32 $0x1, s5;
	s5 =	sadd.s32 $0x11600, s0;
	s17 =	smul.u32 $0x62000, s1  }
0x9: {  	s18 =	sshll.u32 s1, $0x3;
	_ =	strace $0x8000004A;
	s8 =	ssub.s32 $0x2, s6  }
0xa: {  	v0 =	vlaneseq.u32;
	s6 =	sshll.u32 s6, $0x1;
	s18 =	sor.u32 $0x3100, s18;
	s16 =	sadd.s32 s4, s0  }
0xb: {  	v0 =	vand.u32 $0x7, v0;
	s4 =	sadd.s32 $0x199600, s0;
	s31 =	sshrl.u32 s8, $0x1;
	s7 =	sshrl.u32 s7, $0x2  }
0xc: {  	s17 =	sshrl.u32 s17, $0x2;
	v0 =	vor.u32 s18, v0;
	s18 =	simm.s32 $0x0;
	s0 =	ssub.s32 s8, s31  }
0xd: {  	s7 =	sadd.s32 s7, s2;
	s15 =	sadd.s32 $0x3600, s16;
	s16 =	sadd.s32 $0x3620, s16  }
0xe: {  	s24 =	sadd.s32 s17, s2;
	s17 =	smul.u32 $0x310, s1;
	s8 =	sadd.s32 $0x3800, s7  }
0xf: {  	s9 =	sadd.s32 $0x7000, s7;
	s10 =	sadd.s32 $0xA800, s7;
	s11 =	sadd.s32 $0xE000, s7  }
0x10: {  	s12 =	sadd.s32 $0x11800, s7;
	s13 =	sadd.s32 $0x15000, s7;
	s0 =	smax.u32 s0, $0x1  }
0x11: {  	v1 =	vimm.f32 $0.0e+00;
	s14 =	sadd.s32 $0x18800, s7;
	s24 =	sshrl.u32 s24, $0x3;
	[dreg:$0x3] =	wrdreg s0  }
.LBB2_1:
0x12: {  	[dreg:$0x4] =	wrdreg s18;
	p1 =	por $0x1, $0x1;
	s0 =	simm.s32 $0x0  }
.LBB2_2:
0x13: {  	p0 =	por p1, p1;
	s18 =	simm.s32 $0x0;
	s31 =	simm.s32 $0x200  }
.LBB2_3:
0x14: {  	p1 =	sne.s32 s31, $0xDE00;
	[tilespmem:s18+$0x270] =	vst v1  }
0x15: {  	[tilespmem:s18+$0x200] =	vst v1  }
0x16: {  	[tilespmem:s18+$0x210] =	vst v1  }
.Ltmp0:
0x17: {  	[tilespmem:s18+$0x220] =	vst v1;
	(pc) =	sbr.rel @p1 .LBB2_3-.Ltmp0, $4  }
0x18: {  	[tilespmem:s18+$0x230] =	vst v1  }
0x19: {  	[tilespmem:s18+$0x240] =	vst v1  }
0x1a: {  	[tilespmem:s18+$0x250] =	vst v1  }
0x1b: {  	[tilespmem:s18+$0x260] =	vst v1;
	s18 =	sshra.s32 s31, $0x2;
	s31 =	sadd.s32 $0x200, s31  }
0x1c: {  	[tilespmem:s18+$0x270] =	vst v1  }
0x1d: {  	[tilespmem:s18+$0x200] =	vst v1  }
0x1e: {  	[tilespmem:s18+$0x210] =	vst v1  }
0x1f: {  	[tilespmem:s18+$0x220] =	vst v1  }
0x20: {  	[tilespmem:s18+$0x230] =	vst v1  }
0x21: {  	[tilespmem:s18+$0x240] =	vst v1  }
0x22: {  	[tilespmem:s18+$0x250] =	vst v1  }
0x23: {  	[tilespmem:s18+$0x260] =	vst v1  }
0x24: {  	[spmem:s7] =	stream.linear.scatter [tilespmem:s19], [sflag:$0x3], $0x3800, $0x38;
	[tilespmem:$0x1FE00] =	vst v63  }
0x25: {  	_ =	swait.ge [sflag:s20], $0x3800  }
0x26: {  	[sflag:s20] =	ssyncset.done $0x0  }
0x27: {  	[sflag:s20] =	ssyncadd.s32 $0xFFFFC800  }
0x28: {  	[spmem:s8] =	stream.linear.scatter [tilespmem:s19], [sflag:$0x3], $0x3800, $0x38;
	[tilespmem:$0x1FE00] =	vst v63  }
0x29: {  	_ =	swait.ge [sflag:s20], $0x3800  }
0x2a: {  	[sflag:s20] =	ssyncset.done $0x0  }
0x2b: {  	[sflag:s20] =	ssyncadd.s32 $0xFFFFC800  }
0x2c: {  	[spmem:s9] =	stream.linear.scatter [tilespmem:s19], [sflag:$0x3], $0x3800, $0x38;
	[tilespmem:$0x1FE00] =	vst v63  }
0x2d: {  	_ =	swait.ge [sflag:s20], $0x3800  }
0x2e: {  	[sflag:s20] =	ssyncset.done $0x0  }
0x2f: {  	[sflag:s20] =	ssyncadd.s32 $0xFFFFC800  }
0x30: {  	[spmem:s10] =	stream.linear.scatter [tilespmem:s19], [sflag:$0x3], $0x3800, $0x38;
	[tilespmem:$0x1FE00] =	vst v63  }
0x31: {  	_ =	swait.ge [sflag:s20], $0x3800  }
0x32: {  	[sflag:s20] =	ssyncset.done $0x0  }
0x33: {  	[sflag:s20] =	ssyncadd.s32 $0xFFFFC800  }
0x34: {  	[spmem:s11] =	stream.linear.scatter [tilespmem:s19], [sflag:$0x3], $0x3800, $0x38;
	[tilespmem:$0x1FE00] =	vst v63  }
0x35: {  	_ =	swait.ge [sflag:s20], $0x3800  }
0x36: {  	[sflag:s20] =	ssyncset.done $0x0  }
0x37: {  	[sflag:s20] =	ssyncadd.s32 $0xFFFFC800  }
0x38: {  	[spmem:s12] =	stream.linear.scatter [tilespmem:s19], [sflag:$0x3], $0x3800, $0x38;
	[tilespmem:$0x1FE00] =	vst v63  }
0x39: {  	_ =	swait.ge [sflag:s20], $0x3800  }
0x3a: {  	[sflag:s20] =	ssyncset.done $0x0  }
0x3b: {  	[sflag:s20] =	ssyncadd.s32 $0xFFFFC800  }
0x3c: {  	[spmem:s13] =	stream.linear.scatter [tilespmem:s19], [sflag:$0x3], $0x3800, $0x38;
	[tilespmem:$0x1FE00] =	vst v63  }
0x3d: {  	_ =	swait.ge [sflag:s20], $0x3800  }
0x3e: {  	[sflag:s20] =	ssyncset.done $0x0  }
0x3f: {  	[sflag:s20] =	ssyncadd.s32 $0xFFFFC800  }
0x40: {  	[spmem:s14] =	stream.linear.scatter [tilespmem:s19], [sflag:$0x3], $0x400, $0x38;
	[tilespmem:$0x1FE00] =	vst v63  }
0x41: {  	_ =	swait.ge [sflag:s20], $0x400  }
0x42: {  	[sflag:s20] =	ssyncset.done $0x0  }
0x43: {  	[sflag:s20] =	ssyncadd.s32 $0xFFFFFC00  }
0x44: {  	[bflag:$0x0] =	sbarrier.arrive $0xFFFF  }
0x45: {  	[tilespmem:s3], [sflag:$0x3] =	stream.linear.gather [hbm4b:s15+s3], $0x100, $0x38;
	[tilespmem:$0x1FE00] =	vst v63  }
0x46: {  	_ =	swait.ge [sflag:s20], $0x100  }
0x47: {  	[sflag:s20] =	ssyncset.done $0x0  }
0x48: {  	[sflag:s20] =	ssyncadd.s32 $0xFFFFFF00  }
0x49: {  	v3 =	vld [tilespmem:$0x80]  }
0x4a: {  	s0 =	sor.u32 s6, s0;
	v4 =	vld [tilespmem:$0x90]  }
0x4b: {  	s31 =	smul.u32 $0x3100, s0;
	v5 =	vld [tilespmem:$0xA0]  }
0x4c: {  	v6 =	vld [tilespmem:$0xB0]  }
0x4d: {  	v2 =	vmov s31;
	v7 =	vld [tilespmem:$0xC0]  }
0x4e: {  	v8 =	vld [tilespmem:$0xD0];
	v3 =	vsub.s32 v3, v2  }
0x4f: {  	v9 =	vld [tilespmem:$0xE0];
	v4 =	vsub.s32 v4, v2;
	vm0 =	vlt.u32 v3, $0x3100  }
0x50: {  	v5 =	vsub.s32 v5, v2;
	vm9 =	vlt.u32 v4, $0x3100;
	v3 =	vsel vm0, v3, v0  }
0x51: {  	vm10 =	vlt.u32 v5, $0x3100;
	[tilespmem:$0x80] =	vst v3;
	v3 =	vsel vm9, v4, v0;
	v4 =	vsub.s32 v6, v2  }
0x52: {  	[tilespmem:$0x90] =	vst v3;
	v3 =	vsel vm10, v5, v0;
	vm11 =	vlt.u32 v4, $0x3100;
	v5 =	vsub.s32 v7, v2  }
0x53: {  	[tilespmem:$0xA0] =	vst v3;
	v3 =	vsel vm11, v4, v0;
	vm12 =	vlt.u32 v5, $0x3100;
	v4 =	vsub.s32 v8, v2  }
0x54: {  	[tilespmem:$0xB0] =	vst v3;
	v3 =	vsel vm12, v5, v0;
	vm13 =	vlt.u32 v4, $0x3100;
	v5 =	vsub.s32 v9, v2  }
0x55: {  	[tilespmem:$0xC0] =	vst v3;
	v3 =	vsel vm13, v4, v0;
	vm14 =	vlt.u32 v5, $0x3100  }
0x56: {  	[tilespmem:$0xD0] =	vst v3;
	v3 =	vsel vm14, v5, v0  }
0x57: {  	[tilespmem:$0xE0] =	vst v3  }
0x58: {  	[tilespmem:s19], [sflag:$0x1] =	stream.indirect.gather [hbm4b:s4+s21], $0x80, s3, s21, $0xb8;
	[tilespmem:$0x1FE00] =	vst v63  }
0x59: {  	_ = 	snop  }
0x5a: {  	[tilespmem:s22], [sflag:$0x3] =	stream.linear.gather [hbm4b:s16+s3], $0x100, $0x38;
	[tilespmem:$0x1FE00] =	vst v63  }
0x5b: {  	_ =	swait.ge [sflag:s20], $0x100  }
0x5c: {  	[sflag:s20] =	ssyncset.done $0x0  }
0x5d: {  	[sflag:s20] =	ssyncadd.s32 $0xFFFFFF00  }
0x5e: {  	v3 =	vld [tilespmem:$0x180]  }
0x5f: {  	v4 =	vld [tilespmem:$0x190]  }
0x60: {  	v5 =	vld [tilespmem:$0x1A0]  }
0x61: {  	v6 =	vld [tilespmem:$0x1B0]  }
0x62: {  	v7 =	vld [tilespmem:$0x1C0]  }
0x63: {  	v8 =	vld [tilespmem:$0x1D0];
	v3 =	vsub.s32 v3, v2  }
0x64: {  	v62 =	vld [tilespmem:$0x1E0];
	v4 =	vsub.s32 v4, v2;
	vm15 =	vlt.u32 v3, $0x3100  }
0x65: {  	v5 =	vsub.s32 v5, v2;
	vm4 =	vlt.u32 v4, $0x3100;
	v3 =	vsel vm15, v3, v0  }
0x66: {  	vm5 =	vlt.u32 v5, $0x3100;
	[tilespmem:$0x180] =	vst v3;
	v3 =	vsel vm4, v4, v0;
	v4 =	vsub.s32 v6, v2  }
0x67: {  	[tilespmem:$0x190] =	vst v3;
	v3 =	vsel vm5, v5, v0;
	vm6 =	vlt.u32 v4, $0x3100;
	v5 =	vsub.s32 v7, v2  }
0x68: {  	[tilespmem:$0x1A0] =	vst v3;
	v3 =	vsel vm6, v4, v0;
	vm7 =	vlt.u32 v5, $0x3100;
	v4 =	vsub.s32 v8, v2  }
0x69: {  	[tilespmem:$0x1B0] =	vst v3;
	v3 =	vsel vm7, v5, v0;
	vm8 =	vlt.u32 v4, $0x3100;
	v5 =	vsub.s32 v62, v2  }
0x6a: {  	[tilespmem:$0x1C0] =	vst v3;
	v3 =	vsel vm8, v4, v0;
	vm9 =	vlt.u32 v5, $0x3100  }
0x6b: {  	[tilespmem:$0x1D0] =	vst v3;
	v3 =	vsel vm9, v5, v0  }
0x6c: {  	[tilespmem:$0x1E0] =	vst v3  }
0x6d: {  	[tilespmem:s23], [sflag:$0x2] =	stream.indirect.gather [hbm4b:s4+s21], $0x80, s22, s21, $0xb8;
	[tilespmem:$0x1FE00] =	vst v63  }
0x6e: {  	_ =	swait.ge [sflag:s25], $0x3800  }
0x6f: {  	[sflag:s25] =	ssyncset.done $0x0  }
0x70: {  	[sflag:s25] =	ssyncadd.s32 $0xFFFFC800  }
0x71: {  	[spmem:s2] =	stream.indirect.scatter.add.f32 [tilespmem:s19], [sflag:$0x3], $0x80, s26, s21, $0xb8;
	[tilespmem:$0x1FE00] =	vst v63  }
0x72: {  	_ =	swait.ge [sflag:s20], $0x3800  }
0x73: {  	s0 =	sadd.s32 $0xFFFFF240, s15;
	[sflag:s20] =	ssyncset.done $0x0  }
0x74: {  	s30 =	sadd.s32 $0xE00, s0;
	[sflag:s20] =	ssyncadd.s32 $0xFFFFC800  }
0x75: {  	[tilespmem:s3], [sflag:$0x3] =	stream.linear.gather [hbm4b:s30+s3], $0x100, $0x38;
	[tilespmem:$0x1FE00] =	vst v63  }
0x76: {  	_ =	swait.ge [sflag:s20], $0x100  }
0x77: {  	[sflag:s20] =	ssyncset.done $0x0  }
0x78: {  	[sflag:s20] =	ssyncadd.s32 $0xFFFFFF00  }
0x79: {  	v3 =	vld [tilespmem:$0xE0]  }
0x7a: {  	v4 =	vld [tilespmem:$0xB0]  }
0x7b: {  	v6 =	vld [tilespmem:$0xA0]  }
0x7c: {  	v5 =	vld [tilespmem:$0xD0]  }
0x7d: {  	v7 =	vld [tilespmem:$0x90]  }
0x7e: {  	v8 =	vld [tilespmem:$0x80];
	v3 =	vsub.s32 v3, v2  }
0x7f: {  	v63 =	vld [tilespmem:$0xC0];
	v4 =	vsub.s32 v4, v2;
	vm10 =	vlt.u32 v3, $0x3100  }
0x80: {  	v6 =	vsub.s32 v6, v2;
	vm1 =	vlt.u32 v4, $0x3100;
	v3 =	vsel vm10, v3, v0  }
0x81: {  	v5 =	vsub.s32 v5, v2;
	vm12 =	vlt.u32 v6, $0x3100;
	v4 =	vsel vm1, v4, v0;
	[tilespmem:$0xE0] =	vst v3  }
0x82: {  	vm11 =	vlt.u32 v5, $0x3100;
	v6 =	vsel vm12, v6, v0;
	v3 =	vsub.s32 v7, v2;
	[tilespmem:$0xB0] =	vst v4  }
0x83: {  	v4 =	vsel vm11, v5, v0;
	v5 =	vsub.s32 v8, v2;
	[tilespmem:$0xA0] =	vst v6;
	vm13 =	vlt.u32 v3, $0x3100  }
0x84: {  	[tilespmem:$0xD0] =	vst v4;
	vm14 =	vlt.u32 v5, $0x3100;
	v4 =	vsub.s32 v63, v2;
	v3 =	vsel vm13, v3, v0  }
0x85: {  	v5 =	vsel vm14, v5, v0;
	vm15 =	vlt.u32 v4, $0x3100;
	[tilespmem:$0x90] =	vst v3  }
0x86: {  	[tilespmem:$0x80] =	vst v5;
	v3 =	vsel vm15, v4, v0  }
0x87: {  	[tilespmem:$0xC0] =	vst v3  }
0x88: {  	[tilespmem:s19], [sflag:$0x1] =	stream.indirect.gather [hbm4b:s4+s21], $0x80, s3, s21, $0xb8;
	[tilespmem:$0x1FE00] =	vst v63  }
0x89: {  	_ =	swait.ge [sflag:s28], $0x3800  }
0x8a: {  	[sflag:s28] =	ssyncset.done $0x0  }
0x8b: {  	[sflag:s28] =	ssyncadd.s32 $0xFFFFC800  }
0x8c: {  	[spmem:s2] =	stream.indirect.scatter.add.f32 [tilespmem:s23], [sflag:$0x3], $0x80, s29, s21, $0xb8;
	[tilespmem:$0x1FE00] =	vst v63  }
0x8d: {  	_ =	swait.ge [sflag:s20], $0x3800  }
0x8e: {  	[sflag:s20] =	ssyncset.done $0x0  }
0x8f: {  	s0 =	sadd.s32 $0xE20, s0;
	[sflag:s20] =	ssyncadd.s32 $0xFFFFC800  }
0x90: {  	[tilespmem:s22], [sflag:$0x3] =	stream.linear.gather [hbm4b:s0+s3], $0x100, $0x38;
	[tilespmem:$0x1FE00] =	vst v63  }
0x91: {  	_ =	swait.ge [sflag:s20], $0x100  }
0x92: {  	[sflag:s20] =	ssyncset.done $0x0  }
0x93: {  	[sflag:s20] =	ssyncadd.s32 $0xFFFFFF00  }
0x94: {  	v7 =	vld [tilespmem:$0x190]  }
0x95: {  	v3 =	vld [tilespmem:$0x1D0]  }
0x96: {  	v6 =	vld [tilespmem:$0x1A0]  }
0x97: {  	v5 =	vld [tilespmem:$0x1B0]  }
0x98: {  	s0 =	simm.s32 $0xFFFFF280;
	v4 =	vld [tilespmem:$0x1C0]  }
.LBB2_5:
0x99: {  	p1 =	sne.s32 s0, $0xFFFFFFC0;
	v8 =	vld [tilespmem:$0x180];
	s18 =	smov.u32 s0;
	s0 =	sadd.s32 $0x40, s0  }
0x9a: {  	v7 =	vsub.s32 v7, v2;
	v3 =	vsub.s32 v3, v2;
	v9 =	vld [tilespmem:$0x1E0]  }
0x9b: {  	vm0 =	vlt.u32 v7, $0x3100;
	v6 =	vsub.s32 v6, v2;
	vm1 =	vlt.u32 v3, $0x3100  }
0x9c: {  	v7 =	vsel vm0, v7, v0;
	vm0 =	vlt.u32 v6, $0x3100;
	v5 =	vsub.s32 v5, v2  }
0x9d: {  	[tilespmem:$0x190] =	vst v7;
	v6 =	vsel vm0, v6, v0;
	vm0 =	vlt.u32 v5, $0x3100;
	v4 =	vsub.s32 v4, v2  }
0x9e: {  	v7 =	vsub.s32 v8, v2;
	[tilespmem:$0x1A0] =	vst v6;
	v5 =	vsel vm0, v5, v0;
	vm0 =	vlt.u32 v4, $0x3100  }
0x9f: {  	vm2 =	vlt.u32 v7, $0x3100;
	[tilespmem:$0x1B0] =	vst v5;
	v4 =	vsel vm0, v4, v0;
	v5 =	vsub.s32 v9, v2  }
0xa0: {  	v3 =	vsel vm1, v3, v0;
	v6 =	vsel vm2, v7, v0;
	[tilespmem:$0x1C0] =	vst v4;
	vm0 =	vlt.u32 v5, $0x3100  }
0xa1: {  	[tilespmem:$0x180] =	vst v6;
	v4 =	vsel vm0, v5, v0  }
0xa2: {  	[tilespmem:$0x1E0] =	vst v4  }
0xa3: {  	[tilespmem:$0x1D0] =	vst v3  }
0xa4: {  	[tilespmem:s23], [sflag:$0x2] =	stream.indirect.gather [hbm4b:s4+s21], $0x80, s22, s21, $0xb8;
	[tilespmem:$0x1FE00] =	vst v63  }
0xa5: {  	_ =	swait.ge [sflag:s25], $0x3800  }
0xa6: {  	[sflag:s25] =	ssyncset.done $0x0  }
0xa7: {  	[sflag:s25] =	ssyncadd.s32 $0xFFFFC800  }
0xa8: {  	[spmem:s2] =	stream.indirect.scatter.add.f32 [tilespmem:s19], [sflag:$0x3], $0x80, s26, s21, $0xb8;
	[tilespmem:$0x1FE00] =	vst v63  }
0xa9: {  	_ =	swait.ge [sflag:s20], $0x3800  }
0xaa: {  	s18 =	sadd.s32 s18, s15;
	[sflag:s20] =	ssyncset.done $0x0  }
0xab: {  	s30 =	sadd.s32 $0xE00, s18;
	[sflag:s20] =	ssyncadd.s32 $0xFFFFC800  }
0xac: {  	[tilespmem:s3], [sflag:$0x3] =	stream.linear.gather [hbm4b:s30+s3], $0x100, $0x38;
	[tilespmem:$0x1FE00] =	vst v63  }
0xad: {  	_ =	swait.ge [sflag:s20], $0x100  }
0xae: {  	[sflag:s20] =	ssyncset.done $0x0  }
0xaf: {  	[sflag:s20] =	ssyncadd.s32 $0xFFFFFF00  }
0xb0: {  	v3 =	vld [tilespmem:$0xE0]  }
0xb1: {  	v4 =	vld [tilespmem:$0xB0]  }
0xb2: {  	v5 =	vld [tilespmem:$0xD0]  }
0xb3: {  	v6 =	vld [tilespmem:$0xA0]  }
0xb4: {  	v7 =	vld [tilespmem:$0x90]  }
0xb5: {  	v8 =	vld [tilespmem:$0x80];
	v3 =	vsub.s32 v3, v2  }
0xb6: {  	v4 =	vsub.s32 v4, v2;
	v9 =	vld [tilespmem:$0xC0];
	vm0 =	vlt.u32 v3, $0x3100  }
0xb7: {  	vm1 =	vlt.u32 v4, $0x3100;
	v5 =	vsub.s32 v5, v2;
	v3 =	vsel vm0, v3, v0  }
0xb8: {  	v6 =	vsub.s32 v6, v2;
	v4 =	vsel vm1, v4, v0;
	vm0 =	vlt.u32 v5, $0x3100;
	[tilespmem:$0xE0] =	vst v3  }
0xb9: {  	v3 =	vsub.s32 v7, v2;
	vm1 =	vlt.u32 v6, $0x3100;
	[tilespmem:$0xB0] =	vst v4;
	v4 =	vsel vm0, v5, v0  }
0xba: {  	v5 =	vsub.s32 v8, v2;
	vm0 =	vlt.u32 v3, $0x3100;
	v6 =	vsel vm1, v6, v0;
	[tilespmem:$0xD0] =	vst v4  }
0xbb: {  	vm1 =	vlt.u32 v5, $0x3100;
	v3 =	vsel vm0, v3, v0;
	[tilespmem:$0xA0] =	vst v6;
	v4 =	vsub.s32 v9, v2  }
0xbc: {  	v5 =	vsel vm1, v5, v0;
	[tilespmem:$0x90] =	vst v3;
	vm0 =	vlt.u32 v4, $0x3100  }
0xbd: {  	[tilespmem:$0x80] =	vst v5;
	v3 =	vsel vm0, v4, v0  }
0xbe: {  	[tilespmem:$0xC0] =	vst v3  }
0xbf: {  	[tilespmem:s19], [sflag:$0x1] =	stream.indirect.gather [hbm4b:s4+s21], $0x80, s3, s21, $0xb8;
	[tilespmem:$0x1FE00] =	vst v63  }
0xc0: {  	_ =	swait.ge [sflag:s28], $0x3800  }
0xc1: {  	[sflag:s28] =	ssyncset.done $0x0  }
0xc2: {  	[sflag:s28] =	ssyncadd.s32 $0xFFFFC800  }
0xc3: {  	[spmem:s2] =	stream.indirect.scatter.add.f32 [tilespmem:s23], [sflag:$0x3], $0x80, s29, s21, $0xb8;
	[tilespmem:$0x1FE00] =	vst v63  }
0xc4: {  	_ =	swait.ge [sflag:s20], $0x3800  }
0xc5: {  	[sflag:s20] =	ssyncset.done $0x0  }
0xc6: {  	s18 =	sadd.s32 $0xE20, s18;
	[sflag:s20] =	ssyncadd.s32 $0xFFFFC800  }
0xc7: {  	[tilespmem:s22], [sflag:$0x3] =	stream.linear.gather [hbm4b:s18+s3], $0x100, $0x38;
	[tilespmem:$0x1FE00] =	vst v63  }
0xc8: {  	_ =	swait.ge [sflag:s20], $0x100  }
0xc9: {  	[sflag:s20] =	ssyncset.done $0x0  }
0xca: {  	[sflag:s20] =	ssyncadd.s32 $0xFFFFFF00  }
.Ltmp1:
0xcb: {  	v7 =	vld [tilespmem:$0x190];
	(pc) =	sbr.rel @p1 .LBB2_5-.Ltmp1, $4  }
0xcc: {  	v3 =	vld [tilespmem:$0x1D0]  }
0xcd: {  	v6 =	vld [tilespmem:$0x1A0]  }
0xce: {  	v5 =	vld [tilespmem:$0x1B0]  }
0xcf: {  	v4 =	vld [tilespmem:$0x1C0]  }
0xd0: {  	v8 =	vld [tilespmem:$0x180]  }
0xd1: {  	v9 =	vld [tilespmem:$0x1E0]  }
0xd2: {  	v7 =	vsub.s32 v7, v2;
	v6 =	vsub.s32 v6, v2  }
0xd3: {  	vm0 =	vlt.u32 v7, $0x3100;
	vm11 =	vlt.u32 v6, $0x3100  }
0xd4: {  	v7 =	vsel vm0, v7, v0;
	v5 =	vsub.s32 v5, v2;
	v6 =	vsel vm11, v6, v0  }
0xd5: {  	[tilespmem:$0x190] =	vst v7;
	vm12 =	vlt.u32 v5, $0x3100;
	v4 =	vsub.s32 v4, v2;
	v62 =	vsub.s32 v8, v2  }
0xd6: {  	[tilespmem:$0x1A0] =	vst v6;
	v5 =	vsel vm12, v5, v0;
	vm13 =	vlt.u32 v4, $0x3100;
	v63 =	vsub.s32 v9, v2  }
0xd7: {  	v2 =	vsub.s32 v3, v2;
	vm1 =	vlt.u32 v62, $0x3100;
	[tilespmem:$0x1B0] =	vst v5;
	v4 =	vsel vm13, v4, v0  }
0xd8: {  	vm15 =	vlt.u32 v2, $0x3100;
	v3 =	vsel vm1, v62, v0;
	[tilespmem:$0x1C0] =	vst v4  }
0xd9: {  	vm14 =	vlt.u32 v63, $0x3100;
	v2 =	vsel vm15, v2, v0;
	[tilespmem:$0x180] =	vst v3  }
0xda: {  	v3 =	vsel vm14, v63, v0;
	[tilespmem:$0x1D0] =	vst v2  }
0xdb: {  	[tilespmem:$0x1E0] =	vst v3  }
0xdc: {  	[tilespmem:s23], [sflag:$0x2] =	stream.indirect.gather [hbm4b:s4+s21], $0x80, s22, s21, $0xb8;
	[tilespmem:$0x1FE00] =	vst v63  }
0xdd: {  	_ =	swait.ge [sflag:s25], $0x3800  }
0xde: {  	[sflag:s25] =	ssyncset.done $0x0  }
0xdf: {  	[sflag:s25] =	ssyncadd.s32 $0xFFFFC800  }
0xe0: {  	[spmem:s2] =	stream.indirect.scatter.add.f32 [tilespmem:s19], [sflag:$0x3], $0x80, s26, s21, $0xb8;
	[tilespmem:$0x1FE00] =	vst v63  }
0xe1: {  	_ =	swait.ge [sflag:s20], $0x3800  }
0xe2: {  	[sflag:s20] =	ssyncset.done $0x0  }
0xe3: {  	[sflag:s20] =	ssyncadd.s32 $0xFFFFC800  }
0xe4: {  	_ =	swait.ge [sflag:s28], $0x3800  }
0xe5: {  	[sflag:s28] =	ssyncset.done $0x0  }
0xe6: {  	[sflag:s28] =	ssyncadd.s32 $0xFFFFC800  }
0xe7: {  	[spmem:s2] =	stream.indirect.scatter.add.f32 [tilespmem:s23], [sflag:$0x3], $0x80, s29, s21, $0xb8;
	[tilespmem:$0x1FE00] =	vst v63  }
0xe8: {  	_ =	swait.ge [sflag:s20], $0x3800  }
0xe9: {  	s0 =	sadd.s32 s17, s31;
	[sflag:s20] =	ssyncset.done $0x0  }
0xea: {  	s18 =	sshll.u32 s1, $0x6;
	s0 =	sshll.u32 s0, $0x4;
	[sflag:s20] =	ssyncadd.s32 $0xFFFFC800  }
0xeb: {  	s18 =	sor.u32 $0x1C03, s18;
	s0 =	sadd.s32 s5, s0;
	[bflag:$0x0] =	sbarrier.arrive $0xFFFF  }
0xec: {  	[hbm:s0], [sflag:s18] =	dma.local [spmem:s24], $0x3100  }
.Ltmp2:
0xed: {  	_ =	swait.ge [sflag:s20], $0x3100;
	(pc) =	sbr.rel @p0 .LBB2_2-.Ltmp2, $4  }
0xee: {  	[sflag:s20] =	ssyncset.done $0x0  }
0xef: {  	[sflag:s20] =	ssyncadd.s32 $0xFFFFCF00  }
0xf0: {  	[bflag:$0x0] =	sbarrier.arrive $0xFFFF  }
0xf1: {  	p1 =	por $0x0, $0x0;
	s0 =	simm.s32 $0x1  }
0xf2: {  	s18 =	rddreg [dreg:$0x4]  }
0xf3: {  	s0 =	rddreg [dreg:$0x3];
	s18 =	sadd.s32 $0x1, s18  }
0xf4: {  	p0 =	sne.s32 s18, s0  }
.Ltmp3:
0xf5: {  	_ = 	snop;
	(pc) =	sbr.rel @p0 .LBB2_1-.Ltmp3, $1  }
0xf6: {  	_ =	sdelay $0x3  }
0xf7: {  	_ =	sfence.sel $0x180000  }
0xf8: {  	[bflag:$0x0] =	sbarrier.arrive $0xFFFF  }
0xf9: {  	_ =	strace $0x9000004A  }
0xfa: {  	[bflag:$0x2] =	sbarrier.arrive $0xFFFF  }
0xfb: {  	p0 =	sne.s32 s1, $0x0;
	s0 =	rddreg [dreg:$0x2]  }
0xfc: {  	s0 =	sadd.s32 @!p0 $0x100000, s0  }
0xfd: {  	[sflag:s0] =	ssyncadd.tile.s32 @!p0 $0x1;
	_ =	shalt  }
.Lfunc_end2:
_tile_overlayer_lowered:
.L_overlay_start_2:
0xfe: {  	(tag) =	ssettag $0x2  }
0xff: {  	s0 =	rddreg [dreg:$0x0];
	s2 =	stileid.u32  }
0x100: {  	s1 =	rddreg [dreg:$0x1];
	p0 =	sne.s32 s2, $0x0  }
0x101: {  	s3 =	rddreg [dreg:$0x2];
	[bflag:$0x3] =	sbarrier.arrive $0xFFFF;
	s2 =	simm.s32 @!p0 $0x1C03  }
0x102: {  	[timem:s3], [sflag:s2] =	dma.local @!p0 [hbm:s0], s1  }
0x103: {  	s0 =	simm.s32 @!p0 $0x3  }
0x104: {  	_ =	swait.ge @!p0 [sflag:s0], s1  }
0x105: {  	s1 =	ssub.s32 @!p0 $0x0, s1;
	[sflag:s0] =	ssyncset.done @!p0 $0x0  }
0x106: {  	[sflag:s0] =	ssyncadd.s32 @!p0 s1  }
0x107: {  	[bflag:$0x3] =	sbarrier.arrive $0xFFFF  }
0x108: {  	_ =	shalt  }

// kernel: kernel.16.cloned.1.call-start
scs
__scs_entry_jumppad:
0x0: {  	(pc) =	sbr.rel $0x88, $3  }
0x1: {  	(tag) =	ssettag $0x0;
	lr =	simm.s32 $0x1  }
0x2: {  	[smem:$0x3F85] =	sst lr;
	_ =	strace $0xD0000000  }
0x3: {  	_ = 	snop  }
0x4: {  	_ = 	snop  }
0x5: {  	_ = 	snop  }
0x6: {  	_ = 	snop  }
0x7: {  	_ = 	snop  }
__scs_overlays_trampoline_lowered:
0x8: {  	[smem:$0x3F94] =	sst s0  }
0x9: {  	[smem:$0x3F95] =	sst s1  }
0xa: {  	[smem:$0x3F96] =	sst s2  }
0xb: {  	[smem:$0x3F97] =	sst s3  }
0xc: {  	[smem:$0x3F98] =	sst s4  }
0xd: {  	[smem:$0x3F99] =	sst s5  }
0xe: {  	[smem:$0x3F9A] =	sst s6  }
0xf: {  	[smem:$0x3F9B] =	sst s7  }
0x10: {  	[smem:$0x3F9C] =	sst s8  }
0x11: {  	[smem:$0x3F9D] =	sst s9;
	s0 =	simm.s32 @!p0 $0x0  }
0x12: {  	s1 =	sld [smem:$0x3F83];
	s0 =	simm.s32 @p0 $0x1  }
0x13: {  	[smem:$0x3F9E] =	sst s0;
	s0 =	simm.s32 @!p1 $0x0  }
0x14: {  	s2 =	sld [smem:$0x3F82];
	s0 =	simm.s32 @p1 $0x1  }
0x15: {  	[smem:$0x3F9F] =	sst s0;
	s0 =	simm.s32 @!p2 $0x0  }
0x16: {  	s3 =	sld [smem:$0x3FDB];
	s0 =	simm.s32 @p2 $0x1  }
0x17: {  	s4 =	simm.s32 $0x1BF5;
	[smem:$0x3FA1] =	sst s0  }
0x18: {  	s0 =	sld [smem:$0x3F84];
	_ =	swait.ge [sflag:s4], $0x0  }
0x19: {  	s7 =	sld [smem:$0x3F85]  }
0x1a: {  	s8 =	sadd.s32 $0xFFFFE003, lr  }
0x1b: {  	s9 =	sadd.s32 $0xFFFFFEF7, lr;
	s5 =	simm.s32 $0xFFFFFFFF;
	p2 =	slt.u32 s8, $0xFFFFF086  }
0x1c: {  	p1 =	slt.u32 s9, $0xF7A;
	s5 =	simm.s32 @!p2 $0x0  }
0x1d: {  	s5 =	simm.s32 @p1 $0x1;
	p0 =	seq.s32 s7, s2  }
0x1e: {  	s7 =	smul.u32 @!p0 $0xF7A, s2;
	p2 =	seq.s32 @!p0 s5, $0x0  }
0x1f: {  	s9 =	smul.u32 $0xF7A, s1;
	s8 =	simm.s32 @!p0 $0x1BF5;
	p2 =	por !p2, p0  }
0x20: {  	[sflag:s8] =	ssyncset.s32 @!p0 $0xFFFFF086;
	s6 =	sadd.s32 @!p0 s3, s7;
	s7 =	simm.s32 @!p0 $0x108  }
0x21: {  	s3 =	sadd.s32 s3, s9;
	s6 =	sadd.s32 @!p0 $0x88, s6;
	s7 =	simm.s32 @p2 $0x1082  }
0x22: {  	[simem:s7], [sflag:s8] =	dma.local @!p0 [hbm:s6], $0xF7A  }
0x23: {  	s9 =	sor.u32 $0xD0000000, s2;
	s6 =	simm.s32 $0x108;
	_ =	swait.ge @!p0 [sflag:s8], $0x0  }
0x24: {  	s3 =	sadd.s32 $0x88, s3;
	s6 =	simm.s32 @!p1 $0x1082;
	[sflag:s4] =	ssyncset.s32 $0xFFFFF086  }
0x25: {  	[simem:s6], [sflag:s4] =	dma.local [hbm:s3], $0xF7A  }
0x26: {  	[smem:$0x3F85] =	sst s1;
	(tag) =	ssettag s2;
	_ =	strace s9  }
0x27: {  	s1 =	sld [smem:$0x3F95]  }
0x28: {  	s2 =	sld [smem:$0x3F96]  }
0x29: {  	s4 =	sld [smem:$0x3F98]  }
0x2a: {  	p0 =	seq.s32 s5, $0x0;
	s5 =	sld [smem:$0x3F99]  }
0x2b: {  	s6 =	sld [smem:$0x3F9A]  }
0x2c: {  	s7 =	sld [smem:$0x3F9B]  }
0x2d: {  	s3 =	simm.s32 $0x108;
	s8 =	sld [smem:$0x3F9C]  }
0x2e: {  	s3 =	simm.s32 @!p0 $0x1082;
	s9 =	sld [smem:$0x3F9D]  }
0x2f: {  	lr =	sadd.s32 s0, s3;
	s0 =	sld [smem:$0x3F94]  }
0x30: {  	s3 =	sld [smem:$0x3F97]  }
0x31: {  	[smem:$0x3FA0] =	sst s10  }
0x32: {  	s10 =	sld [smem:$0x3F9E];
	_ =	sdelay $0x3  }
0x33: {  	p0 =	seq.s32 s10, $0x1;
	s10 =	sld [smem:$0x3FA0];
	_ =	sdelay $0x3  }
0x34: {  	[smem:$0x3FA0] =	sst s10  }
0x35: {  	s10 =	sld [smem:$0x3F9F];
	_ =	sdelay $0x3  }
0x36: {  	p1 =	seq.s32 s10, $0x1;
	s10 =	sld [smem:$0x3FA0];
	_ =	sdelay $0x3  }
0x37: {  	[smem:$0x3FA0] =	sst s10  }
0x38: {  	s10 =	sld [smem:$0x3FA1]  }
0x39: {  	_ = 	snop;
	(pc) =	sbr.ind lr, $3  }
0x3a: {  	_ = 	snop  }
0x3b: {  	_ = 	snop  }
0x3c: {  	p2 =	seq.s32 s10, $0x1;
	s10 =	sld [smem:$0x3FA0]  }
0x3d: {  	_ =	shalt  }
0x3e: {  	_ =	shalt  }
0x3f: {  	_ =	shalt  }
0x40: {  	_ =	shalt  }
0x41: {  	_ =	shalt  }
0x42: {  	_ =	shalt  }
0x43: {  	_ =	shalt  }
0x44: {  	_ =	shalt  }
0x45: {  	_ =	shalt  }
0x46: {  	_ =	shalt  }
0x47: {  	_ =	shalt  }
0x48: {  	_ =	shalt  }
0x49: {  	_ =	shalt  }
0x4a: {  	_ =	shalt  }
0x4b: {  	_ =	shalt  }
0x4c: {  	_ =	shalt  }
0x4d: {  	_ =	shalt  }
0x4e: {  	_ =	shalt  }
0x4f: {  	_ =	shalt  }
0x50: {  	_ =	shalt  }
0x51: {  	_ =	shalt  }
0x52: {  	_ =	shalt  }
0x53: {  	_ =	shalt  }
0x54: {  	_ =	shalt  }
0x55: {  	_ =	shalt  }
0x56: {  	_ =	shalt  }
0x57: {  	_ =	shalt  }
0x58: {  	_ =	shalt  }
0x59: {  	_ =	shalt  }
0x5a: {  	_ =	shalt  }
0x5b: {  	_ =	shalt  }
0x5c: {  	_ =	shalt  }
0x5d: {  	_ =	shalt  }
0x5e: {  	_ =	shalt  }
0x5f: {  	_ =	shalt  }
0x60: {  	_ =	shalt  }
0x61: {  	_ =	shalt  }
0x62: {  	_ =	shalt  }
0x63: {  	_ =	shalt  }
0x64: {  	_ =	shalt  }
0x65: {  	_ =	shalt  }
0x66: {  	_ =	shalt  }
0x67: {  	_ =	shalt  }
0x68: {  	_ =	shalt  }
0x69: {  	_ =	shalt  }
0x6a: {  	_ =	shalt  }
0x6b: {  	_ =	shalt  }
0x6c: {  	_ =	shalt  }
0x6d: {  	_ =	shalt  }
0x6e: {  	_ =	shalt  }
0x6f: {  	_ =	shalt  }
0x70: {  	_ =	shalt  }
0x71: {  	_ =	shalt  }
0x72: {  	_ =	shalt  }
0x73: {  	_ =	shalt  }
0x74: {  	_ =	shalt  }
0x75: {  	_ =	shalt  }
0x76: {  	_ =	shalt  }
0x77: {  	_ =	shalt  }
0x78: {  	_ =	shalt  }
0x79: {  	_ =	shalt  }
0x7a: {  	_ =	shalt  }
0x7b: {  	_ =	shalt  }
0x7c: {  	_ =	shalt  }
0x7d: {  	_ =	shalt  }
0x7e: {  	_ =	shalt  }
0x7f: {  	_ =	shalt  }
0x80: {  	_ =	shalt  }
0x81: {  	_ =	shalt  }
0x82: {  	_ =	shalt  }
0x83: {  	_ =	shalt  }
0x84: {  	_ =	shalt  }
0x85: {  	_ =	shalt  }
0x86: {  	_ =	shalt  }
0x87: {  	_ =	shalt  }
.Lfunc_end0:
.L_simem_size_0:
called_computation.2_lowered:
.L_overlay_start_0:
0x88: {  	s2 =	sld [smem:$0x3FD9]  }
0x89: {  	s3 =	sld [smem:$0x3FFE];
	_ =	sdelay $0x1  }
0x8a: {  	s1 =	srdreg.scid  }
0x8b: {  	s0 =	sand.u32 $0x1, s1  }
0x8c: {  	s16 =	sshll.u32 s0, $0xA;
	s2 =	sadd.s32 s3, s2  }
0x8d: {  	s2 =	sadd.s32 s2, s16  }
0x8e: {  	[smem:$0x3FAC] =	sst s2  }
0x8f: {  	_ = 	snop  }
0x90: {  	(tm) =	ssettm $0x1  }
0x91: {  	s17 =	sld [smem:$0x3FFB];
	_ =	sdelay $0x3  }
0x92: {  	_ =	strace s17  }
0x93: {  	s2 =	sld [smem:$0x3FFC];
	_ =	sdelay $0x3  }
0x94: {  	_ =	strace s2  }
0x95: {  	s2 =	sld [smem:$0x3FFD];
	_ =	sdelay $0x3  }
0x96: {  	_ =	strace s2  }
0x97: {  	_ =	strace $0x8FFFFFFF  }
0x98: {  	s18 =	sld [smem:$0x3FDB];
	_ =	sdelay $0x1  }
0x99: {  	s19 =	simm.s32 $_scs_section_size  }
0x9a: {  	s4 =	simm.s32 $_size__tile_overlayer_lowered;
	s5 =	simm.s32 $_tile_overlayer_lowered  }
0x9b: {  	s22 =	simm.s32 $0x1BFF;
	s21 =	sshll.u32 s5, $0x1;
	s2 =	sadd.s32 s19, s18  }
0x9c: {  	s6 =	simm.s32 $0x0;
	s20 =	sshll.u32 s4, $0x1;
	s4 =	sadd.s32 s21, s2  }
0x9d: {  	[timem:s6], [sflag:s22] =	dma.local [hbm:s4], s20  }
0x9e: {  	_ =	swait.ge [sflag:s22], s20  }
0x9f: {  	s3 =	ssub.s32 $0x0, s20;
	[sflag:s22] =	ssyncset.done $0x0  }
0xa0: {  	[sflag:s22] =	ssyncadd.s32 s3;
	_ =	sdelay $0x1  }
0xa1: {  	s23 =	simm.s32 $0x1B8B  }
0xa2: {  	_ =	swait.ge [sflag:s23], $0x1  }
0xa3: {  	[sflag:s23] =	ssyncset.done $0x0  }
0xa4: {  	s25 =	simm.s32 $0x1B8E;
	s24 =	sld [smem:$0x3FFE];
	[sflag:s23] =	ssyncadd.s32 $0xFFFFFFFF  }
0xa5: {  	s26 =	simm.s32 $execute0_lowered;
	[smem:$0x3FD2] =	sst s25  }
0xa6: {  	s4 =	sshll.u32 s26, $0x1;
	_ =	strace $0x8000004C;
	[dreg:$0x1] =	wrdreg $0xFFFFFFFF  }
0xa7: {  	s28 =	simm.s32 $_size_execute0_lowered;
	s2 =	sadd.s32 s2, s4;
	[dreg:$0x0] =	wrdreg $0x0  }
0xa8: {  	s4 =	sshll.u32 s28, $0x1;
	[dreg:$0x2] =	wrdreg s2  }
0xa9: {  	[dreg:$0x3] =	wrdreg s4  }
0xaa: {  	[dreg:$0x4] =	wrdreg $0xC0  }
0xab: {  	_ =	task [dreg:s6], $0x5FFFF  }
0xac: {  	[dreg:$0x1] =	wrdreg $0xFFFFFFFF  }
0xad: {  	[dreg:$0x0] =	wrdreg $0x60  }
0xae: {  	[dreg:$0x2] =	wrdreg s24  }
0xaf: {  	[dreg:$0x3] =	wrdreg $0x72000  }
0xb0: {  	[dreg:$0x4] =	wrdreg $0x9  }
0xb1: {  	_ =	task.clear_ibuf [dreg:s6], $0x5FFFF;
	_ =	strace $0x9000004C  }
0xb2: {  	s29 =	simm.s32 $0x9;
	_ =	strace $0x8000004E  }
0xb3: {  	_ =	swait.ge [sflag:s29], $0x1  }
0xb4: {  	[sflag:s29] =	ssyncadd.s32 $0xFFFFFFFF  }
0xb5: {  	_ =	strace $0x9000004E  }
0xb6: {  	_ =	sfence  }
0xb7: {  	s30 =	sld [smem:$0x0];
	_ =	sdelay $0x2  }
0xb8: {  	s31 =	sshll.u32 s1, $0xD;
	s1 =	sshrl.u32 s1, $0x2  }
0xb9: {  	s3 =	sand.u32 $0x4000, s31;
	s1 =	sadd.s32 s1, s30  }
0xba: {  	s0 =	sor.u32 s3, s0;
	s1 =	sshll.u32 s1, $0x11  }
0xbb: {  	s0 =	sor.u32 s1, s0  }
0xbc: {  	s0 =	sadd.s32 $0x8F2B, s0  }
0xbd: {  	[sflag:s0] =	ssyncadd.remote.s32 $0x1  }
0xbe: {  	_ =	sfence.sel $0xFFFF  }
0xbf: {  	[dreg:$0x0] =	wrdreg $0xFFFFFFFF;
	(pc) =	sbr.abs _section_cstart, $3  }
0xc0: {  	[dreg:$0x1] =	wrdreg $0xFFFFFFFF  }
0xc1: {  	_ =	task.clear_ibuf [dreg:s6], $0x2FFFF;
	_ =	strace $0x9FFFFFFF  }
0xc2: {  	(tm) =	ssettm $0x7FFFFFFF  }
0xc3: {  	_ =	shalt  }
tec
execute0_lowered:
.L_overlay_start_1:
0x0: {  	(tag) =	ssettag $0x1  }
0x1: {  	s0 =	rddreg [dreg:$0x0]  }
0x2: {  	s2 =	rddreg [dreg:$0x1]  }
0x3: {  	s3 =	simm.s32 $0x0;
	s1 =	stileid.u32;
	s5 =	srdreg.scid  }
0x4: {  	s19 =	simm.s32 $0x200;
	s20 =	simm.s32 $0x3;
	s21 =	simm.s32 $0x70  }
0x5: {  	s22 =	simm.s32 $0x100;
	s23 =	simm.s32 $0x3A00;
	s25 =	simm.s32 $0x1  }
0x6: {  	s26 =	simm.s32 $0x80;
	s28 =	simm.s32 $0x2;
	s4 =	smul.u32 $0xE00, s1  }
0x7: {  	s29 =	simm.s32 $0x180;
	[smem:$0x7FF] =	sst s3;
	s7 =	smul.u32 $0x63000, s1  }
0x8: {  	s6 =	sand.u32 $0x1, s5;
	s5 =	sadd.s32 $0x11600, s0;
	s17 =	smul.u32 $0x62000, s1  }
0x9: {  	s18 =	sshll.u32 s1, $0x3;
	_ =	strace $0x8000004D;
	s8 =	ssub.s32 $0x2, s6  }
0xa: {  	v0 =	vlaneseq.u32;
	s6 =	sshll.u32 s6, $0x1;
	s18 =	sor.u32 $0x3100, s18;
	s16 =	sadd.s32 s4, s0  }
0xb: {  	v0 =	vand.u32 $0x7, v0;
	s4 =	sadd.s32 $0xD5600, s0;
	s31 =	sshrl.u32 s8, $0x1;
	s7 =	sshrl.u32 s7, $0x2  }
0xc: {  	s17 =	sshrl.u32 s17, $0x2;
	v0 =	vor.u32 s18, v0;
	s18 =	simm.s32 $0x0;
	s0 =	ssub.s32 s8, s31  }
0xd: {  	s7 =	sadd.s32 s7, s2;
	s15 =	sadd.s32 $0x3600, s16;
	s16 =	sadd.s32 $0x3620, s16  }
0xe: {  	s24 =	sadd.s32 s17, s2;
	s17 =	smul.u32 $0x310, s1;
	s8 =	sadd.s32 $0x3800, s7  }
0xf: {  	s9 =	sadd.s32 $0x7000, s7;
	s10 =	sadd.s32 $0xA800, s7;
	s11 =	sadd.s32 $0xE000, s7  }
0x10: {  	s12 =	sadd.s32 $0x11800, s7;
	s13 =	sadd.s32 $0x15000, s7;
	s0 =	smax.u32 s0, $0x1  }
0x11: {  	v1 =	vimm.f32 $0.0e+00;
	s14 =	sadd.s32 $0x18800, s7;
	s24 =	sshrl.u32 s24, $0x3;
	[dreg:$0x3] =	wrdreg s0  }
.LBB2_1:
0x12: {  	[dreg:$0x4] =	wrdreg s18;
	p1 =	por $0x1, $0x1;
	s0 =	simm.s32 $0x0  }
.LBB2_2:
0x13: {  	p0 =	por p1, p1;
	s18 =	simm.s32 $0x0;
	s31 =	simm.s32 $0x200  }
.LBB2_3:
0x14: {  	p1 =	sne.s32 s31, $0xDE00;
	[tilespmem:s18+$0x270] =	vst v1  }
0x15: {  	[tilespmem:s18+$0x200] =	vst v1  }
0x16: {  	[tilespmem:s18+$0x210] =	vst v1  }
.Ltmp0:
0x17: {  	[tilespmem:s18+$0x220] =	vst v1;
	(pc) =	sbr.rel @p1 .LBB2_3-.Ltmp0, $4  }
0x18: {  	[tilespmem:s18+$0x230] =	vst v1  }
0x19: {  	[tilespmem:s18+$0x240] =	vst v1  }
0x1a: {  	[tilespmem:s18+$0x250] =	vst v1  }
0x1b: {  	[tilespmem:s18+$0x260] =	vst v1;
	s18 =	sshra.s32 s31, $0x2;
	s31 =	sadd.s32 $0x200, s31  }
0x1c: {  	[tilespmem:s18+$0x270] =	vst v1  }
0x1d: {  	[tilespmem:s18+$0x200] =	vst v1  }
0x1e: {  	[tilespmem:s18+$0x210] =	vst v1  }
0x1f: {  	[tilespmem:s18+$0x220] =	vst v1  }
0x20: {  	[tilespmem:s18+$0x230] =	vst v1  }
0x21: {  	[tilespmem:s18+$0x240] =	vst v1  }
0x22: {  	[tilespmem:s18+$0x250] =	vst v1  }
0x23: {  	[tilespmem:s18+$0x260] =	vst v1  }
0x24: {  	[spmem:s7] =	stream.linear.scatter [tilespmem:s19], [sflag:$0x3], $0x3800, $0x38;
	[tilespmem:$0x1FE00] =	vst v63  }
0x25: {  	_ =	swait.ge [sflag:s20], $0x3800  }
0x26: {  	[sflag:s20] =	ssyncset.done $0x0  }
0x27: {  	[sflag:s20] =	ssyncadd.s32 $0xFFFFC800  }
0x28: {  	[spmem:s8] =	stream.linear.scatter [tilespmem:s19], [sflag:$0x3], $0x3800, $0x38;
	[tilespmem:$0x1FE00] =	vst v63  }
0x29: {  	_ =	swait.ge [sflag:s20], $0x3800  }
0x2a: {  	[sflag:s20] =	ssyncset.done $0x0  }
0x2b: {  	[sflag:s20] =	ssyncadd.s32 $0xFFFFC800  }
0x2c: {  	[spmem:s9] =	stream.linear.scatter [tilespmem:s19], [sflag:$0x3], $0x3800, $0x38;
	[tilespmem:$0x1FE00] =	vst v63  }
0x2d: {  	_ =	swait.ge [sflag:s20], $0x3800  }
0x2e: {  	[sflag:s20] =	ssyncset.done $0x0  }
0x2f: {  	[sflag:s20] =	ssyncadd.s32 $0xFFFFC800  }
0x30: {  	[spmem:s10] =	stream.linear.scatter [tilespmem:s19], [sflag:$0x3], $0x3800, $0x38;
	[tilespmem:$0x1FE00] =	vst v63  }
0x31: {  	_ =	swait.ge [sflag:s20], $0x3800  }
0x32: {  	[sflag:s20] =	ssyncset.done $0x0  }
0x33: {  	[sflag:s20] =	ssyncadd.s32 $0xFFFFC800  }
0x34: {  	[spmem:s11] =	stream.linear.scatter [tilespmem:s19], [sflag:$0x3], $0x3800, $0x38;
	[tilespmem:$0x1FE00] =	vst v63  }
0x35: {  	_ =	swait.ge [sflag:s20], $0x3800  }
0x36: {  	[sflag:s20] =	ssyncset.done $0x0  }
0x37: {  	[sflag:s20] =	ssyncadd.s32 $0xFFFFC800  }
0x38: {  	[spmem:s12] =	stream.linear.scatter [tilespmem:s19], [sflag:$0x3], $0x3800, $0x38;
	[tilespmem:$0x1FE00] =	vst v63  }
0x39: {  	_ =	swait.ge [sflag:s20], $0x3800  }
0x3a: {  	[sflag:s20] =	ssyncset.done $0x0  }
0x3b: {  	[sflag:s20] =	ssyncadd.s32 $0xFFFFC800  }
0x3c: {  	[spmem:s13] =	stream.linear.scatter [tilespmem:s19], [sflag:$0x3], $0x3800, $0x38;
	[tilespmem:$0x1FE00] =	vst v63  }
0x3d: {  	_ =	swait.ge [sflag:s20], $0x3800  }
0x3e: {  	[sflag:s20] =	ssyncset.done $0x0  }
0x3f: {  	[sflag:s20] =	ssyncadd.s32 $0xFFFFC800  }
0x40: {  	[spmem:s14] =	stream.linear.scatter [tilespmem:s19], [sflag:$0x3], $0x400, $0x38;
	[tilespmem:$0x1FE00] =	vst v63  }
0x41: {  	_ =	swait.ge [sflag:s20], $0x400  }
0x42: {  	[sflag:s20] =	ssyncset.done $0x0  }
0x43: {  	[sflag:s20] =	ssyncadd.s32 $0xFFFFFC00  }
0x44: {  	[bflag:$0x0] =	sbarrier.arrive $0xFFFF  }
0x45: {  	[tilespmem:s3], [sflag:$0x3] =	stream.linear.gather [hbm4b:s15+s3], $0x100, $0x38;
	[tilespmem:$0x1FE00] =	vst v63  }
0x46: {  	_ =	swait.ge [sflag:s20], $0x100  }
0x47: {  	[sflag:s20] =	ssyncset.done $0x0  }
0x48: {  	[sflag:s20] =	ssyncadd.s32 $0xFFFFFF00  }
0x49: {  	v3 =	vld [tilespmem:$0x80]  }
0x4a: {  	s0 =	sor.u32 s6, s0;
	v4 =	vld [tilespmem:$0x90]  }
0x4b: {  	s31 =	smul.u32 $0x3100, s0;
	v5 =	vld [tilespmem:$0xA0]  }
0x4c: {  	v6 =	vld [tilespmem:$0xB0]  }
0x4d: {  	v2 =	vmov s31;
	v7 =	vld [tilespmem:$0xC0]  }
0x4e: {  	v8 =	vld [tilespmem:$0xD0];
	v3 =	vsub.s32 v3, v2  }
0x4f: {  	v9 =	vld [tilespmem:$0xE0];
	v4 =	vsub.s32 v4, v2;
	vm0 =	vlt.u32 v3, $0x3100  }
0x50: {  	v5 =	vsub.s32 v5, v2;
	vm9 =	vlt.u32 v4, $0x3100;
	v3 =	vsel vm0, v3, v0  }
0x51: {  	vm10 =	vlt.u32 v5, $0x3100;
	[tilespmem:$0x80] =	vst v3;
	v3 =	vsel vm9, v4, v0;
	v4 =	vsub.s32 v6, v2  }
0x52: {  	[tilespmem:$0x90] =	vst v3;
	v3 =	vsel vm10, v5, v0;
	vm11 =	vlt.u32 v4, $0x3100;
	v5 =	vsub.s32 v7, v2  }
0x53: {  	[tilespmem:$0xA0] =	vst v3;
	v3 =	vsel vm11, v4, v0;
	vm12 =	vlt.u32 v5, $0x3100;
	v4 =	vsub.s32 v8, v2  }
0x54: {  	[tilespmem:$0xB0] =	vst v3;
	v3 =	vsel vm12, v5, v0;
	vm13 =	vlt.u32 v4, $0x3100;
	v5 =	vsub.s32 v9, v2  }
0x55: {  	[tilespmem:$0xC0] =	vst v3;
	v3 =	vsel vm13, v4, v0;
	vm14 =	vlt.u32 v5, $0x3100  }
0x56: {  	[tilespmem:$0xD0] =	vst v3;
	v3 =	vsel vm14, v5, v0  }
0x57: {  	[tilespmem:$0xE0] =	vst v3  }
0x58: {  	[tilespmem:s19], [sflag:$0x1] =	stream.indirect.gather [hbm4b:s4+s21], $0x80, s3, s21, $0xb8;
	[tilespmem:$0x1FE00] =	vst v63  }
0x59: {  	_ = 	snop  }
0x5a: {  	[tilespmem:s22], [sflag:$0x3] =	stream.linear.gather [hbm4b:s16+s3], $0x100, $0x38;
	[tilespmem:$0x1FE00] =	vst v63  }
0x5b: {  	_ =	swait.ge [sflag:s20], $0x100  }
0x5c: {  	[sflag:s20] =	ssyncset.done $0x0  }
0x5d: {  	[sflag:s20] =	ssyncadd.s32 $0xFFFFFF00  }
0x5e: {  	v3 =	vld [tilespmem:$0x180]  }
0x5f: {  	v4 =	vld [tilespmem:$0x190]  }
0x60: {  	v5 =	vld [tilespmem:$0x1A0]  }
0x61: {  	v6 =	vld [tilespmem:$0x1B0]  }
0x62: {  	v7 =	vld [tilespmem:$0x1C0]  }
0x63: {  	v8 =	vld [tilespmem:$0x1D0];
	v3 =	vsub.s32 v3, v2  }
0x64: {  	v62 =	vld [tilespmem:$0x1E0];
	v4 =	vsub.s32 v4, v2;
	vm15 =	vlt.u32 v3, $0x3100  }
0x65: {  	v5 =	vsub.s32 v5, v2;
	vm4 =	vlt.u32 v4, $0x3100;
	v3 =	vsel vm15, v3, v0  }
0x66: {  	vm5 =	vlt.u32 v5, $0x3100;
	[tilespmem:$0x180] =	vst v3;
	v3 =	vsel vm4, v4, v0;
	v4 =	vsub.s32 v6, v2  }
0x67: {  	[tilespmem:$0x190] =	vst v3;
	v3 =	vsel vm5, v5, v0;
	vm6 =	vlt.u32 v4, $0x3100;
	v5 =	vsub.s32 v7, v2  }
0x68: {  	[tilespmem:$0x1A0] =	vst v3;
	v3 =	vsel vm6, v4, v0;
	vm7 =	vlt.u32 v5, $0x3100;
	v4 =	vsub.s32 v8, v2  }
0x69: {  	[tilespmem:$0x1B0] =	vst v3;
	v3 =	vsel vm7, v5, v0;
	vm8 =	vlt.u32 v4, $0x3100;
	v5 =	vsub.s32 v62, v2  }
0x6a: {  	[tilespmem:$0x1C0] =	vst v3;
	v3 =	vsel vm8, v4, v0;
	vm9 =	vlt.u32 v5, $0x3100  }
0x6b: {  	[tilespmem:$0x1D0] =	vst v3;
	v3 =	vsel vm9, v5, v0  }
0x6c: {  	[tilespmem:$0x1E0] =	vst v3  }
0x6d: {  	[tilespmem:s23], [sflag:$0x2] =	stream.indirect.gather [hbm4b:s4+s21], $0x80, s22, s21, $0xb8;
	[tilespmem:$0x1FE00] =	vst v63  }
0x6e: {  	_ =	swait.ge [sflag:s25], $0x3800  }
0x6f: {  	[sflag:s25] =	ssyncset.done $0x0  }
0x70: {  	[sflag:s25] =	ssyncadd.s32 $0xFFFFC800  }
0x71: {  	[spmem:s2] =	stream.indirect.scatter.add.f32 [tilespmem:s19], [sflag:$0x3], $0x80, s26, s21, $0xb8;
	[tilespmem:$0x1FE00] =	vst v63  }
0x72: {  	_ =	swait.ge [sflag:s20], $0x3800  }
0x73: {  	s0 =	sadd.s32 $0xFFFFF240, s15;
	[sflag:s20] =	ssyncset.done $0x0  }
0x74: {  	s30 =	sadd.s32 $0xE00, s0;
	[sflag:s20] =	ssyncadd.s32 $0xFFFFC800  }
0x75: {  	[tilespmem:s3], [sflag:$0x3] =	stream.linear.gather [hbm4b:s30+s3], $0x100, $0x38;
	[tilespmem:$0x1FE00] =	vst v63  }
0x76: {  	_ =	swait.ge [sflag:s20], $0x100  }
0x77: {  	[sflag:s20] =	ssyncset.done $0x0  }
0x78: {  	[sflag:s20] =	ssyncadd.s32 $0xFFFFFF00  }
0x79: {  	v3 =	vld [tilespmem:$0xE0]  }
0x7a: {  	v4 =	vld [tilespmem:$0xB0]  }
0x7b: {  	v6 =	vld [tilespmem:$0xA0]  }
0x7c: {  	v5 =	vld [tilespmem:$0xD0]  }
0x7d: {  	v7 =	vld [tilespmem:$0x90]  }
0x7e: {  	v8 =	vld [tilespmem:$0x80];
	v3 =	vsub.s32 v3, v2  }
0x7f: {  	v63 =	vld [tilespmem:$0xC0];
	v4 =	vsub.s32 v4, v2;
	vm10 =	vlt.u32 v3, $0x3100  }
0x80: {  	v6 =	vsub.s32 v6, v2;
	vm1 =	vlt.u32 v4, $0x3100;
	v3 =	vsel vm10, v3, v0  }
0x81: {  	v5 =	vsub.s32 v5, v2;
	vm12 =	vlt.u32 v6, $0x3100;
	v4 =	vsel vm1, v4, v0;
	[tilespmem:$0xE0] =	vst v3  }
0x82: {  	vm11 =	vlt.u32 v5, $0x3100;
	v6 =	vsel vm12, v6, v0;
	v3 =	vsub.s32 v7, v2;
	[tilespmem:$0xB0] =	vst v4  }
0x83: {  	v4 =	vsel vm11, v5, v0;
	v5 =	vsub.s32 v8, v2;
	[tilespmem:$0xA0] =	vst v6;
	vm13 =	vlt.u32 v3, $0x3100  }
0x84: {  	[tilespmem:$0xD0] =	vst v4;
	vm14 =	vlt.u32 v5, $0x3100;
	v4 =	vsub.s32 v63, v2;
	v3 =	vsel vm13, v3, v0  }
0x85: {  	v5 =	vsel vm14, v5, v0;
	vm15 =	vlt.u32 v4, $0x3100;
	[tilespmem:$0x90] =	vst v3  }
0x86: {  	[tilespmem:$0x80] =	vst v5;
	v3 =	vsel vm15, v4, v0  }
0x87: {  	[tilespmem:$0xC0] =	vst v3  }
0x88: {  	[tilespmem:s19], [sflag:$0x1] =	stream.indirect.gather [hbm4b:s4+s21], $0x80, s3, s21, $0xb8;
	[tilespmem:$0x1FE00] =	vst v63  }
0x89: {  	_ =	swait.ge [sflag:s28], $0x3800  }
0x8a: {  	[sflag:s28] =	ssyncset.done $0x0  }
0x8b: {  	[sflag:s28] =	ssyncadd.s32 $0xFFFFC800  }
0x8c: {  	[spmem:s2] =	stream.indirect.scatter.add.f32 [tilespmem:s23], [sflag:$0x3], $0x80, s29, s21, $0xb8;
	[tilespmem:$0x1FE00] =	vst v63  }
0x8d: {  	_ =	swait.ge [sflag:s20], $0x3800  }
0x8e: {  	[sflag:s20] =	ssyncset.done $0x0  }
0x8f: {  	s0 =	sadd.s32 $0xE20, s0;
	[sflag:s20] =	ssyncadd.s32 $0xFFFFC800  }
0x90: {  	[tilespmem:s22], [sflag:$0x3] =	stream.linear.gather [hbm4b:s0+s3], $0x100, $0x38;
	[tilespmem:$0x1FE00] =	vst v63  }
0x91: {  	_ =	swait.ge [sflag:s20], $0x100  }
0x92: {  	[sflag:s20] =	ssyncset.done $0x0  }
0x93: {  	[sflag:s20] =	ssyncadd.s32 $0xFFFFFF00  }
0x94: {  	v7 =	vld [tilespmem:$0x190]  }
0x95: {  	v3 =	vld [tilespmem:$0x1D0]  }
0x96: {  	v6 =	vld [tilespmem:$0x1A0]  }
0x97: {  	v5 =	vld [tilespmem:$0x1B0]  }
0x98: {  	s0 =	simm.s32 $0xFFFFF280;
	v4 =	vld [tilespmem:$0x1C0]  }
.LBB2_5:
0x99: {  	p1 =	sne.s32 s0, $0xFFFFFFC0;
	v8 =	vld [tilespmem:$0x180];
	s18 =	smov.u32 s0;
	s0 =	sadd.s32 $0x40, s0  }
0x9a: {  	v7 =	vsub.s32 v7, v2;
	v3 =	vsub.s32 v3, v2;
	v9 =	vld [tilespmem:$0x1E0]  }
0x9b: {  	vm0 =	vlt.u32 v7, $0x3100;
	v6 =	vsub.s32 v6, v2;
	vm1 =	vlt.u32 v3, $0x3100  }
0x9c: {  	v7 =	vsel vm0, v7, v0;
	vm0 =	vlt.u32 v6, $0x3100;
	v5 =	vsub.s32 v5, v2  }
0x9d: {  	[tilespmem:$0x190] =	vst v7;
	v6 =	vsel vm0, v6, v0;
	vm0 =	vlt.u32 v5, $0x3100;
	v4 =	vsub.s32 v4, v2  }
0x9e: {  	v7 =	vsub.s32 v8, v2;
	[tilespmem:$0x1A0] =	vst v6;
	v5 =	vsel vm0, v5, v0;
	vm0 =	vlt.u32 v4, $0x3100  }
0x9f: {  	vm2 =	vlt.u32 v7, $0x3100;
	[tilespmem:$0x1B0] =	vst v5;
	v4 =	vsel vm0, v4, v0;
	v5 =	vsub.s32 v9, v2  }
0xa0: {  	v3 =	vsel vm1, v3, v0;
	v6 =	vsel vm2, v7, v0;
	[tilespmem:$0x1C0] =	vst v4;
	vm0 =	vlt.u32 v5, $0x3100  }
0xa1: {  	[tilespmem:$0x180] =	vst v6;
	v4 =	vsel vm0, v5, v0  }
0xa2: {  	[tilespmem:$0x1E0] =	vst v4  }
0xa3: {  	[tilespmem:$0x1D0] =	vst v3  }
0xa4: {  	[tilespmem:s23], [sflag:$0x2] =	stream.indirect.gather [hbm4b:s4+s21], $0x80, s22, s21, $0xb8;
	[tilespmem:$0x1FE00] =	vst v63  }
0xa5: {  	_ =	swait.ge [sflag:s25], $0x3800  }
0xa6: {  	[sflag:s25] =	ssyncset.done $0x0  }
0xa7: {  	[sflag:s25] =	ssyncadd.s32 $0xFFFFC800  }
0xa8: {  	[spmem:s2] =	stream.indirect.scatter.add.f32 [tilespmem:s19], [sflag:$0x3], $0x80, s26, s21, $0xb8;
	[tilespmem:$0x1FE00] =	vst v63  }
0xa9: {  	_ =	swait.ge [sflag:s20], $0x3800  }
0xaa: {  	s18 =	sadd.s32 s18, s15;
	[sflag:s20] =	ssyncset.done $0x0  }
0xab: {  	s30 =	sadd.s32 $0xE00, s18;
	[sflag:s20] =	ssyncadd.s32 $0xFFFFC800  }
0xac: {  	[tilespmem:s3], [sflag:$0x3] =	stream.linear.gather [hbm4b:s30+s3], $0x100, $0x38;
	[tilespmem:$0x1FE00] =	vst v63  }
0xad: {  	_ =	swait.ge [sflag:s20], $0x100  }
0xae: {  	[sflag:s20] =	ssyncset.done $0x0  }
0xaf: {  	[sflag:s20] =	ssyncadd.s32 $0xFFFFFF00  }
0xb0: {  	v3 =	vld [tilespmem:$0xE0]  }
0xb1: {  	v4 =	vld [tilespmem:$0xB0]  }
0xb2: {  	v5 =	vld [tilespmem:$0xD0]  }
0xb3: {  	v6 =	vld [tilespmem:$0xA0]  }
0xb4: {  	v7 =	vld [tilespmem:$0x90]  }
0xb5: {  	v8 =	vld [tilespmem:$0x80];
	v3 =	vsub.s32 v3, v2  }
0xb6: {  	v4 =	vsub.s32 v4, v2;
	v9 =	vld [tilespmem:$0xC0];
	vm0 =	vlt.u32 v3, $0x3100  }
0xb7: {  	vm1 =	vlt.u32 v4, $0x3100;
	v5 =	vsub.s32 v5, v2;
	v3 =	vsel vm0, v3, v0  }
0xb8: {  	v6 =	vsub.s32 v6, v2;
	v4 =	vsel vm1, v4, v0;
	vm0 =	vlt.u32 v5, $0x3100;
	[tilespmem:$0xE0] =	vst v3  }
0xb9: {  	v3 =	vsub.s32 v7, v2;
	vm1 =	vlt.u32 v6, $0x3100;
	[tilespmem:$0xB0] =	vst v4;
	v4 =	vsel vm0, v5, v0  }
0xba: {  	v5 =	vsub.s32 v8, v2;
	vm0 =	vlt.u32 v3, $0x3100;
	v6 =	vsel vm1, v6, v0;
	[tilespmem:$0xD0] =	vst v4  }
0xbb: {  	vm1 =	vlt.u32 v5, $0x3100;
	v3 =	vsel vm0, v3, v0;
	[tilespmem:$0xA0] =	vst v6;
	v4 =	vsub.s32 v9, v2  }
0xbc: {  	v5 =	vsel vm1, v5, v0;
	[tilespmem:$0x90] =	vst v3;
	vm0 =	vlt.u32 v4, $0x3100  }
0xbd: {  	[tilespmem:$0x80] =	vst v5;
	v3 =	vsel vm0, v4, v0  }
0xbe: {  	[tilespmem:$0xC0] =	vst v3  }
0xbf: {  	[tilespmem:s19], [sflag:$0x1] =	stream.indirect.gather [hbm4b:s4+s21], $0x80, s3, s21, $0xb8;
	[tilespmem:$0x1FE00] =	vst v63  }
0xc0: {  	_ =	swait.ge [sflag:s28], $0x3800  }
0xc1: {  	[sflag:s28] =	ssyncset.done $0x0  }
0xc2: {  	[sflag:s28] =	ssyncadd.s32 $0xFFFFC800  }
0xc3: {  	[spmem:s2] =	stream.indirect.scatter.add.f32 [tilespmem:s23], [sflag:$0x3], $0x80, s29, s21, $0xb8;
	[tilespmem:$0x1FE00] =	vst v63  }
0xc4: {  	_ =	swait.ge [sflag:s20], $0x3800  }
0xc5: {  	[sflag:s20] =	ssyncset.done $0x0  }
0xc6: {  	s18 =	sadd.s32 $0xE20, s18;
	[sflag:s20] =	ssyncadd.s32 $0xFFFFC800  }
0xc7: {  	[tilespmem:s22], [sflag:$0x3] =	stream.linear.gather [hbm4b:s18+s3], $0x100, $0x38;
	[tilespmem:$0x1FE00] =	vst v63  }
0xc8: {  	_ =	swait.ge [sflag:s20], $0x100  }
0xc9: {  	[sflag:s20] =	ssyncset.done $0x0  }
0xca: {  	[sflag:s20] =	ssyncadd.s32 $0xFFFFFF00  }
.Ltmp1:
0xcb: {  	v7 =	vld [tilespmem:$0x190];
	(pc) =	sbr.rel @p1 .LBB2_5-.Ltmp1, $4  }
0xcc: {  	v3 =	vld [tilespmem:$0x1D0]  }
0xcd: {  	v6 =	vld [tilespmem:$0x1A0]  }
0xce: {  	v5 =	vld [tilespmem:$0x1B0]  }
0xcf: {  	v4 =	vld [tilespmem:$0x1C0]  }
0xd0: {  	v8 =	vld [tilespmem:$0x180]  }
0xd1: {  	v9 =	vld [tilespmem:$0x1E0]  }
0xd2: {  	v7 =	vsub.s32 v7, v2;
	v6 =	vsub.s32 v6, v2  }
0xd3: {  	vm0 =	vlt.u32 v7, $0x3100;
	vm11 =	vlt.u32 v6, $0x3100  }
0xd4: {  	v7 =	vsel vm0, v7, v0;
	v5 =	vsub.s32 v5, v2;
	v6 =	vsel vm11, v6, v0  }
0xd5: {  	[tilespmem:$0x190] =	vst v7;
	vm12 =	vlt.u32 v5, $0x3100;
	v4 =	vsub.s32 v4, v2;
	v62 =	vsub.s32 v8, v2  }
0xd6: {  	[tilespmem:$0x1A0] =	vst v6;
	v5 =	vsel vm12, v5, v0;
	vm13 =	vlt.u32 v4, $0x3100;
	v63 =	vsub.s32 v9, v2  }
0xd7: {  	v2 =	vsub.s32 v3, v2;
	vm1 =	vlt.u32 v62, $0x3100;
	[tilespmem:$0x1B0] =	vst v5;
	v4 =	vsel vm13, v4, v0  }
0xd8: {  	vm15 =	vlt.u32 v2, $0x3100;
	v3 =	vsel vm1, v62, v0;
	[tilespmem:$0x1C0] =	vst v4  }
0xd9: {  	vm14 =	vlt.u32 v63, $0x3100;
	v2 =	vsel vm15, v2, v0;
	[tilespmem:$0x180] =	vst v3  }
0xda: {  	v3 =	vsel vm14, v63, v0;
	[tilespmem:$0x1D0] =	vst v2  }
0xdb: {  	[tilespmem:$0x1E0] =	vst v3  }
0xdc: {  	[tilespmem:s23], [sflag:$0x2] =	stream.indirect.gather [hbm4b:s4+s21], $0x80, s22, s21, $0xb8;
	[tilespmem:$0x1FE00] =	vst v63  }
0xdd: {  	_ =	swait.ge [sflag:s25], $0x3800  }
0xde: {  	[sflag:s25] =	ssyncset.done $0x0  }
0xdf: {  	[sflag:s25] =	ssyncadd.s32 $0xFFFFC800  }
0xe0: {  	[spmem:s2] =	stream.indirect.scatter.add.f32 [tilespmem:s19], [sflag:$0x3], $0x80, s26, s21, $0xb8;
	[tilespmem:$0x1FE00] =	vst v63  }
0xe1: {  	_ =	swait.ge [sflag:s20], $0x3800  }
0xe2: {  	[sflag:s20] =	ssyncset.done $0x0  }
0xe3: {  	[sflag:s20] =	ssyncadd.s32 $0xFFFFC800  }
0xe4: {  	_ =	swait.ge [sflag:s28], $0x3800  }
0xe5: {  	[sflag:s28] =	ssyncset.done $0x0  }
0xe6: {  	[sflag:s28] =	ssyncadd.s32 $0xFFFFC800  }
0xe7: {  	[spmem:s2] =	stream.indirect.scatter.add.f32 [tilespmem:s23], [sflag:$0x3], $0x80, s29, s21, $0xb8;
	[tilespmem:$0x1FE00] =	vst v63  }
0xe8: {  	_ =	swait.ge [sflag:s20], $0x3800  }
0xe9: {  	s0 =	sadd.s32 s17, s31;
	[sflag:s20] =	ssyncset.done $0x0  }
0xea: {  	s18 =	sshll.u32 s1, $0x6;
	s0 =	sshll.u32 s0, $0x4;
	[sflag:s20] =	ssyncadd.s32 $0xFFFFC800  }
0xeb: {  	s18 =	sor.u32 $0x1C03, s18;
	s0 =	sadd.s32 s5, s0;
	[bflag:$0x0] =	sbarrier.arrive $0xFFFF  }
0xec: {  	[hbm:s0], [sflag:s18] =	dma.local [spmem:s24], $0x3100  }
.Ltmp2:
0xed: {  	_ =	swait.ge [sflag:s20], $0x3100;
	(pc) =	sbr.rel @p0 .LBB2_2-.Ltmp2, $4  }
0xee: {  	[sflag:s20] =	ssyncset.done $0x0  }
0xef: {  	[sflag:s20] =	ssyncadd.s32 $0xFFFFCF00  }
0xf0: {  	[bflag:$0x0] =	sbarrier.arrive $0xFFFF  }
0xf1: {  	p1 =	por $0x0, $0x0;
	s0 =	simm.s32 $0x1  }
0xf2: {  	s18 =	rddreg [dreg:$0x4]  }
0xf3: {  	s0 =	rddreg [dreg:$0x3];
	s18 =	sadd.s32 $0x1, s18  }
0xf4: {  	p0 =	sne.s32 s18, s0  }
.Ltmp3:
0xf5: {  	_ = 	snop;
	(pc) =	sbr.rel @p0 .LBB2_1-.Ltmp3, $1  }
0xf6: {  	_ =	sdelay $0x3  }
0xf7: {  	_ =	sfence.sel $0x180000  }
0xf8: {  	[bflag:$0x0] =	sbarrier.arrive $0xFFFF  }
0xf9: {  	_ =	strace $0x9000004D  }
0xfa: {  	[bflag:$0x2] =	sbarrier.arrive $0xFFFF  }
0xfb: {  	p0 =	sne.s32 s1, $0x0;
	s0 =	rddreg [dreg:$0x2]  }
0xfc: {  	s0 =	sadd.s32 @!p0 $0x100000, s0  }
0xfd: {  	[sflag:s0] =	ssyncadd.tile.s32 @!p0 $0x1;
	_ =	shalt  }
.Lfunc_end2:
_tile_overlayer_lowered:
.L_overlay_start_2:
0xfe: {  	(tag) =	ssettag $0x2  }
0xff: {  	s0 =	rddreg [dreg:$0x0];
	s2 =	stileid.u32  }
0x100: {  	s1 =	rddreg [dreg:$0x1];
	p0 =	sne.s32 s2, $0x0  }
0x101: {  	s3 =	rddreg [dreg:$0x2];
	[bflag:$0x3] =	sbarrier.arrive $0xFFFF;
	s2 =	simm.s32 @!p0 $0x1C03  }
0x102: {  	[timem:s3], [sflag:s2] =	dma.local @!p0 [hbm:s0], s1  }
0x103: {  	s0 =	simm.s32 @!p0 $0x3  }
0x104: {  	_ =	swait.ge @!p0 [sflag:s0], s1  }
0x105: {  	s1 =	ssub.s32 @!p0 $0x0, s1;
	[sflag:s0] =	ssyncset.done @!p0 $0x0  }
0x106: {  	[sflag:s0] =	ssyncadd.s32 @!p0 s1  }
0x107: {  	[bflag:$0x3] =	sbarrier.arrive $0xFFFF  }
0x108: {  	_ =	shalt  }

// kernel: kernel.19.cloned.1.call-start
scs
__scs_entry_jumppad:
0x0: {  	(pc) =	sbr.rel $0x88, $3  }
0x1: {  	(tag) =	ssettag $0x0;
	lr =	simm.s32 $0x1  }
0x2: {  	[smem:$0x3F85] =	sst lr;
	_ =	strace $0xD0000000  }
0x3: {  	_ = 	snop  }
0x4: {  	_ = 	snop  }
0x5: {  	_ = 	snop  }
0x6: {  	_ = 	snop  }
0x7: {  	_ = 	snop  }
__scs_overlays_trampoline_lowered:
0x8: {  	[smem:$0x3F94] =	sst s0  }
0x9: {  	[smem:$0x3F95] =	sst s1  }
0xa: {  	[smem:$0x3F96] =	sst s2  }
0xb: {  	[smem:$0x3F97] =	sst s3  }
0xc: {  	[smem:$0x3F98] =	sst s4  }
0xd: {  	[smem:$0x3F99] =	sst s5  }
0xe: {  	[smem:$0x3F9A] =	sst s6  }
0xf: {  	[smem:$0x3F9B] =	sst s7  }
0x10: {  	[smem:$0x3F9C] =	sst s8  }
0x11: {  	[smem:$0x3F9D] =	sst s9;
	s0 =	simm.s32 @!p0 $0x0  }
0x12: {  	s1 =	sld [smem:$0x3F83];
	s0 =	simm.s32 @p0 $0x1  }
0x13: {  	[smem:$0x3F9E] =	sst s0;
	s0 =	simm.s32 @!p1 $0x0  }
0x14: {  	s2 =	sld [smem:$0x3F82];
	s0 =	simm.s32 @p1 $0x1  }
0x15: {  	[smem:$0x3F9F] =	sst s0;
	s0 =	simm.s32 @!p2 $0x0  }
0x16: {  	s3 =	sld [smem:$0x3FDB];
	s0 =	simm.s32 @p2 $0x1  }
0x17: {  	s4 =	simm.s32 $0x1BF5;
	[smem:$0x3FA1] =	sst s0  }
0x18: {  	s0 =	sld [smem:$0x3F84];
	_ =	swait.ge [sflag:s4], $0x0  }
0x19: {  	s7 =	sld [smem:$0x3F85]  }
0x1a: {  	s8 =	sadd.s32 $0xFFFFE003, lr  }
0x1b: {  	s9 =	sadd.s32 $0xFFFFFEF7, lr;
	s5 =	simm.s32 $0xFFFFFFFF;
	p2 =	slt.u32 s8, $0xFFFFF086  }
0x1c: {  	p1 =	slt.u32 s9, $0xF7A;
	s5 =	simm.s32 @!p2 $0x0  }
0x1d: {  	s5 =	simm.s32 @p1 $0x1;
	p0 =	seq.s32 s7, s2  }
0x1e: {  	s7 =	smul.u32 @!p0 $0xF7A, s2;
	p2 =	seq.s32 @!p0 s5, $0x0  }
0x1f: {  	s9 =	smul.u32 $0xF7A, s1;
	s8 =	simm.s32 @!p0 $0x1BF5;
	p2 =	por !p2, p0  }
0x20: {  	[sflag:s8] =	ssyncset.s32 @!p0 $0xFFFFF086;
	s6 =	sadd.s32 @!p0 s3, s7;
	s7 =	simm.s32 @!p0 $0x108  }
0x21: {  	s3 =	sadd.s32 s3, s9;
	s6 =	sadd.s32 @!p0 $0x88, s6;
	s7 =	simm.s32 @p2 $0x1082  }
0x22: {  	[simem:s7], [sflag:s8] =	dma.local @!p0 [hbm:s6], $0xF7A  }
0x23: {  	s9 =	sor.u32 $0xD0000000, s2;
	s6 =	simm.s32 $0x108;
	_ =	swait.ge @!p0 [sflag:s8], $0x0  }
0x24: {  	s3 =	sadd.s32 $0x88, s3;
	s6 =	simm.s32 @!p1 $0x1082;
	[sflag:s4] =	ssyncset.s32 $0xFFFFF086  }
0x25: {  	[simem:s6], [sflag:s4] =	dma.local [hbm:s3], $0xF7A  }
0x26: {  	[smem:$0x3F85] =	sst s1;
	(tag) =	ssettag s2;
	_ =	strace s9  }
0x27: {  	s1 =	sld [smem:$0x3F95]  }
0x28: {  	s2 =	sld [smem:$0x3F96]  }
0x29: {  	s4 =	sld [smem:$0x3F98]  }
0x2a: {  	p0 =	seq.s32 s5, $0x0;
	s5 =	sld [smem:$0x3F99]  }
0x2b: {  	s6 =	sld [smem:$0x3F9A]  }
0x2c: {  	s7 =	sld [smem:$0x3F9B]  }
0x2d: {  	s3 =	simm.s32 $0x108;
	s8 =	sld [smem:$0x3F9C]  }
0x2e: {  	s3 =	simm.s32 @!p0 $0x1082;
	s9 =	sld [smem:$0x3F9D]  }
0x2f: {  	lr =	sadd.s32 s0, s3;
	s0 =	sld [smem:$0x3F94]  }
0x30: {  	s3 =	sld [smem:$0x3F97]  }
0x31: {  	[smem:$0x3FA0] =	sst s10  }
0x32: {  	s10 =	sld [smem:$0x3F9E];
	_ =	sdelay $0x3  }
0x33: {  	p0 =	seq.s32 s10, $0x1;
	s10 =	sld [smem:$0x3FA0];
	_ =	sdelay $0x3  }
0x34: {  	[smem:$0x3FA0] =	sst s10  }
0x35: {  	s10 =	sld [smem:$0x3F9F];
	_ =	sdelay $0x3  }
0x36: {  	p1 =	seq.s32 s10, $0x1;
	s10 =	sld [smem:$0x3FA0];
	_ =	sdelay $0x3  }
0x37: {  	[smem:$0x3FA0] =	sst s10  }
0x38: {  	s10 =	sld [smem:$0x3FA1]  }
0x39: {  	_ = 	snop;
	(pc) =	sbr.ind lr, $3  }
0x3a: {  	_ = 	snop  }
0x3b: {  	_ = 	snop  }
0x3c: {  	p2 =	seq.s32 s10, $0x1;
	s10 =	sld [smem:$0x3FA0]  }
0x3d: {  	_ =	shalt  }
0x3e: {  	_ =	shalt  }
0x3f: {  	_ =	shalt  }
0x40: {  	_ =	shalt  }
0x41: {  	_ =	shalt  }
0x42: {  	_ =	shalt  }
0x43: {  	_ =	shalt  }
0x44: {  	_ =	shalt  }
0x45: {  	_ =	shalt  }
0x46: {  	_ =	shalt  }
0x47: {  	_ =	shalt  }
0x48: {  	_ =	shalt  }
0x49: {  	_ =	shalt  }
0x4a: {  	_ =	shalt  }
0x4b: {  	_ =	shalt  }
0x4c: {  	_ =	shalt  }
0x4d: {  	_ =	shalt  }
0x4e: {  	_ =	shalt  }
0x4f: {  	_ =	shalt  }
0x50: {  	_ =	shalt  }
0x51: {  	_ =	shalt  }
0x52: {  	_ =	shalt  }
0x53: {  	_ =	shalt  }
0x54: {  	_ =	shalt  }
0x55: {  	_ =	shalt  }
0x56: {  	_ =	shalt  }
0x57: {  	_ =	shalt  }
0x58: {  	_ =	shalt  }
0x59: {  	_ =	shalt  }
0x5a: {  	_ =	shalt  }
0x5b: {  	_ =	shalt  }
0x5c: {  	_ =	shalt  }
0x5d: {  	_ =	shalt  }
0x5e: {  	_ =	shalt  }
0x5f: {  	_ =	shalt  }
0x60: {  	_ =	shalt  }
0x61: {  	_ =	shalt  }
0x62: {  	_ =	shalt  }
0x63: {  	_ =	shalt  }
0x64: {  	_ =	shalt  }
0x65: {  	_ =	shalt  }
0x66: {  	_ =	shalt  }
0x67: {  	_ =	shalt  }
0x68: {  	_ =	shalt  }
0x69: {  	_ =	shalt  }
0x6a: {  	_ =	shalt  }
0x6b: {  	_ =	shalt  }
0x6c: {  	_ =	shalt  }
0x6d: {  	_ =	shalt  }
0x6e: {  	_ =	shalt  }
0x6f: {  	_ =	shalt  }
0x70: {  	_ =	shalt  }
0x71: {  	_ =	shalt  }
0x72: {  	_ =	shalt  }
0x73: {  	_ =	shalt  }
0x74: {  	_ =	shalt  }
0x75: {  	_ =	shalt  }
0x76: {  	_ =	shalt  }
0x77: {  	_ =	shalt  }
0x78: {  	_ =	shalt  }
0x79: {  	_ =	shalt  }
0x7a: {  	_ =	shalt  }
0x7b: {  	_ =	shalt  }
0x7c: {  	_ =	shalt  }
0x7d: {  	_ =	shalt  }
0x7e: {  	_ =	shalt  }
0x7f: {  	_ =	shalt  }
0x80: {  	_ =	shalt  }
0x81: {  	_ =	shalt  }
0x82: {  	_ =	shalt  }
0x83: {  	_ =	shalt  }
0x84: {  	_ =	shalt  }
0x85: {  	_ =	shalt  }
0x86: {  	_ =	shalt  }
0x87: {  	_ =	shalt  }
.Lfunc_end0:
.L_simem_size_0:
called_computation.3_lowered:
.L_overlay_start_0:
0x88: {  	s2 =	sld [smem:$0x3FD9]  }
0x89: {  	s3 =	sld [smem:$0x3FFE];
	_ =	sdelay $0x1  }
0x8a: {  	s1 =	srdreg.scid  }
0x8b: {  	s0 =	sand.u32 $0x1, s1  }
0x8c: {  	s17 =	sshll.u32 s0, $0xA;
	s2 =	sadd.s32 s3, s2  }
0x8d: {  	s2 =	sadd.s32 s2, s17  }
0x8e: {  	[smem:$0x3FAC] =	sst s2  }
0x8f: {  	_ = 	snop  }
0x90: {  	s2 =	sld [smem:$0x3FC6]  }
0x91: {  	s18 =	sld [smem:$0x3FC5];
	(tm) =	ssettm $0x1  }
0x92: {  	s4 =	sld [smem:$0x3FFB];
	_ =	sdelay $0x3  }
0x93: {  	_ =	strace s4  }
0x94: {  	s4 =	sld [smem:$0x3FFC];
	_ =	sdelay $0x3  }
0x95: {  	_ =	strace s4  }
0x96: {  	s4 =	sld [smem:$0x3FFD];
	_ =	sdelay $0x3  }
0x97: {  	_ =	strace s4  }
0x98: {  	_ =	strace $0x8FFFFFFF  }
0x99: {  	s19 =	sld [smem:$0x3FDB];
	_ =	sdelay $0x1  }
0x9a: {  	s5 =	simm.s32 $_scs_section_size  }
0x9b: {  	s6 =	simm.s32 $_size__tile_overlayer_lowered;
	s7 =	simm.s32 $_tile_overlayer_lowered  }
0x9c: {  	s22 =	simm.s32 $0x1BFF;
	s21 =	sshll.u32 s7, $0x1;
	s4 =	sadd.s32 s5, s19  }
0x9d: {  	s8 =	simm.s32 $0x0;
	s20 =	sshll.u32 s6, $0x1;
	s6 =	sadd.s32 s21, s4  }
0x9e: {  	[timem:s8], [sflag:s22] =	dma.local [hbm:s6], s20  }
0x9f: {  	_ =	swait.ge [sflag:s22], s20  }
0xa0: {  	s5 =	ssub.s32 $0x0, s20;
	[sflag:s22] =	ssyncset.done $0x0  }
0xa1: {  	[sflag:s22] =	ssyncadd.s32 s5;
	_ =	sdelay $0x1  }
0xa2: {  	s23 =	simm.s32 $0x1B8B  }
0xa3: {  	_ =	swait.ge [sflag:s23], $0x1  }
0xa4: {  	[sflag:s23] =	ssyncset.done $0x0  }
0xa5: {  	s25 =	simm.s32 $0x1B8E;
	s24 =	sld [smem:$0x3FFE];
	[sflag:s23] =	ssyncadd.s32 $0xFFFFFFFF  }
0xa6: {  	s26 =	simm.s32 $execute0_lowered;
	[smem:$0x3FD2] =	sst s25  }
0xa7: {  	s6 =	sshll.u32 s26, $0x1;
	_ =	strace $0x8000004F;
	[dreg:$0x1] =	wrdreg $0xFFFFFFFF  }
0xa8: {  	s28 =	simm.s32 $_size_execute0_lowered;
	s4 =	sadd.s32 s4, s6;
	[dreg:$0x0] =	wrdreg $0x0  }
0xa9: {  	s6 =	sshll.u32 s28, $0x1;
	[dreg:$0x2] =	wrdreg s4  }
0xaa: {  	[dreg:$0x3] =	wrdreg s6  }
0xab: {  	[dreg:$0x4] =	wrdreg $0xC0  }
0xac: {  	_ =	task [dreg:s8], $0x5FFFF  }
0xad: {  	[dreg:$0x1] =	wrdreg $0xFFFFFFFF  }
0xae: {  	[dreg:$0x0] =	wrdreg $0x60  }
0xaf: {  	[dreg:$0x2] =	wrdreg s24  }
0xb0: {  	[dreg:$0x3] =	wrdreg s2  }
0xb1: {  	[dreg:$0x4] =	wrdreg s18  }
0xb2: {  	[dreg:$0x5] =	wrdreg $0x91800  }
0xb3: {  	[dreg:$0x6] =	wrdreg $0x9  }
0xb4: {  	_ =	task.clear_ibuf [dreg:s8], $0x7FFFF;
	_ =	strace $0x9000004F  }
0xb5: {  	s29 =	simm.s32 $0x9;
	_ =	strace $0x80000051  }
0xb6: {  	_ =	swait.ge [sflag:s29], $0x1  }
0xb7: {  	[sflag:s29] =	ssyncadd.s32 $0xFFFFFFFF  }
0xb8: {  	_ =	strace $0x90000051  }
0xb9: {  	_ =	sfence  }
0xba: {  	s30 =	sld [smem:$0x0];
	_ =	sdelay $0x2  }
0xbb: {  	s31 =	sshll.u32 s1, $0xD;
	s1 =	sshrl.u32 s1, $0x2  }
0xbc: {  	s3 =	sand.u32 $0x4000, s31;
	s1 =	sadd.s32 s1, s30  }
0xbd: {  	s0 =	sor.u32 s3, s0;
	s1 =	sshll.u32 s1, $0x11  }
0xbe: {  	s0 =	sor.u32 s1, s0  }
0xbf: {  	s0 =	sadd.s32 $0x8F2B, s0  }
0xc0: {  	[sflag:s0] =	ssyncadd.remote.s32 $0x1  }
0xc1: {  	_ =	sfence.sel $0xFFFF  }
0xc2: {  	[dreg:$0x0] =	wrdreg $0xFFFFFFFF;
	(pc) =	sbr.abs _section_cstart, $3  }
0xc3: {  	[dreg:$0x1] =	wrdreg $0xFFFFFFFF  }
0xc4: {  	_ =	task.clear_ibuf [dreg:s8], $0x2FFFF;
	_ =	strace $0x9FFFFFFF  }
0xc5: {  	(tm) =	ssettm $0x7FFFFFFF  }
tec
execute0_lowered:
.L_overlay_start_1:
0x0: {  	(tag) =	ssettag $0x1  }
0x1: {  	s1 =	srdreg.scid  }
0x2: {  	s1 =	sand.u32 $0x1, s1  }
0x3: {  	s6 =	rddreg [dreg:$0x0];
	p0 =	seq.s32 s1, $0x1  }
.Ltmp0:
0x4: {  	s5 =	rddreg [dreg:$0x1];
	(pc) =	sbr.rel @p0 .LBB2_6-.Ltmp0, $4  }
0x5: {  	s4 =	rddreg [dreg:$0x2]  }
0x6: {  	s3 =	rddreg [dreg:$0x3];
	s2 =	simm.s32 $0x0  }
0x7: {  	[smem:$0x7FF] =	sst s2  }
0x8: {  	s0 =	rddreg [dreg:$0x4];
	_ =	strace $0x80000050;
	s1 =	stileid.u32  }
0x9: {  	s2 =	smul.u32 $0x11000, s1  }
0xa: {  	s14 =	sadd.s32 $0x19B000, s6;
	s9 =	smul.u32 $0xC40, s1  }
0xb: {  	s17 =	sadd.s32 $0x199600, s6;
	s7 =	sshll.u32 s1, $0xA;
	s19 =	smul.u32 $0xC400, s1  }
0xc: {  	s30 =	sshll.u32 s1, $0xE;
	s31 =	sshll.u32 s1, $0xB;
	s20 =	sshll.u32 s1, $0x3  }
0xd: {  	s10 =	sadd.s32 s7, s6;
	s7 =	sadd.s32 s5, s20;
	s5 =	sadd.s32 s4, s20  }
0xe: {  	s20 =	simm.s32 $0x200;
	s8 =	sshrl.u32 s2, $0x2;
	s2 =	sadd.s32 $0x3600, s6  }
0xf: {  	s25 =	sshrl.u32 s9, $0x3;
	s26 =	sadd.s32 $0x70, s9;
	s13 =	sadd.s32 s14, s19  }
0x10: {  	s6 =	sadd.s32 $0xB600, s10;
	s4 =	sadd.s32 $0xF600, s10;
	s10 =	simm.s32 $0x0  }
0x11: {  	s11 =	sadd.s32 s8, s3;
	s18 =	sadd.s32 s17, s25;
	s28 =	sshrl.u32 s26, $0x3  }
0x12: {  	s29 =	sshll.u32 s26, $0x4;
	s8 =	sadd.s32 s30, s3;
	s9 =	sadd.s32 s2, s31  }
0x13: {  	v0 =	vimm.f32 $0.0e+00;
	s12 =	sadd.s32 $0x3800, s11;
	s15 =	sadd.s32 s17, s28;
	s16 =	sadd.s32 s14, s29  }
.LBB2_2:
0x14: {  	p0 =	sne.s32 s20, $0xDE00;
	[tilespmem:s10+$0x170] =	vst v0  }
0x15: {  	[tilespmem:s10+$0x100] =	vst v0  }
0x16: {  	[tilespmem:s10+$0x110] =	vst v0  }
.Ltmp1:
0x17: {  	[tilespmem:s10+$0x120] =	vst v0;
	(pc) =	sbr.rel @p0 .LBB2_2-.Ltmp1, $4  }
0x18: {  	[tilespmem:s10+$0x130] =	vst v0  }
0x19: {  	[tilespmem:s10+$0x140] =	vst v0  }
0x1a: {  	[tilespmem:s10+$0x150] =	vst v0  }
0x1b: {  	[tilespmem:s10+$0x160] =	vst v0;
	s10 =	sshra.s32 s20, $0x2;
	s20 =	sadd.s32 $0x200, s20  }
0x1c: {  	[tilespmem:s10+$0x170] =	vst v0  }
0x1d: {  	[tilespmem:s10+$0x100] =	vst v0  }
0x1e: {  	[tilespmem:s10+$0x110] =	vst v0  }
0x1f: {  	[tilespmem:s10+$0x120] =	vst v0  }
0x20: {  	[tilespmem:s10+$0x130] =	vst v0  }
0x21: {  	[tilespmem:s10+$0x140] =	vst v0  }
0x22: {  	[tilespmem:s10+$0x150] =	vst v0  }
0x23: {  	[tilespmem:s10+$0x160] =	vst v0;
	s10 =	simm.s32 $0x100  }
0x24: {  	[spmem:s11] =	stream.linear.scatter [tilespmem:s10], [sflag:$0x3], $0x3800, $0x38;
	[tilespmem:$0xD580] =	vst v63  }
0x25: {  	s11 =	simm.s32 $0x3  }
0x26: {  	_ =	swait.ge [sflag:s11], $0x3800  }
0x27: {  	[sflag:s11] =	ssyncset.done $0x0  }
0x28: {  	[sflag:s11] =	ssyncadd.s32 $0xFFFFC800  }
0x29: {  	[spmem:s12] =	stream.linear.scatter [tilespmem:s10], [sflag:$0x3], $0xC00, $0x38;
	[tilespmem:$0xD580] =	vst v63  }
0x2a: {  	_ =	swait.ge [sflag:s11], $0xC00  }
0x2b: {  	[sflag:s11] =	ssyncset.done $0x0  }
0x2c: {  	[sflag:s11] =	ssyncadd.s32 $0xFFFFF400  }
0x2d: {  	s12 =	simm.s32 $0x0;
	[bflag:$0x0] =	sbarrier.arrive $0xFFFF  }
0x2e: {  	[tilespmem:s12], [sflag:$0x3] =	stream.linear.gather [hbm4b:s18+s12], $0x70, $0x38;
	[tilespmem:$0xD580] =	vst v63  }
0x2f: {  	_ =	swait.ge [sflag:s11], $0x70  }
0x30: {  	[sflag:s11] =	ssyncset.done $0x0  }
0x31: {  	[sflag:s11] =	ssyncadd.s32 $0xFFFFFF90  }
0x32: {  	[tilespmem:s10], [sflag:$0x1] =	stream.linear.gather [hbm4b:s13+s12], $0x3800, $0x38;
	[tilespmem:$0xD580] =	vst v63  }
0x33: {  	s13 =	simm.s32 $0x80  }
0x34: {  	[tilespmem:s13], [sflag:$0x3] =	stream.linear.gather [hbm4b:s15+s12], $0x70, $0x38;
	[tilespmem:$0xD580] =	vst v63  }
0x35: {  	_ =	swait.ge [sflag:s11], $0x70  }
0x36: {  	[sflag:s11] =	ssyncset.done $0x0  }
0x37: {  	s15 =	simm.s32 $0x3900;
	[sflag:s11] =	ssyncadd.s32 $0xFFFFFF90  }
0x38: {  	[tilespmem:s15], [sflag:$0x2] =	stream.linear.gather [hbm4b:s16+s12], $0x3800, $0x38;
	[tilespmem:$0xD580] =	vst v63  }
0x39: {  	s16 =	simm.s32 $0x1  }
0x3a: {  	_ =	swait.ge [sflag:s16], $0x3800  }
0x3b: {  	[sflag:s16] =	ssyncset.done $0x0  }
0x3c: {  	s20 =	smul.u32 $0x188, s1;
	s18 =	simm.s32 $0x70;
	[sflag:s16] =	ssyncadd.s32 $0xFFFFC800  }
0x3d: {  	[spmem:s3] =	stream.indirect.scatter.add.f32 [tilespmem:s10], [sflag:$0x3], $0x80, s12, s18, $0xb8;
	[tilespmem:$0xD580] =	vst v63  }
0x3e: {  	s17 =	sadd.s32 s20, s17;
	_ =	swait.ge [sflag:s11], $0x3800  }
0x3f: {  	s20 =	sadd.s32 $0x2A, s17;
	[sflag:s11] =	ssyncset.done $0x0  }
0x40: {  	s17 =	sadd.s32 $0xFFFFFFF2, s20;
	[sflag:s11] =	ssyncadd.s32 $0xFFFFC800  }
0x41: {  	[tilespmem:s12], [sflag:$0x3] =	stream.linear.gather [hbm4b:s17+s12], $0x70, $0x38;
	[tilespmem:$0xD580] =	vst v63  }
0x42: {  	s14 =	sadd.s32 s19, s14;
	_ =	swait.ge [sflag:s11], $0x70  }
0x43: {  	s21 =	sadd.s32 $0x0, s14;
	[sflag:s11] =	ssyncset.done $0x0  }
0x44: {  	s31 =	sadd.s32 $0xE00, s21;
	s17 =	simm.s32 $0x2;
	[sflag:s11] =	ssyncadd.s32 $0xFFFFFF90  }
0x45: {  	[tilespmem:s10], [sflag:$0x1] =	stream.linear.gather [hbm4b:s31+s12], $0x3800, $0x38;
	[tilespmem:$0xD580] =	vst v63  }
0x46: {  	_ =	swait.ge [sflag:s17], $0x3800  }
0x47: {  	[sflag:s17] =	ssyncset.done $0x0  }
0x48: {  	[sflag:s17] =	ssyncadd.s32 $0xFFFFC800  }
0x49: {  	[spmem:s3] =	stream.indirect.scatter.add.f32 [tilespmem:s15], [sflag:$0x3], $0x80, s13, s18, $0xb8;
	[tilespmem:$0xD580] =	vst v63  }
0x4a: {  	_ =	swait.ge [sflag:s11], $0x3800  }
0x4b: {  	[sflag:s11] =	ssyncset.done $0x0  }
0x4c: {  	[sflag:s11] =	ssyncadd.s32 $0xFFFFC800  }
0x4d: {  	[tilespmem:s13], [sflag:$0x3] =	stream.linear.gather [hbm4b:s20+s12], $0x70, $0x38;
	[tilespmem:$0xD580] =	vst v63  }
0x4e: {  	_ =	swait.ge [sflag:s11], $0x70  }
0x4f: {  	s19 =	simm.s32 $0xE00;
	[sflag:s11] =	ssyncset.done $0x0  }
0x50: {  	s21 =	sadd.s32 $0x1500, s21;
	s20 =	sadd.s32 $0x1C, s20;
	[sflag:s11] =	ssyncadd.s32 $0xFFFFFF90  }
.LBB2_4:
0x51: {  	[tilespmem:s15], [sflag:$0x2] =	stream.linear.gather [hbm4b:s21+s12], $0x3800, $0x38;
	[tilespmem:$0xD580] =	vst v63  }
0x52: {  	s21 =	smov.u32 s19  }
0x53: {  	p0 =	sne.s32 s19, $0xA800;
	s19 =	sadd.s32 $0xE00, s19;
	_ =	swait.ge [sflag:s16], $0x3800  }
0x54: {  	[sflag:s16] =	ssyncset.done $0x0  }
0x55: {  	[sflag:s16] =	ssyncadd.s32 $0xFFFFC800  }
0x56: {  	[spmem:s3] =	stream.indirect.scatter.add.f32 [tilespmem:s10], [sflag:$0x3], $0x80, s12, s18, $0xb8;
	[tilespmem:$0xD580] =	vst v63  }
0x57: {  	_ =	swait.ge [sflag:s11], $0x3800  }
0x58: {  	[sflag:s11] =	ssyncset.done $0x0  }
0x59: {  	s22 =	sadd.s32 $0xFFFFFFF2, s20;
	[sflag:s11] =	ssyncadd.s32 $0xFFFFC800  }
0x5a: {  	[tilespmem:s12], [sflag:$0x3] =	stream.linear.gather [hbm4b:s22+s12], $0x70, $0x38;
	[tilespmem:$0xD580] =	vst v63  }
0x5b: {  	_ =	swait.ge [sflag:s11], $0x70  }
0x5c: {  	s21 =	sadd.s32 s21, s14;
	[sflag:s11] =	ssyncset.done $0x0  }
0x5d: {  	s22 =	sadd.s32 $0xE00, s21;
	[sflag:s11] =	ssyncadd.s32 $0xFFFFFF90  }
0x5e: {  	[tilespmem:s10], [sflag:$0x1] =	stream.linear.gather [hbm4b:s22+s12], $0x3800, $0x38;
	[tilespmem:$0xD580] =	vst v63  }
0x5f: {  	_ =	swait.ge [sflag:s17], $0x3800  }
0x60: {  	[sflag:s17] =	ssyncset.done $0x0  }
0x61: {  	[sflag:s17] =	ssyncadd.s32 $0xFFFFC800  }
0x62: {  	[spmem:s3] =	stream.indirect.scatter.add.f32 [tilespmem:s15], [sflag:$0x3], $0x80, s13, s18, $0xb8;
	[tilespmem:$0xD580] =	vst v63  }
0x63: {  	_ =	swait.ge [sflag:s11], $0x3800  }
0x64: {  	[sflag:s11] =	ssyncset.done $0x0  }
.Ltmp2:
0x65: {  	[sflag:s11] =	ssyncadd.s32 $0xFFFFC800;
	(pc) =	sbr.rel @p0 .LBB2_4-.Ltmp2, $4  }
0x66: {  	[tilespmem:s13], [sflag:$0x3] =	stream.linear.gather [hbm4b:s20+s12], $0x70, $0x38;
	[tilespmem:$0xD580] =	vst v63  }
0x67: {  	_ =	swait.ge [sflag:s11], $0x70  }
0x68: {  	[sflag:s11] =	ssyncset.done $0x0  }
0x69: {  	s21 =	sadd.s32 $0x1500, s21;
	s20 =	sadd.s32 $0x1C, s20;
	[sflag:s11] =	ssyncadd.s32 $0xFFFFFF90  }
0x6a: {  	[tilespmem:s15], [sflag:$0x2] =	stream.linear.gather [hbm4b:s21+s12], $0x3800, $0x38;
	[tilespmem:$0xD580] =	vst v63  }
0x6b: {  	s10 =	simm.s32 $0x1  }
0x6c: {  	_ =	swait.ge [sflag:s10], $0x3800  }
0x6d: {  	s11 =	simm.s32 $0x70;
	s23 =	simm.s32 $0x0;
	[sflag:s10] =	ssyncset.done $0x0  }
0x6e: {  	s13 =	simm.s32 $0x100;
	s24 =	simm.s32 $0x3;
	[sflag:s10] =	ssyncadd.s32 $0xFFFFC800  }
0x6f: {  	[spmem:s3] =	stream.indirect.scatter.add.f32 [tilespmem:s13], [sflag:$0x3], $0x80, s23, s11, $0xb8;
	[tilespmem:$0xD580] =	vst v63  }
0x70: {  	_ =	swait.ge [sflag:s24], $0x3800  }
0x71: {  	[sflag:s24] =	ssyncset.done $0x0  }
0x72: {  	s14 =	simm.s32 $0x2;
	[sflag:s24] =	ssyncadd.s32 $0xFFFFC800  }
0x73: {  	_ =	swait.ge [sflag:s14], $0x3800  }
0x74: {  	[sflag:s14] =	ssyncset.done $0x0  }
0x75: {  	s25 =	simm.s32 $0x80;
	s26 =	simm.s32 $0x3900;
	[sflag:s14] =	ssyncadd.s32 $0xFFFFC800  }
0x76: {  	[spmem:s3] =	stream.indirect.scatter.add.f32 [tilespmem:s26], [sflag:$0x3], $0x80, s25, s11, $0xb8;
	[tilespmem:$0xD580] =	vst v63  }
0x77: {  	_ =	swait.ge [sflag:s24], $0x3800  }
0x78: {  	[sflag:s24] =	ssyncset.done $0x0  }
0x79: {  	s28 =	sshll.u32 s1, $0x6;
	[sflag:s24] =	ssyncadd.s32 $0xFFFFC800  }
0x7a: {  	s8 =	sshrl.u32 s8, $0x3;
	s3 =	sor.u32 $0x1C03, s28;
	[bflag:$0x0] =	sbarrier.arrive $0xFFFF  }
0x7b: {  	[hbm:s9], [sflag:s3] =	dma.local [spmem:s8], $0x800  }
0x7c: {  	_ =	swait.ge [sflag:s24], $0x800  }
0x7d: {  	[sflag:s24] =	ssyncset.done $0x0  }
0x7e: {  	[sflag:s24] =	ssyncadd.s32 $0xFFFFF800  }
0x7f: {  	s29 =	simm.s32 $0x7100;
	[bflag:$0x0] =	sbarrier.arrive $0xFFFF  }
0x80: {  	[tilespmem:s29], [sflag:$0x3] =	stream.linear.gather [hbm4b:s7+s23], $0x40, $0x38;
	[tilespmem:$0xD580] =	vst v63  }
0x81: {  	_ =	swait.ge [sflag:s24], $0x40  }
0x82: {  	[sflag:s24] =	ssyncset.done $0x0  }
0x83: {  	s30 =	simm.s32 $0x40;
	s31 =	simm.s32 $0x7180;
	[sflag:s24] =	ssyncadd.s32 $0xFFFFFFC0  }
0x84: {  	[tilespmem:s31], [sflag:$0x1] =	stream.indirect.gather [hbm4b:s2+s30], $0x80, s29, s30, $0xb8;
	[tilespmem:$0xD580] =	vst v63  }
0x85: {  	_ =	swait.ge [sflag:s10], $0x2000  }
0x86: {  	[sflag:s10] =	ssyncset.done $0x0  }
0x87: {  	[sflag:s10] =	ssyncadd.s32 $0xFFFFE000  }
0x88: {  	[hbm4b:s6+s23] =	stream.linear.scatter [tilespmem:s31], [sflag:$0x3], $0x2000, $0x38;
	[tilespmem:$0xD580] =	vst v63  }
0x89: {  	_ =	swait.ge [sflag:s24], $0x2000  }
0x8a: {  	[sflag:s24] =	ssyncset.done $0x0  }
0x8b: {  	[sflag:s24] =	ssyncadd.s32 $0xFFFFE000  }
0x8c: {  	[tilespmem:s29], [sflag:$0x3] =	stream.linear.gather [hbm4b:s5+s23], $0x40, $0x38;
	[tilespmem:$0xD580] =	vst v63  }
0x8d: {  	_ =	swait.ge [sflag:s24], $0x40  }
0x8e: {  	[sflag:s24] =	ssyncset.done $0x0  }
0x8f: {  	[sflag:s24] =	ssyncadd.s32 $0xFFFFFFC0  }
0x90: {  	[tilespmem:s31], [sflag:$0x1] =	stream.indirect.gather [hbm4b:s2+s30], $0x80, s29, s30, $0xb8;
	[tilespmem:$0xD580] =	vst v63  }
0x91: {  	_ =	swait.ge [sflag:s10], $0x2000  }
0x92: {  	[sflag:s10] =	ssyncset.done $0x0  }
0x93: {  	[sflag:s10] =	ssyncadd.s32 $0xFFFFE000  }
0x94: {  	[hbm4b:s4+s23] =	stream.linear.scatter [tilespmem:s31], [sflag:$0x3], $0x2000, $0x38;
	[tilespmem:$0xD580] =	vst v63  }
0x95: {  	_ =	swait.ge [sflag:s24], $0x2000  }
0x96: {  	[sflag:s24] =	ssyncset.done $0x0  }
0x97: {  	[sflag:s24] =	ssyncadd.s32 $0xFFFFE000  }
.LBB2_6:
0x98: {  	_ =	sfence.sel $0x180000  }
0x99: {  	[bflag:$0x0] =	sbarrier.arrive $0xFFFF  }
0x9a: {  	p0 =	sne.s32 s1, $0x0;
	_ =	strace $0x90000050  }
0x9b: {  	s0 =	sadd.s32 @!p0 $0x100000, s0;
	[bflag:$0x2] =	sbarrier.arrive $0xFFFF  }
0x9c: {  	[sflag:s0] =	ssyncadd.tile.s32 @!p0 $0x1;
	_ =	shalt  }
.Lfunc_end2:
_tile_overlayer_lowered:
.L_overlay_start_2:
0x9d: {  	(tag) =	ssettag $0x2  }
0x9e: {  	s0 =	rddreg [dreg:$0x0];
	s2 =	stileid.u32  }
0x9f: {  	s1 =	rddreg [dreg:$0x1];
	p0 =	sne.s32 s2, $0x0  }
0xa0: {  	s3 =	rddreg [dreg:$0x2];
	[bflag:$0x3] =	sbarrier.arrive $0xFFFF;
	s2 =	simm.s32 @!p0 $0x1C03  }
0xa1: {  	[timem:s3], [sflag:s2] =	dma.local @!p0 [hbm:s0], s1  }
0xa2: {  	s0 =	simm.s32 @!p0 $0x3  }
0xa3: {  	_ =	swait.ge @!p0 [sflag:s0], s1  }
0xa4: {  	s1 =	ssub.s32 @!p0 $0x0, s1;
	[sflag:s0] =	ssyncset.done @!p0 $0x0  }
0xa5: {  	[sflag:s0] =	ssyncadd.s32 @!p0 s1  }
0xa6: {  	[bflag:$0x3] =	sbarrier.arrive $0xFFFF  }
0xa7: {  	_ =	shalt  }

</sc_bundles>
